<compile_context>
chip_gen: v7x
topology: tpu7x:2x2x1
jax: 0.10.2.dev20260603
libtpu: 0.0.44.dev20260713+nightly
codegen_flags: <defaults>
</compile_context>

<pallas_src>
import functools

import jax
import jax.numpy as jnp
from jax import lax
from jax.experimental import pallas as pl
from jax.experimental.pallas import tpu as pltpu
from jax.experimental.pallas import tpu_sc as plsc

N = 100000
D = 256
LANES = 16
NCHUNK = D // LANES

BLK = 40
NPAR = 32
NCH = 88
TREE_BLKS = 1250
NBLK = 2500
NWORKERS = 32
NBUF = 3

TC_R = 2000


def _sc_agg_body(h_hbm, out_hbm, par_v, ch_v, out_v, sem_par, sem_ch, sem_out):
    wid = lax.axis_index("s") * 2 + lax.axis_index("c")

    def tree_bi(t):
        return t * NWORKERS + wid

    def leaf_bi(t):
        return TREE_BLKS + t * NWORKERS + wid

    def par_base(r0):
        return jnp.maximum((((r0 >> 1) - 1) >> 3) << 3, 0)

    def in_copies(bi, b, with_ch):
        r0 = bi * BLK
        p0 = pl.multiple_of(par_base(r0), 8)
        cps = [pltpu.make_async_copy(h_hbm.at[pl.ds(p0, NPAR)],
                                     par_v.at[b, pl.ds(0, NPAR)], sem_par)]
        if with_ch:
            c0 = pl.multiple_of(jnp.minimum(2 * r0, N - NCH), 8)
            cps.append(pltpu.make_async_copy(
                h_hbm.at[pl.ds(c0, NCH)], ch_v.at[b, pl.ds(0, NCH)], sem_ch))
        return cps

    def out_copy(bi, b):
        return pltpu.make_async_copy(
            out_v.at[b],
            out_hbm.at[pl.ds(pl.multiple_of(bi * BLK, 8), BLK)], sem_out)

    def pipeline(bi_of, n, with_ch, compute):
        def buf(t):
            return t - (t // NBUF) * NBUF

        def fire(t):
            for cp in in_copies(bi_of(t), buf(t), with_ch):
                cp.start()

        def wait_in(t):
            for cp in in_copies(bi_of(t), buf(t), with_ch):
                cp.wait()

        fire(0)
        fire(1)

        def body(t, _):
            wait_in(t)

            @pl.when(t + 2 < n)
            def _():
                fire(t + 2)

            @pl.when(t >= NBUF)
            def _():
                out_copy(bi_of(t - NBUF), buf(t)).wait()

            compute(bi_of(t), buf(t))
            out_copy(bi_of(t), buf(t)).start()
            return 0

        lax.fori_loop(0, n, body, 0)
        out_copy(bi_of(n - 3), buf(n - 3)).wait()
        out_copy(bi_of(n - 2), buf(n - 2)).wait()
        out_copy(bi_of(n - 1), buf(n - 1)).wait()

    GRP = 4

    def tree_compute(bi, b):
        r0 = bi * BLK
        p0 = par_base(r0)
        ch_off = 2 * r0 - jnp.minimum(2 * r0, N - NCH)
        edge = (bi == 0) | (bi == TREE_BLKS - 1)

        def edge_node(k, _):
            g = r0 + k
            pk = jnp.maximum(((g - 1) >> 1) - p0, 0)
            i1 = jnp.minimum(2 * k + 1 + ch_off, NCH - 1)
            i2 = jnp.minimum(2 * k + 2 + ch_off, NCH - 1)
            mp = jnp.where(g > 0, 1.0, 0.0).astype(jnp.float32)
            m1 = jnp.where(2 * g + 1 < N, 1.0, 0.0).astype(jnp.float32)
            m2 = jnp.where(2 * g + 2 < N, 1.0, 0.0).astype(jnp.float32)
            for c in range(NCHUNK):
                sl = pl.ds(c * LANES, LANES)
                out_v[b, k, sl] = (mp * par_v[b, pk, sl]
                                   + m1 * ch_v[b, i1, sl]
                                   + m2 * ch_v[b, i2, sl])
            return 0

        def clean_node(k, _):
            g = r0 + k
            pk = ((g - 1) >> 1) - p0
            for c0 in range(0, NCHUNK, GRP):
                sls = [pl.ds((c0 + j) * LANES, LANES) for j in range(GRP)]
                ps = [par_v[b, pk, sl] for sl in sls]
                a1 = [ch_v[b, 2 * k + 1, sl] for sl in sls]
                a2 = [ch_v[b, 2 * k + 2, sl] for sl in sls]
                for j, sl in enumerate(sls):
                    out_v[b, k, sl] = ps[j] + (a1[j] + a2[j])
            return 0

        @pl.when(edge)
        def _():
            lax.fori_loop(0, BLK, edge_node, 0)

        @pl.when(jnp.logical_not(edge))
        def _():
            lax.fori_loop(0, BLK, clean_node, 0)

    def leaf_compute(bi, b):
        r0 = bi * BLK
        p0 = par_base(r0)

        def node(k, _):
            pk = ((r0 + k - 1) >> 1) - p0
            for c0 in range(0, NCHUNK, GRP):
                sls = [pl.ds((c0 + j) * LANES, LANES) for j in range(GRP)]
                ps = [par_v[b, pk, sl] for sl in sls]
                for j, sl in enumerate(sls):
                    out_v[b, k, sl] = ps[j]
            return 0

        lax.fori_loop(0, BLK, node, 0)

    n_tree = (TREE_BLKS // NWORKERS) + jnp.where(
        wid < TREE_BLKS % NWORKERS, 1, 0)
    n_leaf = ((NBLK - TREE_BLKS) // NWORKERS) + jnp.where(
        wid < (NBLK - TREE_BLKS) % NWORKERS, 1, 0)
    pipeline(tree_bi, n_tree, True, tree_compute)
    pipeline(leaf_bi, n_leaf, False, leaf_compute)


@jax.jit
def _sc_agg(h):
    mesh = plsc.VectorSubcoreMesh(core_axis_name="c", subcore_axis_name="s")
    return pl.kernel(
        _sc_agg_body,
        out_type=jax.ShapeDtypeStruct((N, D), jnp.float32),
        mesh=mesh,
        scratch_types=[
            pltpu.VMEM((NBUF, NPAR, D), jnp.float32),
            pltpu.VMEM((NBUF, NCH, D), jnp.float32),
            pltpu.VMEM((NBUF, BLK, D), jnp.float32),
            pltpu.SemaphoreType.DMA,
            pltpu.SemaphoreType.DMA,
            pltpu.SemaphoreType.DMA,
        ],
    )(h)


def _tc_dense_body(act, msg_ref, h_ref, w_ref, b_ref, o_ref):
    gi = pl.program_id(0) * TC_R + lax.broadcasted_iota(jnp.int32, (TC_R, 1), 0)
    third = jnp.float32(1.0 / 3.0)
    inv = jnp.where(
        gi >= 50000, jnp.float32(0.5),
        jnp.where((gi == 0) | (gi == 49999), third, jnp.float32(0.25)))
    u = (msg_ref[...] + h_ref[...]) * inv
    y = jnp.dot(u, w_ref[...], preferred_element_type=jnp.float32) + b_ref[...]
    o_ref[...] = jnp.maximum(y, 0.0) if act else y


@functools.partial(jax.jit, static_argnames=("act",))
def _tc_dense(msg, h, w, b, act):
    grid = N // TC_R
    return pl.pallas_call(
        functools.partial(_tc_dense_body, act),
        grid=(grid,),
        in_specs=[
            pl.BlockSpec((TC_R, D), lambda i: (i, 0)),
            pl.BlockSpec((TC_R, D), lambda i: (i, 0)),
            pl.BlockSpec((D, D), lambda i: (0, 0)),
            pl.BlockSpec((1, D), lambda i: (0, 0)),
        ],
        out_specs=pl.BlockSpec((TC_R, D), lambda i: (i, 0)),
        out_shape=jax.ShapeDtypeStruct((N, D), jnp.float32),
    )(msg, h, w, b)


def kernel(x, W1, b1, W2, b2):
    b1r = b1.reshape(1, D)
    b2r = b2.reshape(1, D)
    msg1 = _sc_agg(x)
    h1 = _tc_dense(msg1, x, W1, b1r, act=True)
    msg2 = _sc_agg(h1)
    return _tc_dense(msg2, h1, W2, b2r, act=False)

# --- scband reference (transcript-rebuilt; emitter-appended) ---
"""Pipeline reference for scband-model-46471546142843 (READ-ONLY COPY).

The authoritative reference and input builder live on the scoring server;
editing this copy changes nothing except your own understanding.
"""

import jax, jax.numpy as jnp
import numpy as np

N = 100000
D = 256


def setup_inputs(seed: int = 0) -> dict:
    key = jax.random.key(seed)
    k1, k2, k3 = jax.random.split(key, 3)
    x = jax.random.normal(k1, (N, D), dtype=jnp.float32)
    W1 = jax.random.normal(k2, (D, D), dtype=jnp.float32) * (1.0 / np.sqrt(D))
    b1 = jnp.zeros((D,), dtype=jnp.float32)
    W2 = jax.random.normal(k3, (D, D), dtype=jnp.float32) * (1.0 / np.sqrt(D))
    b2 = jnp.zeros((D,), dtype=jnp.float32)
    return {"x": x, "W1": W1, "b1": b1, "W2": W2, "b2": b2}


def _left_tree_edges(n):
    # LeftTree: build a left-leaning binary tree over the n input embeddings.
    # node i>0 has parent (i-1)//2; messages flow both child->parent and parent->child.
    child = jnp.arange(1, n)
    parent = (child - 1) // 2
    src = jnp.concatenate([child, parent])
    dst = jnp.concatenate([parent, child])
    return jnp.stack([src, dst])  # int32 [2, 2*(n-1)]


def _gcn_layer(h, edge_index, W, b, n, act):
    src, dst = edge_index[0], edge_index[1]
    msgs = jnp.take(h, src, axis=0)                      # gather
    agg = jnp.zeros_like(h).at[dst].add(msgs) + h        # scatter-add + self loop
    deg = jnp.zeros((n,), dtype=jnp.float32).at[dst].add(1.0) + 1.0
    out = (agg / deg[:, None]) @ W + b
    return jax.nn.relu(out) if act else out


def reference(x, W1, b1, W2, b2):
    # LeftTree: embeddings are the inputs themselves; edges from tree structure.
    embeds = x
    edge_index = _left_tree_edges(embeds.shape[0])
    # GCN: two mean-aggregation graph conv layers (ReLU between).
    h = _gcn_layer(embeds, edge_index, W1, b1, embeds.shape[0], True)
    h = _gcn_layer(h, edge_index, W2, b2, embeds.shape[0], False)
    return h

if __name__ == "__main__":
    import jax
    _d = setup_inputs()
    print(jax.jit(kernel)(*tuple(_d.values())))

</pallas_src>

<mosaic_0001>
#map = affine_map<(d0, d1) -> (0, 0)>
module attributes {stable_mosaic.version = 14 : i64} {
  func.func @_sc_agg_body(%arg0: i32, %arg1: i32, %arg2: memref<100000x256xf32, #tpu.memory_space<hbm>>, %arg3: memref<100000x256xf32, #tpu.memory_space<hbm>>, %arg4: memref<3x32x256xf32, #tpu.memory_space<vmem>>, %arg5: memref<3x88x256xf32, #tpu.memory_space<vmem>>, %arg6: memref<3x40x256xf32, #tpu.memory_space<vmem>>, %arg7: memref<!tpu.dma_semaphore, #tpu.memory_space<semaphore_mem>>, %arg8: memref<!tpu.dma_semaphore, #tpu.memory_space<semaphore_mem>>, %arg9: memref<!tpu.dma_semaphore, #tpu.memory_space<semaphore_mem>>) attributes {dimension_semantics = [#tpu.dimension_semantics<core_parallel>, #tpu.dimension_semantics<subcore_parallel>], iteration_bounds = array<i64: 2, 16>, scalar_prefetch = 0 : i64, scratch_operands = 6 : i64, tpu.core_type = #tpu.core_type<sc_vector_subcore>, window_params = [{transform_indices = #map}, {transform_indices = #map}]} {
    %mul3A = arith.constant 2 : i32
    %mul3A_0 = arith.muli %arg1, %mul3A : i32
    %add3A = arith.addi %mul3A_0, %arg0 : i32
    %lt3A = arith.constant 2 : i32
    %lt3A_1 = arith.cmpi slt, %add3A, %lt3A : i32
    %jit3A = arith.constant 1 : i32
    %jit3A_2 = arith.constant 0 : i32
    %select_n3A = arith.select %lt3A_1, %jit3A, %jit3A_2 : i32
    %add3A_3 = arith.constant 39 : i32
    %add3A_4 = arith.addi %add3A_3, %select_n3A : i32
    %lt3A_5 = arith.constant 2 : i32
    %lt3A_6 = arith.cmpi slt, %add3A, %lt3A_5 : i32
    %jit3A_7 = arith.constant 1 : i32
    %jit3A_8 = arith.constant 0 : i32
    %select_n3A_9 = arith.select %lt3A_6, %jit3A_7, %jit3A_8 : i32
    %add3A_10 = arith.constant 39 : i32
    %add3A_11 = arith.addi %add3A_10, %select_n3A_9 : i32
    %add3A_12 = arith.constant 0 : i32
    %add3A_13 = arith.addi %add3A_12, %add3A : i32
    %mul3A_14 = arith.constant 40 : i32
    %mul3A_15 = arith.muli %add3A_13, %mul3A_14 : i32
    %shift_right_arithmetic3A = arith.constant 1 : i32
    %shift_right_arithmetic3A_16 = arith.shrsi %mul3A_15, %shift_right_arithmetic3A : i32
    %sub3A = arith.constant 1 : i32
    %sub3A_17 = arith.subi %shift_right_arithmetic3A_16, %sub3A : i32
    %shift_right_arithmetic3A_18 = arith.constant 3 : i32
    %shift_right_arithmetic3A_19 = arith.shrsi %sub3A_17, %shift_right_arithmetic3A_18 : i32
    %shift_left3A = arith.constant 3 : i32
    %shift_left3A_20 = arith.shli %shift_right_arithmetic3A_19, %shift_left3A : i32
    %max3A = arith.constant 0 : i32
    %max3A_21 = arith.maxsi %shift_left3A_20, %max3A : i32
    %multiple_of3A = tpu.assume_multiple %max3A_21, 8 : i32
    %mul3A_22 = arith.constant 2 : i32
    %mul3A_23 = arith.muli %mul3A_22, %mul3A_15 : i32
    %min3A = arith.constant 99912 : i32
    %min3A_24 = arith.minsi %mul3A_23, %min3A : i32
    %multiple_of3A_25 = tpu.assume_multiple %min3A_24, 8 : i32
    %dma_start3A = arith.constant 0 : i32
    %dma_start3A_26 = arith.constant 0 : i32
    %dma_start3A_27 = arith.constant 0 : i32
    %dma_start3A_28 = tpu.memref_slice %arg4[%dma_start3A, %dma_start3A_26, %dma_start3A_27] : memref<3x32x256xf32, #tpu.memory_space<vmem>> -> memref<1x32x256xf32, #tpu.memory_space<vmem>>
    %dma_start3A_29 = tpu.memref_squeeze %dma_start3A_28 : memref<1x32x256xf32, #tpu.memory_space<vmem>> -> memref<32x256xf32, #tpu.memory_space<vmem>>
    %dma_start3A_30 = arith.constant 0 : i32
    %dma_start3A_31 = tpu.memref_slice %arg2[%multiple_of3A, %dma_start3A_30] : memref<100000x256xf32, #tpu.memory_space<hbm>> -> memref<32x256xf32, #tpu.memory_space<hbm>>
    %dma_start3A_32 = arith.constant 0 : i32
    %dma_start3A_33 = arith.constant 0 : i32
    %dma_start3A_34 = tpu.memref_slice %arg4[%dma_start3A, %dma_start3A_32, %dma_start3A_33] : memref<3x32x256xf32, #tpu.memory_space<vmem>> -> memref<1x32x256xf32, #tpu.memory_space<vmem>>
    %dma_start3A_35 = tpu.memref_squeeze %dma_start3A_34 : memref<1x32x256xf32, #tpu.memory_space<vmem>> -> memref<32x256xf32, #tpu.memory_space<vmem>>
    %dma_start3A_36 = arith.constant 0 : i32
    %dma_start3A_37 = tpu.memref_slice %arg2[%multiple_of3A, %dma_start3A_36] : memref<100000x256xf32, #tpu.memory_space<hbm>> -> memref<32x256xf32, #tpu.memory_space<hbm>>
    tpu.enqueue_dma source(%dma_start3A_37 : memref<32x256xf32, #tpu.memory_space<hbm>>) target(%dma_start3A_35 : memref<32x256xf32, #tpu.memory_space<vmem>>) target_semaphore(%arg7 : memref<!tpu.dma_semaphore, #tpu.memory_space<semaphore_mem>>)
    %dma_start3A_38 = arith.constant 0 : i32
    %dma_start3A_39 = arith.constant 0 : i32
    %dma_start3A_40 = arith.constant 0 : i32
    %dma_start3A_41 = tpu.memref_slice %arg5[%dma_start3A_38, %dma_start3A_39, %dma_start3A_40] : memref<3x88x256xf32, #tpu.memory_space<vmem>> -> memref<1x88x256xf32, #tpu.memory_space<vmem>>
    %dma_start3A_42 = tpu.memref_squeeze %dma_start3A_41 : memref<1x88x256xf32, #tpu.memory_space<vmem>> -> memref<88x256xf32, #tpu.memory_space<vmem>>
    %dma_start3A_43 = arith.constant 0 : i32
    %dma_start3A_44 = tpu.memref_slice %arg2[%multiple_of3A_25, %dma_start3A_43] : memref<100000x256xf32, #tpu.memory_space<hbm>> -> memref<88x256xf32, #tpu.memory_space<hbm>>
    %dma_start3A_45 = arith.constant 0 : i32
    %dma_start3A_46 = arith.constant 0 : i32
    %dma_start3A_47 = tpu.memref_slice %arg5[%dma_start3A_38, %dma_start3A_45, %dma_start3A_46] : memref<3x88x256xf32, #tpu.memory_space<vmem>> -> memref<1x88x256xf32, #tpu.memory_space<vmem>>
    %dma_start3A_48 = tpu.memref_squeeze %dma_start3A_47 : memref<1x88x256xf32, #tpu.memory_space<vmem>> -> memref<88x256xf32, #tpu.memory_space<vmem>>
    %dma_start3A_49 = arith.constant 0 : i32
    %dma_start3A_50 = tpu.memref_slice %arg2[%multiple_of3A_25, %dma_start3A_49] : memref<100000x256xf32, #tpu.memory_space<hbm>> -> memref<88x256xf32, #tpu.memory_space<hbm>>
    tpu.enqueue_dma source(%dma_start3A_50 : memref<88x256xf32, #tpu.memory_space<hbm>>) target(%dma_start3A_48 : memref<88x256xf32, #tpu.memory_space<vmem>>) target_semaphore(%arg8 : memref<!tpu.dma_semaphore, #tpu.memory_space<semaphore_mem>>)
    %add3A_51 = arith.constant 32 : i32
    %add3A_52 = arith.addi %add3A_51, %add3A : i32
    %mul3A_53 = arith.constant 40 : i32
    %mul3A_54 = arith.muli %add3A_52, %mul3A_53 : i32
    %shift_right_arithmetic3A_55 = arith.constant 1 : i32
    %shift_right_arithmetic3A_56 = arith.shrsi %mul3A_54, %shift_right_arithmetic3A_55 : i32
    %sub3A_57 = arith.constant 1 : i32
    %sub3A_58 = arith.subi %shift_right_arithmetic3A_56, %sub3A_57 : i32
    %shift_right_arithmetic3A_59 = arith.constant 3 : i32
    %shift_right_arithmetic3A_60 = arith.shrsi %sub3A_58, %shift_right_arithmetic3A_59 : i32
    %shift_left3A_61 = arith.constant 3 : i32
    %shift_left3A_62 = arith.shli %shift_right_arithmetic3A_60, %shift_left3A_61 : i32
    %max3A_63 = arith.constant 0 : i32
    %max3A_64 = arith.maxsi %shift_left3A_62, %max3A_63 : i32
    %multiple_of3A_65 = tpu.assume_multiple %max3A_64, 8 : i32
    %mul3A_66 = arith.constant 2 : i32
    %mul3A_67 = arith.muli %mul3A_66, %mul3A_54 : i32
    %min3A_68 = arith.constant 99912 : i32
    %min3A_69 = arith.minsi %mul3A_67, %min3A_68 : i32
    %multiple_of3A_70 = tpu.assume_multiple %min3A_69, 8 : i32
    %dma_start3A_71 = arith.constant 1 : i32
    %dma_start3A_72 = arith.constant 0 : i32
    %dma_start3A_73 = arith.constant 0 : i32
    %dma_start3A_74 = tpu.memref_slice %arg4[%dma_start3A_71, %dma_start3A_72, %dma_start3A_73] : memref<3x32x256xf32, #tpu.memory_space<vmem>> -> memref<1x32x256xf32, #tpu.memory_space<vmem>>
    %dma_start3A_75 = tpu.memref_squeeze %dma_start3A_74 : memref<1x32x256xf32, #tpu.memory_space<vmem>> -> memref<32x256xf32, #tpu.memory_space<vmem>>
    %dma_start3A_76 = arith.constant 0 : i32
    %dma_start3A_77 = tpu.memref_slice %arg2[%multiple_of3A_65, %dma_start3A_76] : memref<100000x256xf32, #tpu.memory_space<hbm>> -> memref<32x256xf32, #tpu.memory_space<hbm>>
    %dma_start3A_78 = arith.constant 0 : i32
    %dma_start3A_79 = arith.constant 0 : i32
    %dma_start3A_80 = tpu.memref_slice %arg4[%dma_start3A_71, %dma_start3A_78, %dma_start3A_79] : memref<3x32x256xf32, #tpu.memory_space<vmem>> -> memref<1x32x256xf32, #tpu.memory_space<vmem>>
    %dma_start3A_81 = tpu.memref_squeeze %dma_start3A_80 : memref<1x32x256xf32, #tpu.memory_space<vmem>> -> memref<32x256xf32, #tpu.memory_space<vmem>>
    %dma_start3A_82 = arith.constant 0 : i32
    %dma_start3A_83 = tpu.memref_slice %arg2[%multiple_of3A_65, %dma_start3A_82] : memref<100000x256xf32, #tpu.memory_space<hbm>> -> memref<32x256xf32, #tpu.memory_space<hbm>>
    tpu.enqueue_dma source(%dma_start3A_83 : memref<32x256xf32, #tpu.memory_space<hbm>>) target(%dma_start3A_81 : memref<32x256xf32, #tpu.memory_space<vmem>>) target_semaphore(%arg7 : memref<!tpu.dma_semaphore, #tpu.memory_space<semaphore_mem>>)
    %dma_start3A_84 = arith.constant 1 : i32
    %dma_start3A_85 = arith.constant 0 : i32
    %dma_start3A_86 = arith.constant 0 : i32
    %dma_start3A_87 = tpu.memref_slice %arg5[%dma_start3A_84, %dma_start3A_85, %dma_start3A_86] : memref<3x88x256xf32, #tpu.memory_space<vmem>> -> memref<1x88x256xf32, #tpu.memory_space<vmem>>
    %dma_start3A_88 = tpu.memref_squeeze %dma_start3A_87 : memref<1x88x256xf32, #tpu.memory_space<vmem>> -> memref<88x256xf32, #tpu.memory_space<vmem>>
    %dma_start3A_89 = arith.constant 0 : i32
    %dma_start3A_90 = tpu.memref_slice %arg2[%multiple_of3A_70, %dma_start3A_89] : memref<100000x256xf32, #tpu.memory_space<hbm>> -> memref<88x256xf32, #tpu.memory_space<hbm>>
    %dma_start3A_91 = arith.constant 0 : i32
    %dma_start3A_92 = arith.constant 0 : i32
    %dma_start3A_93 = tpu.memref_slice %arg5[%dma_start3A_84, %dma_start3A_91, %dma_start3A_92] : memref<3x88x256xf32, #tpu.memory_space<vmem>> -> memref<1x88x256xf32, #tpu.memory_space<vmem>>
    %dma_start3A_94 = tpu.memref_squeeze %dma_start3A_93 : memref<1x88x256xf32, #tpu.memory_space<vmem>> -> memref<88x256xf32, #tpu.memory_space<vmem>>
    %dma_start3A_95 = arith.constant 0 : i32
    %dma_start3A_96 = tpu.memref_slice %arg2[%multiple_of3A_70, %dma_start3A_95] : memref<100000x256xf32, #tpu.memory_space<hbm>> -> memref<88x256xf32, #tpu.memory_space<hbm>>
    tpu.enqueue_dma source(%dma_start3A_96 : memref<88x256xf32, #tpu.memory_space<hbm>>) target(%dma_start3A_94 : memref<88x256xf32, #tpu.memory_space<vmem>>) target_semaphore(%arg8 : memref<!tpu.dma_semaphore, #tpu.memory_space<semaphore_mem>>)
    %while3A = arith.constant 0 : i32
    %while3A_97 = arith.constant 0 : i32
    %while3A_98 = arith.subi %add3A_4, %while3A : i32
    %while3A_99 = arith.addi %while3A, %while3A_98 : i32
    %while3A_100 = arith.constant 1 : i32
    %while3A_101 = arith.divsi %while3A_98, %while3A_100 : i32
    %while3A_102 = arith.muli %while3A_101, %while3A_100 : i32
    %while3A_103 = arith.addi %while3A, %while3A_102 : i32
    %while3A_104 = arith.constant 1 : i32
    %while3A_105 = scf.for %while3A_470 = %while3A to %while3A_103 step %while3A_104 iter_args(%while3A_471 = %while3A_97) -> (i32)  : i32 {
      %mul3A_472 = arith.constant 32 : i32
      %mul3A_473 = arith.muli %while3A_470, %mul3A_472 : i32
      %add3A_474 = arith.addi %mul3A_473, %add3A : i32
      %jit3A_475 = arith.constant 3 : i32
      %div3A_476 = arith.divsi %while3A_470, %jit3A_475 : i32
      %sign3A_477 = arith.constant 0 : i32
      %sign3A_478 = arith.cmpi sgt, %while3A_470, %sign3A_477 : i32
      %sign3A_479 = arith.extui %sign3A_478 : i1 to i32
      %sign3A_480 = arith.constant 0 : i32
      %sign3A_481 = arith.cmpi slt, %while3A_470, %sign3A_480 : i32
      %sign3A_482 = arith.extui %sign3A_481 : i1 to i32
      %sign3A_483 = arith.subi %sign3A_479, %sign3A_482 : i32
      %sign3A_484 = arith.constant 0 : i32
      %sign3A_485 = arith.cmpi sgt, %jit3A_475, %sign3A_484 : i32
      %sign3A_486 = arith.extui %sign3A_485 : i1 to i32
      %sign3A_487 = arith.constant 0 : i32
      %sign3A_488 = arith.cmpi slt, %jit3A_475, %sign3A_487 : i32
      %sign3A_489 = arith.extui %sign3A_488 : i1 to i32
      %sign3A_490 = arith.subi %sign3A_486, %sign3A_489 : i32
      %ne3A_491 = arith.cmpi ne, %sign3A_483, %sign3A_490 : i32
      %rem3A_492 = arith.remsi %while3A_470, %jit3A_475 : i32
      %ne3A_493 = arith.constant 0 : i32
      %ne3A_494 = arith.cmpi ne, %rem3A_492, %ne3A_493 : i32
      %and3A_495 = arith.andi %ne3A_491, %ne3A_494 : i1
      %sub3A_496 = arith.constant 1 : i32
      %sub3A_497 = arith.subi %div3A_476, %sub3A_496 : i32
      %select_n3A_498 = arith.select %and3A_495, %sub3A_497, %div3A_476 : i32
      %mul3A_499 = arith.constant 3 : i32
      %mul3A_500 = arith.muli %select_n3A_498, %mul3A_499 : i32
      %sub3A_501 = arith.subi %while3A_470, %mul3A_500 : i32
      %mul3A_502 = arith.constant 40 : i32
      %mul3A_503 = arith.muli %add3A_474, %mul3A_502 : i32
      %shift_right_arithmetic3A_504 = arith.constant 1 : i32
      %shift_right_arithmetic3A_505 = arith.shrsi %mul3A_503, %shift_right_arithmetic3A_504 : i32
      %sub3A_506 = arith.constant 1 : i32
      %sub3A_507 = arith.subi %shift_right_arithmetic3A_505, %sub3A_506 : i32
      %shift_right_arithmetic3A_508 = arith.constant 3 : i32
      %shift_right_arithmetic3A_509 = arith.shrsi %sub3A_507, %shift_right_arithmetic3A_508 : i32
      %shift_left3A_510 = arith.constant 3 : i32
      %shift_left3A_511 = arith.shli %shift_right_arithmetic3A_509, %shift_left3A_510 : i32
      %max3A_512 = arith.constant 0 : i32
      %max3A_513 = arith.maxsi %shift_left3A_511, %max3A_512 : i32
      %multiple_of3A_514 = tpu.assume_multiple %max3A_513, 8 : i32
      %mul3A_515 = arith.constant 2 : i32
      %mul3A_516 = arith.muli %mul3A_515, %mul3A_503 : i32
      %min3A_517 = arith.constant 99912 : i32
      %min3A_518 = arith.minsi %mul3A_516, %min3A_517 : i32
      %multiple_of3A_519 = tpu.assume_multiple %min3A_518, 8 : i32
      %dma_wait3A_520 = arith.constant 0 : i32
      %dma_wait3A_521 = arith.constant 0 : i32
      %dma_wait3A_522 = tpu.memref_slice %arg4[%sub3A_501, %dma_wait3A_520, %dma_wait3A_521] : memref<3x32x256xf32, #tpu.memory_space<vmem>> -> memref<1x32x256xf32, #tpu.memory_space<vmem>>
      %dma_wait3A_523 = tpu.memref_squeeze %dma_wait3A_522 : memref<1x32x256xf32, #tpu.memory_space<vmem>> -> memref<32x256xf32, #tpu.memory_space<vmem>>
      %dma_wait3A_524 = arith.constant 0 : i32
      %dma_wait3A_525 = tpu.memref_slice %arg2[%multiple_of3A_514, %dma_wait3A_524] : memref<100000x256xf32, #tpu.memory_space<hbm>> -> memref<32x256xf32, #tpu.memory_space<hbm>>
      %dma_wait3A_526 = arith.constant 0 : i32
      %dma_wait3A_527 = arith.constant 0 : i32
      %dma_wait3A_528 = tpu.memref_slice %arg4[%sub3A_501, %dma_wait3A_526, %dma_wait3A_527] : memref<3x32x256xf32, #tpu.memory_space<vmem>> -> memref<1x32x256xf32, #tpu.memory_space<vmem>>
      %dma_wait3A_529 = tpu.memref_squeeze %dma_wait3A_528 : memref<1x32x256xf32, #tpu.memory_space<vmem>> -> memref<32x256xf32, #tpu.memory_space<vmem>>
      %dma_wait3A_530 = arith.constant 0 : i32
      %dma_wait3A_531 = tpu.memref_slice %arg2[%multiple_of3A_514, %dma_wait3A_530] : memref<100000x256xf32, #tpu.memory_space<hbm>> -> memref<32x256xf32, #tpu.memory_space<hbm>>
      tpu.wait_dma2 semaphore(%arg7 : memref<!tpu.dma_semaphore, #tpu.memory_space<semaphore_mem>>) src(%dma_wait3A_531 : memref<32x256xf32, #tpu.memory_space<hbm>>) dst(%dma_wait3A_529 : memref<32x256xf32, #tpu.memory_space<vmem>>)
      %dma_wait3A_532 = arith.constant 0 : i32
      %dma_wait3A_533 = arith.constant 0 : i32
      %dma_wait3A_534 = tpu.memref_slice %arg5[%sub3A_501, %dma_wait3A_532, %dma_wait3A_533] : memref<3x88x256xf32, #tpu.memory_space<vmem>> -> memref<1x88x256xf32, #tpu.memory_space<vmem>>
      %dma_wait3A_535 = tpu.memref_squeeze %dma_wait3A_534 : memref<1x88x256xf32, #tpu.memory_space<vmem>> -> memref<88x256xf32, #tpu.memory_space<vmem>>
      %dma_wait3A_536 = arith.constant 0 : i32
      %dma_wait3A_537 = tpu.memref_slice %arg2[%multiple_of3A_519, %dma_wait3A_536] : memref<100000x256xf32, #tpu.memory_space<hbm>> -> memref<88x256xf32, #tpu.memory_space<hbm>>
      %dma_wait3A_538 = arith.constant 0 : i32
      %dma_wait3A_539 = arith.constant 0 : i32
      %dma_wait3A_540 = tpu.memref_slice %arg5[%sub3A_501, %dma_wait3A_538, %dma_wait3A_539] : memref<3x88x256xf32, #tpu.memory_space<vmem>> -> memref<1x88x256xf32, #tpu.memory_space<vmem>>
      %dma_wait3A_541 = tpu.memref_squeeze %dma_wait3A_540 : memref<1x88x256xf32, #tpu.memory_space<vmem>> -> memref<88x256xf32, #tpu.memory_space<vmem>>
      %dma_wait3A_542 = arith.constant 0 : i32
      %dma_wait3A_543 = tpu.memref_slice %arg2[%multiple_of3A_519, %dma_wait3A_542] : memref<100000x256xf32, #tpu.memory_space<hbm>> -> memref<88x256xf32, #tpu.memory_space<hbm>>
      tpu.wait_dma2 semaphore(%arg8 : memref<!tpu.dma_semaphore, #tpu.memory_space<semaphore_mem>>) src(%dma_wait3A_543 : memref<88x256xf32, #tpu.memory_space<hbm>>) dst(%dma_wait3A_541 : memref<88x256xf32, #tpu.memory_space<vmem>>)
      %add3A_544 = arith.constant 2 : i32
      %add3A_545 = arith.addi %while3A_470, %add3A_544 : i32
      %lt3A_546 = arith.cmpi slt, %add3A_545, %add3A_4 : i32
      %convert_element_type3A = arith.extui %lt3A_546 : i1 to i32
      %cond3A = arith.constant 0 : i32
      %cond3A_547 = arith.cmpi ne, %convert_element_type3A, %cond3A : i32
      scf.if %cond3A_547 {
        %add3A_657 = arith.constant 2 : i32
        %add3A_658 = arith.addi %while3A_470, %add3A_657 : i32
        %mul3A_659 = arith.constant 32 : i32
        %mul3A_660 = arith.muli %add3A_658, %mul3A_659 : i32
        %add3A_661 = arith.addi %mul3A_660, %add3A : i32
        %jit3A_662 = arith.constant 3 : i32
        %div3A_663 = arith.divsi %add3A_658, %jit3A_662 : i32
        %sign3A_664 = arith.constant 0 : i32
        %sign3A_665 = arith.cmpi sgt, %add3A_658, %sign3A_664 : i32
        %sign3A_666 = arith.extui %sign3A_665 : i1 to i32
        %sign3A_667 = arith.constant 0 : i32
        %sign3A_668 = arith.cmpi slt, %add3A_658, %sign3A_667 : i32
        %sign3A_669 = arith.extui %sign3A_668 : i1 to i32
        %sign3A_670 = arith.subi %sign3A_666, %sign3A_669 : i32
        %sign3A_671 = arith.constant 0 : i32
        %sign3A_672 = arith.cmpi sgt, %jit3A_662, %sign3A_671 : i32
        %sign3A_673 = arith.extui %sign3A_672 : i1 to i32
        %sign3A_674 = arith.constant 0 : i32
        %sign3A_675 = arith.cmpi slt, %jit3A_662, %sign3A_674 : i32
        %sign3A_676 = arith.extui %sign3A_675 : i1 to i32
        %sign3A_677 = arith.subi %sign3A_673, %sign3A_676 : i32
        %ne3A_678 = arith.cmpi ne, %sign3A_670, %sign3A_677 : i32
        %rem3A_679 = arith.remsi %add3A_658, %jit3A_662 : i32
        %ne3A_680 = arith.constant 0 : i32
        %ne3A_681 = arith.cmpi ne, %rem3A_679, %ne3A_680 : i32
        %and3A_682 = arith.andi %ne3A_678, %ne3A_681 : i1
        %sub3A_683 = arith.constant 1 : i32
        %sub3A_684 = arith.subi %div3A_663, %sub3A_683 : i32
        %select_n3A_685 = arith.select %and3A_682, %sub3A_684, %div3A_663 : i32
        %mul3A_686 = arith.constant 3 : i32
        %mul3A_687 = arith.muli %select_n3A_685, %mul3A_686 : i32
        %sub3A_688 = arith.subi %add3A_658, %mul3A_687 : i32
        %mul3A_689 = arith.constant 40 : i32
        %mul3A_690 = arith.muli %add3A_661, %mul3A_689 : i32
        %shift_right_arithmetic3A_691 = arith.constant 1 : i32
        %shift_right_arithmetic3A_692 = arith.shrsi %mul3A_690, %shift_right_arithmetic3A_691 : i32
        %sub3A_693 = arith.constant 1 : i32
        %sub3A_694 = arith.subi %shift_right_arithmetic3A_692, %sub3A_693 : i32
        %shift_right_arithmetic3A_695 = arith.constant 3 : i32
        %shift_right_arithmetic3A_696 = arith.shrsi %sub3A_694, %shift_right_arithmetic3A_695 : i32
        %shift_left3A_697 = arith.constant 3 : i32
        %shift_left3A_698 = arith.shli %shift_right_arithmetic3A_696, %shift_left3A_697 : i32
        %max3A_699 = arith.constant 0 : i32
        %max3A_700 = arith.maxsi %shift_left3A_698, %max3A_699 : i32
        %multiple_of3A_701 = tpu.assume_multiple %max3A_700, 8 : i32
        %mul3A_702 = arith.constant 2 : i32
        %mul3A_703 = arith.muli %mul3A_702, %mul3A_690 : i32
        %min3A_704 = arith.constant 99912 : i32
        %min3A_705 = arith.minsi %mul3A_703, %min3A_704 : i32
        %multiple_of3A_706 = tpu.assume_multiple %min3A_705, 8 : i32
        %dma_start3A_707 = arith.constant 0 : i32
        %dma_start3A_708 = arith.constant 0 : i32
        %dma_start3A_709 = tpu.memref_slice %arg4[%sub3A_688, %dma_start3A_707, %dma_start3A_708] : memref<3x32x256xf32, #tpu.memory_space<vmem>> -> memref<1x32x256xf32, #tpu.memory_space<vmem>>
        %dma_start3A_710 = tpu.memref_squeeze %dma_start3A_709 : memref<1x32x256xf32, #tpu.memory_space<vmem>> -> memref<32x256xf32, #tpu.memory_space<vmem>>
        %dma_start3A_711 = arith.constant 0 : i32
        %dma_start3A_712 = tpu.memref_slice %arg2[%multiple_of3A_701, %dma_start3A_711] : memref<100000x256xf32, #tpu.memory_space<hbm>> -> memref<32x256xf32, #tpu.memory_space<hbm>>
        %dma_start3A_713 = arith.constant 0 : i32
        %dma_start3A_714 = arith.constant 0 : i32
        %dma_start3A_715 = tpu.memref_slice %arg4[%sub3A_688, %dma_start3A_713, %dma_start3A_714] : memref<3x32x256xf32, #tpu.memory_space<vmem>> -> memref<1x32x256xf32, #tpu.memory_space<vmem>>
        %dma_start3A_716 = tpu.memref_squeeze %dma_start3A_715 : memref<1x32x256xf32, #tpu.memory_space<vmem>> -> memref<32x256xf32, #tpu.memory_space<vmem>>
        %dma_start3A_717 = arith.constant 0 : i32
        %dma_start3A_718 = tpu.memref_slice %arg2[%multiple_of3A_701, %dma_start3A_717] : memref<100000x256xf32, #tpu.memory_space<hbm>> -> memref<32x256xf32, #tpu.memory_space<hbm>>
        tpu.enqueue_dma source(%dma_start3A_718 : memref<32x256xf32, #tpu.memory_space<hbm>>) target(%dma_start3A_716 : memref<32x256xf32, #tpu.memory_space<vmem>>) target_semaphore(%arg7 : memref<!tpu.dma_semaphore, #tpu.memory_space<semaphore_mem>>)
        %dma_start3A_719 = arith.constant 0 : i32
        %dma_start3A_720 = arith.constant 0 : i32
        %dma_start3A_721 = tpu.memref_slice %arg5[%sub3A_688, %dma_start3A_719, %dma_start3A_720] : memref<3x88x256xf32, #tpu.memory_space<vmem>> -> memref<1x88x256xf32, #tpu.memory_space<vmem>>
        %dma_start3A_722 = tpu.memref_squeeze %dma_start3A_721 : memref<1x88x256xf32, #tpu.memory_space<vmem>> -> memref<88x256xf32, #tpu.memory_space<vmem>>
        %dma_start3A_723 = arith.constant 0 : i32
        %dma_start3A_724 = tpu.memref_slice %arg2[%multiple_of3A_706, %dma_start3A_723] : memref<100000x256xf32, #tpu.memory_space<hbm>> -> memref<88x256xf32, #tpu.memory_space<hbm>>
        %dma_start3A_725 = arith.constant 0 : i32
        %dma_start3A_726 = arith.constant 0 : i32
        %dma_start3A_727 = tpu.memref_slice %arg5[%sub3A_688, %dma_start3A_725, %dma_start3A_726] : memref<3x88x256xf32, #tpu.memory_space<vmem>> -> memref<1x88x256xf32, #tpu.memory_space<vmem>>
        %dma_start3A_728 = tpu.memref_squeeze %dma_start3A_727 : memref<1x88x256xf32, #tpu.memory_space<vmem>> -> memref<88x256xf32, #tpu.memory_space<vmem>>
        %dma_start3A_729 = arith.constant 0 : i32
        %dma_start3A_730 = tpu.memref_slice %arg2[%multiple_of3A_706, %dma_start3A_729] : memref<100000x256xf32, #tpu.memory_space<hbm>> -> memref<88x256xf32, #tpu.memory_space<hbm>>
        tpu.enqueue_dma source(%dma_start3A_730 : memref<88x256xf32, #tpu.memory_space<hbm>>) target(%dma_start3A_728 : memref<88x256xf32, #tpu.memory_space<vmem>>) target_semaphore(%arg8 : memref<!tpu.dma_semaphore, #tpu.memory_space<semaphore_mem>>)
      } else {
      }
      %ge3A = arith.constant 3 : i32
      %ge3A_548 = arith.cmpi sge, %while3A_470, %ge3A : i32
      %convert_element_type3A_549 = arith.extui %ge3A_548 : i1 to i32
      %cond3A_550 = arith.constant 0 : i32
      %cond3A_551 = arith.cmpi ne, %convert_element_type3A_549, %cond3A_550 : i32
      scf.if %cond3A_551 {
        %sub3A_657 = arith.constant 3 : i32
        %sub3A_658 = arith.subi %while3A_470, %sub3A_657 : i32
        %mul3A_659 = arith.constant 32 : i32
        %mul3A_660 = arith.muli %sub3A_658, %mul3A_659 : i32
        %add3A_661 = arith.addi %mul3A_660, %add3A : i32
        %jit3A_662 = arith.constant 3 : i32
        %div3A_663 = arith.divsi %while3A_470, %jit3A_662 : i32
        %sign3A_664 = arith.constant 0 : i32
        %sign3A_665 = arith.cmpi sgt, %while3A_470, %sign3A_664 : i32
        %sign3A_666 = arith.extui %sign3A_665 : i1 to i32
        %sign3A_667 = arith.constant 0 : i32
        %sign3A_668 = arith.cmpi slt, %while3A_470, %sign3A_667 : i32
        %sign3A_669 = arith.extui %sign3A_668 : i1 to i32
        %sign3A_670 = arith.subi %sign3A_666, %sign3A_669 : i32
        %sign3A_671 = arith.constant 0 : i32
        %sign3A_672 = arith.cmpi sgt, %jit3A_662, %sign3A_671 : i32
        %sign3A_673 = arith.extui %sign3A_672 : i1 to i32
        %sign3A_674 = arith.constant 0 : i32
        %sign3A_675 = arith.cmpi slt, %jit3A_662, %sign3A_674 : i32
        %sign3A_676 = arith.extui %sign3A_675 : i1 to i32
        %sign3A_677 = arith.subi %sign3A_673, %sign3A_676 : i32
        %ne3A_678 = arith.cmpi ne, %sign3A_670, %sign3A_677 : i32
        %rem3A_679 = arith.remsi %while3A_470, %jit3A_662 : i32
        %ne3A_680 = arith.constant 0 : i32
        %ne3A_681 = arith.cmpi ne, %rem3A_679, %ne3A_680 : i32
        %and3A_682 = arith.andi %ne3A_678, %ne3A_681 : i1
        %sub3A_683 = arith.constant 1 : i32
        %sub3A_684 = arith.subi %div3A_663, %sub3A_683 : i32
        %select_n3A_685 = arith.select %and3A_682, %sub3A_684, %div3A_663 : i32
        %mul3A_686 = arith.constant 3 : i32
        %mul3A_687 = arith.muli %select_n3A_685, %mul3A_686 : i32
        %sub3A_688 = arith.subi %while3A_470, %mul3A_687 : i32
        %mul3A_689 = arith.constant 40 : i32
        %mul3A_690 = arith.muli %add3A_661, %mul3A_689 : i32
        %multiple_of3A_691 = tpu.assume_multiple %mul3A_690, 8 : i32
        %dma_wait3A_692 = arith.constant 0 : i32
        %dma_wait3A_693 = arith.constant 0 : i32
        %dma_wait3A_694 = tpu.memref_slice %arg6[%sub3A_688, %dma_wait3A_692, %dma_wait3A_693] : memref<3x40x256xf32, #tpu.memory_space<vmem>> -> memref<1x40x256xf32, #tpu.memory_space<vmem>>
        %dma_wait3A_695 = tpu.memref_squeeze %dma_wait3A_694 : memref<1x40x256xf32, #tpu.memory_space<vmem>> -> memref<40x256xf32, #tpu.memory_space<vmem>>
        %dma_wait3A_696 = arith.constant 0 : i32
        %dma_wait3A_697 = tpu.memref_slice %arg3[%multiple_of3A_691, %dma_wait3A_696] : memref<100000x256xf32, #tpu.memory_space<hbm>> -> memref<40x256xf32, #tpu.memory_space<hbm>>
        %dma_wait3A_698 = arith.constant 0 : i32
        %dma_wait3A_699 = tpu.memref_slice %arg3[%multiple_of3A_691, %dma_wait3A_698] : memref<100000x256xf32, #tpu.memory_space<hbm>> -> memref<40x256xf32, #tpu.memory_space<hbm>>
        %dma_wait3A_700 = arith.constant 0 : i32
        %dma_wait3A_701 = arith.constant 0 : i32
        %dma_wait3A_702 = tpu.memref_slice %arg6[%sub3A_688, %dma_wait3A_700, %dma_wait3A_701] : memref<3x40x256xf32, #tpu.memory_space<vmem>> -> memref<1x40x256xf32, #tpu.memory_space<vmem>>
        %dma_wait3A_703 = tpu.memref_squeeze %dma_wait3A_702 : memref<1x40x256xf32, #tpu.memory_space<vmem>> -> memref<40x256xf32, #tpu.memory_space<vmem>>
        tpu.wait_dma2 semaphore(%arg9 : memref<!tpu.dma_semaphore, #tpu.memory_space<semaphore_mem>>) src(%dma_wait3A_703 : memref<40x256xf32, #tpu.memory_space<vmem>>) dst(%dma_wait3A_699 : memref<40x256xf32, #tpu.memory_space<hbm>>)
      } else {
      }
      %mul3A_552 = arith.constant 32 : i32
      %mul3A_553 = arith.muli %while3A_470, %mul3A_552 : i32
      %add3A_554 = arith.addi %mul3A_553, %add3A : i32
      %jit3A_555 = arith.constant 3 : i32
      %div3A_556 = arith.divsi %while3A_470, %jit3A_555 : i32
      %sign3A_557 = arith.constant 0 : i32
      %sign3A_558 = arith.cmpi sgt, %while3A_470, %sign3A_557 : i32
      %sign3A_559 = arith.extui %sign3A_558 : i1 to i32
      %sign3A_560 = arith.constant 0 : i32
      %sign3A_561 = arith.cmpi slt, %while3A_470, %sign3A_560 : i32
      %sign3A_562 = arith.extui %sign3A_561 : i1 to i32
      %sign3A_563 = arith.subi %sign3A_559, %sign3A_562 : i32
      %sign3A_564 = arith.constant 0 : i32
      %sign3A_565 = arith.cmpi sgt, %jit3A_555, %sign3A_564 : i32
      %sign3A_566 = arith.extui %sign3A_565 : i1 to i32
      %sign3A_567 = arith.constant 0 : i32
      %sign3A_568 = arith.cmpi slt, %jit3A_555, %sign3A_567 : i32
      %sign3A_569 = arith.extui %sign3A_568 : i1 to i32
      %sign3A_570 = arith.subi %sign3A_566, %sign3A_569 : i32
      %ne3A_571 = arith.cmpi ne, %sign3A_563, %sign3A_570 : i32
      %rem3A_572 = arith.remsi %while3A_470, %jit3A_555 : i32
      %ne3A_573 = arith.constant 0 : i32
      %ne3A_574 = arith.cmpi ne, %rem3A_572, %ne3A_573 : i32
      %and3A_575 = arith.andi %ne3A_571, %ne3A_574 : i1
      %sub3A_576 = arith.constant 1 : i32
      %sub3A_577 = arith.subi %div3A_556, %sub3A_576 : i32
      %select_n3A_578 = arith.select %and3A_575, %sub3A_577, %div3A_556 : i32
      %mul3A_579 = arith.constant 3 : i32
      %mul3A_580 = arith.muli %select_n3A_578, %mul3A_579 : i32
      %sub3A_581 = arith.subi %while3A_470, %mul3A_580 : i32
      %mul3A_582 = arith.constant 40 : i32
      %mul3A_583 = arith.muli %add3A_554, %mul3A_582 : i32
      %shift_right_arithmetic3A_584 = arith.constant 1 : i32
      %shift_right_arithmetic3A_585 = arith.shrsi %mul3A_583, %shift_right_arithmetic3A_584 : i32
      %sub3A_586 = arith.constant 1 : i32
      %sub3A_587 = arith.subi %shift_right_arithmetic3A_585, %sub3A_586 : i32
      %shift_right_arithmetic3A_588 = arith.constant 3 : i32
      %shift_right_arithmetic3A_589 = arith.shrsi %sub3A_587, %shift_right_arithmetic3A_588 : i32
      %shift_left3A_590 = arith.constant 3 : i32
      %shift_left3A_591 = arith.shli %shift_right_arithmetic3A_589, %shift_left3A_590 : i32
      %max3A_592 = arith.constant 0 : i32
      %max3A_593 = arith.maxsi %shift_left3A_591, %max3A_592 : i32
      %mul3A_594 = arith.constant 2 : i32
      %mul3A_595 = arith.muli %mul3A_594, %mul3A_583 : i32
      %mul3A_596 = arith.constant 2 : i32
      %mul3A_597 = arith.muli %mul3A_596, %mul3A_583 : i32
      %min3A_598 = arith.constant 99912 : i32
      %min3A_599 = arith.minsi %mul3A_597, %min3A_598 : i32
      %sub3A_600 = arith.subi %mul3A_595, %min3A_599 : i32
      %eq3A = arith.constant 0 : i32
      %eq3A_601 = arith.cmpi eq, %add3A_554, %eq3A : i32
      %eq3A_602 = arith.constant 1249 : i32
      %eq3A_603 = arith.cmpi eq, %add3A_554, %eq3A_602 : i32
      %or3A = arith.ori %eq3A_601, %eq3A_603 : i1
      %convert_element_type3A_604 = arith.extui %or3A : i1 to i32
      %cond3A_605 = arith.constant 0 : i32
      %cond3A_606 = arith.cmpi ne, %convert_element_type3A_604, %cond3A_605 : i32
      scf.if %cond3A_606 {
        %scan3A = arith.constant 0 : i32
        %scan3A_657 = arith.constant 0 : i32
        %scan3A_658 = arith.constant 40 : i32
        %scan3A_659 = arith.addi %scan3A_657, %scan3A_658 : i32
        %scan3A_660 = arith.constant 1 : i32
        %scan3A_661 = scf.for %scan3A_663 = %scan3A_657 to %scan3A_659 step %scan3A_660 iter_args(%scan3A_664 = %scan3A) -> (i32)  : i32 {
          %add3A_665 = arith.addi %mul3A_583, %scan3A_663 : i32
          %sub3A_666 = arith.constant 1 : i32
          %sub3A_667 = arith.subi %add3A_665, %sub3A_666 : i32
          %shift_right_arithmetic3A_668 = arith.constant 1 : i32
          %shift_right_arithmetic3A_669 = arith.shrsi %sub3A_667, %shift_right_arithmetic3A_668 : i32
          %sub3A_670 = arith.subi %shift_right_arithmetic3A_669, %max3A_593 : i32
          %max3A_671 = arith.constant 0 : i32
          %max3A_672 = arith.maxsi %sub3A_670, %max3A_671 : i32
          %mul3A_673 = arith.constant 2 : i32
          %mul3A_674 = arith.muli %mul3A_673, %scan3A_663 : i32
          %add3A_675 = arith.constant 1 : i32
          %add3A_676 = arith.addi %mul3A_674, %add3A_675 : i32
          %add3A_677 = arith.addi %add3A_676, %sub3A_600 : i32
          %min3A_678 = arith.constant 87 : i32
          %min3A_679 = arith.minsi %add3A_677, %min3A_678 : i32
          %mul3A_680 = arith.constant 2 : i32
          %mul3A_681 = arith.muli %mul3A_680, %scan3A_663 : i32
          %add3A_682 = arith.constant 2 : i32
          %add3A_683 = arith.addi %mul3A_681, %add3A_682 : i32
          %add3A_684 = arith.addi %add3A_683, %sub3A_600 : i32
          %min3A_685 = arith.constant 87 : i32
          %min3A_686 = arith.minsi %add3A_684, %min3A_685 : i32
          %gt3A = arith.constant 0 : i32
          %gt3A_687 = arith.cmpi sgt, %add3A_665, %gt3A : i32
          %jit3A_688 = arith.constant 1.000000e+00 : f32
          %jit3A_689 = arith.constant 0.000000e+00 : f32
          %select_n3A_690 = arith.select %gt3A_687, %jit3A_688, %jit3A_689 : f32
          %mul3A_691 = arith.constant 2 : i32
          %mul3A_692 = arith.muli %mul3A_691, %add3A_665 : i32
          %add3A_693 = arith.constant 1 : i32
          %add3A_694 = arith.addi %mul3A_692, %add3A_693 : i32
          %lt3A_695 = arith.constant 100000 : i32
          %lt3A_696 = arith.cmpi slt, %add3A_694, %lt3A_695 : i32
          %jit3A_697 = arith.constant 1.000000e+00 : f32
          %jit3A_698 = arith.constant 0.000000e+00 : f32
          %select_n3A_699 = arith.select %lt3A_696, %jit3A_697, %jit3A_698 : f32
          %mul3A_700 = arith.constant 2 : i32
          %mul3A_701 = arith.muli %mul3A_700, %add3A_665 : i32
          %add3A_702 = arith.constant 2 : i32
          %add3A_703 = arith.addi %mul3A_701, %add3A_702 : i32
          %lt3A_704 = arith.constant 100000 : i32
          %lt3A_705 = arith.cmpi slt, %add3A_703, %lt3A_704 : i32
          %jit3A_706 = arith.constant 1.000000e+00 : f32
          %jit3A_707 = arith.constant 0.000000e+00 : f32
          %select_n3A_708 = arith.select %lt3A_705, %jit3A_706, %jit3A_707 : f32
          %get3A = arith.index_cast %sub3A_581 : i32 to index
          %get3A_709 = arith.index_cast %max3A_672 : i32 to index
          %get3A_710 = arith.constant 0 : index
          %get3A_711 = tpu.vector_load %arg4[%get3A, %get3A_709, %get3A_710] {strides = array<i32>} : memref<3x32x256xf32, #tpu.memory_space<vmem>>, vector<1x1x16xf32>,
          %get3A_712 = vector.shape_cast %get3A_711 : vector<1x1x16xf32> to vector<16xf32>
          %mul3A_713 = vector.broadcast %select_n3A_690 : f32 to vector<16xf32>
          %mul3A_714 = arith.mulf %mul3A_713, %get3A_712 : vector<16xf32>
          %get3A_715 = arith.index_cast %sub3A_581 : i32 to index
          %get3A_716 = arith.index_cast %min3A_679 : i32 to index
          %get3A_717 = arith.constant 0 : index
          %get3A_718 = tpu.vector_load %arg5[%get3A_715, %get3A_716, %get3A_717] {strides = array<i32>} : memref<3x88x256xf32, #tpu.memory_space<vmem>>, vector<1x1x16xf32>,
          %get3A_719 = vector.shape_cast %get3A_718 : vector<1x1x16xf32> to vector<16xf32>
          %mul3A_720 = vector.broadcast %select_n3A_699 : f32 to vector<16xf32>
          %mul3A_721 = arith.mulf %mul3A_720, %get3A_719 : vector<16xf32>
          %add3A_722 = arith.addf %mul3A_714, %mul3A_721 : vector<16xf32>
          %get3A_723 = arith.index_cast %sub3A_581 : i32 to index
          %get3A_724 = arith.index_cast %min3A_686 : i32 to index
          %get3A_725 = arith.constant 0 : index
          %get3A_726 = tpu.vector_load %arg5[%get3A_723, %get3A_724, %get3A_725] {strides = array<i32>} : memref<3x88x256xf32, #tpu.memory_space<vmem>>, vector<1x1x16xf32>,
          %get3A_727 = vector.shape_cast %get3A_726 : vector<1x1x16xf32> to vector<16xf32>
          %mul3A_728 = vector.broadcast %select_n3A_708 : f32 to vector<16xf32>
          %mul3A_729 = arith.mulf %mul3A_728, %get3A_727 : vector<16xf32>
          %add3A_730 = arith.addf %add3A_722, %mul3A_729 : vector<16xf32>
          %swap3A = arith.index_cast %sub3A_581 : i32 to index
          %swap3A_731 = arith.index_cast %scan3A_663 : i32 to index
          %swap3A_732 = arith.constant 0 : index
          %swap3A_733 = tpu.vector_load %arg6[%swap3A, %swap3A_731, %swap3A_732] {strides = array<i32>} : memref<3x40x256xf32, #tpu.memory_space<vmem>>, vector<1x1x16xf32>,
          %swap3A_734 = vector.shape_cast %swap3A_733 : vector<1x1x16xf32> to vector<16xf32>
          %swap3A_735 = vector.shape_cast %add3A_730 : vector<16xf32> to vector<1x1x16xf32>
          tpu.vector_store %arg6[%swap3A, %swap3A_731, %swap3A_732], %swap3A_735 {strides = array<i32>} : memref<3x40x256xf32, #tpu.memory_space<vmem>>, vector<1x1x16xf32>,
          %get3A_736 = arith.index_cast %sub3A_581 : i32 to index
          %get3A_737 = arith.index_cast %max3A_672 : i32 to index
          %get3A_738 = arith.constant 16 : index
          %get3A_739 = tpu.vector_load %arg4[%get3A_736, %get3A_737, %get3A_738] {strides = array<i32>} : memref<3x32x256xf32, #tpu.memory_space<vmem>>, vector<1x1x16xf32>,
          %get3A_740 = vector.shape_cast %get3A_739 : vector<1x1x16xf32> to vector<16xf32>
          %mul3A_741 = vector.broadcast %select_n3A_690 : f32 to vector<16xf32>
          %mul3A_742 = arith.mulf %mul3A_741, %get3A_740 : vector<16xf32>
          %get3A_743 = arith.index_cast %sub3A_581 : i32 to index
          %get3A_744 = arith.index_cast %min3A_679 : i32 to index
          %get3A_745 = arith.constant 16 : index
          %get3A_746 = tpu.vector_load %arg5[%get3A_743, %get3A_744, %get3A_745] {strides = array<i32>} : memref<3x88x256xf32, #tpu.memory_space<vmem>>, vector<1x1x16xf32>,
          %get3A_747 = vector.shape_cast %get3A_746 : vector<1x1x16xf32> to vector<16xf32>
          %mul3A_748 = vector.broadcast %select_n3A_699 : f32 to vector<16xf32>
          %mul3A_749 = arith.mulf %mul3A_748, %get3A_747 : vector<16xf32>
          %add3A_750 = arith.addf %mul3A_742, %mul3A_749 : vector<16xf32>
          %get3A_751 = arith.index_cast %sub3A_581 : i32 to index
          %get3A_752 = arith.index_cast %min3A_686 : i32 to index
          %get3A_753 = arith.constant 16 : index
          %get3A_754 = tpu.vector_load %arg5[%get3A_751, %get3A_752, %get3A_753] {strides = array<i32>} : memref<3x88x256xf32, #tpu.memory_space<vmem>>, vector<1x1x16xf32>,
          %get3A_755 = vector.shape_cast %get3A_754 : vector<1x1x16xf32> to vector<16xf32>
          %mul3A_756 = vector.broadcast %select_n3A_708 : f32 to vector<16xf32>
          %mul3A_757 = arith.mulf %mul3A_756, %get3A_755 : vector<16xf32>
          %add3A_758 = arith.addf %add3A_750, %mul3A_757 : vector<16xf32>
          %swap3A_759 = arith.index_cast %sub3A_581 : i32 to index
          %swap3A_760 = arith.index_cast %scan3A_663 : i32 to index
          %swap3A_761 = arith.constant 16 : index
          %swap3A_762 = tpu.vector_load %arg6[%swap3A_759, %swap3A_760, %swap3A_761] {strides = array<i32>} : memref<3x40x256xf32, #tpu.memory_space<vmem>>, vector<1x1x16xf32>,
          %swap3A_763 = vector.shape_cast %swap3A_762 : vector<1x1x16xf32> to vector<16xf32>
          %swap3A_764 = vector.shape_cast %add3A_758 : vector<16xf32> to vector<1x1x16xf32>
          tpu.vector_store %arg6[%swap3A_759, %swap3A_760, %swap3A_761], %swap3A_764 {strides = array<i32>} : memref<3x40x256xf32, #tpu.memory_space<vmem>>, vector<1x1x16xf32>,
          %get3A_765 = arith.index_cast %sub3A_581 : i32 to index
          %get3A_766 = arith.index_cast %max3A_672 : i32 to index
          %get3A_767 = arith.constant 32 : index
          %get3A_768 = tpu.vector_load %arg4[%get3A_765, %get3A_766, %get3A_767] {strides = array<i32>} : memref<3x32x256xf32, #tpu.memory_space<vmem>>, vector<1x1x16xf32>,
          %get3A_769 = vector.shape_cast %get3A_768 : vector<1x1x16xf32> to vector<16xf32>
          %mul3A_770 = vector.broadcast %select_n3A_690 : f32 to vector<16xf32>
          %mul3A_771 = arith.mulf %mul3A_770, %get3A_769 : vector<16xf32>
          %get3A_772 = arith.index_cast %sub3A_581 : i32 to index
          %get3A_773 = arith.index_cast %min3A_679 : i32 to index
          %get3A_774 = arith.constant 32 : index
          %get3A_775 = tpu.vector_load %arg5[%get3A_772, %get3A_773, %get3A_774] {strides = array<i32>} : memref<3x88x256xf32, #tpu.memory_space<vmem>>, vector<1x1x16xf32>,
          %get3A_776 = vector.shape_cast %get3A_775 : vector<1x1x16xf32> to vector<16xf32>
          %mul3A_777 = vector.broadcast %select_n3A_699 : f32 to vector<16xf32>
          %mul3A_778 = arith.mulf %mul3A_777, %get3A_776 : vector<16xf32>
          %add3A_779 = arith.addf %mul3A_771, %mul3A_778 : vector<16xf32>
          %get3A_780 = arith.index_cast %sub3A_581 : i32 to index
          %get3A_781 = arith.index_cast %min3A_686 : i32 to index
          %get3A_782 = arith.constant 32 : index
          %get3A_783 = tpu.vector_load %arg5[%get3A_780, %get3A_781, %get3A_782] {strides = array<i32>} : memref<3x88x256xf32, #tpu.memory_space<vmem>>, vector<1x1x16xf32>,
          %get3A_784 = vector.shape_cast %get3A_783 : vector<1x1x16xf32> to vector<16xf32>
          %mul3A_785 = vector.broadcast %select_n3A_708 : f32 to vector<16xf32>
          %mul3A_786 = arith.mulf %mul3A_785, %get3A_784 : vector<16xf32>
          %add3A_787 = arith.addf %add3A_779, %mul3A_786 : vector<16xf32>
          %swap3A_788 = arith.index_cast %sub3A_581 : i32 to index
          %swap3A_789 = arith.index_cast %scan3A_663 : i32 to index
          %swap3A_790 = arith.constant 32 : index
          %swap3A_791 = tpu.vector_load %arg6[%swap3A_788, %swap3A_789, %swap3A_790] {strides = array<i32>} : memref<3x40x256xf32, #tpu.memory_space<vmem>>, vector<1x1x16xf32>,
          %swap3A_792 = vector.shape_cast %swap3A_791 : vector<1x1x16xf32> to vector<16xf32>
          %swap3A_793 = vector.shape_cast %add3A_787 : vector<16xf32> to vector<1x1x16xf32>
          tpu.vector_store %arg6[%swap3A_788, %swap3A_789, %swap3A_790], %swap3A_793 {strides = array<i32>} : memref<3x40x256xf32, #tpu.memory_space<vmem>>, vector<1x1x16xf32>,
          %get3A_794 = arith.index_cast %sub3A_581 : i32 to index
          %get3A_795 = arith.index_cast %max3A_672 : i32 to index
          %get3A_796 = arith.constant 48 : index
          %get3A_797 = tpu.vector_load %arg4[%get3A_794, %get3A_795, %get3A_796] {strides = array<i32>} : memref<3x32x256xf32, #tpu.memory_space<vmem>>, vector<1x1x16xf32>,
          %get3A_798 = vector.shape_cast %get3A_797 : vector<1x1x16xf32> to vector<16xf32>
          %mul3A_799 = vector.broadcast %select_n3A_690 : f32 to vector<16xf32>
          %mul3A_800 = arith.mulf %mul3A_799, %get3A_798 : vector<16xf32>
          %get3A_801 = arith.index_cast %sub3A_581 : i32 to index
          %get3A_802 = arith.index_cast %min3A_679 : i32 to index
          %get3A_803 = arith.constant 48 : index
          %get3A_804 = tpu.vector_load %arg5[%get3A_801, %get3A_802, %get3A_803] {strides = array<i32>} : memref<3x88x256xf32, #tpu.memory_space<vmem>>, vector<1x1x16xf32>,
          %get3A_805 = vector.shape_cast %get3A_804 : vector<1x1x16xf32> to vector<16xf32>
          %mul3A_806 = vector.broadcast %select_n3A_699 : f32 to vector<16xf32>
          %mul3A_807 = arith.mulf %mul3A_806, %get3A_805 : vector<16xf32>
          %add3A_808 = arith.addf %mul3A_800, %mul3A_807 : vector<16xf32>
          %get3A_809 = arith.index_cast %sub3A_581 : i32 to index
          %get3A_810 = arith.index_cast %min3A_686 : i32 to index
          %get3A_811 = arith.constant 48 : index
          %get3A_812 = tpu.vector_load %arg5[%get3A_809, %get3A_810, %get3A_811] {strides = array<i32>} : memref<3x88x256xf32, #tpu.memory_space<vmem>>, vector<1x1x16xf32>,
          %get3A_813 = vector.shape_cast %get3A_812 : vector<1x1x16xf32> to vector<16xf32>
          %mul3A_814 = vector.broadcast %select_n3A_708 : f32 to vector<16xf32>
          %mul3A_815 = arith.mulf %mul3A_814, %get3A_813 : vector<16xf32>
          %add3A_816 = arith.addf %add3A_808, %mul3A_815 : vector<16xf32>
          %swap3A_817 = arith.index_cast %sub3A_581 : i32 to index
          %swap3A_818 = arith.index_cast %scan3A_663 : i32 to index
          %swap3A_819 = arith.constant 48 : index
          %swap3A_820 = tpu.vector_load %arg6[%swap3A_817, %swap3A_818, %swap3A_819] {strides = array<i32>} : memref<3x40x256xf32, #tpu.memory_space<vmem>>, vector<1x1x16xf32>,
          %swap3A_821 = vector.shape_cast %swap3A_820 : vector<1x1x16xf32> to vector<16xf32>
          %swap3A_822 = vector.shape_cast %add3A_816 : vector<16xf32> to vector<1x1x16xf32>
          tpu.vector_store %arg6[%swap3A_817, %swap3A_818, %swap3A_819], %swap3A_822 {strides = array<i32>} : memref<3x40x256xf32, #tpu.memory_space<vmem>>, vector<1x1x16xf32>,
          %get3A_823 = arith.index_cast %sub3A_581 : i32 to index
          %get3A_824 = arith.index_cast %max3A_672 : i32 to index
          %get3A_825 = arith.constant 64 : index
          %get3A_826 = tpu.vector_load %arg4[%get3A_823, %get3A_824, %get3A_825] {strides = array<i32>} : memref<3x32x256xf32, #tpu.memory_space<vmem>>, vector<1x1x16xf32>,
          %get3A_827 = vector.shape_cast %get3A_826 : vector<1x1x16xf32> to vector<16xf32>
          %mul3A_828 = vector.broadcast %select_n3A_690 : f32 to vector<16xf32>
          %mul3A_829 = arith.mulf %mul3A_828, %get3A_827 : vector<16xf32>
          %get3A_830 = arith.index_cast %sub3A_581 : i32 to index
          %get3A_831 = arith.index_cast %min3A_679 : i32 to index
          %get3A_832 = arith.constant 64 : index
          %get3A_833 = tpu.vector_load %arg5[%get3A_830, %get3A_831, %get3A_832] {strides = array<i32>} : memref<3x88x256xf32, #tpu.memory_space<vmem>>, vector<1x1x16xf32>,
          %get3A_834 = vector.shape_cast %get3A_833 : vector<1x1x16xf32> to vector<16xf32>
          %mul3A_835 = vector.broadcast %select_n3A_699 : f32 to vector<16xf32>
          %mul3A_836 = arith.mulf %mul3A_835, %get3A_834 : vector<16xf32>
          %add3A_837 = arith.addf %mul3A_829, %mul3A_836 : vector<16xf32>
          %get3A_838 = arith.index_cast %sub3A_581 : i32 to index
          %get3A_839 = arith.index_cast %min3A_686 : i32 to index
          %get3A_840 = arith.constant 64 : index
          %get3A_841 = tpu.vector_load %arg5[%get3A_838, %get3A_839, %get3A_840] {strides = array<i32>} : memref<3x88x256xf32, #tpu.memory_space<vmem>>, vector<1x1x16xf32>,
          %get3A_842 = vector.shape_cast %get3A_841 : vector<1x1x16xf32> to vector<16xf32>
          %mul3A_843 = vector.broadcast %select_n3A_708 : f32 to vector<16xf32>
          %mul3A_844 = arith.mulf %mul3A_843, %get3A_842 : vector<16xf32>
          %add3A_845 = arith.addf %add3A_837, %mul3A_844 : vector<16xf32>
          %swap3A_846 = arith.index_cast %sub3A_581 : i32 to index
          %swap3A_847 = arith.index_cast %scan3A_663 : i32 to index
          %swap3A_848 = arith.constant 64 : index
          %swap3A_849 = tpu.vector_load %arg6[%swap3A_846, %swap3A_847, %swap3A_848] {strides = array<i32>} : memref<3x40x256xf32, #tpu.memory_space<vmem>>, vector<1x1x16xf32>,
          %swap3A_850 = vector.shape_cast %swap3A_849 : vector<1x1x16xf32> to vector<16xf32>
          %swap3A_851 = vector.shape_cast %add3A_845 : vector<16xf32> to vector<1x1x16xf32>
          tpu.vector_store %arg6[%swap3A_846, %swap3A_847, %swap3A_848], %swap3A_851 {strides = array<i32>} : memref<3x40x256xf32, #tpu.memory_space<vmem>>, vector<1x1x16xf32>,
          %get3A_852 = arith.index_cast %sub3A_581 : i32 to index
          %get3A_853 = arith.index_cast %max3A_672 : i32 to index
          %get3A_854 = arith.constant 80 : index
          %get3A_855 = tpu.vector_load %arg4[%get3A_852, %get3A_853, %get3A_854] {strides = array<i32>} : memref<3x32x256xf32, #tpu.memory_space<vmem>>, vector<1x1x16xf32>,
          %get3A_856 = vector.shape_cast %get3A_855 : vector<1x1x16xf32> to vector<16xf32>
          %mul3A_857 = vector.broadcast %select_n3A_690 : f32 to vector<16xf32>
          %mul3A_858 = arith.mulf %mul3A_857, %get3A_856 : vector<16xf32>
          %get3A_859 = arith.index_cast %sub3A_581 : i32 to index
          %get3A_860 = arith.index_cast %min3A_679 : i32 to index
          %get3A_861 = arith.constant 80 : index
          %get3A_862 = tpu.vector_load %arg5[%get3A_859, %get3A_860, %get3A_861] {strides = array<i32>} : memref<3x88x256xf32, #tpu.memory_space<vmem>>, vector<1x1x16xf32>,
          %get3A_863 = vector.shape_cast %get3A_862 : vector<1x1x16xf32> to vector<16xf32>
          %mul3A_864 = vector.broadcast %select_n3A_699 : f32 to vector<16xf32>
          %mul3A_865 = arith.mulf %mul3A_864, %get3A_863 : vector<16xf32>
          %add3A_866 = arith.addf %mul3A_858, %mul3A_865 : vector<16xf32>
          %get3A_867 = arith.index_cast %sub3A_581 : i32 to index
          %get3A_868 = arith.index_cast %min3A_686 : i32 to index
          %get3A_869 = arith.constant 80 : index
          %get3A_870 = tpu.vector_load %arg5[%get3A_867, %get3A_868, %get3A_869] {strides = array<i32>} : memref<3x88x256xf32, #tpu.memory_space<vmem>>, vector<1x1x16xf32>,
          %get3A_871 = vector.shape_cast %get3A_870 : vector<1x1x16xf32> to vector<16xf32>
          %mul3A_872 = vector.broadcast %select_n3A_708 : f32 to vector<16xf32>
          %mul3A_873 = arith.mulf %mul3A_872, %get3A_871 : vector<16xf32>
          %add3A_874 = arith.addf %add3A_866, %mul3A_873 : vector<16xf32>
          %swap3A_875 = arith.index_cast %sub3A_581 : i32 to index
          %swap3A_876 = arith.index_cast %scan3A_663 : i32 to index
          %swap3A_877 = arith.constant 80 : index
          %swap3A_878 = tpu.vector_load %arg6[%swap3A_875, %swap3A_876, %swap3A_877] {strides = array<i32>} : memref<3x40x256xf32, #tpu.memory_space<vmem>>, vector<1x1x16xf32>,
          %swap3A_879 = vector.shape_cast %swap3A_878 : vector<1x1x16xf32> to vector<16xf32>
          %swap3A_880 = vector.shape_cast %add3A_874 : vector<16xf32> to vector<1x1x16xf32>
          tpu.vector_store %arg6[%swap3A_875, %swap3A_876, %swap3A_877], %swap3A_880 {strides = array<i32>} : memref<3x40x256xf32, #tpu.memory_space<vmem>>, vector<1x1x16xf32>,
          %get3A_881 = arith.index_cast %sub3A_581 : i32 to index
          %get3A_882 = arith.index_cast %max3A_672 : i32 to index
          %get3A_883 = arith.constant 96 : index
          %get3A_884 = tpu.vector_load %arg4[%get3A_881, %get3A_882, %get3A_883] {strides = array<i32>} : memref<3x32x256xf32, #tpu.memory_space<vmem>>, vector<1x1x16xf32>,
          %get3A_885 = vector.shape_cast %get3A_884 : vector<1x1x16xf32> to vector<16xf32>
          %mul3A_886 = vector.broadcast %select_n3A_690 : f32 to vector<16xf32>
          %mul3A_887 = arith.mulf %mul3A_886, %get3A_885 : vector<16xf32>
          %get3A_888 = arith.index_cast %sub3A_581 : i32 to index
          %get3A_889 = arith.index_cast %min3A_679 : i32 to index
          %get3A_890 = arith.constant 96 : index
          %get3A_891 = tpu.vector_load %arg5[%get3A_888, %get3A_889, %get3A_890] {strides = array<i32>} : memref<3x88x256xf32, #tpu.memory_space<vmem>>, vector<1x1x16xf32>,
          %get3A_892 = vector.shape_cast %get3A_891 : vector<1x1x16xf32> to vector<16xf32>
          %mul3A_893 = vector.broadcast %select_n3A_699 : f32 to vector<16xf32>
          %mul3A_894 = arith.mulf %mul3A_893, %get3A_892 : vector<16xf32>
          %add3A_895 = arith.addf %mul3A_887, %mul3A_894 : vector<16xf32>
          %get3A_896 = arith.index_cast %sub3A_581 : i32 to index
          %get3A_897 = arith.index_cast %min3A_686 : i32 to index
          %get3A_898 = arith.constant 96 : index
          %get3A_899 = tpu.vector_load %arg5[%get3A_896, %get3A_897, %get3A_898] {strides = array<i32>} : memref<3x88x256xf32, #tpu.memory_space<vmem>>, vector<1x1x16xf32>,
          %get3A_900 = vector.shape_cast %get3A_899 : vector<1x1x16xf32> to vector<16xf32>
          %mul3A_901 = vector.broadcast %select_n3A_708 : f32 to vector<16xf32>
          %mul3A_902 = arith.mulf %mul3A_901, %get3A_900 : vector<16xf32>
          %add3A_903 = arith.addf %add3A_895, %mul3A_902 : vector<16xf32>
          %swap3A_904 = arith.index_cast %sub3A_581 : i32 to index
          %swap3A_905 = arith.index_cast %scan3A_663 : i32 to index
          %swap3A_906 = arith.constant 96 : index
          %swap3A_907 = tpu.vector_load %arg6[%swap3A_904, %swap3A_905, %swap3A_906] {strides = array<i32>} : memref<3x40x256xf32, #tpu.memory_space<vmem>>, vector<1x1x16xf32>,
          %swap3A_908 = vector.shape_cast %swap3A_907 : vector<1x1x16xf32> to vector<16xf32>
          %swap3A_909 = vector.shape_cast %add3A_903 : vector<16xf32> to vector<1x1x16xf32>
          tpu.vector_store %arg6[%swap3A_904, %swap3A_905, %swap3A_906], %swap3A_909 {strides = array<i32>} : memref<3x40x256xf32, #tpu.memory_space<vmem>>, vector<1x1x16xf32>,
          %get3A_910 = arith.index_cast %sub3A_581 : i32 to index
          %get3A_911 = arith.index_cast %max3A_672 : i32 to index
          %get3A_912 = arith.constant 112 : index
          %get3A_913 = tpu.vector_load %arg4[%get3A_910, %get3A_911, %get3A_912] {strides = array<i32>} : memref<3x32x256xf32, #tpu.memory_space<vmem>>, vector<1x1x16xf32>,
          %get3A_914 = vector.shape_cast %get3A_913 : vector<1x1x16xf32> to vector<16xf32>
          %mul3A_915 = vector.broadcast %select_n3A_690 : f32 to vector<16xf32>
          %mul3A_916 = arith.mulf %mul3A_915, %get3A_914 : vector<16xf32>
          %get3A_917 = arith.index_cast %sub3A_581 : i32 to index
          %get3A_918 = arith.index_cast %min3A_679 : i32 to index
          %get3A_919 = arith.constant 112 : index
          %get3A_920 = tpu.vector_load %arg5[%get3A_917, %get3A_918, %get3A_919] {strides = array<i32>} : memref<3x88x256xf32, #tpu.memory_space<vmem>>, vector<1x1x16xf32>,
          %get3A_921 = vector.shape_cast %get3A_920 : vector<1x1x16xf32> to vector<16xf32>
          %mul3A_922 = vector.broadcast %select_n3A_699 : f32 to vector<16xf32>
          %mul3A_923 = arith.mulf %mul3A_922, %get3A_921 : vector<16xf32>
          %add3A_924 = arith.addf %mul3A_916, %mul3A_923 : vector<16xf32>
          %get3A_925 = arith.index_cast %sub3A_581 : i32 to index
          %get3A_926 = arith.index_cast %min3A_686 : i32 to index
          %get3A_927 = arith.constant 112 : index
          %get3A_928 = tpu.vector_load %arg5[%get3A_925, %get3A_926, %get3A_927] {strides = array<i32>} : memref<3x88x256xf32, #tpu.memory_space<vmem>>, vector<1x1x16xf32>,
          %get3A_929 = vector.shape_cast %get3A_928 : vector<1x1x16xf32> to vector<16xf32>
          %mul3A_930 = vector.broadcast %select_n3A_708 : f32 to vector<16xf32>
          %mul3A_931 = arith.mulf %mul3A_930, %get3A_929 : vector<16xf32>
          %add3A_932 = arith.addf %add3A_924, %mul3A_931 : vector<16xf32>
          %swap3A_933 = arith.index_cast %sub3A_581 : i32 to index
          %swap3A_934 = arith.index_cast %scan3A_663 : i32 to index
          %swap3A_935 = arith.constant 112 : index
          %swap3A_936 = tpu.vector_load %arg6[%swap3A_933, %swap3A_934, %swap3A_935] {strides = array<i32>} : memref<3x40x256xf32, #tpu.memory_space<vmem>>, vector<1x1x16xf32>,
          %swap3A_937 = vector.shape_cast %swap3A_936 : vector<1x1x16xf32> to vector<16xf32>
          %swap3A_938 = vector.shape_cast %add3A_932 : vector<16xf32> to vector<1x1x16xf32>
          tpu.vector_store %arg6[%swap3A_933, %swap3A_934, %swap3A_935], %swap3A_938 {strides = array<i32>} : memref<3x40x256xf32, #tpu.memory_space<vmem>>, vector<1x1x16xf32>,
          %get3A_939 = arith.index_cast %sub3A_581 : i32 to index
          %get3A_940 = arith.index_cast %max3A_672 : i32 to index
          %get3A_941 = arith.constant 128 : index
          %get3A_942 = tpu.vector_load %arg4[%get3A_939, %get3A_940, %get3A_941] {strides = array<i32>} : memref<3x32x256xf32, #tpu.memory_space<vmem>>, vector<1x1x16xf32>,
          %get3A_943 = vector.shape_cast %get3A_942 : vector<1x1x16xf32> to vector<16xf32>
          %mul3A_944 = vector.broadcast %select_n3A_690 : f32 to vector<16xf32>
          %mul3A_945 = arith.mulf %mul3A_944, %get3A_943 : vector<16xf32>
          %get3A_946 = arith.index_cast %sub3A_581 : i32 to index
          %get3A_947 = arith.index_cast %min3A_679 : i32 to index
          %get3A_948 = arith.constant 128 : index
          %get3A_949 = tpu.vector_load %arg5[%get3A_946, %get3A_947, %get3A_948] {strides = array<i32>} : memref<3x88x256xf32, #tpu.memory_space<vmem>>, vector<1x1x16xf32>,
          %get3A_950 = vector.shape_cast %get3A_949 : vector<1x1x16xf32> to vector<16xf32>
          %mul3A_951 = vector.broadcast %select_n3A_699 : f32 to vector<16xf32>
          %mul3A_952 = arith.mulf %mul3A_951, %get3A_950 : vector<16xf32>
          %add3A_953 = arith.addf %mul3A_945, %mul3A_952 : vector<16xf32>
          %get3A_954 = arith.index_cast %sub3A_581 : i32 to index
          %get3A_955 = arith.index_cast %min3A_686 : i32 to index
          %get3A_956 = arith.constant 128 : index
          %get3A_957 = tpu.vector_load %arg5[%get3A_954, %get3A_955, %get3A_956] {strides = array<i32>} : memref<3x88x256xf32, #tpu.memory_space<vmem>>, vector<1x1x16xf32>,
          %get3A_958 = vector.shape_cast %get3A_957 : vector<1x1x16xf32> to vector<16xf32>
          %mul3A_959 = vector.broadcast %select_n3A_708 : f32 to vector<16xf32>
          %mul3A_960 = arith.mulf %mul3A_959, %get3A_958 : vector<16xf32>
          %add3A_961 = arith.addf %add3A_953, %mul3A_960 : vector<16xf32>
          %swap3A_962 = arith.index_cast %sub3A_581 : i32 to index
          %swap3A_963 = arith.index_cast %scan3A_663 : i32 to index
          %swap3A_964 = arith.constant 128 : index
          %swap3A_965 = tpu.vector_load %arg6[%swap3A_962, %swap3A_963, %swap3A_964] {strides = array<i32>} : memref<3x40x256xf32, #tpu.memory_space<vmem>>, vector<1x1x16xf32>,
          %swap3A_966 = vector.shape_cast %swap3A_965 : vector<1x1x16xf32> to vector<16xf32>
          %swap3A_967 = vector.shape_cast %add3A_961 : vector<16xf32> to vector<1x1x16xf32>
          tpu.vector_store %arg6[%swap3A_962, %swap3A_963, %swap3A_964], %swap3A_967 {strides = array<i32>} : memref<3x40x256xf32, #tpu.memory_space<vmem>>, vector<1x1x16xf32>,
          %get3A_968 = arith.index_cast %sub3A_581 : i32 to index
          %get3A_969 = arith.index_cast %max3A_672 : i32 to index
          %get3A_970 = arith.constant 144 : index
          %get3A_971 = tpu.vector_load %arg4[%get3A_968, %get3A_969, %get3A_970] {strides = array<i32>} : memref<3x32x256xf32, #tpu.memory_space<vmem>>, vector<1x1x16xf32>,
          %get3A_972 = vector.shape_cast %get3A_971 : vector<1x1x16xf32> to vector<16xf32>
          %mul3A_973 = vector.broadcast %select_n3A_690 : f32 to vector<16xf32>
          %mul3A_974 = arith.mulf %mul3A_973, %get3A_972 : vector<16xf32>
          %get3A_975 = arith.index_cast %sub3A_581 : i32 to index
          %get3A_976 = arith.index_cast %min3A_679 : i32 to index
          %get3A_977 = arith.constant 144 : index
          %get3A_978 = tpu.vector_load %arg5[%get3A_975, %get3A_976, %get3A_977] {strides = array<i32>} : memref<3x88x256xf32, #tpu.memory_space<vmem>>, vector<1x1x16xf32>,
          %get3A_979 = vector.shape_cast %get3A_978 : vector<1x1x16xf32> to vector<16xf32>
          %mul3A_980 = vector.broadcast %select_n3A_699 : f32 to vector<16xf32>
          %mul3A_981 = arith.mulf %mul3A_980, %get3A_979 : vector<16xf32>
          %add3A_982 = arith.addf %mul3A_974, %mul3A_981 : vector<16xf32>
          %get3A_983 = arith.index_cast %sub3A_581 : i32 to index
          %get3A_984 = arith.index_cast %min3A_686 : i32 to index
          %get3A_985 = arith.constant 144 : index
          %get3A_986 = tpu.vector_load %arg5[%get3A_983, %get3A_984, %get3A_985] {strides = array<i32>} : memref<3x88x256xf32, #tpu.memory_space<vmem>>, vector<1x1x16xf32>,
          %get3A_987 = vector.shape_cast %get3A_986 : vector<1x1x16xf32> to vector<16xf32>
          %mul3A_988 = vector.broadcast %select_n3A_708 : f32 to vector<16xf32>
          %mul3A_989 = arith.mulf %mul3A_988, %get3A_987 : vector<16xf32>
          %add3A_990 = arith.addf %add3A_982, %mul3A_989 : vector<16xf32>
          %swap3A_991 = arith.index_cast %sub3A_581 : i32 to index
          %swap3A_992 = arith.index_cast %scan3A_663 : i32 to index
          %swap3A_993 = arith.constant 144 : index
          %swap3A_994 = tpu.vector_load %arg6[%swap3A_991, %swap3A_992, %swap3A_993] {strides = array<i32>} : memref<3x40x256xf32, #tpu.memory_space<vmem>>, vector<1x1x16xf32>,
          %swap3A_995 = vector.shape_cast %swap3A_994 : vector<1x1x16xf32> to vector<16xf32>
          %swap3A_996 = vector.shape_cast %add3A_990 : vector<16xf32> to vector<1x1x16xf32>
          tpu.vector_store %arg6[%swap3A_991, %swap3A_992, %swap3A_993], %swap3A_996 {strides = array<i32>} : memref<3x40x256xf32, #tpu.memory_space<vmem>>, vector<1x1x16xf32>,
          %get3A_997 = arith.index_cast %sub3A_581 : i32 to index
          %get3A_998 = arith.index_cast %max3A_672 : i32 to index
          %get3A_999 = arith.constant 160 : index
          %get3A_1000 = tpu.vector_load %arg4[%get3A_997, %get3A_998, %get3A_999] {strides = array<i32>} : memref<3x32x256xf32, #tpu.memory_space<vmem>>, vector<1x1x16xf32>,
          %get3A_1001 = vector.shape_cast %get3A_1000 : vector<1x1x16xf32> to vector<16xf32>
          %mul3A_1002 = vector.broadcast %select_n3A_690 : f32 to vector<16xf32>
          %mul3A_1003 = arith.mulf %mul3A_1002, %get3A_1001 : vector<16xf32>
          %get3A_1004 = arith.index_cast %sub3A_581 : i32 to index
          %get3A_1005 = arith.index_cast %min3A_679 : i32 to index
          %get3A_1006 = arith.constant 160 : index
          %get3A_1007 = tpu.vector_load %arg5[%get3A_1004, %get3A_1005, %get3A_1006] {strides = array<i32>} : memref<3x88x256xf32, #tpu.memory_space<vmem>>, vector<1x1x16xf32>,
          %get3A_1008 = vector.shape_cast %get3A_1007 : vector<1x1x16xf32> to vector<16xf32>
          %mul3A_1009 = vector.broadcast %select_n3A_699 : f32 to vector<16xf32>
          %mul3A_1010 = arith.mulf %mul3A_1009, %get3A_1008 : vector<16xf32>
          %add3A_1011 = arith.addf %mul3A_1003, %mul3A_1010 : vector<16xf32>
          %get3A_1012 = arith.index_cast %sub3A_581 : i32 to index
          %get3A_1013 = arith.index_cast %min3A_686 : i32 to index
          %get3A_1014 = arith.constant 160 : index
          %get3A_1015 = tpu.vector_load %arg5[%get3A_1012, %get3A_1013, %get3A_1014] {strides = array<i32>} : memref<3x88x256xf32, #tpu.memory_space<vmem>>, vector<1x1x16xf32>,
          %get3A_1016 = vector.shape_cast %get3A_1015 : vector<1x1x16xf32> to vector<16xf32>
          %mul3A_1017 = vector.broadcast %select_n3A_708 : f32 to vector<16xf32>
          %mul3A_1018 = arith.mulf %mul3A_1017, %get3A_1016 : vector<16xf32>
          %add3A_1019 = arith.addf %add3A_1011, %mul3A_1018 : vector<16xf32>
          %swap3A_1020 = arith.index_cast %sub3A_581 : i32 to index
          %swap3A_1021 = arith.index_cast %scan3A_663 : i32 to index
          %swap3A_1022 = arith.constant 160 : index
          %swap3A_1023 = tpu.vector_load %arg6[%swap3A_1020, %swap3A_1021, %swap3A_1022] {strides = array<i32>} : memref<3x40x256xf32, #tpu.memory_space<vmem>>, vector<1x1x16xf32>,
          %swap3A_1024 = vector.shape_cast %swap3A_1023 : vector<1x1x16xf32> to vector<16xf32>
          %swap3A_1025 = vector.shape_cast %add3A_1019 : vector<16xf32> to vector<1x1x16xf32>
          tpu.vector_store %arg6[%swap3A_1020, %swap3A_1021, %swap3A_1022], %swap3A_1025 {strides = array<i32>} : memref<3x40x256xf32, #tpu.memory_space<vmem>>, vector<1x1x16xf32>,
          %get3A_1026 = arith.index_cast %sub3A_581 : i32 to index
          %get3A_1027 = arith.index_cast %max3A_672 : i32 to index
          %get3A_1028 = arith.constant 176 : index
          %get3A_1029 = tpu.vector_load %arg4[%get3A_1026, %get3A_1027, %get3A_1028] {strides = array<i32>} : memref<3x32x256xf32, #tpu.memory_space<vmem>>, vector<1x1x16xf32>,
          %get3A_1030 = vector.shape_cast %get3A_1029 : vector<1x1x16xf32> to vector<16xf32>
          %mul3A_1031 = vector.broadcast %select_n3A_690 : f32 to vector<16xf32>
          %mul3A_1032 = arith.mulf %mul3A_1031, %get3A_1030 : vector<16xf32>
          %get3A_1033 = arith.index_cast %sub3A_581 : i32 to index
          %get3A_1034 = arith.index_cast %min3A_679 : i32 to index
          %get3A_1035 = arith.constant 176 : index
          %get3A_1036 = tpu.vector_load %arg5[%get3A_1033, %get3A_1034, %get3A_1035] {strides = array<i32>} : memref<3x88x256xf32, #tpu.memory_space<vmem>>, vector<1x1x16xf32>,
          %get3A_1037 = vector.shape_cast %get3A_1036 : vector<1x1x16xf32> to vector<16xf32>
          %mul3A_1038 = vector.broadcast %select_n3A_699 : f32 to vector<16xf32>
          %mul3A_1039 = arith.mulf %mul3A_1038, %get3A_1037 : vector<16xf32>
          %add3A_1040 = arith.addf %mul3A_1032, %mul3A_1039 : vector<16xf32>
          %get3A_1041 = arith.index_cast %sub3A_581 : i32 to index
          %get3A_1042 = arith.index_cast %min3A_686 : i32 to index
          %get3A_1043 = arith.constant 176 : index
          %get3A_1044 = tpu.vector_load %arg5[%get3A_1041, %get3A_1042, %get3A_1043] {strides = array<i32>} : memref<3x88x256xf32, #tpu.memory_space<vmem>>, vector<1x1x16xf32>,
          %get3A_1045 = vector.shape_cast %get3A_1044 : vector<1x1x16xf32> to vector<16xf32>
          %mul3A_1046 = vector.broadcast %select_n3A_708 : f32 to vector<16xf32>
          %mul3A_1047 = arith.mulf %mul3A_1046, %get3A_1045 : vector<16xf32>
          %add3A_1048 = arith.addf %add3A_1040, %mul3A_1047 : vector<16xf32>
          %swap3A_1049 = arith.index_cast %sub3A_581 : i32 to index
          %swap3A_1050 = arith.index_cast %scan3A_663 : i32 to index
          %swap3A_1051 = arith.constant 176 : index
          %swap3A_1052 = tpu.vector_load %arg6[%swap3A_1049, %swap3A_1050, %swap3A_1051] {strides = array<i32>} : memref<3x40x256xf32, #tpu.memory_space<vmem>>, vector<1x1x16xf32>,
          %swap3A_1053 = vector.shape_cast %swap3A_1052 : vector<1x1x16xf32> to vector<16xf32>
          %swap3A_1054 = vector.shape_cast %add3A_1048 : vector<16xf32> to vector<1x1x16xf32>
          tpu.vector_store %arg6[%swap3A_1049, %swap3A_1050, %swap3A_1051], %swap3A_1054 {strides = array<i32>} : memref<3x40x256xf32, #tpu.memory_space<vmem>>, vector<1x1x16xf32>,
          %get3A_1055 = arith.index_cast %sub3A_581 : i32 to index
          %get3A_1056 = arith.index_cast %max3A_672 : i32 to index
          %get3A_1057 = arith.constant 192 : index
          %get3A_1058 = tpu.vector_load %arg4[%get3A_1055, %get3A_1056, %get3A_1057] {strides = array<i32>} : memref<3x32x256xf32, #tpu.memory_space<vmem>>, vector<1x1x16xf32>,
          %get3A_1059 = vector.shape_cast %get3A_1058 : vector<1x1x16xf32> to vector<16xf32>
          %mul3A_1060 = vector.broadcast %select_n3A_690 : f32 to vector<16xf32>
          %mul3A_1061 = arith.mulf %mul3A_1060, %get3A_1059 : vector<16xf32>
          %get3A_1062 = arith.index_cast %sub3A_581 : i32 to index
          %get3A_1063 = arith.index_cast %min3A_679 : i32 to index
          %get3A_1064 = arith.constant 192 : index
          %get3A_1065 = tpu.vector_load %arg5[%get3A_1062, %get3A_1063, %get3A_1064] {strides = array<i32>} : memref<3x88x256xf32, #tpu.memory_space<vmem>>, vector<1x1x16xf32>,
          %get3A_1066 = vector.shape_cast %get3A_1065 : vector<1x1x16xf32> to vector<16xf32>
          %mul3A_1067 = vector.broadcast %select_n3A_699 : f32 to vector<16xf32>
          %mul3A_1068 = arith.mulf %mul3A_1067, %get3A_1066 : vector<16xf32>
          %add3A_1069 = arith.addf %mul3A_1061, %mul3A_1068 : vector<16xf32>
          %get3A_1070 = arith.index_cast %sub3A_581 : i32 to index
          %get3A_1071 = arith.index_cast %min3A_686 : i32 to index
          %get3A_1072 = arith.constant 192 : index
          %get3A_1073 = tpu.vector_load %arg5[%get3A_1070, %get3A_1071, %get3A_1072] {strides = array<i32>} : memref<3x88x256xf32, #tpu.memory_space<vmem>>, vector<1x1x16xf32>,
          %get3A_1074 = vector.shape_cast %get3A_1073 : vector<1x1x16xf32> to vector<16xf32>
          %mul3A_1075 = vector.broadcast %select_n3A_708 : f32 to vector<16xf32>
          %mul3A_1076 = arith.mulf %mul3A_1075, %get3A_1074 : vector<16xf32>
          %add3A_1077 = arith.addf %add3A_1069, %mul3A_1076 : vector<16xf32>
          %swap3A_1078 = arith.index_cast %sub3A_581 : i32 to index
          %swap3A_1079 = arith.index_cast %scan3A_663 : i32 to index
          %swap3A_1080 = arith.constant 192 : index
          %swap3A_1081 = tpu.vector_load %arg6[%swap3A_1078, %swap3A_1079, %swap3A_1080] {strides = array<i32>} : memref<3x40x256xf32, #tpu.memory_space<vmem>>, vector<1x1x16xf32>,
          %swap3A_1082 = vector.shape_cast %swap3A_1081 : vector<1x1x16xf32> to vector<16xf32>
          %swap3A_1083 = vector.shape_cast %add3A_1077 : vector<16xf32> to vector<1x1x16xf32>
          tpu.vector_store %arg6[%swap3A_1078, %swap3A_1079, %swap3A_1080], %swap3A_1083 {strides = array<i32>} : memref<3x40x256xf32, #tpu.memory_space<vmem>>, vector<1x1x16xf32>,
          %get3A_1084 = arith.index_cast %sub3A_581 : i32 to index
          %get3A_1085 = arith.index_cast %max3A_672 : i32 to index
          %get3A_1086 = arith.constant 208 : index
          %get3A_1087 = tpu.vector_load %arg4[%get3A_1084, %get3A_1085, %get3A_1086] {strides = array<i32>} : memref<3x32x256xf32, #tpu.memory_space<vmem>>, vector<1x1x16xf32>,
          %get3A_1088 = vector.shape_cast %get3A_1087 : vector<1x1x16xf32> to vector<16xf32>
          %mul3A_1089 = vector.broadcast %select_n3A_690 : f32 to vector<16xf32>
          %mul3A_1090 = arith.mulf %mul3A_1089, %get3A_1088 : vector<16xf32>
          %get3A_1091 = arith.index_cast %sub3A_581 : i32 to index
          %get3A_1092 = arith.index_cast %min3A_679 : i32 to index
          %get3A_1093 = arith.constant 208 : index
          %get3A_1094 = tpu.vector_load %arg5[%get3A_1091, %get3A_1092, %get3A_1093] {strides = array<i32>} : memref<3x88x256xf32, #tpu.memory_space<vmem>>, vector<1x1x16xf32>,
          %get3A_1095 = vector.shape_cast %get3A_1094 : vector<1x1x16xf32> to vector<16xf32>
          %mul3A_1096 = vector.broadcast %select_n3A_699 : f32 to vector<16xf32>
          %mul3A_1097 = arith.mulf %mul3A_1096, %get3A_1095 : vector<16xf32>
          %add3A_1098 = arith.addf %mul3A_1090, %mul3A_1097 : vector<16xf32>
          %get3A_1099 = arith.index_cast %sub3A_581 : i32 to index
          %get3A_1100 = arith.index_cast %min3A_686 : i32 to index
          %get3A_1101 = arith.constant 208 : index
          %get3A_1102 = tpu.vector_load %arg5[%get3A_1099, %get3A_1100, %get3A_1101] {strides = array<i32>} : memref<3x88x256xf32, #tpu.memory_space<vmem>>, vector<1x1x16xf32>,
          %get3A_1103 = vector.shape_cast %get3A_1102 : vector<1x1x16xf32> to vector<16xf32>
          %mul3A_1104 = vector.broadcast %select_n3A_708 : f32 to vector<16xf32>
          %mul3A_1105 = arith.mulf %mul3A_1104, %get3A_1103 : vector<16xf32>
          %add3A_1106 = arith.addf %add3A_1098, %mul3A_1105 : vector<16xf32>
          %swap3A_1107 = arith.index_cast %sub3A_581 : i32 to index
          %swap3A_1108 = arith.index_cast %scan3A_663 : i32 to index
          %swap3A_1109 = arith.constant 208 : index
          %swap3A_1110 = tpu.vector_load %arg6[%swap3A_1107, %swap3A_1108, %swap3A_1109] {strides = array<i32>} : memref<3x40x256xf32, #tpu.memory_space<vmem>>, vector<1x1x16xf32>,
          %swap3A_1111 = vector.shape_cast %swap3A_1110 : vector<1x1x16xf32> to vector<16xf32>
          %swap3A_1112 = vector.shape_cast %add3A_1106 : vector<16xf32> to vector<1x1x16xf32>
          tpu.vector_store %arg6[%swap3A_1107, %swap3A_1108, %swap3A_1109], %swap3A_1112 {strides = array<i32>} : memref<3x40x256xf32, #tpu.memory_space<vmem>>, vector<1x1x16xf32>,
          %get3A_1113 = arith.index_cast %sub3A_581 : i32 to index
          %get3A_1114 = arith.index_cast %max3A_672 : i32 to index
          %get3A_1115 = arith.constant 224 : index
          %get3A_1116 = tpu.vector_load %arg4[%get3A_1113, %get3A_1114, %get3A_1115] {strides = array<i32>} : memref<3x32x256xf32, #tpu.memory_space<vmem>>, vector<1x1x16xf32>,
          %get3A_1117 = vector.shape_cast %get3A_1116 : vector<1x1x16xf32> to vector<16xf32>
          %mul3A_1118 = vector.broadcast %select_n3A_690 : f32 to vector<16xf32>
          %mul3A_1119 = arith.mulf %mul3A_1118, %get3A_1117 : vector<16xf32>
          %get3A_1120 = arith.index_cast %sub3A_581 : i32 to index
          %get3A_1121 = arith.index_cast %min3A_679 : i32 to index
          %get3A_1122 = arith.constant 224 : index
          %get3A_1123 = tpu.vector_load %arg5[%get3A_1120, %get3A_1121, %get3A_1122] {strides = array<i32>} : memref<3x88x256xf32, #tpu.memory_space<vmem>>, vector<1x1x16xf32>,
          %get3A_1124 = vector.shape_cast %get3A_1123 : vector<1x1x16xf32> to vector<16xf32>
          %mul3A_1125 = vector.broadcast %select_n3A_699 : f32 to vector<16xf32>
          %mul3A_1126 = arith.mulf %mul3A_1125, %get3A_1124 : vector<16xf32>
          %add3A_1127 = arith.addf %mul3A_1119, %mul3A_1126 : vector<16xf32>
          %get3A_1128 = arith.index_cast %sub3A_581 : i32 to index
          %get3A_1129 = arith.index_cast %min3A_686 : i32 to index
          %get3A_1130 = arith.constant 224 : index
          %get3A_1131 = tpu.vector_load %arg5[%get3A_1128, %get3A_1129, %get3A_1130] {strides = array<i32>} : memref<3x88x256xf32, #tpu.memory_space<vmem>>, vector<1x1x16xf32>,
          %get3A_1132 = vector.shape_cast %get3A_1131 : vector<1x1x16xf32> to vector<16xf32>
          %mul3A_1133 = vector.broadcast %select_n3A_708 : f32 to vector<16xf32>
          %mul3A_1134 = arith.mulf %mul3A_1133, %get3A_1132 : vector<16xf32>
          %add3A_1135 = arith.addf %add3A_1127, %mul3A_1134 : vector<16xf32>
          %swap3A_1136 = arith.index_cast %sub3A_581 : i32 to index
          %swap3A_1137 = arith.index_cast %scan3A_663 : i32 to index
          %swap3A_1138 = arith.constant 224 : index
          %swap3A_1139 = tpu.vector_load %arg6[%swap3A_1136, %swap3A_1137, %swap3A_1138] {strides = array<i32>} : memref<3x40x256xf32, #tpu.memory_space<vmem>>, vector<1x1x16xf32>,
          %swap3A_1140 = vector.shape_cast %swap3A_1139 : vector<1x1x16xf32> to vector<16xf32>
          %swap3A_1141 = vector.shape_cast %add3A_1135 : vector<16xf32> to vector<1x1x16xf32>
          tpu.vector_store %arg6[%swap3A_1136, %swap3A_1137, %swap3A_1138], %swap3A_1141 {strides = array<i32>} : memref<3x40x256xf32, #tpu.memory_space<vmem>>, vector<1x1x16xf32>,
          %get3A_1142 = arith.index_cast %sub3A_581 : i32 to index
          %get3A_1143 = arith.index_cast %max3A_672 : i32 to index
          %get3A_1144 = arith.constant 240 : index
          %get3A_1145 = tpu.vector_load %arg4[%get3A_1142, %get3A_1143, %get3A_1144] {strides = array<i32>} : memref<3x32x256xf32, #tpu.memory_space<vmem>>, vector<1x1x16xf32>,
          %get3A_1146 = vector.shape_cast %get3A_1145 : vector<1x1x16xf32> to vector<16xf32>
          %mul3A_1147 = vector.broadcast %select_n3A_690 : f32 to vector<16xf32>
          %mul3A_1148 = arith.mulf %mul3A_1147, %get3A_1146 : vector<16xf32>
          %get3A_1149 = arith.index_cast %sub3A_581 : i32 to index
          %get3A_1150 = arith.index_cast %min3A_679 : i32 to index
          %get3A_1151 = arith.constant 240 : index
          %get3A_1152 = tpu.vector_load %arg5[%get3A_1149, %get3A_1150, %get3A_1151] {strides = array<i32>} : memref<3x88x256xf32, #tpu.memory_space<vmem>>, vector<1x1x16xf32>,
          %get3A_1153 = vector.shape_cast %get3A_1152 : vector<1x1x16xf32> to vector<16xf32>
          %mul3A_1154 = vector.broadcast %select_n3A_699 : f32 to vector<16xf32>
          %mul3A_1155 = arith.mulf %mul3A_1154, %get3A_1153 : vector<16xf32>
          %add3A_1156 = arith.addf %mul3A_1148, %mul3A_1155 : vector<16xf32>
          %get3A_1157 = arith.index_cast %sub3A_581 : i32 to index
          %get3A_1158 = arith.index_cast %min3A_686 : i32 to index
          %get3A_1159 = arith.constant 240 : index
          %get3A_1160 = tpu.vector_load %arg5[%get3A_1157, %get3A_1158, %get3A_1159] {strides = array<i32>} : memref<3x88x256xf32, #tpu.memory_space<vmem>>, vector<1x1x16xf32>,
          %get3A_1161 = vector.shape_cast %get3A_1160 : vector<1x1x16xf32> to vector<16xf32>
          %mul3A_1162 = vector.broadcast %select_n3A_708 : f32 to vector<16xf32>
          %mul3A_1163 = arith.mulf %mul3A_1162, %get3A_1161 : vector<16xf32>
          %add3A_1164 = arith.addf %add3A_1156, %mul3A_1163 : vector<16xf32>
          %swap3A_1165 = arith.index_cast %sub3A_581 : i32 to index
          %swap3A_1166 = arith.index_cast %scan3A_663 : i32 to index
          %swap3A_1167 = arith.constant 240 : index
          %swap3A_1168 = tpu.vector_load %arg6[%swap3A_1165, %swap3A_1166, %swap3A_1167] {strides = array<i32>} : memref<3x40x256xf32, #tpu.memory_space<vmem>>, vector<1x1x16xf32>,
          %swap3A_1169 = vector.shape_cast %swap3A_1168 : vector<1x1x16xf32> to vector<16xf32>
          %swap3A_1170 = vector.shape_cast %add3A_1164 : vector<16xf32> to vector<1x1x16xf32>
          tpu.vector_store %arg6[%swap3A_1165, %swap3A_1166, %swap3A_1167], %swap3A_1170 {strides = array<i32>} : memref<3x40x256xf32, #tpu.memory_space<vmem>>, vector<1x1x16xf32>,
          %scan3A_1171 = arith.constant 0 : i32
          scf.yield %scan3A_1171 : i32
        }
        %scan3A_662 = arith.constant 40 : i32
      } else {
      }
      %not3A = arith.constant true
      %not3A_607 = arith.xori %or3A, %not3A : i1
      %convert_element_type3A_608 = arith.extui %not3A_607 : i1 to i32
      %cond3A_609 = arith.constant 0 : i32
      %cond3A_610 = arith.cmpi ne, %convert_element_type3A_608, %cond3A_609 : i32
      scf.if %cond3A_610 {
        %scan3A = arith.constant 0 : i32
        %scan3A_657 = arith.constant 0 : i32
        %scan3A_658 = arith.constant 40 : i32
        %scan3A_659 = arith.addi %scan3A_657, %scan3A_658 : i32
        %scan3A_660 = arith.constant 1 : i32
        %scan3A_661 = scf.for %scan3A_663 = %scan3A_657 to %scan3A_659 step %scan3A_660 iter_args(%scan3A_664 = %scan3A) -> (i32)  : i32 {
          %add3A_665 = arith.addi %mul3A_583, %scan3A_663 : i32
          %sub3A_666 = arith.constant 1 : i32
          %sub3A_667 = arith.subi %add3A_665, %sub3A_666 : i32
          %shift_right_arithmetic3A_668 = arith.constant 1 : i32
          %shift_right_arithmetic3A_669 = arith.shrsi %sub3A_667, %shift_right_arithmetic3A_668 : i32
          %sub3A_670 = arith.subi %shift_right_arithmetic3A_669, %max3A_593 : i32
          %get3A = arith.index_cast %sub3A_581 : i32 to index
          %get3A_671 = arith.index_cast %sub3A_670 : i32 to index
          %get3A_672 = arith.constant 0 : index
          %get3A_673 = tpu.vector_load %arg4[%get3A, %get3A_671, %get3A_672] {strides = array<i32>} : memref<3x32x256xf32, #tpu.memory_space<vmem>>, vector<1x1x16xf32>,
          %get3A_674 = vector.shape_cast %get3A_673 : vector<1x1x16xf32> to vector<16xf32>
          %get3A_675 = arith.index_cast %sub3A_581 : i32 to index
          %get3A_676 = arith.index_cast %sub3A_670 : i32 to index
          %get3A_677 = arith.constant 16 : index
          %get3A_678 = tpu.vector_load %arg4[%get3A_675, %get3A_676, %get3A_677] {strides = array<i32>} : memref<3x32x256xf32, #tpu.memory_space<vmem>>, vector<1x1x16xf32>,
          %get3A_679 = vector.shape_cast %get3A_678 : vector<1x1x16xf32> to vector<16xf32>
          %get3A_680 = arith.index_cast %sub3A_581 : i32 to index
          %get3A_681 = arith.index_cast %sub3A_670 : i32 to index
          %get3A_682 = arith.constant 32 : index
          %get3A_683 = tpu.vector_load %arg4[%get3A_680, %get3A_681, %get3A_682] {strides = array<i32>} : memref<3x32x256xf32, #tpu.memory_space<vmem>>, vector<1x1x16xf32>,
          %get3A_684 = vector.shape_cast %get3A_683 : vector<1x1x16xf32> to vector<16xf32>
          %get3A_685 = arith.index_cast %sub3A_581 : i32 to index
          %get3A_686 = arith.index_cast %sub3A_670 : i32 to index
          %get3A_687 = arith.constant 48 : index
          %get3A_688 = tpu.vector_load %arg4[%get3A_685, %get3A_686, %get3A_687] {strides = array<i32>} : memref<3x32x256xf32, #tpu.memory_space<vmem>>, vector<1x1x16xf32>,
          %get3A_689 = vector.shape_cast %get3A_688 : vector<1x1x16xf32> to vector<16xf32>
          %mul3A_690 = arith.constant 2 : i32
          %mul3A_691 = arith.muli %mul3A_690, %scan3A_663 : i32
          %add3A_692 = arith.constant 1 : i32
          %add3A_693 = arith.addi %mul3A_691, %add3A_692 : i32
          %get3A_694 = arith.index_cast %sub3A_581 : i32 to index
          %get3A_695 = arith.index_cast %add3A_693 : i32 to index
          %get3A_696 = arith.constant 0 : index
          %get3A_697 = tpu.vector_load %arg5[%get3A_694, %get3A_695, %get3A_696] {strides = array<i32>} : memref<3x88x256xf32, #tpu.memory_space<vmem>>, vector<1x1x16xf32>,
          %get3A_698 = vector.shape_cast %get3A_697 : vector<1x1x16xf32> to vector<16xf32>
          %mul3A_699 = arith.constant 2 : i32
          %mul3A_700 = arith.muli %mul3A_699, %scan3A_663 : i32
          %add3A_701 = arith.constant 1 : i32
          %add3A_702 = arith.addi %mul3A_700, %add3A_701 : i32
          %get3A_703 = arith.index_cast %sub3A_581 : i32 to index
          %get3A_704 = arith.index_cast %add3A_702 : i32 to index
          %get3A_705 = arith.constant 16 : index
          %get3A_706 = tpu.vector_load %arg5[%get3A_703, %get3A_704, %get3A_705] {strides = array<i32>} : memref<3x88x256xf32, #tpu.memory_space<vmem>>, vector<1x1x16xf32>,
          %get3A_707 = vector.shape_cast %get3A_706 : vector<1x1x16xf32> to vector<16xf32>
          %mul3A_708 = arith.constant 2 : i32
          %mul3A_709 = arith.muli %mul3A_708, %scan3A_663 : i32
          %add3A_710 = arith.constant 1 : i32
          %add3A_711 = arith.addi %mul3A_709, %add3A_710 : i32
          %get3A_712 = arith.index_cast %sub3A_581 : i32 to index
          %get3A_713 = arith.index_cast %add3A_711 : i32 to index
          %get3A_714 = arith.constant 32 : index
          %get3A_715 = tpu.vector_load %arg5[%get3A_712, %get3A_713, %get3A_714] {strides = array<i32>} : memref<3x88x256xf32, #tpu.memory_space<vmem>>, vector<1x1x16xf32>,
          %get3A_716 = vector.shape_cast %get3A_715 : vector<1x1x16xf32> to vector<16xf32>
          %mul3A_717 = arith.constant 2 : i32
          %mul3A_718 = arith.muli %mul3A_717, %scan3A_663 : i32
          %add3A_719 = arith.constant 1 : i32
          %add3A_720 = arith.addi %mul3A_718, %add3A_719 : i32
          %get3A_721 = arith.index_cast %sub3A_581 : i32 to index
          %get3A_722 = arith.index_cast %add3A_720 : i32 to index
          %get3A_723 = arith.constant 48 : index
          %get3A_724 = tpu.vector_load %arg5[%get3A_721, %get3A_722, %get3A_723] {strides = array<i32>} : memref<3x88x256xf32, #tpu.memory_space<vmem>>, vector<1x1x16xf32>,
          %get3A_725 = vector.shape_cast %get3A_724 : vector<1x1x16xf32> to vector<16xf32>
          %mul3A_726 = arith.constant 2 : i32
          %mul3A_727 = arith.muli %mul3A_726, %scan3A_663 : i32
          %add3A_728 = arith.constant 2 : i32
          %add3A_729 = arith.addi %mul3A_727, %add3A_728 : i32
          %get3A_730 = arith.index_cast %sub3A_581 : i32 to index
          %get3A_731 = arith.index_cast %add3A_729 : i32 to index
          %get3A_732 = arith.constant 0 : index
          %get3A_733 = tpu.vector_load %arg5[%get3A_730, %get3A_731, %get3A_732] {strides = array<i32>} : memref<3x88x256xf32, #tpu.memory_space<vmem>>, vector<1x1x16xf32>,
          %get3A_734 = vector.shape_cast %get3A_733 : vector<1x1x16xf32> to vector<16xf32>
          %mul3A_735 = arith.constant 2 : i32
          %mul3A_736 = arith.muli %mul3A_735, %scan3A_663 : i32
          %add3A_737 = arith.constant 2 : i32
          %add3A_738 = arith.addi %mul3A_736, %add3A_737 : i32
          %get3A_739 = arith.index_cast %sub3A_581 : i32 to index
          %get3A_740 = arith.index_cast %add3A_738 : i32 to index
          %get3A_741 = arith.constant 16 : index
          %get3A_742 = tpu.vector_load %arg5[%get3A_739, %get3A_740, %get3A_741] {strides = array<i32>} : memref<3x88x256xf32, #tpu.memory_space<vmem>>, vector<1x1x16xf32>,
          %get3A_743 = vector.shape_cast %get3A_742 : vector<1x1x16xf32> to vector<16xf32>
          %mul3A_744 = arith.constant 2 : i32
          %mul3A_745 = arith.muli %mul3A_744, %scan3A_663 : i32
          %add3A_746 = arith.constant 2 : i32
          %add3A_747 = arith.addi %mul3A_745, %add3A_746 : i32
          %get3A_748 = arith.index_cast %sub3A_581 : i32 to index
          %get3A_749 = arith.index_cast %add3A_747 : i32 to index
          %get3A_750 = arith.constant 32 : index
          %get3A_751 = tpu.vector_load %arg5[%get3A_748, %get3A_749, %get3A_750] {strides = array<i32>} : memref<3x88x256xf32, #tpu.memory_space<vmem>>, vector<1x1x16xf32>,
          %get3A_752 = vector.shape_cast %get3A_751 : vector<1x1x16xf32> to vector<16xf32>
          %mul3A_753 = arith.constant 2 : i32
          %mul3A_754 = arith.muli %mul3A_753, %scan3A_663 : i32
          %add3A_755 = arith.constant 2 : i32
          %add3A_756 = arith.addi %mul3A_754, %add3A_755 : i32
          %get3A_757 = arith.index_cast %sub3A_581 : i32 to index
          %get3A_758 = arith.index_cast %add3A_756 : i32 to index
          %get3A_759 = arith.constant 48 : index
          %get3A_760 = tpu.vector_load %arg5[%get3A_757, %get3A_758, %get3A_759] {strides = array<i32>} : memref<3x88x256xf32, #tpu.memory_space<vmem>>, vector<1x1x16xf32>,
          %get3A_761 = vector.shape_cast %get3A_760 : vector<1x1x16xf32> to vector<16xf32>
          %add3A_762 = arith.addf %get3A_698, %get3A_734 : vector<16xf32>
          %add3A_763 = arith.addf %get3A_674, %add3A_762 : vector<16xf32>
          %swap3A = arith.index_cast %sub3A_581 : i32 to index
          %swap3A_764 = arith.index_cast %scan3A_663 : i32 to index
          %swap3A_765 = arith.constant 0 : index
          %swap3A_766 = tpu.vector_load %arg6[%swap3A, %swap3A_764, %swap3A_765] {strides = array<i32>} : memref<3x40x256xf32, #tpu.memory_space<vmem>>, vector<1x1x16xf32>,
          %swap3A_767 = vector.shape_cast %swap3A_766 : vector<1x1x16xf32> to vector<16xf32>
          %swap3A_768 = vector.shape_cast %add3A_763 : vector<16xf32> to vector<1x1x16xf32>
          tpu.vector_store %arg6[%swap3A, %swap3A_764, %swap3A_765], %swap3A_768 {strides = array<i32>} : memref<3x40x256xf32, #tpu.memory_space<vmem>>, vector<1x1x16xf32>,
          %add3A_769 = arith.addf %get3A_707, %get3A_743 : vector<16xf32>
          %add3A_770 = arith.addf %get3A_679, %add3A_769 : vector<16xf32>
          %swap3A_771 = arith.index_cast %sub3A_581 : i32 to index
          %swap3A_772 = arith.index_cast %scan3A_663 : i32 to index
          %swap3A_773 = arith.constant 16 : index
          %swap3A_774 = tpu.vector_load %arg6[%swap3A_771, %swap3A_772, %swap3A_773] {strides = array<i32>} : memref<3x40x256xf32, #tpu.memory_space<vmem>>, vector<1x1x16xf32>,
          %swap3A_775 = vector.shape_cast %swap3A_774 : vector<1x1x16xf32> to vector<16xf32>
          %swap3A_776 = vector.shape_cast %add3A_770 : vector<16xf32> to vector<1x1x16xf32>
          tpu.vector_store %arg6[%swap3A_771, %swap3A_772, %swap3A_773], %swap3A_776 {strides = array<i32>} : memref<3x40x256xf32, #tpu.memory_space<vmem>>, vector<1x1x16xf32>,
          %add3A_777 = arith.addf %get3A_716, %get3A_752 : vector<16xf32>
          %add3A_778 = arith.addf %get3A_684, %add3A_777 : vector<16xf32>
          %swap3A_779 = arith.index_cast %sub3A_581 : i32 to index
          %swap3A_780 = arith.index_cast %scan3A_663 : i32 to index
          %swap3A_781 = arith.constant 32 : index
          %swap3A_782 = tpu.vector_load %arg6[%swap3A_779, %swap3A_780, %swap3A_781] {strides = array<i32>} : memref<3x40x256xf32, #tpu.memory_space<vmem>>, vector<1x1x16xf32>,
          %swap3A_783 = vector.shape_cast %swap3A_782 : vector<1x1x16xf32> to vector<16xf32>
          %swap3A_784 = vector.shape_cast %add3A_778 : vector<16xf32> to vector<1x1x16xf32>
          tpu.vector_store %arg6[%swap3A_779, %swap3A_780, %swap3A_781], %swap3A_784 {strides = array<i32>} : memref<3x40x256xf32, #tpu.memory_space<vmem>>, vector<1x1x16xf32>,
          %add3A_785 = arith.addf %get3A_725, %get3A_761 : vector<16xf32>
          %add3A_786 = arith.addf %get3A_689, %add3A_785 : vector<16xf32>
          %swap3A_787 = arith.index_cast %sub3A_581 : i32 to index
          %swap3A_788 = arith.index_cast %scan3A_663 : i32 to index
          %swap3A_789 = arith.constant 48 : index
          %swap3A_790 = tpu.vector_load %arg6[%swap3A_787, %swap3A_788, %swap3A_789] {strides = array<i32>} : memref<3x40x256xf32, #tpu.memory_space<vmem>>, vector<1x1x16xf32>,
          %swap3A_791 = vector.shape_cast %swap3A_790 : vector<1x1x16xf32> to vector<16xf32>
          %swap3A_792 = vector.shape_cast %add3A_786 : vector<16xf32> to vector<1x1x16xf32>
          tpu.vector_store %arg6[%swap3A_787, %swap3A_788, %swap3A_789], %swap3A_792 {strides = array<i32>} : memref<3x40x256xf32, #tpu.memory_space<vmem>>, vector<1x1x16xf32>,
          %get3A_793 = arith.index_cast %sub3A_581 : i32 to index
          %get3A_794 = arith.index_cast %sub3A_670 : i32 to index
          %get3A_795 = arith.constant 64 : index
          %get3A_796 = tpu.vector_load %arg4[%get3A_793, %get3A_794, %get3A_795] {strides = array<i32>} : memref<3x32x256xf32, #tpu.memory_space<vmem>>, vector<1x1x16xf32>,
          %get3A_797 = vector.shape_cast %get3A_796 : vector<1x1x16xf32> to vector<16xf32>
          %get3A_798 = arith.index_cast %sub3A_581 : i32 to index
          %get3A_799 = arith.index_cast %sub3A_670 : i32 to index
          %get3A_800 = arith.constant 80 : index
          %get3A_801 = tpu.vector_load %arg4[%get3A_798, %get3A_799, %get3A_800] {strides = array<i32>} : memref<3x32x256xf32, #tpu.memory_space<vmem>>, vector<1x1x16xf32>,
          %get3A_802 = vector.shape_cast %get3A_801 : vector<1x1x16xf32> to vector<16xf32>
          %get3A_803 = arith.index_cast %sub3A_581 : i32 to index
          %get3A_804 = arith.index_cast %sub3A_670 : i32 to index
          %get3A_805 = arith.constant 96 : index
          %get3A_806 = tpu.vector_load %arg4[%get3A_803, %get3A_804, %get3A_805] {strides = array<i32>} : memref<3x32x256xf32, #tpu.memory_space<vmem>>, vector<1x1x16xf32>,
          %get3A_807 = vector.shape_cast %get3A_806 : vector<1x1x16xf32> to vector<16xf32>
          %get3A_808 = arith.index_cast %sub3A_581 : i32 to index
          %get3A_809 = arith.index_cast %sub3A_670 : i32 to index
          %get3A_810 = arith.constant 112 : index
          %get3A_811 = tpu.vector_load %arg4[%get3A_808, %get3A_809, %get3A_810] {strides = array<i32>} : memref<3x32x256xf32, #tpu.memory_space<vmem>>, vector<1x1x16xf32>,
          %get3A_812 = vector.shape_cast %get3A_811 : vector<1x1x16xf32> to vector<16xf32>
          %mul3A_813 = arith.constant 2 : i32
          %mul3A_814 = arith.muli %mul3A_813, %scan3A_663 : i32
          %add3A_815 = arith.constant 1 : i32
          %add3A_816 = arith.addi %mul3A_814, %add3A_815 : i32
          %get3A_817 = arith.index_cast %sub3A_581 : i32 to index
          %get3A_818 = arith.index_cast %add3A_816 : i32 to index
          %get3A_819 = arith.constant 64 : index
          %get3A_820 = tpu.vector_load %arg5[%get3A_817, %get3A_818, %get3A_819] {strides = array<i32>} : memref<3x88x256xf32, #tpu.memory_space<vmem>>, vector<1x1x16xf32>,
          %get3A_821 = vector.shape_cast %get3A_820 : vector<1x1x16xf32> to vector<16xf32>
          %mul3A_822 = arith.constant 2 : i32
          %mul3A_823 = arith.muli %mul3A_822, %scan3A_663 : i32
          %add3A_824 = arith.constant 1 : i32
          %add3A_825 = arith.addi %mul3A_823, %add3A_824 : i32
          %get3A_826 = arith.index_cast %sub3A_581 : i32 to index
          %get3A_827 = arith.index_cast %add3A_825 : i32 to index
          %get3A_828 = arith.constant 80 : index
          %get3A_829 = tpu.vector_load %arg5[%get3A_826, %get3A_827, %get3A_828] {strides = array<i32>} : memref<3x88x256xf32, #tpu.memory_space<vmem>>, vector<1x1x16xf32>,
          %get3A_830 = vector.shape_cast %get3A_829 : vector<1x1x16xf32> to vector<16xf32>
          %mul3A_831 = arith.constant 2 : i32
          %mul3A_832 = arith.muli %mul3A_831, %scan3A_663 : i32
          %add3A_833 = arith.constant 1 : i32
          %add3A_834 = arith.addi %mul3A_832, %add3A_833 : i32
          %get3A_835 = arith.index_cast %sub3A_581 : i32 to index
          %get3A_836 = arith.index_cast %add3A_834 : i32 to index
          %get3A_837 = arith.constant 96 : index
          %get3A_838 = tpu.vector_load %arg5[%get3A_835, %get3A_836, %get3A_837] {strides = array<i32>} : memref<3x88x256xf32, #tpu.memory_space<vmem>>, vector<1x1x16xf32>,
          %get3A_839 = vector.shape_cast %get3A_838 : vector<1x1x16xf32> to vector<16xf32>
          %mul3A_840 = arith.constant 2 : i32
          %mul3A_841 = arith.muli %mul3A_840, %scan3A_663 : i32
          %add3A_842 = arith.constant 1 : i32
          %add3A_843 = arith.addi %mul3A_841, %add3A_842 : i32
          %get3A_844 = arith.index_cast %sub3A_581 : i32 to index
          %get3A_845 = arith.index_cast %add3A_843 : i32 to index
          %get3A_846 = arith.constant 112 : index
          %get3A_847 = tpu.vector_load %arg5[%get3A_844, %get3A_845, %get3A_846] {strides = array<i32>} : memref<3x88x256xf32, #tpu.memory_space<vmem>>, vector<1x1x16xf32>,
          %get3A_848 = vector.shape_cast %get3A_847 : vector<1x1x16xf32> to vector<16xf32>
          %mul3A_849 = arith.constant 2 : i32
          %mul3A_850 = arith.muli %mul3A_849, %scan3A_663 : i32
          %add3A_851 = arith.constant 2 : i32
          %add3A_852 = arith.addi %mul3A_850, %add3A_851 : i32
          %get3A_853 = arith.index_cast %sub3A_581 : i32 to index
          %get3A_854 = arith.index_cast %add3A_852 : i32 to index
          %get3A_855 = arith.constant 64 : index
          %get3A_856 = tpu.vector_load %arg5[%get3A_853, %get3A_854, %get3A_855] {strides = array<i32>} : memref<3x88x256xf32, #tpu.memory_space<vmem>>, vector<1x1x16xf32>,
          %get3A_857 = vector.shape_cast %get3A_856 : vector<1x1x16xf32> to vector<16xf32>
          %mul3A_858 = arith.constant 2 : i32
          %mul3A_859 = arith.muli %mul3A_858, %scan3A_663 : i32
          %add3A_860 = arith.constant 2 : i32
          %add3A_861 = arith.addi %mul3A_859, %add3A_860 : i32
          %get3A_862 = arith.index_cast %sub3A_581 : i32 to index
          %get3A_863 = arith.index_cast %add3A_861 : i32 to index
          %get3A_864 = arith.constant 80 : index
          %get3A_865 = tpu.vector_load %arg5[%get3A_862, %get3A_863, %get3A_864] {strides = array<i32>} : memref<3x88x256xf32, #tpu.memory_space<vmem>>, vector<1x1x16xf32>,
          %get3A_866 = vector.shape_cast %get3A_865 : vector<1x1x16xf32> to vector<16xf32>
          %mul3A_867 = arith.constant 2 : i32
          %mul3A_868 = arith.muli %mul3A_867, %scan3A_663 : i32
          %add3A_869 = arith.constant 2 : i32
          %add3A_870 = arith.addi %mul3A_868, %add3A_869 : i32
          %get3A_871 = arith.index_cast %sub3A_581 : i32 to index
          %get3A_872 = arith.index_cast %add3A_870 : i32 to index
          %get3A_873 = arith.constant 96 : index
          %get3A_874 = tpu.vector_load %arg5[%get3A_871, %get3A_872, %get3A_873] {strides = array<i32>} : memref<3x88x256xf32, #tpu.memory_space<vmem>>, vector<1x1x16xf32>,
          %get3A_875 = vector.shape_cast %get3A_874 : vector<1x1x16xf32> to vector<16xf32>
          %mul3A_876 = arith.constant 2 : i32
          %mul3A_877 = arith.muli %mul3A_876, %scan3A_663 : i32
          %add3A_878 = arith.constant 2 : i32
          %add3A_879 = arith.addi %mul3A_877, %add3A_878 : i32
          %get3A_880 = arith.index_cast %sub3A_581 : i32 to index
          %get3A_881 = arith.index_cast %add3A_879 : i32 to index
          %get3A_882 = arith.constant 112 : index
          %get3A_883 = tpu.vector_load %arg5[%get3A_880, %get3A_881, %get3A_882] {strides = array<i32>} : memref<3x88x256xf32, #tpu.memory_space<vmem>>, vector<1x1x16xf32>,
          %get3A_884 = vector.shape_cast %get3A_883 : vector<1x1x16xf32> to vector<16xf32>
          %add3A_885 = arith.addf %get3A_821, %get3A_857 : vector<16xf32>
          %add3A_886 = arith.addf %get3A_797, %add3A_885 : vector<16xf32>
          %swap3A_887 = arith.index_cast %sub3A_581 : i32 to index
          %swap3A_888 = arith.index_cast %scan3A_663 : i32 to index
          %swap3A_889 = arith.constant 64 : index
          %swap3A_890 = tpu.vector_load %arg6[%swap3A_887, %swap3A_888, %swap3A_889] {strides = array<i32>} : memref<3x40x256xf32, #tpu.memory_space<vmem>>, vector<1x1x16xf32>,
          %swap3A_891 = vector.shape_cast %swap3A_890 : vector<1x1x16xf32> to vector<16xf32>
          %swap3A_892 = vector.shape_cast %add3A_886 : vector<16xf32> to vector<1x1x16xf32>
          tpu.vector_store %arg6[%swap3A_887, %swap3A_888, %swap3A_889], %swap3A_892 {strides = array<i32>} : memref<3x40x256xf32, #tpu.memory_space<vmem>>, vector<1x1x16xf32>,
          %add3A_893 = arith.addf %get3A_830, %get3A_866 : vector<16xf32>
          %add3A_894 = arith.addf %get3A_802, %add3A_893 : vector<16xf32>
          %swap3A_895 = arith.index_cast %sub3A_581 : i32 to index
          %swap3A_896 = arith.index_cast %scan3A_663 : i32 to index
          %swap3A_897 = arith.constant 80 : index
          %swap3A_898 = tpu.vector_load %arg6[%swap3A_895, %swap3A_896, %swap3A_897] {strides = array<i32>} : memref<3x40x256xf32, #tpu.memory_space<vmem>>, vector<1x1x16xf32>,
          %swap3A_899 = vector.shape_cast %swap3A_898 : vector<1x1x16xf32> to vector<16xf32>
          %swap3A_900 = vector.shape_cast %add3A_894 : vector<16xf32> to vector<1x1x16xf32>
          tpu.vector_store %arg6[%swap3A_895, %swap3A_896, %swap3A_897], %swap3A_900 {strides = array<i32>} : memref<3x40x256xf32, #tpu.memory_space<vmem>>, vector<1x1x16xf32>,
          %add3A_901 = arith.addf %get3A_839, %get3A_875 : vector<16xf32>
          %add3A_902 = arith.addf %get3A_807, %add3A_901 : vector<16xf32>
          %swap3A_903 = arith.index_cast %sub3A_581 : i32 to index
          %swap3A_904 = arith.index_cast %scan3A_663 : i32 to index
          %swap3A_905 = arith.constant 96 : index
          %swap3A_906 = tpu.vector_load %arg6[%swap3A_903, %swap3A_904, %swap3A_905] {strides = array<i32>} : memref<3x40x256xf32, #tpu.memory_space<vmem>>, vector<1x1x16xf32>,
          %swap3A_907 = vector.shape_cast %swap3A_906 : vector<1x1x16xf32> to vector<16xf32>
          %swap3A_908 = vector.shape_cast %add3A_902 : vector<16xf32> to vector<1x1x16xf32>
          tpu.vector_store %arg6[%swap3A_903, %swap3A_904, %swap3A_905], %swap3A_908 {strides = array<i32>} : memref<3x40x256xf32, #tpu.memory_space<vmem>>, vector<1x1x16xf32>,
          %add3A_909 = arith.addf %get3A_848, %get3A_884 : vector<16xf32>
          %add3A_910 = arith.addf %get3A_812, %add3A_909 : vector<16xf32>
          %swap3A_911 = arith.index_cast %sub3A_581 : i32 to index
          %swap3A_912 = arith.index_cast %scan3A_663 : i32 to index
          %swap3A_913 = arith.constant 112 : index
          %swap3A_914 = tpu.vector_load %arg6[%swap3A_911, %swap3A_912, %swap3A_913] {strides = array<i32>} : memref<3x40x256xf32, #tpu.memory_space<vmem>>, vector<1x1x16xf32>,
          %swap3A_915 = vector.shape_cast %swap3A_914 : vector<1x1x16xf32> to vector<16xf32>
          %swap3A_916 = vector.shape_cast %add3A_910 : vector<16xf32> to vector<1x1x16xf32>
          tpu.vector_store %arg6[%swap3A_911, %swap3A_912, %swap3A_913], %swap3A_916 {strides = array<i32>} : memref<3x40x256xf32, #tpu.memory_space<vmem>>, vector<1x1x16xf32>,
          %get3A_917 = arith.index_cast %sub3A_581 : i32 to index
          %get3A_918 = arith.index_cast %sub3A_670 : i32 to index
          %get3A_919 = arith.constant 128 : index
          %get3A_920 = tpu.vector_load %arg4[%get3A_917, %get3A_918, %get3A_919] {strides = array<i32>} : memref<3x32x256xf32, #tpu.memory_space<vmem>>, vector<1x1x16xf32>,
          %get3A_921 = vector.shape_cast %get3A_920 : vector<1x1x16xf32> to vector<16xf32>
          %get3A_922 = arith.index_cast %sub3A_581 : i32 to index
          %get3A_923 = arith.index_cast %sub3A_670 : i32 to index
          %get3A_924 = arith.constant 144 : index
          %get3A_925 = tpu.vector_load %arg4[%get3A_922, %get3A_923, %get3A_924] {strides = array<i32>} : memref<3x32x256xf32, #tpu.memory_space<vmem>>, vector<1x1x16xf32>,
          %get3A_926 = vector.shape_cast %get3A_925 : vector<1x1x16xf32> to vector<16xf32>
          %get3A_927 = arith.index_cast %sub3A_581 : i32 to index
          %get3A_928 = arith.index_cast %sub3A_670 : i32 to index
          %get3A_929 = arith.constant 160 : index
          %get3A_930 = tpu.vector_load %arg4[%get3A_927, %get3A_928, %get3A_929] {strides = array<i32>} : memref<3x32x256xf32, #tpu.memory_space<vmem>>, vector<1x1x16xf32>,
          %get3A_931 = vector.shape_cast %get3A_930 : vector<1x1x16xf32> to vector<16xf32>
          %get3A_932 = arith.index_cast %sub3A_581 : i32 to index
          %get3A_933 = arith.index_cast %sub3A_670 : i32 to index
          %get3A_934 = arith.constant 176 : index
          %get3A_935 = tpu.vector_load %arg4[%get3A_932, %get3A_933, %get3A_934] {strides = array<i32>} : memref<3x32x256xf32, #tpu.memory_space<vmem>>, vector<1x1x16xf32>,
          %get3A_936 = vector.shape_cast %get3A_935 : vector<1x1x16xf32> to vector<16xf32>
          %mul3A_937 = arith.constant 2 : i32
          %mul3A_938 = arith.muli %mul3A_937, %scan3A_663 : i32
          %add3A_939 = arith.constant 1 : i32
          %add3A_940 = arith.addi %mul3A_938, %add3A_939 : i32
          %get3A_941 = arith.index_cast %sub3A_581 : i32 to index
          %get3A_942 = arith.index_cast %add3A_940 : i32 to index
          %get3A_943 = arith.constant 128 : index
          %get3A_944 = tpu.vector_load %arg5[%get3A_941, %get3A_942, %get3A_943] {strides = array<i32>} : memref<3x88x256xf32, #tpu.memory_space<vmem>>, vector<1x1x16xf32>,
          %get3A_945 = vector.shape_cast %get3A_944 : vector<1x1x16xf32> to vector<16xf32>
          %mul3A_946 = arith.constant 2 : i32
          %mul3A_947 = arith.muli %mul3A_946, %scan3A_663 : i32
          %add3A_948 = arith.constant 1 : i32
          %add3A_949 = arith.addi %mul3A_947, %add3A_948 : i32
          %get3A_950 = arith.index_cast %sub3A_581 : i32 to index
          %get3A_951 = arith.index_cast %add3A_949 : i32 to index
          %get3A_952 = arith.constant 144 : index
          %get3A_953 = tpu.vector_load %arg5[%get3A_950, %get3A_951, %get3A_952] {strides = array<i32>} : memref<3x88x256xf32, #tpu.memory_space<vmem>>, vector<1x1x16xf32>,
          %get3A_954 = vector.shape_cast %get3A_953 : vector<1x1x16xf32> to vector<16xf32>
          %mul3A_955 = arith.constant 2 : i32
          %mul3A_956 = arith.muli %mul3A_955, %scan3A_663 : i32
          %add3A_957 = arith.constant 1 : i32
          %add3A_958 = arith.addi %mul3A_956, %add3A_957 : i32
          %get3A_959 = arith.index_cast %sub3A_581 : i32 to index
          %get3A_960 = arith.index_cast %add3A_958 : i32 to index
          %get3A_961 = arith.constant 160 : index
          %get3A_962 = tpu.vector_load %arg5[%get3A_959, %get3A_960, %get3A_961] {strides = array<i32>} : memref<3x88x256xf32, #tpu.memory_space<vmem>>, vector<1x1x16xf32>,
          %get3A_963 = vector.shape_cast %get3A_962 : vector<1x1x16xf32> to vector<16xf32>
          %mul3A_964 = arith.constant 2 : i32
          %mul3A_965 = arith.muli %mul3A_964, %scan3A_663 : i32
          %add3A_966 = arith.constant 1 : i32
          %add3A_967 = arith.addi %mul3A_965, %add3A_966 : i32
          %get3A_968 = arith.index_cast %sub3A_581 : i32 to index
          %get3A_969 = arith.index_cast %add3A_967 : i32 to index
          %get3A_970 = arith.constant 176 : index
          %get3A_971 = tpu.vector_load %arg5[%get3A_968, %get3A_969, %get3A_970] {strides = array<i32>} : memref<3x88x256xf32, #tpu.memory_space<vmem>>, vector<1x1x16xf32>,
          %get3A_972 = vector.shape_cast %get3A_971 : vector<1x1x16xf32> to vector<16xf32>
          %mul3A_973 = arith.constant 2 : i32
          %mul3A_974 = arith.muli %mul3A_973, %scan3A_663 : i32
          %add3A_975 = arith.constant 2 : i32
          %add3A_976 = arith.addi %mul3A_974, %add3A_975 : i32
          %get3A_977 = arith.index_cast %sub3A_581 : i32 to index
          %get3A_978 = arith.index_cast %add3A_976 : i32 to index
          %get3A_979 = arith.constant 128 : index
          %get3A_980 = tpu.vector_load %arg5[%get3A_977, %get3A_978, %get3A_979] {strides = array<i32>} : memref<3x88x256xf32, #tpu.memory_space<vmem>>, vector<1x1x16xf32>,
          %get3A_981 = vector.shape_cast %get3A_980 : vector<1x1x16xf32> to vector<16xf32>
          %mul3A_982 = arith.constant 2 : i32
          %mul3A_983 = arith.muli %mul3A_982, %scan3A_663 : i32
          %add3A_984 = arith.constant 2 : i32
          %add3A_985 = arith.addi %mul3A_983, %add3A_984 : i32
          %get3A_986 = arith.index_cast %sub3A_581 : i32 to index
          %get3A_987 = arith.index_cast %add3A_985 : i32 to index
          %get3A_988 = arith.constant 144 : index
          %get3A_989 = tpu.vector_load %arg5[%get3A_986, %get3A_987, %get3A_988] {strides = array<i32>} : memref<3x88x256xf32, #tpu.memory_space<vmem>>, vector<1x1x16xf32>,
          %get3A_990 = vector.shape_cast %get3A_989 : vector<1x1x16xf32> to vector<16xf32>
          %mul3A_991 = arith.constant 2 : i32
          %mul3A_992 = arith.muli %mul3A_991, %scan3A_663 : i32
          %add3A_993 = arith.constant 2 : i32
          %add3A_994 = arith.addi %mul3A_992, %add3A_993 : i32
          %get3A_995 = arith.index_cast %sub3A_581 : i32 to index
          %get3A_996 = arith.index_cast %add3A_994 : i32 to index
          %get3A_997 = arith.constant 160 : index
          %get3A_998 = tpu.vector_load %arg5[%get3A_995, %get3A_996, %get3A_997] {strides = array<i32>} : memref<3x88x256xf32, #tpu.memory_space<vmem>>, vector<1x1x16xf32>,
          %get3A_999 = vector.shape_cast %get3A_998 : vector<1x1x16xf32> to vector<16xf32>
          %mul3A_1000 = arith.constant 2 : i32
          %mul3A_1001 = arith.muli %mul3A_1000, %scan3A_663 : i32
          %add3A_1002 = arith.constant 2 : i32
          %add3A_1003 = arith.addi %mul3A_1001, %add3A_1002 : i32
          %get3A_1004 = arith.index_cast %sub3A_581 : i32 to index
          %get3A_1005 = arith.index_cast %add3A_1003 : i32 to index
          %get3A_1006 = arith.constant 176 : index
          %get3A_1007 = tpu.vector_load %arg5[%get3A_1004, %get3A_1005, %get3A_1006] {strides = array<i32>} : memref<3x88x256xf32, #tpu.memory_space<vmem>>, vector<1x1x16xf32>,
          %get3A_1008 = vector.shape_cast %get3A_1007 : vector<1x1x16xf32> to vector<16xf32>
          %add3A_1009 = arith.addf %get3A_945, %get3A_981 : vector<16xf32>
          %add3A_1010 = arith.addf %get3A_921, %add3A_1009 : vector<16xf32>
          %swap3A_1011 = arith.index_cast %sub3A_581 : i32 to index
          %swap3A_1012 = arith.index_cast %scan3A_663 : i32 to index
          %swap3A_1013 = arith.constant 128 : index
          %swap3A_1014 = tpu.vector_load %arg6[%swap3A_1011, %swap3A_1012, %swap3A_1013] {strides = array<i32>} : memref<3x40x256xf32, #tpu.memory_space<vmem>>, vector<1x1x16xf32>,
          %swap3A_1015 = vector.shape_cast %swap3A_1014 : vector<1x1x16xf32> to vector<16xf32>
          %swap3A_1016 = vector.shape_cast %add3A_1010 : vector<16xf32> to vector<1x1x16xf32>
          tpu.vector_store %arg6[%swap3A_1011, %swap3A_1012, %swap3A_1013], %swap3A_1016 {strides = array<i32>} : memref<3x40x256xf32, #tpu.memory_space<vmem>>, vector<1x1x16xf32>,
          %add3A_1017 = arith.addf %get3A_954, %get3A_990 : vector<16xf32>
          %add3A_1018 = arith.addf %get3A_926, %add3A_1017 : vector<16xf32>
          %swap3A_1019 = arith.index_cast %sub3A_581 : i32 to index
          %swap3A_1020 = arith.index_cast %scan3A_663 : i32 to index
          %swap3A_1021 = arith.constant 144 : index
          %swap3A_1022 = tpu.vector_load %arg6[%swap3A_1019, %swap3A_1020, %swap3A_1021] {strides = array<i32>} : memref<3x40x256xf32, #tpu.memory_space<vmem>>, vector<1x1x16xf32>,
          %swap3A_1023 = vector.shape_cast %swap3A_1022 : vector<1x1x16xf32> to vector<16xf32>
          %swap3A_1024 = vector.shape_cast %add3A_1018 : vector<16xf32> to vector<1x1x16xf32>
          tpu.vector_store %arg6[%swap3A_1019, %swap3A_1020, %swap3A_1021], %swap3A_1024 {strides = array<i32>} : memref<3x40x256xf32, #tpu.memory_space<vmem>>, vector<1x1x16xf32>,
          %add3A_1025 = arith.addf %get3A_963, %get3A_999 : vector<16xf32>
          %add3A_1026 = arith.addf %get3A_931, %add3A_1025 : vector<16xf32>
          %swap3A_1027 = arith.index_cast %sub3A_581 : i32 to index
          %swap3A_1028 = arith.index_cast %scan3A_663 : i32 to index
          %swap3A_1029 = arith.constant 160 : index
          %swap3A_1030 = tpu.vector_load %arg6[%swap3A_1027, %swap3A_1028, %swap3A_1029] {strides = array<i32>} : memref<3x40x256xf32, #tpu.memory_space<vmem>>, vector<1x1x16xf32>,
          %swap3A_1031 = vector.shape_cast %swap3A_1030 : vector<1x1x16xf32> to vector<16xf32>
          %swap3A_1032 = vector.shape_cast %add3A_1026 : vector<16xf32> to vector<1x1x16xf32>
          tpu.vector_store %arg6[%swap3A_1027, %swap3A_1028, %swap3A_1029], %swap3A_1032 {strides = array<i32>} : memref<3x40x256xf32, #tpu.memory_space<vmem>>, vector<1x1x16xf32>,
          %add3A_1033 = arith.addf %get3A_972, %get3A_1008 : vector<16xf32>
          %add3A_1034 = arith.addf %get3A_936, %add3A_1033 : vector<16xf32>
          %swap3A_1035 = arith.index_cast %sub3A_581 : i32 to index
          %swap3A_1036 = arith.index_cast %scan3A_663 : i32 to index
          %swap3A_1037 = arith.constant 176 : index
          %swap3A_1038 = tpu.vector_load %arg6[%swap3A_1035, %swap3A_1036, %swap3A_1037] {strides = array<i32>} : memref<3x40x256xf32, #tpu.memory_space<vmem>>, vector<1x1x16xf32>,
          %swap3A_1039 = vector.shape_cast %swap3A_1038 : vector<1x1x16xf32> to vector<16xf32>
          %swap3A_1040 = vector.shape_cast %add3A_1034 : vector<16xf32> to vector<1x1x16xf32>
          tpu.vector_store %arg6[%swap3A_1035, %swap3A_1036, %swap3A_1037], %swap3A_1040 {strides = array<i32>} : memref<3x40x256xf32, #tpu.memory_space<vmem>>, vector<1x1x16xf32>,
          %get3A_1041 = arith.index_cast %sub3A_581 : i32 to index
          %get3A_1042 = arith.index_cast %sub3A_670 : i32 to index
          %get3A_1043 = arith.constant 192 : index
          %get3A_1044 = tpu.vector_load %arg4[%get3A_1041, %get3A_1042, %get3A_1043] {strides = array<i32>} : memref<3x32x256xf32, #tpu.memory_space<vmem>>, vector<1x1x16xf32>,
          %get3A_1045 = vector.shape_cast %get3A_1044 : vector<1x1x16xf32> to vector<16xf32>
          %get3A_1046 = arith.index_cast %sub3A_581 : i32 to index
          %get3A_1047 = arith.index_cast %sub3A_670 : i32 to index
          %get3A_1048 = arith.constant 208 : index
          %get3A_1049 = tpu.vector_load %arg4[%get3A_1046, %get3A_1047, %get3A_1048] {strides = array<i32>} : memref<3x32x256xf32, #tpu.memory_space<vmem>>, vector<1x1x16xf32>,
          %get3A_1050 = vector.shape_cast %get3A_1049 : vector<1x1x16xf32> to vector<16xf32>
          %get3A_1051 = arith.index_cast %sub3A_581 : i32 to index
          %get3A_1052 = arith.index_cast %sub3A_670 : i32 to index
          %get3A_1053 = arith.constant 224 : index
          %get3A_1054 = tpu.vector_load %arg4[%get3A_1051, %get3A_1052, %get3A_1053] {strides = array<i32>} : memref<3x32x256xf32, #tpu.memory_space<vmem>>, vector<1x1x16xf32>,
          %get3A_1055 = vector.shape_cast %get3A_1054 : vector<1x1x16xf32> to vector<16xf32>
          %get3A_1056 = arith.index_cast %sub3A_581 : i32 to index
          %get3A_1057 = arith.index_cast %sub3A_670 : i32 to index
          %get3A_1058 = arith.constant 240 : index
          %get3A_1059 = tpu.vector_load %arg4[%get3A_1056, %get3A_1057, %get3A_1058] {strides = array<i32>} : memref<3x32x256xf32, #tpu.memory_space<vmem>>, vector<1x1x16xf32>,
          %get3A_1060 = vector.shape_cast %get3A_1059 : vector<1x1x16xf32> to vector<16xf32>
          %mul3A_1061 = arith.constant 2 : i32
          %mul3A_1062 = arith.muli %mul3A_1061, %scan3A_663 : i32
          %add3A_1063 = arith.constant 1 : i32
          %add3A_1064 = arith.addi %mul3A_1062, %add3A_1063 : i32
          %get3A_1065 = arith.index_cast %sub3A_581 : i32 to index
          %get3A_1066 = arith.index_cast %add3A_1064 : i32 to index
          %get3A_1067 = arith.constant 192 : index
          %get3A_1068 = tpu.vector_load %arg5[%get3A_1065, %get3A_1066, %get3A_1067] {strides = array<i32>} : memref<3x88x256xf32, #tpu.memory_space<vmem>>, vector<1x1x16xf32>,
          %get3A_1069 = vector.shape_cast %get3A_1068 : vector<1x1x16xf32> to vector<16xf32>
          %mul3A_1070 = arith.constant 2 : i32
          %mul3A_1071 = arith.muli %mul3A_1070, %scan3A_663 : i32
          %add3A_1072 = arith.constant 1 : i32
          %add3A_1073 = arith.addi %mul3A_1071, %add3A_1072 : i32
          %get3A_1074 = arith.index_cast %sub3A_581 : i32 to index
          %get3A_1075 = arith.index_cast %add3A_1073 : i32 to index
          %get3A_1076 = arith.constant 208 : index
          %get3A_1077 = tpu.vector_load %arg5[%get3A_1074, %get3A_1075, %get3A_1076] {strides = array<i32>} : memref<3x88x256xf32, #tpu.memory_space<vmem>>, vector<1x1x16xf32>,
          %get3A_1078 = vector.shape_cast %get3A_1077 : vector<1x1x16xf32> to vector<16xf32>
          %mul3A_1079 = arith.constant 2 : i32
          %mul3A_1080 = arith.muli %mul3A_1079, %scan3A_663 : i32
          %add3A_1081 = arith.constant 1 : i32
          %add3A_1082 = arith.addi %mul3A_1080, %add3A_1081 : i32
          %get3A_1083 = arith.index_cast %sub3A_581 : i32 to index
          %get3A_1084 = arith.index_cast %add3A_1082 : i32 to index
          %get3A_1085 = arith.constant 224 : index
          %get3A_1086 = tpu.vector_load %arg5[%get3A_1083, %get3A_1084, %get3A_1085] {strides = array<i32>} : memref<3x88x256xf32, #tpu.memory_space<vmem>>, vector<1x1x16xf32>,
          %get3A_1087 = vector.shape_cast %get3A_1086 : vector<1x1x16xf32> to vector<16xf32>
          %mul3A_1088 = arith.constant 2 : i32
          %mul3A_1089 = arith.muli %mul3A_1088, %scan3A_663 : i32
          %add3A_1090 = arith.constant 1 : i32
          %add3A_1091 = arith.addi %mul3A_1089, %add3A_1090 : i32
          %get3A_1092 = arith.index_cast %sub3A_581 : i32 to index
          %get3A_1093 = arith.index_cast %add3A_1091 : i32 to index
          %get3A_1094 = arith.constant 240 : index
          %get3A_1095 = tpu.vector_load %arg5[%get3A_1092, %get3A_1093, %get3A_1094] {strides = array<i32>} : memref<3x88x256xf32, #tpu.memory_space<vmem>>, vector<1x1x16xf32>,
          %get3A_1096 = vector.shape_cast %get3A_1095 : vector<1x1x16xf32> to vector<16xf32>
          %mul3A_1097 = arith.constant 2 : i32
          %mul3A_1098 = arith.muli %mul3A_1097, %scan3A_663 : i32
          %add3A_1099 = arith.constant 2 : i32
          %add3A_1100 = arith.addi %mul3A_1098, %add3A_1099 : i32
          %get3A_1101 = arith.index_cast %sub3A_581 : i32 to index
          %get3A_1102 = arith.index_cast %add3A_1100 : i32 to index
          %get3A_1103 = arith.constant 192 : index
          %get3A_1104 = tpu.vector_load %arg5[%get3A_1101, %get3A_1102, %get3A_1103] {strides = array<i32>} : memref<3x88x256xf32, #tpu.memory_space<vmem>>, vector<1x1x16xf32>,
          %get3A_1105 = vector.shape_cast %get3A_1104 : vector<1x1x16xf32> to vector<16xf32>
          %mul3A_1106 = arith.constant 2 : i32
          %mul3A_1107 = arith.muli %mul3A_1106, %scan3A_663 : i32
          %add3A_1108 = arith.constant 2 : i32
          %add3A_1109 = arith.addi %mul3A_1107, %add3A_1108 : i32
          %get3A_1110 = arith.index_cast %sub3A_581 : i32 to index
          %get3A_1111 = arith.index_cast %add3A_1109 : i32 to index
          %get3A_1112 = arith.constant 208 : index
          %get3A_1113 = tpu.vector_load %arg5[%get3A_1110, %get3A_1111, %get3A_1112] {strides = array<i32>} : memref<3x88x256xf32, #tpu.memory_space<vmem>>, vector<1x1x16xf32>,
          %get3A_1114 = vector.shape_cast %get3A_1113 : vector<1x1x16xf32> to vector<16xf32>
          %mul3A_1115 = arith.constant 2 : i32
          %mul3A_1116 = arith.muli %mul3A_1115, %scan3A_663 : i32
          %add3A_1117 = arith.constant 2 : i32
          %add3A_1118 = arith.addi %mul3A_1116, %add3A_1117 : i32
          %get3A_1119 = arith.index_cast %sub3A_581 : i32 to index
          %get3A_1120 = arith.index_cast %add3A_1118 : i32 to index
          %get3A_1121 = arith.constant 224 : index
          %get3A_1122 = tpu.vector_load %arg5[%get3A_1119, %get3A_1120, %get3A_1121] {strides = array<i32>} : memref<3x88x256xf32, #tpu.memory_space<vmem>>, vector<1x1x16xf32>,
          %get3A_1123 = vector.shape_cast %get3A_1122 : vector<1x1x16xf32> to vector<16xf32>
          %mul3A_1124 = arith.constant 2 : i32
          %mul3A_1125 = arith.muli %mul3A_1124, %scan3A_663 : i32
          %add3A_1126 = arith.constant 2 : i32
          %add3A_1127 = arith.addi %mul3A_1125, %add3A_1126 : i32
          %get3A_1128 = arith.index_cast %sub3A_581 : i32 to index
          %get3A_1129 = arith.index_cast %add3A_1127 : i32 to index
          %get3A_1130 = arith.constant 240 : index
          %get3A_1131 = tpu.vector_load %arg5[%get3A_1128, %get3A_1129, %get3A_1130] {strides = array<i32>} : memref<3x88x256xf32, #tpu.memory_space<vmem>>, vector<1x1x16xf32>,
          %get3A_1132 = vector.shape_cast %get3A_1131 : vector<1x1x16xf32> to vector<16xf32>
          %add3A_1133 = arith.addf %get3A_1069, %get3A_1105 : vector<16xf32>
          %add3A_1134 = arith.addf %get3A_1045, %add3A_1133 : vector<16xf32>
          %swap3A_1135 = arith.index_cast %sub3A_581 : i32 to index
          %swap3A_1136 = arith.index_cast %scan3A_663 : i32 to index
          %swap3A_1137 = arith.constant 192 : index
          %swap3A_1138 = tpu.vector_load %arg6[%swap3A_1135, %swap3A_1136, %swap3A_1137] {strides = array<i32>} : memref<3x40x256xf32, #tpu.memory_space<vmem>>, vector<1x1x16xf32>,
          %swap3A_1139 = vector.shape_cast %swap3A_1138 : vector<1x1x16xf32> to vector<16xf32>
          %swap3A_1140 = vector.shape_cast %add3A_1134 : vector<16xf32> to vector<1x1x16xf32>
          tpu.vector_store %arg6[%swap3A_1135, %swap3A_1136, %swap3A_1137], %swap3A_1140 {strides = array<i32>} : memref<3x40x256xf32, #tpu.memory_space<vmem>>, vector<1x1x16xf32>,
          %add3A_1141 = arith.addf %get3A_1078, %get3A_1114 : vector<16xf32>
          %add3A_1142 = arith.addf %get3A_1050, %add3A_1141 : vector<16xf32>
          %swap3A_1143 = arith.index_cast %sub3A_581 : i32 to index
          %swap3A_1144 = arith.index_cast %scan3A_663 : i32 to index
          %swap3A_1145 = arith.constant 208 : index
          %swap3A_1146 = tpu.vector_load %arg6[%swap3A_1143, %swap3A_1144, %swap3A_1145] {strides = array<i32>} : memref<3x40x256xf32, #tpu.memory_space<vmem>>, vector<1x1x16xf32>,
          %swap3A_1147 = vector.shape_cast %swap3A_1146 : vector<1x1x16xf32> to vector<16xf32>
          %swap3A_1148 = vector.shape_cast %add3A_1142 : vector<16xf32> to vector<1x1x16xf32>
          tpu.vector_store %arg6[%swap3A_1143, %swap3A_1144, %swap3A_1145], %swap3A_1148 {strides = array<i32>} : memref<3x40x256xf32, #tpu.memory_space<vmem>>, vector<1x1x16xf32>,
          %add3A_1149 = arith.addf %get3A_1087, %get3A_1123 : vector<16xf32>
          %add3A_1150 = arith.addf %get3A_1055, %add3A_1149 : vector<16xf32>
          %swap3A_1151 = arith.index_cast %sub3A_581 : i32 to index
          %swap3A_1152 = arith.index_cast %scan3A_663 : i32 to index
          %swap3A_1153 = arith.constant 224 : index
          %swap3A_1154 = tpu.vector_load %arg6[%swap3A_1151, %swap3A_1152, %swap3A_1153] {strides = array<i32>} : memref<3x40x256xf32, #tpu.memory_space<vmem>>, vector<1x1x16xf32>,
          %swap3A_1155 = vector.shape_cast %swap3A_1154 : vector<1x1x16xf32> to vector<16xf32>
          %swap3A_1156 = vector.shape_cast %add3A_1150 : vector<16xf32> to vector<1x1x16xf32>
          tpu.vector_store %arg6[%swap3A_1151, %swap3A_1152, %swap3A_1153], %swap3A_1156 {strides = array<i32>} : memref<3x40x256xf32, #tpu.memory_space<vmem>>, vector<1x1x16xf32>,
          %add3A_1157 = arith.addf %get3A_1096, %get3A_1132 : vector<16xf32>
          %add3A_1158 = arith.addf %get3A_1060, %add3A_1157 : vector<16xf32>
          %swap3A_1159 = arith.index_cast %sub3A_581 : i32 to index
          %swap3A_1160 = arith.index_cast %scan3A_663 : i32 to index
          %swap3A_1161 = arith.constant 240 : index
          %swap3A_1162 = tpu.vector_load %arg6[%swap3A_1159, %swap3A_1160, %swap3A_1161] {strides = array<i32>} : memref<3x40x256xf32, #tpu.memory_space<vmem>>, vector<1x1x16xf32>,
          %swap3A_1163 = vector.shape_cast %swap3A_1162 : vector<1x1x16xf32> to vector<16xf32>
          %swap3A_1164 = vector.shape_cast %add3A_1158 : vector<16xf32> to vector<1x1x16xf32>
          tpu.vector_store %arg6[%swap3A_1159, %swap3A_1160, %swap3A_1161], %swap3A_1164 {strides = array<i32>} : memref<3x40x256xf32, #tpu.memory_space<vmem>>, vector<1x1x16xf32>,
          %scan3A_1165 = arith.constant 0 : i32
          scf.yield %scan3A_1165 : i32
        }
        %scan3A_662 = arith.constant 40 : i32
      } else {
      }
      %mul3A_611 = arith.constant 32 : i32
      %mul3A_612 = arith.muli %while3A_470, %mul3A_611 : i32
      %add3A_613 = arith.addi %mul3A_612, %add3A : i32
      %jit3A_614 = arith.constant 3 : i32
      %div3A_615 = arith.divsi %while3A_470, %jit3A_614 : i32
      %sign3A_616 = arith.constant 0 : i32
      %sign3A_617 = arith.cmpi sgt, %while3A_470, %sign3A_616 : i32
      %sign3A_618 = arith.extui %sign3A_617 : i1 to i32
      %sign3A_619 = arith.constant 0 : i32
      %sign3A_620 = arith.cmpi slt, %while3A_470, %sign3A_619 : i32
      %sign3A_621 = arith.extui %sign3A_620 : i1 to i32
      %sign3A_622 = arith.subi %sign3A_618, %sign3A_621 : i32
      %sign3A_623 = arith.constant 0 : i32
      %sign3A_624 = arith.cmpi sgt, %jit3A_614, %sign3A_623 : i32
      %sign3A_625 = arith.extui %sign3A_624 : i1 to i32
      %sign3A_626 = arith.constant 0 : i32
      %sign3A_627 = arith.cmpi slt, %jit3A_614, %sign3A_626 : i32
      %sign3A_628 = arith.extui %sign3A_627 : i1 to i32
      %sign3A_629 = arith.subi %sign3A_625, %sign3A_628 : i32
      %ne3A_630 = arith.cmpi ne, %sign3A_622, %sign3A_629 : i32
      %rem3A_631 = arith.remsi %while3A_470, %jit3A_614 : i32
      %ne3A_632 = arith.constant 0 : i32
      %ne3A_633 = arith.cmpi ne, %rem3A_631, %ne3A_632 : i32
      %and3A_634 = arith.andi %ne3A_630, %ne3A_633 : i1
      %sub3A_635 = arith.constant 1 : i32
      %sub3A_636 = arith.subi %div3A_615, %sub3A_635 : i32
      %select_n3A_637 = arith.select %and3A_634, %sub3A_636, %div3A_615 : i32
      %mul3A_638 = arith.constant 3 : i32
      %mul3A_639 = arith.muli %select_n3A_637, %mul3A_638 : i32
      %sub3A_640 = arith.subi %while3A_470, %mul3A_639 : i32
      %mul3A_641 = arith.constant 40 : i32
      %mul3A_642 = arith.muli %add3A_613, %mul3A_641 : i32
      %multiple_of3A_643 = tpu.assume_multiple %mul3A_642, 8 : i32
      %dma_start3A_644 = arith.constant 0 : i32
      %dma_start3A_645 = arith.constant 0 : i32
      %dma_start3A_646 = tpu.memref_slice %arg6[%sub3A_640, %dma_start3A_644, %dma_start3A_645] : memref<3x40x256xf32, #tpu.memory_space<vmem>> -> memref<1x40x256xf32, #tpu.memory_space<vmem>>
      %dma_start3A_647 = tpu.memref_squeeze %dma_start3A_646 : memref<1x40x256xf32, #tpu.memory_space<vmem>> -> memref<40x256xf32, #tpu.memory_space<vmem>>
      %dma_start3A_648 = arith.constant 0 : i32
      %dma_start3A_649 = tpu.memref_slice %arg3[%multiple_of3A_643, %dma_start3A_648] : memref<100000x256xf32, #tpu.memory_space<hbm>> -> memref<40x256xf32, #tpu.memory_space<hbm>>
      %dma_start3A_650 = arith.constant 0 : i32
      %dma_start3A_651 = tpu.memref_slice %arg3[%multiple_of3A_643, %dma_start3A_650] : memref<100000x256xf32, #tpu.memory_space<hbm>> -> memref<40x256xf32, #tpu.memory_space<hbm>>
      %dma_start3A_652 = arith.constant 0 : i32
      %dma_start3A_653 = arith.constant 0 : i32
      %dma_start3A_654 = tpu.memref_slice %arg6[%sub3A_640, %dma_start3A_652, %dma_start3A_653] : memref<3x40x256xf32, #tpu.memory_space<vmem>> -> memref<1x40x256xf32, #tpu.memory_space<vmem>>
      %dma_start3A_655 = tpu.memref_squeeze %dma_start3A_654 : memref<1x40x256xf32, #tpu.memory_space<vmem>> -> memref<40x256xf32, #tpu.memory_space<vmem>>
      tpu.enqueue_dma source(%dma_start3A_655 : memref<40x256xf32, #tpu.memory_space<vmem>>) target(%dma_start3A_651 : memref<40x256xf32, #tpu.memory_space<hbm>>) target_semaphore(%arg9 : memref<!tpu.dma_semaphore, #tpu.memory_space<semaphore_mem>>)
      %while3A_656 = arith.constant 0 : i32
      scf.yield %while3A_656 : i32
    }
    %while3A_106 = arith.constant 1 : i32
    %while3A_107 = scf.for %while3A_470 = %while3A_103 to %while3A_99 step %while3A_106 iter_args(%while3A_471 = %while3A_105) -> (i32)  : i32 {
      %mul3A_472 = arith.constant 32 : i32
      %mul3A_473 = arith.muli %while3A_470, %mul3A_472 : i32
      %add3A_474 = arith.addi %mul3A_473, %add3A : i32
      %jit3A_475 = arith.constant 3 : i32
      %div3A_476 = arith.divsi %while3A_470, %jit3A_475 : i32
      %sign3A_477 = arith.constant 0 : i32
      %sign3A_478 = arith.cmpi sgt, %while3A_470, %sign3A_477 : i32
      %sign3A_479 = arith.extui %sign3A_478 : i1 to i32
      %sign3A_480 = arith.constant 0 : i32
      %sign3A_481 = arith.cmpi slt, %while3A_470, %sign3A_480 : i32
      %sign3A_482 = arith.extui %sign3A_481 : i1 to i32
      %sign3A_483 = arith.subi %sign3A_479, %sign3A_482 : i32
      %sign3A_484 = arith.constant 0 : i32
      %sign3A_485 = arith.cmpi sgt, %jit3A_475, %sign3A_484 : i32
      %sign3A_486 = arith.extui %sign3A_485 : i1 to i32
      %sign3A_487 = arith.constant 0 : i32
      %sign3A_488 = arith.cmpi slt, %jit3A_475, %sign3A_487 : i32
      %sign3A_489 = arith.extui %sign3A_488 : i1 to i32
      %sign3A_490 = arith.subi %sign3A_486, %sign3A_489 : i32
      %ne3A_491 = arith.cmpi ne, %sign3A_483, %sign3A_490 : i32
      %rem3A_492 = arith.remsi %while3A_470, %jit3A_475 : i32
      %ne3A_493 = arith.constant 0 : i32
      %ne3A_494 = arith.cmpi ne, %rem3A_492, %ne3A_493 : i32
      %and3A_495 = arith.andi %ne3A_491, %ne3A_494 : i1
      %sub3A_496 = arith.constant 1 : i32
      %sub3A_497 = arith.subi %div3A_476, %sub3A_496 : i32
      %select_n3A_498 = arith.select %and3A_495, %sub3A_497, %div3A_476 : i32
      %mul3A_499 = arith.constant 3 : i32
      %mul3A_500 = arith.muli %select_n3A_498, %mul3A_499 : i32
      %sub3A_501 = arith.subi %while3A_470, %mul3A_500 : i32
      %mul3A_502 = arith.constant 40 : i32
      %mul3A_503 = arith.muli %add3A_474, %mul3A_502 : i32
      %shift_right_arithmetic3A_504 = arith.constant 1 : i32
      %shift_right_arithmetic3A_505 = arith.shrsi %mul3A_503, %shift_right_arithmetic3A_504 : i32
      %sub3A_506 = arith.constant 1 : i32
      %sub3A_507 = arith.subi %shift_right_arithmetic3A_505, %sub3A_506 : i32
      %shift_right_arithmetic3A_508 = arith.constant 3 : i32
      %shift_right_arithmetic3A_509 = arith.shrsi %sub3A_507, %shift_right_arithmetic3A_508 : i32
      %shift_left3A_510 = arith.constant 3 : i32
      %shift_left3A_511 = arith.shli %shift_right_arithmetic3A_509, %shift_left3A_510 : i32
      %max3A_512 = arith.constant 0 : i32
      %max3A_513 = arith.maxsi %shift_left3A_511, %max3A_512 : i32
      %multiple_of3A_514 = tpu.assume_multiple %max3A_513, 8 : i32
      %mul3A_515 = arith.constant 2 : i32
      %mul3A_516 = arith.muli %mul3A_515, %mul3A_503 : i32
      %min3A_517 = arith.constant 99912 : i32
      %min3A_518 = arith.minsi %mul3A_516, %min3A_517 : i32
      %multiple_of3A_519 = tpu.assume_multiple %min3A_518, 8 : i32
      %dma_wait3A_520 = arith.constant 0 : i32
      %dma_wait3A_521 = arith.constant 0 : i32
      %dma_wait3A_522 = tpu.memref_slice %arg4[%sub3A_501, %dma_wait3A_520, %dma_wait3A_521] : memref<3x32x256xf32, #tpu.memory_space<vmem>> -> memref<1x32x256xf32, #tpu.memory_space<vmem>>
      %dma_wait3A_523 = tpu.memref_squeeze %dma_wait3A_522 : memref<1x32x256xf32, #tpu.memory_space<vmem>> -> memref<32x256xf32, #tpu.memory_space<vmem>>
      %dma_wait3A_524 = arith.constant 0 : i32
      %dma_wait3A_525 = tpu.memref_slice %arg2[%multiple_of3A_514, %dma_wait3A_524] : memref<100000x256xf32, #tpu.memory_space<hbm>> -> memref<32x256xf32, #tpu.memory_space<hbm>>
      %dma_wait3A_526 = arith.constant 0 : i32
      %dma_wait3A_527 = arith.constant 0 : i32
      %dma_wait3A_528 = tpu.memref_slice %arg4[%sub3A_501, %dma_wait3A_526, %dma_wait3A_527] : memref<3x32x256xf32, #tpu.memory_space<vmem>> -> memref<1x32x256xf32, #tpu.memory_space<vmem>>
      %dma_wait3A_529 = tpu.memref_squeeze %dma_wait3A_528 : memref<1x32x256xf32, #tpu.memory_space<vmem>> -> memref<32x256xf32, #tpu.memory_space<vmem>>
      %dma_wait3A_530 = arith.constant 0 : i32
      %dma_wait3A_531 = tpu.memref_slice %arg2[%multiple_of3A_514, %dma_wait3A_530] : memref<100000x256xf32, #tpu.memory_space<hbm>> -> memref<32x256xf32, #tpu.memory_space<hbm>>
      tpu.wait_dma2 semaphore(%arg7 : memref<!tpu.dma_semaphore, #tpu.memory_space<semaphore_mem>>) src(%dma_wait3A_531 : memref<32x256xf32, #tpu.memory_space<hbm>>) dst(%dma_wait3A_529 : memref<32x256xf32, #tpu.memory_space<vmem>>)
      %dma_wait3A_532 = arith.constant 0 : i32
      %dma_wait3A_533 = arith.constant 0 : i32
      %dma_wait3A_534 = tpu.memref_slice %arg5[%sub3A_501, %dma_wait3A_532, %dma_wait3A_533] : memref<3x88x256xf32, #tpu.memory_space<vmem>> -> memref<1x88x256xf32, #tpu.memory_space<vmem>>
      %dma_wait3A_535 = tpu.memref_squeeze %dma_wait3A_534 : memref<1x88x256xf32, #tpu.memory_space<vmem>> -> memref<88x256xf32, #tpu.memory_space<vmem>>
      %dma_wait3A_536 = arith.constant 0 : i32
      %dma_wait3A_537 = tpu.memref_slice %arg2[%multiple_of3A_519, %dma_wait3A_536] : memref<100000x256xf32, #tpu.memory_space<hbm>> -> memref<88x256xf32, #tpu.memory_space<hbm>>
      %dma_wait3A_538 = arith.constant 0 : i32
      %dma_wait3A_539 = arith.constant 0 : i32
      %dma_wait3A_540 = tpu.memref_slice %arg5[%sub3A_501, %dma_wait3A_538, %dma_wait3A_539] : memref<3x88x256xf32, #tpu.memory_space<vmem>> -> memref<1x88x256xf32, #tpu.memory_space<vmem>>
      %dma_wait3A_541 = tpu.memref_squeeze %dma_wait3A_540 : memref<1x88x256xf32, #tpu.memory_space<vmem>> -> memref<88x256xf32, #tpu.memory_space<vmem>>
      %dma_wait3A_542 = arith.constant 0 : i32
      %dma_wait3A_543 = tpu.memref_slice %arg2[%multiple_of3A_519, %dma_wait3A_542] : memref<100000x256xf32, #tpu.memory_space<hbm>> -> memref<88x256xf32, #tpu.memory_space<hbm>>
      tpu.wait_dma2 semaphore(%arg8 : memref<!tpu.dma_semaphore, #tpu.memory_space<semaphore_mem>>) src(%dma_wait3A_543 : memref<88x256xf32, #tpu.memory_space<hbm>>) dst(%dma_wait3A_541 : memref<88x256xf32, #tpu.memory_space<vmem>>)
      %add3A_544 = arith.constant 2 : i32
      %add3A_545 = arith.addi %while3A_470, %add3A_544 : i32
      %lt3A_546 = arith.cmpi slt, %add3A_545, %add3A_4 : i32
      %convert_element_type3A = arith.extui %lt3A_546 : i1 to i32
      %cond3A = arith.constant 0 : i32
      %cond3A_547 = arith.cmpi ne, %convert_element_type3A, %cond3A : i32
      scf.if %cond3A_547 {
        %add3A_657 = arith.constant 2 : i32
        %add3A_658 = arith.addi %while3A_470, %add3A_657 : i32
        %mul3A_659 = arith.constant 32 : i32
        %mul3A_660 = arith.muli %add3A_658, %mul3A_659 : i32
        %add3A_661 = arith.addi %mul3A_660, %add3A : i32
        %jit3A_662 = arith.constant 3 : i32
        %div3A_663 = arith.divsi %add3A_658, %jit3A_662 : i32
        %sign3A_664 = arith.constant 0 : i32
        %sign3A_665 = arith.cmpi sgt, %add3A_658, %sign3A_664 : i32
        %sign3A_666 = arith.extui %sign3A_665 : i1 to i32
        %sign3A_667 = arith.constant 0 : i32
        %sign3A_668 = arith.cmpi slt, %add3A_658, %sign3A_667 : i32
        %sign3A_669 = arith.extui %sign3A_668 : i1 to i32
        %sign3A_670 = arith.subi %sign3A_666, %sign3A_669 : i32
        %sign3A_671 = arith.constant 0 : i32
        %sign3A_672 = arith.cmpi sgt, %jit3A_662, %sign3A_671 : i32
        %sign3A_673 = arith.extui %sign3A_672 : i1 to i32
        %sign3A_674 = arith.constant 0 : i32
        %sign3A_675 = arith.cmpi slt, %jit3A_662, %sign3A_674 : i32
        %sign3A_676 = arith.extui %sign3A_675 : i1 to i32
        %sign3A_677 = arith.subi %sign3A_673, %sign3A_676 : i32
        %ne3A_678 = arith.cmpi ne, %sign3A_670, %sign3A_677 : i32
        %rem3A_679 = arith.remsi %add3A_658, %jit3A_662 : i32
        %ne3A_680 = arith.constant 0 : i32
        %ne3A_681 = arith.cmpi ne, %rem3A_679, %ne3A_680 : i32
        %and3A_682 = arith.andi %ne3A_678, %ne3A_681 : i1
        %sub3A_683 = arith.constant 1 : i32
        %sub3A_684 = arith.subi %div3A_663, %sub3A_683 : i32
        %select_n3A_685 = arith.select %and3A_682, %sub3A_684, %div3A_663 : i32
        %mul3A_686 = arith.constant 3 : i32
        %mul3A_687 = arith.muli %select_n3A_685, %mul3A_686 : i32
        %sub3A_688 = arith.subi %add3A_658, %mul3A_687 : i32
        %mul3A_689 = arith.constant 40 : i32
        %mul3A_690 = arith.muli %add3A_661, %mul3A_689 : i32
        %shift_right_arithmetic3A_691 = arith.constant 1 : i32
        %shift_right_arithmetic3A_692 = arith.shrsi %mul3A_690, %shift_right_arithmetic3A_691 : i32
        %sub3A_693 = arith.constant 1 : i32
        %sub3A_694 = arith.subi %shift_right_arithmetic3A_692, %sub3A_693 : i32
        %shift_right_arithmetic3A_695 = arith.constant 3 : i32
        %shift_right_arithmetic3A_696 = arith.shrsi %sub3A_694, %shift_right_arithmetic3A_695 : i32
        %shift_left3A_697 = arith.constant 3 : i32
        %shift_left3A_698 = arith.shli %shift_right_arithmetic3A_696, %shift_left3A_697 : i32
        %max3A_699 = arith.constant 0 : i32
        %max3A_700 = arith.maxsi %shift_left3A_698, %max3A_699 : i32
        %multiple_of3A_701 = tpu.assume_multiple %max3A_700, 8 : i32
        %mul3A_702 = arith.constant 2 : i32
        %mul3A_703 = arith.muli %mul3A_702, %mul3A_690 : i32
        %min3A_704 = arith.constant 99912 : i32
        %min3A_705 = arith.minsi %mul3A_703, %min3A_704 : i32
        %multiple_of3A_706 = tpu.assume_multiple %min3A_705, 8 : i32
        %dma_start3A_707 = arith.constant 0 : i32
        %dma_start3A_708 = arith.constant 0 : i32
        %dma_start3A_709 = tpu.memref_slice %arg4[%sub3A_688, %dma_start3A_707, %dma_start3A_708] : memref<3x32x256xf32, #tpu.memory_space<vmem>> -> memref<1x32x256xf32, #tpu.memory_space<vmem>>
        %dma_start3A_710 = tpu.memref_squeeze %dma_start3A_709 : memref<1x32x256xf32, #tpu.memory_space<vmem>> -> memref<32x256xf32, #tpu.memory_space<vmem>>
        %dma_start3A_711 = arith.constant 0 : i32
        %dma_start3A_712 = tpu.memref_slice %arg2[%multiple_of3A_701, %dma_start3A_711] : memref<100000x256xf32, #tpu.memory_space<hbm>> -> memref<32x256xf32, #tpu.memory_space<hbm>>
        %dma_start3A_713 = arith.constant 0 : i32
        %dma_start3A_714 = arith.constant 0 : i32
        %dma_start3A_715 = tpu.memref_slice %arg4[%sub3A_688, %dma_start3A_713, %dma_start3A_714] : memref<3x32x256xf32, #tpu.memory_space<vmem>> -> memref<1x32x256xf32, #tpu.memory_space<vmem>>
        %dma_start3A_716 = tpu.memref_squeeze %dma_start3A_715 : memref<1x32x256xf32, #tpu.memory_space<vmem>> -> memref<32x256xf32, #tpu.memory_space<vmem>>
        %dma_start3A_717 = arith.constant 0 : i32
        %dma_start3A_718 = tpu.memref_slice %arg2[%multiple_of3A_701, %dma_start3A_717] : memref<100000x256xf32, #tpu.memory_space<hbm>> -> memref<32x256xf32, #tpu.memory_space<hbm>>
        tpu.enqueue_dma source(%dma_start3A_718 : memref<32x256xf32, #tpu.memory_space<hbm>>) target(%dma_start3A_716 : memref<32x256xf32, #tpu.memory_space<vmem>>) target_semaphore(%arg7 : memref<!tpu.dma_semaphore, #tpu.memory_space<semaphore_mem>>)
        %dma_start3A_719 = arith.constant 0 : i32
        %dma_start3A_720 = arith.constant 0 : i32
        %dma_start3A_721 = tpu.memref_slice %arg5[%sub3A_688, %dma_start3A_719, %dma_start3A_720] : memref<3x88x256xf32, #tpu.memory_space<vmem>> -> memref<1x88x256xf32, #tpu.memory_space<vmem>>
        %dma_start3A_722 = tpu.memref_squeeze %dma_start3A_721 : memref<1x88x256xf32, #tpu.memory_space<vmem>> -> memref<88x256xf32, #tpu.memory_space<vmem>>
        %dma_start3A_723 = arith.constant 0 : i32
        %dma_start3A_724 = tpu.memref_slice %arg2[%multiple_of3A_706, %dma_start3A_723] : memref<100000x256xf32, #tpu.memory_space<hbm>> -> memref<88x256xf32, #tpu.memory_space<hbm>>
        %dma_start3A_725 = arith.constant 0 : i32
        %dma_start3A_726 = arith.constant 0 : i32
        %dma_start3A_727 = tpu.memref_slice %arg5[%sub3A_688, %dma_start3A_725, %dma_start3A_726] : memref<3x88x256xf32, #tpu.memory_space<vmem>> -> memref<1x88x256xf32, #tpu.memory_space<vmem>>
        %dma_start3A_728 = tpu.memref_squeeze %dma_start3A_727 : memref<1x88x256xf32, #tpu.memory_space<vmem>> -> memref<88x256xf32, #tpu.memory_space<vmem>>
        %dma_start3A_729 = arith.constant 0 : i32
        %dma_start3A_730 = tpu.memref_slice %arg2[%multiple_of3A_706, %dma_start3A_729] : memref<100000x256xf32, #tpu.memory_space<hbm>> -> memref<88x256xf32, #tpu.memory_space<hbm>>
        tpu.enqueue_dma source(%dma_start3A_730 : memref<88x256xf32, #tpu.memory_space<hbm>>) target(%dma_start3A_728 : memref<88x256xf32, #tpu.memory_space<vmem>>) target_semaphore(%arg8 : memref<!tpu.dma_semaphore, #tpu.memory_space<semaphore_mem>>)
      } else {
      }
      %ge3A = arith.constant 3 : i32
      %ge3A_548 = arith.cmpi sge, %while3A_470, %ge3A : i32
      %convert_element_type3A_549 = arith.extui %ge3A_548 : i1 to i32
      %cond3A_550 = arith.constant 0 : i32
      %cond3A_551 = arith.cmpi ne, %convert_element_type3A_549, %cond3A_550 : i32
      scf.if %cond3A_551 {
        %sub3A_657 = arith.constant 3 : i32
        %sub3A_658 = arith.subi %while3A_470, %sub3A_657 : i32
        %mul3A_659 = arith.constant 32 : i32
        %mul3A_660 = arith.muli %sub3A_658, %mul3A_659 : i32
        %add3A_661 = arith.addi %mul3A_660, %add3A : i32
        %jit3A_662 = arith.constant 3 : i32
        %div3A_663 = arith.divsi %while3A_470, %jit3A_662 : i32
        %sign3A_664 = arith.constant 0 : i32
        %sign3A_665 = arith.cmpi sgt, %while3A_470, %sign3A_664 : i32
        %sign3A_666 = arith.extui %sign3A_665 : i1 to i32
        %sign3A_667 = arith.constant 0 : i32
        %sign3A_668 = arith.cmpi slt, %while3A_470, %sign3A_667 : i32
        %sign3A_669 = arith.extui %sign3A_668 : i1 to i32
        %sign3A_670 = arith.subi %sign3A_666, %sign3A_669 : i32
        %sign3A_671 = arith.constant 0 : i32
        %sign3A_672 = arith.cmpi sgt, %jit3A_662, %sign3A_671 : i32
        %sign3A_673 = arith.extui %sign3A_672 : i1 to i32
        %sign3A_674 = arith.constant 0 : i32
        %sign3A_675 = arith.cmpi slt, %jit3A_662, %sign3A_674 : i32
        %sign3A_676 = arith.extui %sign3A_675 : i1 to i32
        %sign3A_677 = arith.subi %sign3A_673, %sign3A_676 : i32
        %ne3A_678 = arith.cmpi ne, %sign3A_670, %sign3A_677 : i32
        %rem3A_679 = arith.remsi %while3A_470, %jit3A_662 : i32
        %ne3A_680 = arith.constant 0 : i32
        %ne3A_681 = arith.cmpi ne, %rem3A_679, %ne3A_680 : i32
        %and3A_682 = arith.andi %ne3A_678, %ne3A_681 : i1
        %sub3A_683 = arith.constant 1 : i32
        %sub3A_684 = arith.subi %div3A_663, %sub3A_683 : i32
        %select_n3A_685 = arith.select %and3A_682, %sub3A_684, %div3A_663 : i32
        %mul3A_686 = arith.constant 3 : i32
        %mul3A_687 = arith.muli %select_n3A_685, %mul3A_686 : i32
        %sub3A_688 = arith.subi %while3A_470, %mul3A_687 : i32
        %mul3A_689 = arith.constant 40 : i32
        %mul3A_690 = arith.muli %add3A_661, %mul3A_689 : i32
        %multiple_of3A_691 = tpu.assume_multiple %mul3A_690, 8 : i32
        %dma_wait3A_692 = arith.constant 0 : i32
        %dma_wait3A_693 = arith.constant 0 : i32
        %dma_wait3A_694 = tpu.memref_slice %arg6[%sub3A_688, %dma_wait3A_692, %dma_wait3A_693] : memref<3x40x256xf32, #tpu.memory_space<vmem>> -> memref<1x40x256xf32, #tpu.memory_space<vmem>>
        %dma_wait3A_695 = tpu.memref_squeeze %dma_wait3A_694 : memref<1x40x256xf32, #tpu.memory_space<vmem>> -> memref<40x256xf32, #tpu.memory_space<vmem>>
        %dma_wait3A_696 = arith.constant 0 : i32
        %dma_wait3A_697 = tpu.memref_slice %arg3[%multiple_of3A_691, %dma_wait3A_696] : memref<100000x256xf32, #tpu.memory_space<hbm>> -> memref<40x256xf32, #tpu.memory_space<hbm>>
        %dma_wait3A_698 = arith.constant 0 : i32
        %dma_wait3A_699 = tpu.memref_slice %arg3[%multiple_of3A_691, %dma_wait3A_698] : memref<100000x256xf32, #tpu.memory_space<hbm>> -> memref<40x256xf32, #tpu.memory_space<hbm>>
        %dma_wait3A_700 = arith.constant 0 : i32
        %dma_wait3A_701 = arith.constant 0 : i32
        %dma_wait3A_702 = tpu.memref_slice %arg6[%sub3A_688, %dma_wait3A_700, %dma_wait3A_701] : memref<3x40x256xf32, #tpu.memory_space<vmem>> -> memref<1x40x256xf32, #tpu.memory_space<vmem>>
        %dma_wait3A_703 = tpu.memref_squeeze %dma_wait3A_702 : memref<1x40x256xf32, #tpu.memory_space<vmem>> -> memref<40x256xf32, #tpu.memory_space<vmem>>
        tpu.wait_dma2 semaphore(%arg9 : memref<!tpu.dma_semaphore, #tpu.memory_space<semaphore_mem>>) src(%dma_wait3A_703 : memref<40x256xf32, #tpu.memory_space<vmem>>) dst(%dma_wait3A_699 : memref<40x256xf32, #tpu.memory_space<hbm>>)
      } else {
      }
      %mul3A_552 = arith.constant 32 : i32
      %mul3A_553 = arith.muli %while3A_470, %mul3A_552 : i32
      %add3A_554 = arith.addi %mul3A_553, %add3A : i32
      %jit3A_555 = arith.constant 3 : i32
      %div3A_556 = arith.divsi %while3A_470, %jit3A_555 : i32
      %sign3A_557 = arith.constant 0 : i32
      %sign3A_558 = arith.cmpi sgt, %while3A_470, %sign3A_557 : i32
      %sign3A_559 = arith.extui %sign3A_558 : i1 to i32
      %sign3A_560 = arith.constant 0 : i32
      %sign3A_561 = arith.cmpi slt, %while3A_470, %sign3A_560 : i32
      %sign3A_562 = arith.extui %sign3A_561 : i1 to i32
      %sign3A_563 = arith.subi %sign3A_559, %sign3A_562 : i32
      %sign3A_564 = arith.constant 0 : i32
      %sign3A_565 = arith.cmpi sgt, %jit3A_555, %sign3A_564 : i32
      %sign3A_566 = arith.extui %sign3A_565 : i1 to i32
      %sign3A_567 = arith.constant 0 : i32
      %sign3A_568 = arith.cmpi slt, %jit3A_555, %sign3A_567 : i32
      %sign3A_569 = arith.extui %sign3A_568 : i1 to i32
      %sign3A_570 = arith.subi %sign3A_566, %sign3A_569 : i32
      %ne3A_571 = arith.cmpi ne, %sign3A_563, %sign3A_570 : i32
      %rem3A_572 = arith.remsi %while3A_470, %jit3A_555 : i32
      %ne3A_573 = arith.constant 0 : i32
      %ne3A_574 = arith.cmpi ne, %rem3A_572, %ne3A_573 : i32
      %and3A_575 = arith.andi %ne3A_571, %ne3A_574 : i1
      %sub3A_576 = arith.constant 1 : i32
      %sub3A_577 = arith.subi %div3A_556, %sub3A_576 : i32
      %select_n3A_578 = arith.select %and3A_575, %sub3A_577, %div3A_556 : i32
      %mul3A_579 = arith.constant 3 : i32
      %mul3A_580 = arith.muli %select_n3A_578, %mul3A_579 : i32
      %sub3A_581 = arith.subi %while3A_470, %mul3A_580 : i32
      %mul3A_582 = arith.constant 40 : i32
      %mul3A_583 = arith.muli %add3A_554, %mul3A_582 : i32
      %shift_right_arithmetic3A_584 = arith.constant 1 : i32
      %shift_right_arithmetic3A_585 = arith.shrsi %mul3A_583, %shift_right_arithmetic3A_584 : i32
      %sub3A_586 = arith.constant 1 : i32
      %sub3A_587 = arith.subi %shift_right_arithmetic3A_585, %sub3A_586 : i32
      %shift_right_arithmetic3A_588 = arith.constant 3 : i32
      %shift_right_arithmetic3A_589 = arith.shrsi %sub3A_587, %shift_right_arithmetic3A_588 : i32
      %shift_left3A_590 = arith.constant 3 : i32
      %shift_left3A_591 = arith.shli %shift_right_arithmetic3A_589, %shift_left3A_590 : i32
      %max3A_592 = arith.constant 0 : i32
      %max3A_593 = arith.maxsi %shift_left3A_591, %max3A_592 : i32
      %mul3A_594 = arith.constant 2 : i32
      %mul3A_595 = arith.muli %mul3A_594, %mul3A_583 : i32
      %mul3A_596 = arith.constant 2 : i32
      %mul3A_597 = arith.muli %mul3A_596, %mul3A_583 : i32
      %min3A_598 = arith.constant 99912 : i32
      %min3A_599 = arith.minsi %mul3A_597, %min3A_598 : i32
      %sub3A_600 = arith.subi %mul3A_595, %min3A_599 : i32
      %eq3A = arith.constant 0 : i32
      %eq3A_601 = arith.cmpi eq, %add3A_554, %eq3A : i32
      %eq3A_602 = arith.constant 1249 : i32
      %eq3A_603 = arith.cmpi eq, %add3A_554, %eq3A_602 : i32
      %or3A = arith.ori %eq3A_601, %eq3A_603 : i1
      %convert_element_type3A_604 = arith.extui %or3A : i1 to i32
      %cond3A_605 = arith.constant 0 : i32
      %cond3A_606 = arith.cmpi ne, %convert_element_type3A_604, %cond3A_605 : i32
      scf.if %cond3A_606 {
        %scan3A = arith.constant 0 : i32
        %scan3A_657 = arith.constant 0 : i32
        %scan3A_658 = arith.constant 40 : i32
        %scan3A_659 = arith.addi %scan3A_657, %scan3A_658 : i32
        %scan3A_660 = arith.constant 1 : i32
        %scan3A_661 = scf.for %scan3A_663 = %scan3A_657 to %scan3A_659 step %scan3A_660 iter_args(%scan3A_664 = %scan3A) -> (i32)  : i32 {
          %add3A_665 = arith.addi %mul3A_583, %scan3A_663 : i32
          %sub3A_666 = arith.constant 1 : i32
          %sub3A_667 = arith.subi %add3A_665, %sub3A_666 : i32
          %shift_right_arithmetic3A_668 = arith.constant 1 : i32
          %shift_right_arithmetic3A_669 = arith.shrsi %sub3A_667, %shift_right_arithmetic3A_668 : i32
          %sub3A_670 = arith.subi %shift_right_arithmetic3A_669, %max3A_593 : i32
          %max3A_671 = arith.constant 0 : i32
          %max3A_672 = arith.maxsi %sub3A_670, %max3A_671 : i32
          %mul3A_673 = arith.constant 2 : i32
          %mul3A_674 = arith.muli %mul3A_673, %scan3A_663 : i32
          %add3A_675 = arith.constant 1 : i32
          %add3A_676 = arith.addi %mul3A_674, %add3A_675 : i32
          %add3A_677 = arith.addi %add3A_676, %sub3A_600 : i32
          %min3A_678 = arith.constant 87 : i32
          %min3A_679 = arith.minsi %add3A_677, %min3A_678 : i32
          %mul3A_680 = arith.constant 2 : i32
          %mul3A_681 = arith.muli %mul3A_680, %scan3A_663 : i32
          %add3A_682 = arith.constant 2 : i32
          %add3A_683 = arith.addi %mul3A_681, %add3A_682 : i32
          %add3A_684 = arith.addi %add3A_683, %sub3A_600 : i32
          %min3A_685 = arith.constant 87 : i32
          %min3A_686 = arith.minsi %add3A_684, %min3A_685 : i32
          %gt3A = arith.constant 0 : i32
          %gt3A_687 = arith.cmpi sgt, %add3A_665, %gt3A : i32
          %jit3A_688 = arith.constant 1.000000e+00 : f32
          %jit3A_689 = arith.constant 0.000000e+00 : f32
          %select_n3A_690 = arith.select %gt3A_687, %jit3A_688, %jit3A_689 : f32
          %mul3A_691 = arith.constant 2 : i32
          %mul3A_692 = arith.muli %mul3A_691, %add3A_665 : i32
          %add3A_693 = arith.constant 1 : i32
          %add3A_694 = arith.addi %mul3A_692, %add3A_693 : i32
          %lt3A_695 = arith.constant 100000 : i32
          %lt3A_696 = arith.cmpi slt, %add3A_694, %lt3A_695 : i32
          %jit3A_697 = arith.constant 1.000000e+00 : f32
          %jit3A_698 = arith.constant 0.000000e+00 : f32
          %select_n3A_699 = arith.select %lt3A_696, %jit3A_697, %jit3A_698 : f32
          %mul3A_700 = arith.constant 2 : i32
          %mul3A_701 = arith.muli %mul3A_700, %add3A_665 : i32
          %add3A_702 = arith.constant 2 : i32
          %add3A_703 = arith.addi %mul3A_701, %add3A_702 : i32
          %lt3A_704 = arith.constant 100000 : i32
          %lt3A_705 = arith.cmpi slt, %add3A_703, %lt3A_704 : i32
          %jit3A_706 = arith.constant 1.000000e+00 : f32
          %jit3A_707 = arith.constant 0.000000e+00 : f32
          %select_n3A_708 = arith.select %lt3A_705, %jit3A_706, %jit3A_707 : f32
          %get3A = arith.index_cast %sub3A_581 : i32 to index
          %get3A_709 = arith.index_cast %max3A_672 : i32 to index
          %get3A_710 = arith.constant 0 : index
          %get3A_711 = tpu.vector_load %arg4[%get3A, %get3A_709, %get3A_710] {strides = array<i32>} : memref<3x32x256xf32, #tpu.memory_space<vmem>>, vector<1x1x16xf32>,
          %get3A_712 = vector.shape_cast %get3A_711 : vector<1x1x16xf32> to vector<16xf32>
          %mul3A_713 = vector.broadcast %select_n3A_690 : f32 to vector<16xf32>
          %mul3A_714 = arith.mulf %mul3A_713, %get3A_712 : vector<16xf32>
          %get3A_715 = arith.index_cast %sub3A_581 : i32 to index
          %get3A_716 = arith.index_cast %min3A_679 : i32 to index
          %get3A_717 = arith.constant 0 : index
          %get3A_718 = tpu.vector_load %arg5[%get3A_715, %get3A_716, %get3A_717] {strides = array<i32>} : memref<3x88x256xf32, #tpu.memory_space<vmem>>, vector<1x1x16xf32>,
          %get3A_719 = vector.shape_cast %get3A_718 : vector<1x1x16xf32> to vector<16xf32>
          %mul3A_720 = vector.broadcast %select_n3A_699 : f32 to vector<16xf32>
          %mul3A_721 = arith.mulf %mul3A_720, %get3A_719 : vector<16xf32>
          %add3A_722 = arith.addf %mul3A_714, %mul3A_721 : vector<16xf32>
          %get3A_723 = arith.index_cast %sub3A_581 : i32 to index
          %get3A_724 = arith.index_cast %min3A_686 : i32 to index
          %get3A_725 = arith.constant 0 : index
          %get3A_726 = tpu.vector_load %arg5[%get3A_723, %get3A_724, %get3A_725] {strides = array<i32>} : memref<3x88x256xf32, #tpu.memory_space<vmem>>, vector<1x1x16xf32>,
          %get3A_727 = vector.shape_cast %get3A_726 : vector<1x1x16xf32> to vector<16xf32>
          %mul3A_728 = vector.broadcast %select_n3A_708 : f32 to vector<16xf32>
          %mul3A_729 = arith.mulf %mul3A_728, %get3A_727 : vector<16xf32>
          %add3A_730 = arith.addf %add3A_722, %mul3A_729 : vector<16xf32>
          %swap3A = arith.index_cast %sub3A_581 : i32 to index
          %swap3A_731 = arith.index_cast %scan3A_663 : i32 to index
          %swap3A_732 = arith.constant 0 : index
          %swap3A_733 = tpu.vector_load %arg6[%swap3A, %swap3A_731, %swap3A_732] {strides = array<i32>} : memref<3x40x256xf32, #tpu.memory_space<vmem>>, vector<1x1x16xf32>,
          %swap3A_734 = vector.shape_cast %swap3A_733 : vector<1x1x16xf32> to vector<16xf32>
          %swap3A_735 = vector.shape_cast %add3A_730 : vector<16xf32> to vector<1x1x16xf32>
          tpu.vector_store %arg6[%swap3A, %swap3A_731, %swap3A_732], %swap3A_735 {strides = array<i32>} : memref<3x40x256xf32, #tpu.memory_space<vmem>>, vector<1x1x16xf32>,
          %get3A_736 = arith.index_cast %sub3A_581 : i32 to index
          %get3A_737 = arith.index_cast %max3A_672 : i32 to index
          %get3A_738 = arith.constant 16 : index
          %get3A_739 = tpu.vector_load %arg4[%get3A_736, %get3A_737, %get3A_738] {strides = array<i32>} : memref<3x32x256xf32, #tpu.memory_space<vmem>>, vector<1x1x16xf32>,
          %get3A_740 = vector.shape_cast %get3A_739 : vector<1x1x16xf32> to vector<16xf32>
          %mul3A_741 = vector.broadcast %select_n3A_690 : f32 to vector<16xf32>
          %mul3A_742 = arith.mulf %mul3A_741, %get3A_740 : vector<16xf32>
          %get3A_743 = arith.index_cast %sub3A_581 : i32 to index
          %get3A_744 = arith.index_cast %min3A_679 : i32 to index
          %get3A_745 = arith.constant 16 : index
          %get3A_746 = tpu.vector_load %arg5[%get3A_743, %get3A_744, %get3A_745] {strides = array<i32>} : memref<3x88x256xf32, #tpu.memory_space<vmem>>, vector<1x1x16xf32>,
          %get3A_747 = vector.shape_cast %get3A_746 : vector<1x1x16xf32> to vector<16xf32>
          %mul3A_748 = vector.broadcast %select_n3A_699 : f32 to vector<16xf32>
          %mul3A_749 = arith.mulf %mul3A_748, %get3A_747 : vector<16xf32>
          %add3A_750 = arith.addf %mul3A_742, %mul3A_749 : vector<16xf32>
          %get3A_751 = arith.index_cast %sub3A_581 : i32 to index
          %get3A_752 = arith.index_cast %min3A_686 : i32 to index
          %get3A_753 = arith.constant 16 : index
          %get3A_754 = tpu.vector_load %arg5[%get3A_751, %get3A_752, %get3A_753] {strides = array<i32>} : memref<3x88x256xf32, #tpu.memory_space<vmem>>, vector<1x1x16xf32>,
          %get3A_755 = vector.shape_cast %get3A_754 : vector<1x1x16xf32> to vector<16xf32>
          %mul3A_756 = vector.broadcast %select_n3A_708 : f32 to vector<16xf32>
          %mul3A_757 = arith.mulf %mul3A_756, %get3A_755 : vector<16xf32>
          %add3A_758 = arith.addf %add3A_750, %mul3A_757 : vector<16xf32>
          %swap3A_759 = arith.index_cast %sub3A_581 : i32 to index
          %swap3A_760 = arith.index_cast %scan3A_663 : i32 to index
          %swap3A_761 = arith.constant 16 : index
          %swap3A_762 = tpu.vector_load %arg6[%swap3A_759, %swap3A_760, %swap3A_761] {strides = array<i32>} : memref<3x40x256xf32, #tpu.memory_space<vmem>>, vector<1x1x16xf32>,
          %swap3A_763 = vector.shape_cast %swap3A_762 : vector<1x1x16xf32> to vector<16xf32>
          %swap3A_764 = vector.shape_cast %add3A_758 : vector<16xf32> to vector<1x1x16xf32>
          tpu.vector_store %arg6[%swap3A_759, %swap3A_760, %swap3A_761], %swap3A_764 {strides = array<i32>} : memref<3x40x256xf32, #tpu.memory_space<vmem>>, vector<1x1x16xf32>,
          %get3A_765 = arith.index_cast %sub3A_581 : i32 to index
          %get3A_766 = arith.index_cast %max3A_672 : i32 to index
          %get3A_767 = arith.constant 32 : index
          %get3A_768 = tpu.vector_load %arg4[%get3A_765, %get3A_766, %get3A_767] {strides = array<i32>} : memref<3x32x256xf32, #tpu.memory_space<vmem>>, vector<1x1x16xf32>,
          %get3A_769 = vector.shape_cast %get3A_768 : vector<1x1x16xf32> to vector<16xf32>
          %mul3A_770 = vector.broadcast %select_n3A_690 : f32 to vector<16xf32>
          %mul3A_771 = arith.mulf %mul3A_770, %get3A_769 : vector<16xf32>
          %get3A_772 = arith.index_cast %sub3A_581 : i32 to index
          %get3A_773 = arith.index_cast %min3A_679 : i32 to index
          %get3A_774 = arith.constant 32 : index
          %get3A_775 = tpu.vector_load %arg5[%get3A_772, %get3A_773, %get3A_774] {strides = array<i32>} : memref<3x88x256xf32, #tpu.memory_space<vmem>>, vector<1x1x16xf32>,
          %get3A_776 = vector.shape_cast %get3A_775 : vector<1x1x16xf32> to vector<16xf32>
          %mul3A_777 = vector.broadcast %select_n3A_699 : f32 to vector<16xf32>
          %mul3A_778 = arith.mulf %mul3A_777, %get3A_776 : vector<16xf32>
          %add3A_779 = arith.addf %mul3A_771, %mul3A_778 : vector<16xf32>
          %get3A_780 = arith.index_cast %sub3A_581 : i32 to index
          %get3A_781 = arith.index_cast %min3A_686 : i32 to index
          %get3A_782 = arith.constant 32 : index
          %get3A_783 = tpu.vector_load %arg5[%get3A_780, %get3A_781, %get3A_782] {strides = array<i32>} : memref<3x88x256xf32, #tpu.memory_space<vmem>>, vector<1x1x16xf32>,
          %get3A_784 = vector.shape_cast %get3A_783 : vector<1x1x16xf32> to vector<16xf32>
          %mul3A_785 = vector.broadcast %select_n3A_708 : f32 to vector<16xf32>
          %mul3A_786 = arith.mulf %mul3A_785, %get3A_784 : vector<16xf32>
          %add3A_787 = arith.addf %add3A_779, %mul3A_786 : vector<16xf32>
          %swap3A_788 = arith.index_cast %sub3A_581 : i32 to index
          %swap3A_789 = arith.index_cast %scan3A_663 : i32 to index
          %swap3A_790 = arith.constant 32 : index
          %swap3A_791 = tpu.vector_load %arg6[%swap3A_788, %swap3A_789, %swap3A_790] {strides = array<i32>} : memref<3x40x256xf32, #tpu.memory_space<vmem>>, vector<1x1x16xf32>,
          %swap3A_792 = vector.shape_cast %swap3A_791 : vector<1x1x16xf32> to vector<16xf32>
          %swap3A_793 = vector.shape_cast %add3A_787 : vector<16xf32> to vector<1x1x16xf32>
          tpu.vector_store %arg6[%swap3A_788, %swap3A_789, %swap3A_790], %swap3A_793 {strides = array<i32>} : memref<3x40x256xf32, #tpu.memory_space<vmem>>, vector<1x1x16xf32>,
          %get3A_794 = arith.index_cast %sub3A_581 : i32 to index
          %get3A_795 = arith.index_cast %max3A_672 : i32 to index
          %get3A_796 = arith.constant 48 : index
          %get3A_797 = tpu.vector_load %arg4[%get3A_794, %get3A_795, %get3A_796] {strides = array<i32>} : memref<3x32x256xf32, #tpu.memory_space<vmem>>, vector<1x1x16xf32>,
          %get3A_798 = vector.shape_cast %get3A_797 : vector<1x1x16xf32> to vector<16xf32>
          %mul3A_799 = vector.broadcast %select_n3A_690 : f32 to vector<16xf32>
          %mul3A_800 = arith.mulf %mul3A_799, %get3A_798 : vector<16xf32>
          %get3A_801 = arith.index_cast %sub3A_581 : i32 to index
          %get3A_802 = arith.index_cast %min3A_679 : i32 to index
          %get3A_803 = arith.constant 48 : index
          %get3A_804 = tpu.vector_load %arg5[%get3A_801, %get3A_802, %get3A_803] {strides = array<i32>} : memref<3x88x256xf32, #tpu.memory_space<vmem>>, vector<1x1x16xf32>,
          %get3A_805 = vector.shape_cast %get3A_804 : vector<1x1x16xf32> to vector<16xf32>
          %mul3A_806 = vector.broadcast %select_n3A_699 : f32 to vector<16xf32>
          %mul3A_807 = arith.mulf %mul3A_806, %get3A_805 : vector<16xf32>
          %add3A_808 = arith.addf %mul3A_800, %mul3A_807 : vector<16xf32>
          %get3A_809 = arith.index_cast %sub3A_581 : i32 to index
          %get3A_810 = arith.index_cast %min3A_686 : i32 to index
          %get3A_811 = arith.constant 48 : index
          %get3A_812 = tpu.vector_load %arg5[%get3A_809, %get3A_810, %get3A_811] {strides = array<i32>} : memref<3x88x256xf32, #tpu.memory_space<vmem>>, vector<1x1x16xf32>,
          %get3A_813 = vector.shape_cast %get3A_812 : vector<1x1x16xf32> to vector<16xf32>
          %mul3A_814 = vector.broadcast %select_n3A_708 : f32 to vector<16xf32>
          %mul3A_815 = arith.mulf %mul3A_814, %get3A_813 : vector<16xf32>
          %add3A_816 = arith.addf %add3A_808, %mul3A_815 : vector<16xf32>
          %swap3A_817 = arith.index_cast %sub3A_581 : i32 to index
          %swap3A_818 = arith.index_cast %scan3A_663 : i32 to index
          %swap3A_819 = arith.constant 48 : index
          %swap3A_820 = tpu.vector_load %arg6[%swap3A_817, %swap3A_818, %swap3A_819] {strides = array<i32>} : memref<3x40x256xf32, #tpu.memory_space<vmem>>, vector<1x1x16xf32>,
          %swap3A_821 = vector.shape_cast %swap3A_820 : vector<1x1x16xf32> to vector<16xf32>
          %swap3A_822 = vector.shape_cast %add3A_816 : vector<16xf32> to vector<1x1x16xf32>
          tpu.vector_store %arg6[%swap3A_817, %swap3A_818, %swap3A_819], %swap3A_822 {strides = array<i32>} : memref<3x40x256xf32, #tpu.memory_space<vmem>>, vector<1x1x16xf32>,
          %get3A_823 = arith.index_cast %sub3A_581 : i32 to index
          %get3A_824 = arith.index_cast %max3A_672 : i32 to index
          %get3A_825 = arith.constant 64 : index
          %get3A_826 = tpu.vector_load %arg4[%get3A_823, %get3A_824, %get3A_825] {strides = array<i32>} : memref<3x32x256xf32, #tpu.memory_space<vmem>>, vector<1x1x16xf32>,
          %get3A_827 = vector.shape_cast %get3A_826 : vector<1x1x16xf32> to vector<16xf32>
          %mul3A_828 = vector.broadcast %select_n3A_690 : f32 to vector<16xf32>
          %mul3A_829 = arith.mulf %mul3A_828, %get3A_827 : vector<16xf32>
          %get3A_830 = arith.index_cast %sub3A_581 : i32 to index
          %get3A_831 = arith.index_cast %min3A_679 : i32 to index
          %get3A_832 = arith.constant 64 : index
          %get3A_833 = tpu.vector_load %arg5[%get3A_830, %get3A_831, %get3A_832] {strides = array<i32>} : memref<3x88x256xf32, #tpu.memory_space<vmem>>, vector<1x1x16xf32>,
          %get3A_834 = vector.shape_cast %get3A_833 : vector<1x1x16xf32> to vector<16xf32>
          %mul3A_835 = vector.broadcast %select_n3A_699 : f32 to vector<16xf32>
          %mul3A_836 = arith.mulf %mul3A_835, %get3A_834 : vector<16xf32>
          %add3A_837 = arith.addf %mul3A_829, %mul3A_836 : vector<16xf32>
          %get3A_838 = arith.index_cast %sub3A_581 : i32 to index
          %get3A_839 = arith.index_cast %min3A_686 : i32 to index
          %get3A_840 = arith.constant 64 : index
          %get3A_841 = tpu.vector_load %arg5[%get3A_838, %get3A_839, %get3A_840] {strides = array<i32>} : memref<3x88x256xf32, #tpu.memory_space<vmem>>, vector<1x1x16xf32>,
          %get3A_842 = vector.shape_cast %get3A_841 : vector<1x1x16xf32> to vector<16xf32>
          %mul3A_843 = vector.broadcast %select_n3A_708 : f32 to vector<16xf32>
          %mul3A_844 = arith.mulf %mul3A_843, %get3A_842 : vector<16xf32>
          %add3A_845 = arith.addf %add3A_837, %mul3A_844 : vector<16xf32>
          %swap3A_846 = arith.index_cast %sub3A_581 : i32 to index
          %swap3A_847 = arith.index_cast %scan3A_663 : i32 to index
          %swap3A_848 = arith.constant 64 : index
          %swap3A_849 = tpu.vector_load %arg6[%swap3A_846, %swap3A_847, %swap3A_848] {strides = array<i32>} : memref<3x40x256xf32, #tpu.memory_space<vmem>>, vector<1x1x16xf32>,
          %swap3A_850 = vector.shape_cast %swap3A_849 : vector<1x1x16xf32> to vector<16xf32>
          %swap3A_851 = vector.shape_cast %add3A_845 : vector<16xf32> to vector<1x1x16xf32>
          tpu.vector_store %arg6[%swap3A_846, %swap3A_847, %swap3A_848], %swap3A_851 {strides = array<i32>} : memref<3x40x256xf32, #tpu.memory_space<vmem>>, vector<1x1x16xf32>,
          %get3A_852 = arith.index_cast %sub3A_581 : i32 to index
          %get3A_853 = arith.index_cast %max3A_672 : i32 to index
          %get3A_854 = arith.constant 80 : index
          %get3A_855 = tpu.vector_load %arg4[%get3A_852, %get3A_853, %get3A_854] {strides = array<i32>} : memref<3x32x256xf32, #tpu.memory_space<vmem>>, vector<1x1x16xf32>,
          %get3A_856 = vector.shape_cast %get3A_855 : vector<1x1x16xf32> to vector<16xf32>
          %mul3A_857 = vector.broadcast %select_n3A_690 : f32 to vector<16xf32>
          %mul3A_858 = arith.mulf %mul3A_857, %get3A_856 : vector<16xf32>
          %get3A_859 = arith.index_cast %sub3A_581 : i32 to index
          %get3A_860 = arith.index_cast %min3A_679 : i32 to index
          %get3A_861 = arith.constant 80 : index
          %get3A_862 = tpu.vector_load %arg5[%get3A_859, %get3A_860, %get3A_861] {strides = array<i32>} : memref<3x88x256xf32, #tpu.memory_space<vmem>>, vector<1x1x16xf32>,
          %get3A_863 = vector.shape_cast %get3A_862 : vector<1x1x16xf32> to vector<16xf32>
          %mul3A_864 = vector.broadcast %select_n3A_699 : f32 to vector<16xf32>
          %mul3A_865 = arith.mulf %mul3A_864, %get3A_863 : vector<16xf32>
          %add3A_866 = arith.addf %mul3A_858, %mul3A_865 : vector<16xf32>
          %get3A_867 = arith.index_cast %sub3A_581 : i32 to index
          %get3A_868 = arith.index_cast %min3A_686 : i32 to index
          %get3A_869 = arith.constant 80 : index
          %get3A_870 = tpu.vector_load %arg5[%get3A_867, %get3A_868, %get3A_869] {strides = array<i32>} : memref<3x88x256xf32, #tpu.memory_space<vmem>>, vector<1x1x16xf32>,
          %get3A_871 = vector.shape_cast %get3A_870 : vector<1x1x16xf32> to vector<16xf32>
          %mul3A_872 = vector.broadcast %select_n3A_708 : f32 to vector<16xf32>
          %mul3A_873 = arith.mulf %mul3A_872, %get3A_871 : vector<16xf32>
          %add3A_874 = arith.addf %add3A_866, %mul3A_873 : vector<16xf32>
          %swap3A_875 = arith.index_cast %sub3A_581 : i32 to index
          %swap3A_876 = arith.index_cast %scan3A_663 : i32 to index
          %swap3A_877 = arith.constant 80 : index
          %swap3A_878 = tpu.vector_load %arg6[%swap3A_875, %swap3A_876, %swap3A_877] {strides = array<i32>} : memref<3x40x256xf32, #tpu.memory_space<vmem>>, vector<1x1x16xf32>,
          %swap3A_879 = vector.shape_cast %swap3A_878 : vector<1x1x16xf32> to vector<16xf32>
          %swap3A_880 = vector.shape_cast %add3A_874 : vector<16xf32> to vector<1x1x16xf32>
          tpu.vector_store %arg6[%swap3A_875, %swap3A_876, %swap3A_877], %swap3A_880 {strides = array<i32>} : memref<3x40x256xf32, #tpu.memory_space<vmem>>, vector<1x1x16xf32>,
          %get3A_881 = arith.index_cast %sub3A_581 : i32 to index
          %get3A_882 = arith.index_cast %max3A_672 : i32 to index
          %get3A_883 = arith.constant 96 : index
          %get3A_884 = tpu.vector_load %arg4[%get3A_881, %get3A_882, %get3A_883] {strides = array<i32>} : memref<3x32x256xf32, #tpu.memory_space<vmem>>, vector<1x1x16xf32>,
          %get3A_885 = vector.shape_cast %get3A_884 : vector<1x1x16xf32> to vector<16xf32>
          %mul3A_886 = vector.broadcast %select_n3A_690 : f32 to vector<16xf32>
          %mul3A_887 = arith.mulf %mul3A_886, %get3A_885 : vector<16xf32>
          %get3A_888 = arith.index_cast %sub3A_581 : i32 to index
          %get3A_889 = arith.index_cast %min3A_679 : i32 to index
          %get3A_890 = arith.constant 96 : index
          %get3A_891 = tpu.vector_load %arg5[%get3A_888, %get3A_889, %get3A_890] {strides = array<i32>} : memref<3x88x256xf32, #tpu.memory_space<vmem>>, vector<1x1x16xf32>,
          %get3A_892 = vector.shape_cast %get3A_891 : vector<1x1x16xf32> to vector<16xf32>
          %mul3A_893 = vector.broadcast %select_n3A_699 : f32 to vector<16xf32>
          %mul3A_894 = arith.mulf %mul3A_893, %get3A_892 : vector<16xf32>
          %add3A_895 = arith.addf %mul3A_887, %mul3A_894 : vector<16xf32>
          %get3A_896 = arith.index_cast %sub3A_581 : i32 to index
          %get3A_897 = arith.index_cast %min3A_686 : i32 to index
          %get3A_898 = arith.constant 96 : index
          %get3A_899 = tpu.vector_load %arg5[%get3A_896, %get3A_897, %get3A_898] {strides = array<i32>} : memref<3x88x256xf32, #tpu.memory_space<vmem>>, vector<1x1x16xf32>,
          %get3A_900 = vector.shape_cast %get3A_899 : vector<1x1x16xf32> to vector<16xf32>
          %mul3A_901 = vector.broadcast %select_n3A_708 : f32 to vector<16xf32>
          %mul3A_902 = arith.mulf %mul3A_901, %get3A_900 : vector<16xf32>
          %add3A_903 = arith.addf %add3A_895, %mul3A_902 : vector<16xf32>
          %swap3A_904 = arith.index_cast %sub3A_581 : i32 to index
          %swap3A_905 = arith.index_cast %scan3A_663 : i32 to index
          %swap3A_906 = arith.constant 96 : index
          %swap3A_907 = tpu.vector_load %arg6[%swap3A_904, %swap3A_905, %swap3A_906] {strides = array<i32>} : memref<3x40x256xf32, #tpu.memory_space<vmem>>, vector<1x1x16xf32>,
          %swap3A_908 = vector.shape_cast %swap3A_907 : vector<1x1x16xf32> to vector<16xf32>
          %swap3A_909 = vector.shape_cast %add3A_903 : vector<16xf32> to vector<1x1x16xf32>
          tpu.vector_store %arg6[%swap3A_904, %swap3A_905, %swap3A_906], %swap3A_909 {strides = array<i32>} : memref<3x40x256xf32, #tpu.memory_space<vmem>>, vector<1x1x16xf32>,
          %get3A_910 = arith.index_cast %sub3A_581 : i32 to index
          %get3A_911 = arith.index_cast %max3A_672 : i32 to index
          %get3A_912 = arith.constant 112 : index
          %get3A_913 = tpu.vector_load %arg4[%get3A_910, %get3A_911, %get3A_912] {strides = array<i32>} : memref<3x32x256xf32, #tpu.memory_space<vmem>>, vector<1x1x16xf32>,
          %get3A_914 = vector.shape_cast %get3A_913 : vector<1x1x16xf32> to vector<16xf32>
          %mul3A_915 = vector.broadcast %select_n3A_690 : f32 to vector<16xf32>
          %mul3A_916 = arith.mulf %mul3A_915, %get3A_914 : vector<16xf32>
          %get3A_917 = arith.index_cast %sub3A_581 : i32 to index
          %get3A_918 = arith.index_cast %min3A_679 : i32 to index
          %get3A_919 = arith.constant 112 : index
          %get3A_920 = tpu.vector_load %arg5[%get3A_917, %get3A_918, %get3A_919] {strides = array<i32>} : memref<3x88x256xf32, #tpu.memory_space<vmem>>, vector<1x1x16xf32>,
          %get3A_921 = vector.shape_cast %get3A_920 : vector<1x1x16xf32> to vector<16xf32>
          %mul3A_922 = vector.broadcast %select_n3A_699 : f32 to vector<16xf32>
          %mul3A_923 = arith.mulf %mul3A_922, %get3A_921 : vector<16xf32>
          %add3A_924 = arith.addf %mul3A_916, %mul3A_923 : vector<16xf32>
          %get3A_925 = arith.index_cast %sub3A_581 : i32 to index
          %get3A_926 = arith.index_cast %min3A_686 : i32 to index
          %get3A_927 = arith.constant 112 : index
          %get3A_928 = tpu.vector_load %arg5[%get3A_925, %get3A_926, %get3A_927] {strides = array<i32>} : memref<3x88x256xf32, #tpu.memory_space<vmem>>, vector<1x1x16xf32>,
          %get3A_929 = vector.shape_cast %get3A_928 : vector<1x1x16xf32> to vector<16xf32>
          %mul3A_930 = vector.broadcast %select_n3A_708 : f32 to vector<16xf32>
          %mul3A_931 = arith.mulf %mul3A_930, %get3A_929 : vector<16xf32>
          %add3A_932 = arith.addf %add3A_924, %mul3A_931 : vector<16xf32>
          %swap3A_933 = arith.index_cast %sub3A_581 : i32 to index
          %swap3A_934 = arith.index_cast %scan3A_663 : i32 to index
          %swap3A_935 = arith.constant 112 : index
          %swap3A_936 = tpu.vector_load %arg6[%swap3A_933, %swap3A_934, %swap3A_935] {strides = array<i32>} : memref<3x40x256xf32, #tpu.memory_space<vmem>>, vector<1x1x16xf32>,
          %swap3A_937 = vector.shape_cast %swap3A_936 : vector<1x1x16xf32> to vector<16xf32>
          %swap3A_938 = vector.shape_cast %add3A_932 : vector<16xf32> to vector<1x1x16xf32>
          tpu.vector_store %arg6[%swap3A_933, %swap3A_934, %swap3A_935], %swap3A_938 {strides = array<i32>} : memref<3x40x256xf32, #tpu.memory_space<vmem>>, vector<1x1x16xf32>,
          %get3A_939 = arith.index_cast %sub3A_581 : i32 to index
          %get3A_940 = arith.index_cast %max3A_672 : i32 to index
          %get3A_941 = arith.constant 128 : index
          %get3A_942 = tpu.vector_load %arg4[%get3A_939, %get3A_940, %get3A_941] {strides = array<i32>} : memref<3x32x256xf32, #tpu.memory_space<vmem>>, vector<1x1x16xf32>,
          %get3A_943 = vector.shape_cast %get3A_942 : vector<1x1x16xf32> to vector<16xf32>
          %mul3A_944 = vector.broadcast %select_n3A_690 : f32 to vector<16xf32>
          %mul3A_945 = arith.mulf %mul3A_944, %get3A_943 : vector<16xf32>
          %get3A_946 = arith.index_cast %sub3A_581 : i32 to index
          %get3A_947 = arith.index_cast %min3A_679 : i32 to index
          %get3A_948 = arith.constant 128 : index
          %get3A_949 = tpu.vector_load %arg5[%get3A_946, %get3A_947, %get3A_948] {strides = array<i32>} : memref<3x88x256xf32, #tpu.memory_space<vmem>>, vector<1x1x16xf32>,
          %get3A_950 = vector.shape_cast %get3A_949 : vector<1x1x16xf32> to vector<16xf32>
          %mul3A_951 = vector.broadcast %select_n3A_699 : f32 to vector<16xf32>
          %mul3A_952 = arith.mulf %mul3A_951, %get3A_950 : vector<16xf32>
          %add3A_953 = arith.addf %mul3A_945, %mul3A_952 : vector<16xf32>
          %get3A_954 = arith.index_cast %sub3A_581 : i32 to index
          %get3A_955 = arith.index_cast %min3A_686 : i32 to index
          %get3A_956 = arith.constant 128 : index
          %get3A_957 = tpu.vector_load %arg5[%get3A_954, %get3A_955, %get3A_956] {strides = array<i32>} : memref<3x88x256xf32, #tpu.memory_space<vmem>>, vector<1x1x16xf32>,
          %get3A_958 = vector.shape_cast %get3A_957 : vector<1x1x16xf32> to vector<16xf32>
          %mul3A_959 = vector.broadcast %select_n3A_708 : f32 to vector<16xf32>
          %mul3A_960 = arith.mulf %mul3A_959, %get3A_958 : vector<16xf32>
          %add3A_961 = arith.addf %add3A_953, %mul3A_960 : vector<16xf32>
          %swap3A_962 = arith.index_cast %sub3A_581 : i32 to index
          %swap3A_963 = arith.index_cast %scan3A_663 : i32 to index
          %swap3A_964 = arith.constant 128 : index
          %swap3A_965 = tpu.vector_load %arg6[%swap3A_962, %swap3A_963, %swap3A_964] {strides = array<i32>} : memref<3x40x256xf32, #tpu.memory_space<vmem>>, vector<1x1x16xf32>,
          %swap3A_966 = vector.shape_cast %swap3A_965 : vector<1x1x16xf32> to vector<16xf32>
          %swap3A_967 = vector.shape_cast %add3A_961 : vector<16xf32> to vector<1x1x16xf32>
          tpu.vector_store %arg6[%swap3A_962, %swap3A_963, %swap3A_964], %swap3A_967 {strides = array<i32>} : memref<3x40x256xf32, #tpu.memory_space<vmem>>, vector<1x1x16xf32>,
          %get3A_968 = arith.index_cast %sub3A_581 : i32 to index
          %get3A_969 = arith.index_cast %max3A_672 : i32 to index
          %get3A_970 = arith.constant 144 : index
          %get3A_971 = tpu.vector_load %arg4[%get3A_968, %get3A_969, %get3A_970] {strides = array<i32>} : memref<3x32x256xf32, #tpu.memory_space<vmem>>, vector<1x1x16xf32>,
          %get3A_972 = vector.shape_cast %get3A_971 : vector<1x1x16xf32> to vector<16xf32>
          %mul3A_973 = vector.broadcast %select_n3A_690 : f32 to vector<16xf32>
          %mul3A_974 = arith.mulf %mul3A_973, %get3A_972 : vector<16xf32>
          %get3A_975 = arith.index_cast %sub3A_581 : i32 to index
          %get3A_976 = arith.index_cast %min3A_679 : i32 to index
          %get3A_977 = arith.constant 144 : index
          %get3A_978 = tpu.vector_load %arg5[%get3A_975, %get3A_976, %get3A_977] {strides = array<i32>} : memref<3x88x256xf32, #tpu.memory_space<vmem>>, vector<1x1x16xf32>,
          %get3A_979 = vector.shape_cast %get3A_978 : vector<1x1x16xf32> to vector<16xf32>
          %mul3A_980 = vector.broadcast %select_n3A_699 : f32 to vector<16xf32>
          %mul3A_981 = arith.mulf %mul3A_980, %get3A_979 : vector<16xf32>
          %add3A_982 = arith.addf %mul3A_974, %mul3A_981 : vector<16xf32>
          %get3A_983 = arith.index_cast %sub3A_581 : i32 to index
          %get3A_984 = arith.index_cast %min3A_686 : i32 to index
          %get3A_985 = arith.constant 144 : index
          %get3A_986 = tpu.vector_load %arg5[%get3A_983, %get3A_984, %get3A_985] {strides = array<i32>} : memref<3x88x256xf32, #tpu.memory_space<vmem>>, vector<1x1x16xf32>,
          %get3A_987 = vector.shape_cast %get3A_986 : vector<1x1x16xf32> to vector<16xf32>
          %mul3A_988 = vector.broadcast %select_n3A_708 : f32 to vector<16xf32>
          %mul3A_989 = arith.mulf %mul3A_988, %get3A_987 : vector<16xf32>
          %add3A_990 = arith.addf %add3A_982, %mul3A_989 : vector<16xf32>
          %swap3A_991 = arith.index_cast %sub3A_581 : i32 to index
          %swap3A_992 = arith.index_cast %scan3A_663 : i32 to index
          %swap3A_993 = arith.constant 144 : index
          %swap3A_994 = tpu.vector_load %arg6[%swap3A_991, %swap3A_992, %swap3A_993] {strides = array<i32>} : memref<3x40x256xf32, #tpu.memory_space<vmem>>, vector<1x1x16xf32>,
          %swap3A_995 = vector.shape_cast %swap3A_994 : vector<1x1x16xf32> to vector<16xf32>
          %swap3A_996 = vector.shape_cast %add3A_990 : vector<16xf32> to vector<1x1x16xf32>
          tpu.vector_store %arg6[%swap3A_991, %swap3A_992, %swap3A_993], %swap3A_996 {strides = array<i32>} : memref<3x40x256xf32, #tpu.memory_space<vmem>>, vector<1x1x16xf32>,
          %get3A_997 = arith.index_cast %sub3A_581 : i32 to index
          %get3A_998 = arith.index_cast %max3A_672 : i32 to index
          %get3A_999 = arith.constant 160 : index
          %get3A_1000 = tpu.vector_load %arg4[%get3A_997, %get3A_998, %get3A_999] {strides = array<i32>} : memref<3x32x256xf32, #tpu.memory_space<vmem>>, vector<1x1x16xf32>,
          %get3A_1001 = vector.shape_cast %get3A_1000 : vector<1x1x16xf32> to vector<16xf32>
          %mul3A_1002 = vector.broadcast %select_n3A_690 : f32 to vector<16xf32>
          %mul3A_1003 = arith.mulf %mul3A_1002, %get3A_1001 : vector<16xf32>
          %get3A_1004 = arith.index_cast %sub3A_581 : i32 to index
          %get3A_1005 = arith.index_cast %min3A_679 : i32 to index
          %get3A_1006 = arith.constant 160 : index
          %get3A_1007 = tpu.vector_load %arg5[%get3A_1004, %get3A_1005, %get3A_1006] {strides = array<i32>} : memref<3x88x256xf32, #tpu.memory_space<vmem>>, vector<1x1x16xf32>,
          %get3A_1008 = vector.shape_cast %get3A_1007 : vector<1x1x16xf32> to vector<16xf32>
          %mul3A_1009 = vector.broadcast %select_n3A_699 : f32 to vector<16xf32>
          %mul3A_1010 = arith.mulf %mul3A_1009, %get3A_1008 : vector<16xf32>
          %add3A_1011 = arith.addf %mul3A_1003, %mul3A_1010 : vector<16xf32>
          %get3A_1012 = arith.index_cast %sub3A_581 : i32 to index
          %get3A_1013 = arith.index_cast %min3A_686 : i32 to index
          %get3A_1014 = arith.constant 160 : index
          %get3A_1015 = tpu.vector_load %arg5[%get3A_1012, %get3A_1013, %get3A_1014] {strides = array<i32>} : memref<3x88x256xf32, #tpu.memory_space<vmem>>, vector<1x1x16xf32>,
          %get3A_1016 = vector.shape_cast %get3A_1015 : vector<1x1x16xf32> to vector<16xf32>
          %mul3A_1017 = vector.broadcast %select_n3A_708 : f32 to vector<16xf32>
          %mul3A_1018 = arith.mulf %mul3A_1017, %get3A_1016 : vector<16xf32>
          %add3A_1019 = arith.addf %add3A_1011, %mul3A_1018 : vector<16xf32>
          %swap3A_1020 = arith.index_cast %sub3A_581 : i32 to index
          %swap3A_1021 = arith.index_cast %scan3A_663 : i32 to index
          %swap3A_1022 = arith.constant 160 : index
          %swap3A_1023 = tpu.vector_load %arg6[%swap3A_1020, %swap3A_1021, %swap3A_1022] {strides = array<i32>} : memref<3x40x256xf32, #tpu.memory_space<vmem>>, vector<1x1x16xf32>,
          %swap3A_1024 = vector.shape_cast %swap3A_1023 : vector<1x1x16xf32> to vector<16xf32>
          %swap3A_1025 = vector.shape_cast %add3A_1019 : vector<16xf32> to vector<1x1x16xf32>
          tpu.vector_store %arg6[%swap3A_1020, %swap3A_1021, %swap3A_1022], %swap3A_1025 {strides = array<i32>} : memref<3x40x256xf32, #tpu.memory_space<vmem>>, vector<1x1x16xf32>,
          %get3A_1026 = arith.index_cast %sub3A_581 : i32 to index
          %get3A_1027 = arith.index_cast %max3A_672 : i32 to index
          %get3A_1028 = arith.constant 176 : index
          %get3A_1029 = tpu.vector_load %arg4[%get3A_1026, %get3A_1027, %get3A_1028] {strides = array<i32>} : memref<3x32x256xf32, #tpu.memory_space<vmem>>, vector<1x1x16xf32>,
          %get3A_1030 = vector.shape_cast %get3A_1029 : vector<1x1x16xf32> to vector<16xf32>
          %mul3A_1031 = vector.broadcast %select_n3A_690 : f32 to vector<16xf32>
          %mul3A_1032 = arith.mulf %mul3A_1031, %get3A_1030 : vector<16xf32>
          %get3A_1033 = arith.index_cast %sub3A_581 : i32 to index
          %get3A_1034 = arith.index_cast %min3A_679 : i32 to index
          %get3A_1035 = arith.constant 176 : index
          %get3A_1036 = tpu.vector_load %arg5[%get3A_1033, %get3A_1034, %get3A_1035] {strides = array<i32>} : memref<3x88x256xf32, #tpu.memory_space<vmem>>, vector<1x1x16xf32>,
          %get3A_1037 = vector.shape_cast %get3A_1036 : vector<1x1x16xf32> to vector<16xf32>
          %mul3A_1038 = vector.broadcast %select_n3A_699 : f32 to vector<16xf32>
          %mul3A_1039 = arith.mulf %mul3A_1038, %get3A_1037 : vector<16xf32>
          %add3A_1040 = arith.addf %mul3A_1032, %mul3A_1039 : vector<16xf32>
          %get3A_1041 = arith.index_cast %sub3A_581 : i32 to index
          %get3A_1042 = arith.index_cast %min3A_686 : i32 to index
          %get3A_1043 = arith.constant 176 : index
          %get3A_1044 = tpu.vector_load %arg5[%get3A_1041, %get3A_1042, %get3A_1043] {strides = array<i32>} : memref<3x88x256xf32, #tpu.memory_space<vmem>>, vector<1x1x16xf32>,
          %get3A_1045 = vector.shape_cast %get3A_1044 : vector<1x1x16xf32> to vector<16xf32>
          %mul3A_1046 = vector.broadcast %select_n3A_708 : f32 to vector<16xf32>
          %mul3A_1047 = arith.mulf %mul3A_1046, %get3A_1045 : vector<16xf32>
          %add3A_1048 = arith.addf %add3A_1040, %mul3A_1047 : vector<16xf32>
          %swap3A_1049 = arith.index_cast %sub3A_581 : i32 to index
          %swap3A_1050 = arith.index_cast %scan3A_663 : i32 to index
          %swap3A_1051 = arith.constant 176 : index
          %swap3A_1052 = tpu.vector_load %arg6[%swap3A_1049, %swap3A_1050, %swap3A_1051] {strides = array<i32>} : memref<3x40x256xf32, #tpu.memory_space<vmem>>, vector<1x1x16xf32>,
          %swap3A_1053 = vector.shape_cast %swap3A_1052 : vector<1x1x16xf32> to vector<16xf32>
          %swap3A_1054 = vector.shape_cast %add3A_1048 : vector<16xf32> to vector<1x1x16xf32>
          tpu.vector_store %arg6[%swap3A_1049, %swap3A_1050, %swap3A_1051], %swap3A_1054 {strides = array<i32>} : memref<3x40x256xf32, #tpu.memory_space<vmem>>, vector<1x1x16xf32>,
          %get3A_1055 = arith.index_cast %sub3A_581 : i32 to index
          %get3A_1056 = arith.index_cast %max3A_672 : i32 to index
          %get3A_1057 = arith.constant 192 : index
          %get3A_1058 = tpu.vector_load %arg4[%get3A_1055, %get3A_1056, %get3A_1057] {strides = array<i32>} : memref<3x32x256xf32, #tpu.memory_space<vmem>>, vector<1x1x16xf32>,
          %get3A_1059 = vector.shape_cast %get3A_1058 : vector<1x1x16xf32> to vector<16xf32>
          %mul3A_1060 = vector.broadcast %select_n3A_690 : f32 to vector<16xf32>
          %mul3A_1061 = arith.mulf %mul3A_1060, %get3A_1059 : vector<16xf32>
          %get3A_1062 = arith.index_cast %sub3A_581 : i32 to index
          %get3A_1063 = arith.index_cast %min3A_679 : i32 to index
          %get3A_1064 = arith.constant 192 : index
          %get3A_1065 = tpu.vector_load %arg5[%get3A_1062, %get3A_1063, %get3A_1064] {strides = array<i32>} : memref<3x88x256xf32, #tpu.memory_space<vmem>>, vector<1x1x16xf32>,
          %get3A_1066 = vector.shape_cast %get3A_1065 : vector<1x1x16xf32> to vector<16xf32>
          %mul3A_1067 = vector.broadcast %select_n3A_699 : f32 to vector<16xf32>
          %mul3A_1068 = arith.mulf %mul3A_1067, %get3A_1066 : vector<16xf32>
          %add3A_1069 = arith.addf %mul3A_1061, %mul3A_1068 : vector<16xf32>
          %get3A_1070 = arith.index_cast %sub3A_581 : i32 to index
          %get3A_1071 = arith.index_cast %min3A_686 : i32 to index
          %get3A_1072 = arith.constant 192 : index
          %get3A_1073 = tpu.vector_load %arg5[%get3A_1070, %get3A_1071, %get3A_1072] {strides = array<i32>} : memref<3x88x256xf32, #tpu.memory_space<vmem>>, vector<1x1x16xf32>,
          %get3A_1074 = vector.shape_cast %get3A_1073 : vector<1x1x16xf32> to vector<16xf32>
          %mul3A_1075 = vector.broadcast %select_n3A_708 : f32 to vector<16xf32>
          %mul3A_1076 = arith.mulf %mul3A_1075, %get3A_1074 : vector<16xf32>
          %add3A_1077 = arith.addf %add3A_1069, %mul3A_1076 : vector<16xf32>
          %swap3A_1078 = arith.index_cast %sub3A_581 : i32 to index
          %swap3A_1079 = arith.index_cast %scan3A_663 : i32 to index
          %swap3A_1080 = arith.constant 192 : index
          %swap3A_1081 = tpu.vector_load %arg6[%swap3A_1078, %swap3A_1079, %swap3A_1080] {strides = array<i32>} : memref<3x40x256xf32, #tpu.memory_space<vmem>>, vector<1x1x16xf32>,
          %swap3A_1082 = vector.shape_cast %swap3A_1081 : vector<1x1x16xf32> to vector<16xf32>
          %swap3A_1083 = vector.shape_cast %add3A_1077 : vector<16xf32> to vector<1x1x16xf32>
          tpu.vector_store %arg6[%swap3A_1078, %swap3A_1079, %swap3A_1080], %swap3A_1083 {strides = array<i32>} : memref<3x40x256xf32, #tpu.memory_space<vmem>>, vector<1x1x16xf32>,
          %get3A_1084 = arith.index_cast %sub3A_581 : i32 to index
          %get3A_1085 = arith.index_cast %max3A_672 : i32 to index
          %get3A_1086 = arith.constant 208 : index
          %get3A_1087 = tpu.vector_load %arg4[%get3A_1084, %get3A_1085, %get3A_1086] {strides = array<i32>} : memref<3x32x256xf32, #tpu.memory_space<vmem>>, vector<1x1x16xf32>,
          %get3A_1088 = vector.shape_cast %get3A_1087 : vector<1x1x16xf32> to vector<16xf32>
          %mul3A_1089 = vector.broadcast %select_n3A_690 : f32 to vector<16xf32>
          %mul3A_1090 = arith.mulf %mul3A_1089, %get3A_1088 : vector<16xf32>
          %get3A_1091 = arith.index_cast %sub3A_581 : i32 to index
          %get3A_1092 = arith.index_cast %min3A_679 : i32 to index
          %get3A_1093 = arith.constant 208 : index
          %get3A_1094 = tpu.vector_load %arg5[%get3A_1091, %get3A_1092, %get3A_1093] {strides = array<i32>} : memref<3x88x256xf32, #tpu.memory_space<vmem>>, vector<1x1x16xf32>,
          %get3A_1095 = vector.shape_cast %get3A_1094 : vector<1x1x16xf32> to vector<16xf32>
          %mul3A_1096 = vector.broadcast %select_n3A_699 : f32 to vector<16xf32>
          %mul3A_1097 = arith.mulf %mul3A_1096, %get3A_1095 : vector<16xf32>
          %add3A_1098 = arith.addf %mul3A_1090, %mul3A_1097 : vector<16xf32>
          %get3A_1099 = arith.index_cast %sub3A_581 : i32 to index
          %get3A_1100 = arith.index_cast %min3A_686 : i32 to index
          %get3A_1101 = arith.constant 208 : index
          %get3A_1102 = tpu.vector_load %arg5[%get3A_1099, %get3A_1100, %get3A_1101] {strides = array<i32>} : memref<3x88x256xf32, #tpu.memory_space<vmem>>, vector<1x1x16xf32>,
          %get3A_1103 = vector.shape_cast %get3A_1102 : vector<1x1x16xf32> to vector<16xf32>
          %mul3A_1104 = vector.broadcast %select_n3A_708 : f32 to vector<16xf32>
          %mul3A_1105 = arith.mulf %mul3A_1104, %get3A_1103 : vector<16xf32>
          %add3A_1106 = arith.addf %add3A_1098, %mul3A_1105 : vector<16xf32>
          %swap3A_1107 = arith.index_cast %sub3A_581 : i32 to index
          %swap3A_1108 = arith.index_cast %scan3A_663 : i32 to index
          %swap3A_1109 = arith.constant 208 : index
          %swap3A_1110 = tpu.vector_load %arg6[%swap3A_1107, %swap3A_1108, %swap3A_1109] {strides = array<i32>} : memref<3x40x256xf32, #tpu.memory_space<vmem>>, vector<1x1x16xf32>,
          %swap3A_1111 = vector.shape_cast %swap3A_1110 : vector<1x1x16xf32> to vector<16xf32>
          %swap3A_1112 = vector.shape_cast %add3A_1106 : vector<16xf32> to vector<1x1x16xf32>
          tpu.vector_store %arg6[%swap3A_1107, %swap3A_1108, %swap3A_1109], %swap3A_1112 {strides = array<i32>} : memref<3x40x256xf32, #tpu.memory_space<vmem>>, vector<1x1x16xf32>,
          %get3A_1113 = arith.index_cast %sub3A_581 : i32 to index
          %get3A_1114 = arith.index_cast %max3A_672 : i32 to index
          %get3A_1115 = arith.constant 224 : index
          %get3A_1116 = tpu.vector_load %arg4[%get3A_1113, %get3A_1114, %get3A_1115] {strides = array<i32>} : memref<3x32x256xf32, #tpu.memory_space<vmem>>, vector<1x1x16xf32>,
          %get3A_1117 = vector.shape_cast %get3A_1116 : vector<1x1x16xf32> to vector<16xf32>
          %mul3A_1118 = vector.broadcast %select_n3A_690 : f32 to vector<16xf32>
          %mul3A_1119 = arith.mulf %mul3A_1118, %get3A_1117 : vector<16xf32>
          %get3A_1120 = arith.index_cast %sub3A_581 : i32 to index
          %get3A_1121 = arith.index_cast %min3A_679 : i32 to index
          %get3A_1122 = arith.constant 224 : index
          %get3A_1123 = tpu.vector_load %arg5[%get3A_1120, %get3A_1121, %get3A_1122] {strides = array<i32>} : memref<3x88x256xf32, #tpu.memory_space<vmem>>, vector<1x1x16xf32>,
          %get3A_1124 = vector.shape_cast %get3A_1123 : vector<1x1x16xf32> to vector<16xf32>
          %mul3A_1125 = vector.broadcast %select_n3A_699 : f32 to vector<16xf32>
          %mul3A_1126 = arith.mulf %mul3A_1125, %get3A_1124 : vector<16xf32>
          %add3A_1127 = arith.addf %mul3A_1119, %mul3A_1126 : vector<16xf32>
          %get3A_1128 = arith.index_cast %sub3A_581 : i32 to index
          %get3A_1129 = arith.index_cast %min3A_686 : i32 to index
          %get3A_1130 = arith.constant 224 : index
          %get3A_1131 = tpu.vector_load %arg5[%get3A_1128, %get3A_1129, %get3A_1130] {strides = array<i32>} : memref<3x88x256xf32, #tpu.memory_space<vmem>>, vector<1x1x16xf32>,
          %get3A_1132 = vector.shape_cast %get3A_1131 : vector<1x1x16xf32> to vector<16xf32>
          %mul3A_1133 = vector.broadcast %select_n3A_708 : f32 to vector<16xf32>
          %mul3A_1134 = arith.mulf %mul3A_1133, %get3A_1132 : vector<16xf32>
          %add3A_1135 = arith.addf %add3A_1127, %mul3A_1134 : vector<16xf32>
          %swap3A_1136 = arith.index_cast %sub3A_581 : i32 to index
          %swap3A_1137 = arith.index_cast %scan3A_663 : i32 to index
          %swap3A_1138 = arith.constant 224 : index
          %swap3A_1139 = tpu.vector_load %arg6[%swap3A_1136, %swap3A_1137, %swap3A_1138] {strides = array<i32>} : memref<3x40x256xf32, #tpu.memory_space<vmem>>, vector<1x1x16xf32>,
          %swap3A_1140 = vector.shape_cast %swap3A_1139 : vector<1x1x16xf32> to vector<16xf32>
          %swap3A_1141 = vector.shape_cast %add3A_1135 : vector<16xf32> to vector<1x1x16xf32>
          tpu.vector_store %arg6[%swap3A_1136, %swap3A_1137, %swap3A_1138], %swap3A_1141 {strides = array<i32>} : memref<3x40x256xf32, #tpu.memory_space<vmem>>, vector<1x1x16xf32>,
          %get3A_1142 = arith.index_cast %sub3A_581 : i32 to index
          %get3A_1143 = arith.index_cast %max3A_672 : i32 to index
          %get3A_1144 = arith.constant 240 : index
          %get3A_1145 = tpu.vector_load %arg4[%get3A_1142, %get3A_1143, %get3A_1144] {strides = array<i32>} : memref<3x32x256xf32, #tpu.memory_space<vmem>>, vector<1x1x16xf32>,
          %get3A_1146 = vector.shape_cast %get3A_1145 : vector<1x1x16xf32> to vector<16xf32>
          %mul3A_1147 = vector.broadcast %select_n3A_690 : f32 to vector<16xf32>
          %mul3A_1148 = arith.mulf %mul3A_1147, %get3A_1146 : vector<16xf32>
          %get3A_1149 = arith.index_cast %sub3A_581 : i32 to index
          %get3A_1150 = arith.index_cast %min3A_679 : i32 to index
          %get3A_1151 = arith.constant 240 : index
          %get3A_1152 = tpu.vector_load %arg5[%get3A_1149, %get3A_1150, %get3A_1151] {strides = array<i32>} : memref<3x88x256xf32, #tpu.memory_space<vmem>>, vector<1x1x16xf32>,
          %get3A_1153 = vector.shape_cast %get3A_1152 : vector<1x1x16xf32> to vector<16xf32>
          %mul3A_1154 = vector.broadcast %select_n3A_699 : f32 to vector<16xf32>
          %mul3A_1155 = arith.mulf %mul3A_1154, %get3A_1153 : vector<16xf32>
          %add3A_1156 = arith.addf %mul3A_1148, %mul3A_1155 : vector<16xf32>
          %get3A_1157 = arith.index_cast %sub3A_581 : i32 to index
          %get3A_1158 = arith.index_cast %min3A_686 : i32 to index
          %get3A_1159 = arith.constant 240 : index
          %get3A_1160 = tpu.vector_load %arg5[%get3A_1157, %get3A_1158, %get3A_1159] {strides = array<i32>} : memref<3x88x256xf32, #tpu.memory_space<vmem>>, vector<1x1x16xf32>,
          %get3A_1161 = vector.shape_cast %get3A_1160 : vector<1x1x16xf32> to vector<16xf32>
          %mul3A_1162 = vector.broadcast %select_n3A_708 : f32 to vector<16xf32>
          %mul3A_1163 = arith.mulf %mul3A_1162, %get3A_1161 : vector<16xf32>
          %add3A_1164 = arith.addf %add3A_1156, %mul3A_1163 : vector<16xf32>
          %swap3A_1165 = arith.index_cast %sub3A_581 : i32 to index
          %swap3A_1166 = arith.index_cast %scan3A_663 : i32 to index
          %swap3A_1167 = arith.constant 240 : index
          %swap3A_1168 = tpu.vector_load %arg6[%swap3A_1165, %swap3A_1166, %swap3A_1167] {strides = array<i32>} : memref<3x40x256xf32, #tpu.memory_space<vmem>>, vector<1x1x16xf32>,
          %swap3A_1169 = vector.shape_cast %swap3A_1168 : vector<1x1x16xf32> to vector<16xf32>
          %swap3A_1170 = vector.shape_cast %add3A_1164 : vector<16xf32> to vector<1x1x16xf32>
          tpu.vector_store %arg6[%swap3A_1165, %swap3A_1166, %swap3A_1167], %swap3A_1170 {strides = array<i32>} : memref<3x40x256xf32, #tpu.memory_space<vmem>>, vector<1x1x16xf32>,
          %scan3A_1171 = arith.constant 0 : i32
          scf.yield %scan3A_1171 : i32
        }
        %scan3A_662 = arith.constant 40 : i32
      } else {
      }
      %not3A = arith.constant true
      %not3A_607 = arith.xori %or3A, %not3A : i1
      %convert_element_type3A_608 = arith.extui %not3A_607 : i1 to i32
      %cond3A_609 = arith.constant 0 : i32
      %cond3A_610 = arith.cmpi ne, %convert_element_type3A_608, %cond3A_609 : i32
      scf.if %cond3A_610 {
        %scan3A = arith.constant 0 : i32
        %scan3A_657 = arith.constant 0 : i32
        %scan3A_658 = arith.constant 40 : i32
        %scan3A_659 = arith.addi %scan3A_657, %scan3A_658 : i32
        %scan3A_660 = arith.constant 1 : i32
        %scan3A_661 = scf.for %scan3A_663 = %scan3A_657 to %scan3A_659 step %scan3A_660 iter_args(%scan3A_664 = %scan3A) -> (i32)  : i32 {
          %add3A_665 = arith.addi %mul3A_583, %scan3A_663 : i32
          %sub3A_666 = arith.constant 1 : i32
          %sub3A_667 = arith.subi %add3A_665, %sub3A_666 : i32
          %shift_right_arithmetic3A_668 = arith.constant 1 : i32
          %shift_right_arithmetic3A_669 = arith.shrsi %sub3A_667, %shift_right_arithmetic3A_668 : i32
          %sub3A_670 = arith.subi %shift_right_arithmetic3A_669, %max3A_593 : i32
          %get3A = arith.index_cast %sub3A_581 : i32 to index
          %get3A_671 = arith.index_cast %sub3A_670 : i32 to index
          %get3A_672 = arith.constant 0 : index
          %get3A_673 = tpu.vector_load %arg4[%get3A, %get3A_671, %get3A_672] {strides = array<i32>} : memref<3x32x256xf32, #tpu.memory_space<vmem>>, vector<1x1x16xf32>,
          %get3A_674 = vector.shape_cast %get3A_673 : vector<1x1x16xf32> to vector<16xf32>
          %get3A_675 = arith.index_cast %sub3A_581 : i32 to index
          %get3A_676 = arith.index_cast %sub3A_670 : i32 to index
          %get3A_677 = arith.constant 16 : index
          %get3A_678 = tpu.vector_load %arg4[%get3A_675, %get3A_676, %get3A_677] {strides = array<i32>} : memref<3x32x256xf32, #tpu.memory_space<vmem>>, vector<1x1x16xf32>,
          %get3A_679 = vector.shape_cast %get3A_678 : vector<1x1x16xf32> to vector<16xf32>
          %get3A_680 = arith.index_cast %sub3A_581 : i32 to index
          %get3A_681 = arith.index_cast %sub3A_670 : i32 to index
          %get3A_682 = arith.constant 32 : index
          %get3A_683 = tpu.vector_load %arg4[%get3A_680, %get3A_681, %get3A_682] {strides = array<i32>} : memref<3x32x256xf32, #tpu.memory_space<vmem>>, vector<1x1x16xf32>,
          %get3A_684 = vector.shape_cast %get3A_683 : vector<1x1x16xf32> to vector<16xf32>
          %get3A_685 = arith.index_cast %sub3A_581 : i32 to index
          %get3A_686 = arith.index_cast %sub3A_670 : i32 to index
          %get3A_687 = arith.constant 48 : index
          %get3A_688 = tpu.vector_load %arg4[%get3A_685, %get3A_686, %get3A_687] {strides = array<i32>} : memref<3x32x256xf32, #tpu.memory_space<vmem>>, vector<1x1x16xf32>,
          %get3A_689 = vector.shape_cast %get3A_688 : vector<1x1x16xf32> to vector<16xf32>
          %mul3A_690 = arith.constant 2 : i32
          %mul3A_691 = arith.muli %mul3A_690, %scan3A_663 : i32
          %add3A_692 = arith.constant 1 : i32
          %add3A_693 = arith.addi %mul3A_691, %add3A_692 : i32
          %get3A_694 = arith.index_cast %sub3A_581 : i32 to index
          %get3A_695 = arith.index_cast %add3A_693 : i32 to index
          %get3A_696 = arith.constant 0 : index
          %get3A_697 = tpu.vector_load %arg5[%get3A_694, %get3A_695, %get3A_696] {strides = array<i32>} : memref<3x88x256xf32, #tpu.memory_space<vmem>>, vector<1x1x16xf32>,
          %get3A_698 = vector.shape_cast %get3A_697 : vector<1x1x16xf32> to vector<16xf32>
          %mul3A_699 = arith.constant 2 : i32
          %mul3A_700 = arith.muli %mul3A_699, %scan3A_663 : i32
          %add3A_701 = arith.constant 1 : i32
          %add3A_702 = arith.addi %mul3A_700, %add3A_701 : i32
          %get3A_703 = arith.index_cast %sub3A_581 : i32 to index
          %get3A_704 = arith.index_cast %add3A_702 : i32 to index
          %get3A_705 = arith.constant 16 : index
          %get3A_706 = tpu.vector_load %arg5[%get3A_703, %get3A_704, %get3A_705] {strides = array<i32>} : memref<3x88x256xf32, #tpu.memory_space<vmem>>, vector<1x1x16xf32>,
          %get3A_707 = vector.shape_cast %get3A_706 : vector<1x1x16xf32> to vector<16xf32>
          %mul3A_708 = arith.constant 2 : i32
          %mul3A_709 = arith.muli %mul3A_708, %scan3A_663 : i32
          %add3A_710 = arith.constant 1 : i32
          %add3A_711 = arith.addi %mul3A_709, %add3A_710 : i32
          %get3A_712 = arith.index_cast %sub3A_581 : i32 to index
          %get3A_713 = arith.index_cast %add3A_711 : i32 to index
          %get3A_714 = arith.constant 32 : index
          %get3A_715 = tpu.vector_load %arg5[%get3A_712, %get3A_713, %get3A_714] {strides = array<i32>} : memref<3x88x256xf32, #tpu.memory_space<vmem>>, vector<1x1x16xf32>,
          %get3A_716 = vector.shape_cast %get3A_715 : vector<1x1x16xf32> to vector<16xf32>
          %mul3A_717 = arith.constant 2 : i32
          %mul3A_718 = arith.muli %mul3A_717, %scan3A_663 : i32
          %add3A_719 = arith.constant 1 : i32
          %add3A_720 = arith.addi %mul3A_718, %add3A_719 : i32
          %get3A_721 = arith.index_cast %sub3A_581 : i32 to index
          %get3A_722 = arith.index_cast %add3A_720 : i32 to index
          %get3A_723 = arith.constant 48 : index
          %get3A_724 = tpu.vector_load %arg5[%get3A_721, %get3A_722, %get3A_723] {strides = array<i32>} : memref<3x88x256xf32, #tpu.memory_space<vmem>>, vector<1x1x16xf32>,
          %get3A_725 = vector.shape_cast %get3A_724 : vector<1x1x16xf32> to vector<16xf32>
          %mul3A_726 = arith.constant 2 : i32
          %mul3A_727 = arith.muli %mul3A_726, %scan3A_663 : i32
          %add3A_728 = arith.constant 2 : i32
          %add3A_729 = arith.addi %mul3A_727, %add3A_728 : i32
          %get3A_730 = arith.index_cast %sub3A_581 : i32 to index
          %get3A_731 = arith.index_cast %add3A_729 : i32 to index
          %get3A_732 = arith.constant 0 : index
          %get3A_733 = tpu.vector_load %arg5[%get3A_730, %get3A_731, %get3A_732] {strides = array<i32>} : memref<3x88x256xf32, #tpu.memory_space<vmem>>, vector<1x1x16xf32>,
          %get3A_734 = vector.shape_cast %get3A_733 : vector<1x1x16xf32> to vector<16xf32>
          %mul3A_735 = arith.constant 2 : i32
          %mul3A_736 = arith.muli %mul3A_735, %scan3A_663 : i32
          %add3A_737 = arith.constant 2 : i32
          %add3A_738 = arith.addi %mul3A_736, %add3A_737 : i32
          %get3A_739 = arith.index_cast %sub3A_581 : i32 to index
          %get3A_740 = arith.index_cast %add3A_738 : i32 to index
          %get3A_741 = arith.constant 16 : index
          %get3A_742 = tpu.vector_load %arg5[%get3A_739, %get3A_740, %get3A_741] {strides = array<i32>} : memref<3x88x256xf32, #tpu.memory_space<vmem>>, vector<1x1x16xf32>,
          %get3A_743 = vector.shape_cast %get3A_742 : vector<1x1x16xf32> to vector<16xf32>
          %mul3A_744 = arith.constant 2 : i32
          %mul3A_745 = arith.muli %mul3A_744, %scan3A_663 : i32
          %add3A_746 = arith.constant 2 : i32
          %add3A_747 = arith.addi %mul3A_745, %add3A_746 : i32
          %get3A_748 = arith.index_cast %sub3A_581 : i32 to index
          %get3A_749 = arith.index_cast %add3A_747 : i32 to index
          %get3A_750 = arith.constant 32 : index
          %get3A_751 = tpu.vector_load %arg5[%get3A_748, %get3A_749, %get3A_750] {strides = array<i32>} : memref<3x88x256xf32, #tpu.memory_space<vmem>>, vector<1x1x16xf32>,
          %get3A_752 = vector.shape_cast %get3A_751 : vector<1x1x16xf32> to vector<16xf32>
          %mul3A_753 = arith.constant 2 : i32
          %mul3A_754 = arith.muli %mul3A_753, %scan3A_663 : i32
          %add3A_755 = arith.constant 2 : i32
          %add3A_756 = arith.addi %mul3A_754, %add3A_755 : i32
          %get3A_757 = arith.index_cast %sub3A_581 : i32 to index
          %get3A_758 = arith.index_cast %add3A_756 : i32 to index
          %get3A_759 = arith.constant 48 : index
          %get3A_760 = tpu.vector_load %arg5[%get3A_757, %get3A_758, %get3A_759] {strides = array<i32>} : memref<3x88x256xf32, #tpu.memory_space<vmem>>, vector<1x1x16xf32>,
          %get3A_761 = vector.shape_cast %get3A_760 : vector<1x1x16xf32> to vector<16xf32>
          %add3A_762 = arith.addf %get3A_698, %get3A_734 : vector<16xf32>
          %add3A_763 = arith.addf %get3A_674, %add3A_762 : vector<16xf32>
          %swap3A = arith.index_cast %sub3A_581 : i32 to index
          %swap3A_764 = arith.index_cast %scan3A_663 : i32 to index
          %swap3A_765 = arith.constant 0 : index
          %swap3A_766 = tpu.vector_load %arg6[%swap3A, %swap3A_764, %swap3A_765] {strides = array<i32>} : memref<3x40x256xf32, #tpu.memory_space<vmem>>, vector<1x1x16xf32>,
          %swap3A_767 = vector.shape_cast %swap3A_766 : vector<1x1x16xf32> to vector<16xf32>
          %swap3A_768 = vector.shape_cast %add3A_763 : vector<16xf32> to vector<1x1x16xf32>
          tpu.vector_store %arg6[%swap3A, %swap3A_764, %swap3A_765], %swap3A_768 {strides = array<i32>} : memref<3x40x256xf32, #tpu.memory_space<vmem>>, vector<1x1x16xf32>,
          %add3A_769 = arith.addf %get3A_707, %get3A_743 : vector<16xf32>
          %add3A_770 = arith.addf %get3A_679, %add3A_769 : vector<16xf32>
          %swap3A_771 = arith.index_cast %sub3A_581 : i32 to index
          %swap3A_772 = arith.index_cast %scan3A_663 : i32 to index
          %swap3A_773 = arith.constant 16 : index
          %swap3A_774 = tpu.vector_load %arg6[%swap3A_771, %swap3A_772, %swap3A_773] {strides = array<i32>} : memref<3x40x256xf32, #tpu.memory_space<vmem>>, vector<1x1x16xf32>,
          %swap3A_775 = vector.shape_cast %swap3A_774 : vector<1x1x16xf32> to vector<16xf32>
          %swap3A_776 = vector.shape_cast %add3A_770 : vector<16xf32> to vector<1x1x16xf32>
          tpu.vector_store %arg6[%swap3A_771, %swap3A_772, %swap3A_773], %swap3A_776 {strides = array<i32>} : memref<3x40x256xf32, #tpu.memory_space<vmem>>, vector<1x1x16xf32>,
          %add3A_777 = arith.addf %get3A_716, %get3A_752 : vector<16xf32>
          %add3A_778 = arith.addf %get3A_684, %add3A_777 : vector<16xf32>
          %swap3A_779 = arith.index_cast %sub3A_581 : i32 to index
          %swap3A_780 = arith.index_cast %scan3A_663 : i32 to index
          %swap3A_781 = arith.constant 32 : index
          %swap3A_782 = tpu.vector_load %arg6[%swap3A_779, %swap3A_780, %swap3A_781] {strides = array<i32>} : memref<3x40x256xf32, #tpu.memory_space<vmem>>, vector<1x1x16xf32>,
          %swap3A_783 = vector.shape_cast %swap3A_782 : vector<1x1x16xf32> to vector<16xf32>
          %swap3A_784 = vector.shape_cast %add3A_778 : vector<16xf32> to vector<1x1x16xf32>
          tpu.vector_store %arg6[%swap3A_779, %swap3A_780, %swap3A_781], %swap3A_784 {strides = array<i32>} : memref<3x40x256xf32, #tpu.memory_space<vmem>>, vector<1x1x16xf32>,
          %add3A_785 = arith.addf %get3A_725, %get3A_761 : vector<16xf32>
          %add3A_786 = arith.addf %get3A_689, %add3A_785 : vector<16xf32>
          %swap3A_787 = arith.index_cast %sub3A_581 : i32 to index
          %swap3A_788 = arith.index_cast %scan3A_663 : i32 to index
          %swap3A_789 = arith.constant 48 : index
          %swap3A_790 = tpu.vector_load %arg6[%swap3A_787, %swap3A_788, %swap3A_789] {strides = array<i32>} : memref<3x40x256xf32, #tpu.memory_space<vmem>>, vector<1x1x16xf32>,
          %swap3A_791 = vector.shape_cast %swap3A_790 : vector<1x1x16xf32> to vector<16xf32>
          %swap3A_792 = vector.shape_cast %add3A_786 : vector<16xf32> to vector<1x1x16xf32>
          tpu.vector_store %arg6[%swap3A_787, %swap3A_788, %swap3A_789], %swap3A_792 {strides = array<i32>} : memref<3x40x256xf32, #tpu.memory_space<vmem>>, vector<1x1x16xf32>,
          %get3A_793 = arith.index_cast %sub3A_581 : i32 to index
          %get3A_794 = arith.index_cast %sub3A_670 : i32 to index
          %get3A_795 = arith.constant 64 : index
          %get3A_796 = tpu.vector_load %arg4[%get3A_793, %get3A_794, %get3A_795] {strides = array<i32>} : memref<3x32x256xf32, #tpu.memory_space<vmem>>, vector<1x1x16xf32>,
          %get3A_797 = vector.shape_cast %get3A_796 : vector<1x1x16xf32> to vector<16xf32>
          %get3A_798 = arith.index_cast %sub3A_581 : i32 to index
          %get3A_799 = arith.index_cast %sub3A_670 : i32 to index
          %get3A_800 = arith.constant 80 : index
          %get3A_801 = tpu.vector_load %arg4[%get3A_798, %get3A_799, %get3A_800] {strides = array<i32>} : memref<3x32x256xf32, #tpu.memory_space<vmem>>, vector<1x1x16xf32>,
          %get3A_802 = vector.shape_cast %get3A_801 : vector<1x1x16xf32> to vector<16xf32>
          %get3A_803 = arith.index_cast %sub3A_581 : i32 to index
          %get3A_804 = arith.index_cast %sub3A_670 : i32 to index
          %get3A_805 = arith.constant 96 : index
          %get3A_806 = tpu.vector_load %arg4[%get3A_803, %get3A_804, %get3A_805] {strides = array<i32>} : memref<3x32x256xf32, #tpu.memory_space<vmem>>, vector<1x1x16xf32>,
          %get3A_807 = vector.shape_cast %get3A_806 : vector<1x1x16xf32> to vector<16xf32>
          %get3A_808 = arith.index_cast %sub3A_581 : i32 to index
          %get3A_809 = arith.index_cast %sub3A_670 : i32 to index
          %get3A_810 = arith.constant 112 : index
          %get3A_811 = tpu.vector_load %arg4[%get3A_808, %get3A_809, %get3A_810] {strides = array<i32>} : memref<3x32x256xf32, #tpu.memory_space<vmem>>, vector<1x1x16xf32>,
          %get3A_812 = vector.shape_cast %get3A_811 : vector<1x1x16xf32> to vector<16xf32>
          %mul3A_813 = arith.constant 2 : i32
          %mul3A_814 = arith.muli %mul3A_813, %scan3A_663 : i32
          %add3A_815 = arith.constant 1 : i32
          %add3A_816 = arith.addi %mul3A_814, %add3A_815 : i32
          %get3A_817 = arith.index_cast %sub3A_581 : i32 to index
          %get3A_818 = arith.index_cast %add3A_816 : i32 to index
          %get3A_819 = arith.constant 64 : index
          %get3A_820 = tpu.vector_load %arg5[%get3A_817, %get3A_818, %get3A_819] {strides = array<i32>} : memref<3x88x256xf32, #tpu.memory_space<vmem>>, vector<1x1x16xf32>,
          %get3A_821 = vector.shape_cast %get3A_820 : vector<1x1x16xf32> to vector<16xf32>
          %mul3A_822 = arith.constant 2 : i32
          %mul3A_823 = arith.muli %mul3A_822, %scan3A_663 : i32
          %add3A_824 = arith.constant 1 : i32
          %add3A_825 = arith.addi %mul3A_823, %add3A_824 : i32
          %get3A_826 = arith.index_cast %sub3A_581 : i32 to index
          %get3A_827 = arith.index_cast %add3A_825 : i32 to index
          %get3A_828 = arith.constant 80 : index
          %get3A_829 = tpu.vector_load %arg5[%get3A_826, %get3A_827, %get3A_828] {strides = array<i32>} : memref<3x88x256xf32, #tpu.memory_space<vmem>>, vector<1x1x16xf32>,
          %get3A_830 = vector.shape_cast %get3A_829 : vector<1x1x16xf32> to vector<16xf32>
          %mul3A_831 = arith.constant 2 : i32
          %mul3A_832 = arith.muli %mul3A_831, %scan3A_663 : i32
          %add3A_833 = arith.constant 1 : i32
          %add3A_834 = arith.addi %mul3A_832, %add3A_833 : i32
          %get3A_835 = arith.index_cast %sub3A_581 : i32 to index
          %get3A_836 = arith.index_cast %add3A_834 : i32 to index
          %get3A_837 = arith.constant 96 : index
          %get3A_838 = tpu.vector_load %arg5[%get3A_835, %get3A_836, %get3A_837] {strides = array<i32>} : memref<3x88x256xf32, #tpu.memory_space<vmem>>, vector<1x1x16xf32>,
          %get3A_839 = vector.shape_cast %get3A_838 : vector<1x1x16xf32> to vector<16xf32>
          %mul3A_840 = arith.constant 2 : i32
          %mul3A_841 = arith.muli %mul3A_840, %scan3A_663 : i32
          %add3A_842 = arith.constant 1 : i32
          %add3A_843 = arith.addi %mul3A_841, %add3A_842 : i32
          %get3A_844 = arith.index_cast %sub3A_581 : i32 to index
          %get3A_845 = arith.index_cast %add3A_843 : i32 to index
          %get3A_846 = arith.constant 112 : index
          %get3A_847 = tpu.vector_load %arg5[%get3A_844, %get3A_845, %get3A_846] {strides = array<i32>} : memref<3x88x256xf32, #tpu.memory_space<vmem>>, vector<1x1x16xf32>,
          %get3A_848 = vector.shape_cast %get3A_847 : vector<1x1x16xf32> to vector<16xf32>
          %mul3A_849 = arith.constant 2 : i32
          %mul3A_850 = arith.muli %mul3A_849, %scan3A_663 : i32
          %add3A_851 = arith.constant 2 : i32
          %add3A_852 = arith.addi %mul3A_850, %add3A_851 : i32
          %get3A_853 = arith.index_cast %sub3A_581 : i32 to index
          %get3A_854 = arith.index_cast %add3A_852 : i32 to index
          %get3A_855 = arith.constant 64 : index
          %get3A_856 = tpu.vector_load %arg5[%get3A_853, %get3A_854, %get3A_855] {strides = array<i32>} : memref<3x88x256xf32, #tpu.memory_space<vmem>>, vector<1x1x16xf32>,
          %get3A_857 = vector.shape_cast %get3A_856 : vector<1x1x16xf32> to vector<16xf32>
          %mul3A_858 = arith.constant 2 : i32
          %mul3A_859 = arith.muli %mul3A_858, %scan3A_663 : i32
          %add3A_860 = arith.constant 2 : i32
          %add3A_861 = arith.addi %mul3A_859, %add3A_860 : i32
          %get3A_862 = arith.index_cast %sub3A_581 : i32 to index
          %get3A_863 = arith.index_cast %add3A_861 : i32 to index
          %get3A_864 = arith.constant 80 : index
          %get3A_865 = tpu.vector_load %arg5[%get3A_862, %get3A_863, %get3A_864] {strides = array<i32>} : memref<3x88x256xf32, #tpu.memory_space<vmem>>, vector<1x1x16xf32>,
          %get3A_866 = vector.shape_cast %get3A_865 : vector<1x1x16xf32> to vector<16xf32>
          %mul3A_867 = arith.constant 2 : i32
          %mul3A_868 = arith.muli %mul3A_867, %scan3A_663 : i32
          %add3A_869 = arith.constant 2 : i32
          %add3A_870 = arith.addi %mul3A_868, %add3A_869 : i32
          %get3A_871 = arith.index_cast %sub3A_581 : i32 to index
          %get3A_872 = arith.index_cast %add3A_870 : i32 to index
          %get3A_873 = arith.constant 96 : index
          %get3A_874 = tpu.vector_load %arg5[%get3A_871, %get3A_872, %get3A_873] {strides = array<i32>} : memref<3x88x256xf32, #tpu.memory_space<vmem>>, vector<1x1x16xf32>,
          %get3A_875 = vector.shape_cast %get3A_874 : vector<1x1x16xf32> to vector<16xf32>
          %mul3A_876 = arith.constant 2 : i32
          %mul3A_877 = arith.muli %mul3A_876, %scan3A_663 : i32
          %add3A_878 = arith.constant 2 : i32
          %add3A_879 = arith.addi %mul3A_877, %add3A_878 : i32
          %get3A_880 = arith.index_cast %sub3A_581 : i32 to index
          %get3A_881 = arith.index_cast %add3A_879 : i32 to index
          %get3A_882 = arith.constant 112 : index
          %get3A_883 = tpu.vector_load %arg5[%get3A_880, %get3A_881, %get3A_882] {strides = array<i32>} : memref<3x88x256xf32, #tpu.memory_space<vmem>>, vector<1x1x16xf32>,
          %get3A_884 = vector.shape_cast %get3A_883 : vector<1x1x16xf32> to vector<16xf32>
          %add3A_885 = arith.addf %get3A_821, %get3A_857 : vector<16xf32>
          %add3A_886 = arith.addf %get3A_797, %add3A_885 : vector<16xf32>
          %swap3A_887 = arith.index_cast %sub3A_581 : i32 to index
          %swap3A_888 = arith.index_cast %scan3A_663 : i32 to index
          %swap3A_889 = arith.constant 64 : index
          %swap3A_890 = tpu.vector_load %arg6[%swap3A_887, %swap3A_888, %swap3A_889] {strides = array<i32>} : memref<3x40x256xf32, #tpu.memory_space<vmem>>, vector<1x1x16xf32>,
          %swap3A_891 = vector.shape_cast %swap3A_890 : vector<1x1x16xf32> to vector<16xf32>
          %swap3A_892 = vector.shape_cast %add3A_886 : vector<16xf32> to vector<1x1x16xf32>
          tpu.vector_store %arg6[%swap3A_887, %swap3A_888, %swap3A_889], %swap3A_892 {strides = array<i32>} : memref<3x40x256xf32, #tpu.memory_space<vmem>>, vector<1x1x16xf32>,
          %add3A_893 = arith.addf %get3A_830, %get3A_866 : vector<16xf32>
          %add3A_894 = arith.addf %get3A_802, %add3A_893 : vector<16xf32>
          %swap3A_895 = arith.index_cast %sub3A_581 : i32 to index
          %swap3A_896 = arith.index_cast %scan3A_663 : i32 to index
          %swap3A_897 = arith.constant 80 : index
          %swap3A_898 = tpu.vector_load %arg6[%swap3A_895, %swap3A_896, %swap3A_897] {strides = array<i32>} : memref<3x40x256xf32, #tpu.memory_space<vmem>>, vector<1x1x16xf32>,
          %swap3A_899 = vector.shape_cast %swap3A_898 : vector<1x1x16xf32> to vector<16xf32>
          %swap3A_900 = vector.shape_cast %add3A_894 : vector<16xf32> to vector<1x1x16xf32>
          tpu.vector_store %arg6[%swap3A_895, %swap3A_896, %swap3A_897], %swap3A_900 {strides = array<i32>} : memref<3x40x256xf32, #tpu.memory_space<vmem>>, vector<1x1x16xf32>,
          %add3A_901 = arith.addf %get3A_839, %get3A_875 : vector<16xf32>
          %add3A_902 = arith.addf %get3A_807, %add3A_901 : vector<16xf32>
          %swap3A_903 = arith.index_cast %sub3A_581 : i32 to index
          %swap3A_904 = arith.index_cast %scan3A_663 : i32 to index
          %swap3A_905 = arith.constant 96 : index
          %swap3A_906 = tpu.vector_load %arg6[%swap3A_903, %swap3A_904, %swap3A_905] {strides = array<i32>} : memref<3x40x256xf32, #tpu.memory_space<vmem>>, vector<1x1x16xf32>,
          %swap3A_907 = vector.shape_cast %swap3A_906 : vector<1x1x16xf32> to vector<16xf32>
          %swap3A_908 = vector.shape_cast %add3A_902 : vector<16xf32> to vector<1x1x16xf32>
          tpu.vector_store %arg6[%swap3A_903, %swap3A_904, %swap3A_905], %swap3A_908 {strides = array<i32>} : memref<3x40x256xf32, #tpu.memory_space<vmem>>, vector<1x1x16xf32>,
          %add3A_909 = arith.addf %get3A_848, %get3A_884 : vector<16xf32>
          %add3A_910 = arith.addf %get3A_812, %add3A_909 : vector<16xf32>
          %swap3A_911 = arith.index_cast %sub3A_581 : i32 to index
          %swap3A_912 = arith.index_cast %scan3A_663 : i32 to index
          %swap3A_913 = arith.constant 112 : index
          %swap3A_914 = tpu.vector_load %arg6[%swap3A_911, %swap3A_912, %swap3A_913] {strides = array<i32>} : memref<3x40x256xf32, #tpu.memory_space<vmem>>, vector<1x1x16xf32>,
          %swap3A_915 = vector.shape_cast %swap3A_914 : vector<1x1x16xf32> to vector<16xf32>
          %swap3A_916 = vector.shape_cast %add3A_910 : vector<16xf32> to vector<1x1x16xf32>
          tpu.vector_store %arg6[%swap3A_911, %swap3A_912, %swap3A_913], %swap3A_916 {strides = array<i32>} : memref<3x40x256xf32, #tpu.memory_space<vmem>>, vector<1x1x16xf32>,
          %get3A_917 = arith.index_cast %sub3A_581 : i32 to index
          %get3A_918 = arith.index_cast %sub3A_670 : i32 to index
          %get3A_919 = arith.constant 128 : index
          %get3A_920 = tpu.vector_load %arg4[%get3A_917, %get3A_918, %get3A_919] {strides = array<i32>} : memref<3x32x256xf32, #tpu.memory_space<vmem>>, vector<1x1x16xf32>,
          %get3A_921 = vector.shape_cast %get3A_920 : vector<1x1x16xf32> to vector<16xf32>
          %get3A_922 = arith.index_cast %sub3A_581 : i32 to index
          %get3A_923 = arith.index_cast %sub3A_670 : i32 to index
          %get3A_924 = arith.constant 144 : index
          %get3A_925 = tpu.vector_load %arg4[%get3A_922, %get3A_923, %get3A_924] {strides = array<i32>} : memref<3x32x256xf32, #tpu.memory_space<vmem>>, vector<1x1x16xf32>,
          %get3A_926 = vector.shape_cast %get3A_925 : vector<1x1x16xf32> to vector<16xf32>
          %get3A_927 = arith.index_cast %sub3A_581 : i32 to index
          %get3A_928 = arith.index_cast %sub3A_670 : i32 to index
          %get3A_929 = arith.constant 160 : index
          %get3A_930 = tpu.vector_load %arg4[%get3A_927, %get3A_928, %get3A_929] {strides = array<i32>} : memref<3x32x256xf32, #tpu.memory_space<vmem>>, vector<1x1x16xf32>,
          %get3A_931 = vector.shape_cast %get3A_930 : vector<1x1x16xf32> to vector<16xf32>
          %get3A_932 = arith.index_cast %sub3A_581 : i32 to index
          %get3A_933 = arith.index_cast %sub3A_670 : i32 to index
          %get3A_934 = arith.constant 176 : index
          %get3A_935 = tpu.vector_load %arg4[%get3A_932, %get3A_933, %get3A_934] {strides = array<i32>} : memref<3x32x256xf32, #tpu.memory_space<vmem>>, vector<1x1x16xf32>,
          %get3A_936 = vector.shape_cast %get3A_935 : vector<1x1x16xf32> to vector<16xf32>
          %mul3A_937 = arith.constant 2 : i32
          %mul3A_938 = arith.muli %mul3A_937, %scan3A_663 : i32
          %add3A_939 = arith.constant 1 : i32
          %add3A_940 = arith.addi %mul3A_938, %add3A_939 : i32
          %get3A_941 = arith.index_cast %sub3A_581 : i32 to index
          %get3A_942 = arith.index_cast %add3A_940 : i32 to index
          %get3A_943 = arith.constant 128 : index
          %get3A_944 = tpu.vector_load %arg5[%get3A_941, %get3A_942, %get3A_943] {strides = array<i32>} : memref<3x88x256xf32, #tpu.memory_space<vmem>>, vector<1x1x16xf32>,
          %get3A_945 = vector.shape_cast %get3A_944 : vector<1x1x16xf32> to vector<16xf32>
          %mul3A_946 = arith.constant 2 : i32
          %mul3A_947 = arith.muli %mul3A_946, %scan3A_663 : i32
          %add3A_948 = arith.constant 1 : i32
          %add3A_949 = arith.addi %mul3A_947, %add3A_948 : i32
          %get3A_950 = arith.index_cast %sub3A_581 : i32 to index
          %get3A_951 = arith.index_cast %add3A_949 : i32 to index
          %get3A_952 = arith.constant 144 : index
          %get3A_953 = tpu.vector_load %arg5[%get3A_950, %get3A_951, %get3A_952] {strides = array<i32>} : memref<3x88x256xf32, #tpu.memory_space<vmem>>, vector<1x1x16xf32>,
          %get3A_954 = vector.shape_cast %get3A_953 : vector<1x1x16xf32> to vector<16xf32>
          %mul3A_955 = arith.constant 2 : i32
          %mul3A_956 = arith.muli %mul3A_955, %scan3A_663 : i32
          %add3A_957 = arith.constant 1 : i32
          %add3A_958 = arith.addi %mul3A_956, %add3A_957 : i32
          %get3A_959 = arith.index_cast %sub3A_581 : i32 to index
          %get3A_960 = arith.index_cast %add3A_958 : i32 to index
          %get3A_961 = arith.constant 160 : index
          %get3A_962 = tpu.vector_load %arg5[%get3A_959, %get3A_960, %get3A_961] {strides = array<i32>} : memref<3x88x256xf32, #tpu.memory_space<vmem>>, vector<1x1x16xf32>,
          %get3A_963 = vector.shape_cast %get3A_962 : vector<1x1x16xf32> to vector<16xf32>
          %mul3A_964 = arith.constant 2 : i32
          %mul3A_965 = arith.muli %mul3A_964, %scan3A_663 : i32
          %add3A_966 = arith.constant 1 : i32
          %add3A_967 = arith.addi %mul3A_965, %add3A_966 : i32
          %get3A_968 = arith.index_cast %sub3A_581 : i32 to index
          %get3A_969 = arith.index_cast %add3A_967 : i32 to index
          %get3A_970 = arith.constant 176 : index
          %get3A_971 = tpu.vector_load %arg5[%get3A_968, %get3A_969, %get3A_970] {strides = array<i32>} : memref<3x88x256xf32, #tpu.memory_space<vmem>>, vector<1x1x16xf32>,
          %get3A_972 = vector.shape_cast %get3A_971 : vector<1x1x16xf32> to vector<16xf32>
          %mul3A_973 = arith.constant 2 : i32
          %mul3A_974 = arith.muli %mul3A_973, %scan3A_663 : i32
          %add3A_975 = arith.constant 2 : i32
          %add3A_976 = arith.addi %mul3A_974, %add3A_975 : i32
          %get3A_977 = arith.index_cast %sub3A_581 : i32 to index
          %get3A_978 = arith.index_cast %add3A_976 : i32 to index
          %get3A_979 = arith.constant 128 : index
          %get3A_980 = tpu.vector_load %arg5[%get3A_977, %get3A_978, %get3A_979] {strides = array<i32>} : memref<3x88x256xf32, #tpu.memory_space<vmem>>, vector<1x1x16xf32>,
          %get3A_981 = vector.shape_cast %get3A_980 : vector<1x1x16xf32> to vector<16xf32>
          %mul3A_982 = arith.constant 2 : i32
          %mul3A_983 = arith.muli %mul3A_982, %scan3A_663 : i32
          %add3A_984 = arith.constant 2 : i32
          %add3A_985 = arith.addi %mul3A_983, %add3A_984 : i32
          %get3A_986 = arith.index_cast %sub3A_581 : i32 to index
          %get3A_987 = arith.index_cast %add3A_985 : i32 to index
          %get3A_988 = arith.constant 144 : index
          %get3A_989 = tpu.vector_load %arg5[%get3A_986, %get3A_987, %get3A_988] {strides = array<i32>} : memref<3x88x256xf32, #tpu.memory_space<vmem>>, vector<1x1x16xf32>,
          %get3A_990 = vector.shape_cast %get3A_989 : vector<1x1x16xf32> to vector<16xf32>
          %mul3A_991 = arith.constant 2 : i32
          %mul3A_992 = arith.muli %mul3A_991, %scan3A_663 : i32
          %add3A_993 = arith.constant 2 : i32
          %add3A_994 = arith.addi %mul3A_992, %add3A_993 : i32
          %get3A_995 = arith.index_cast %sub3A_581 : i32 to index
          %get3A_996 = arith.index_cast %add3A_994 : i32 to index
          %get3A_997 = arith.constant 160 : index
          %get3A_998 = tpu.vector_load %arg5[%get3A_995, %get3A_996, %get3A_997] {strides = array<i32>} : memref<3x88x256xf32, #tpu.memory_space<vmem>>, vector<1x1x16xf32>,
          %get3A_999 = vector.shape_cast %get3A_998 : vector<1x1x16xf32> to vector<16xf32>
          %mul3A_1000 = arith.constant 2 : i32
          %mul3A_1001 = arith.muli %mul3A_1000, %scan3A_663 : i32
          %add3A_1002 = arith.constant 2 : i32
          %add3A_1003 = arith.addi %mul3A_1001, %add3A_1002 : i32
          %get3A_1004 = arith.index_cast %sub3A_581 : i32 to index
          %get3A_1005 = arith.index_cast %add3A_1003 : i32 to index
          %get3A_1006 = arith.constant 176 : index
          %get3A_1007 = tpu.vector_load %arg5[%get3A_1004, %get3A_1005, %get3A_1006] {strides = array<i32>} : memref<3x88x256xf32, #tpu.memory_space<vmem>>, vector<1x1x16xf32>,
          %get3A_1008 = vector.shape_cast %get3A_1007 : vector<1x1x16xf32> to vector<16xf32>
          %add3A_1009 = arith.addf %get3A_945, %get3A_981 : vector<16xf32>
          %add3A_1010 = arith.addf %get3A_921, %add3A_1009 : vector<16xf32>
          %swap3A_1011 = arith.index_cast %sub3A_581 : i32 to index
          %swap3A_1012 = arith.index_cast %scan3A_663 : i32 to index
          %swap3A_1013 = arith.constant 128 : index
          %swap3A_1014 = tpu.vector_load %arg6[%swap3A_1011, %swap3A_1012, %swap3A_1013] {strides = array<i32>} : memref<3x40x256xf32, #tpu.memory_space<vmem>>, vector<1x1x16xf32>,
          %swap3A_1015 = vector.shape_cast %swap3A_1014 : vector<1x1x16xf32> to vector<16xf32>
          %swap3A_1016 = vector.shape_cast %add3A_1010 : vector<16xf32> to vector<1x1x16xf32>
          tpu.vector_store %arg6[%swap3A_1011, %swap3A_1012, %swap3A_1013], %swap3A_1016 {strides = array<i32>} : memref<3x40x256xf32, #tpu.memory_space<vmem>>, vector<1x1x16xf32>,
          %add3A_1017 = arith.addf %get3A_954, %get3A_990 : vector<16xf32>
          %add3A_1018 = arith.addf %get3A_926, %add3A_1017 : vector<16xf32>
          %swap3A_1019 = arith.index_cast %sub3A_581 : i32 to index
          %swap3A_1020 = arith.index_cast %scan3A_663 : i32 to index
          %swap3A_1021 = arith.constant 144 : index
          %swap3A_1022 = tpu.vector_load %arg6[%swap3A_1019, %swap3A_1020, %swap3A_1021] {strides = array<i32>} : memref<3x40x256xf32, #tpu.memory_space<vmem>>, vector<1x1x16xf32>,
          %swap3A_1023 = vector.shape_cast %swap3A_1022 : vector<1x1x16xf32> to vector<16xf32>
          %swap3A_1024 = vector.shape_cast %add3A_1018 : vector<16xf32> to vector<1x1x16xf32>
          tpu.vector_store %arg6[%swap3A_1019, %swap3A_1020, %swap3A_1021], %swap3A_1024 {strides = array<i32>} : memref<3x40x256xf32, #tpu.memory_space<vmem>>, vector<1x1x16xf32>,
          %add3A_1025 = arith.addf %get3A_963, %get3A_999 : vector<16xf32>
          %add3A_1026 = arith.addf %get3A_931, %add3A_1025 : vector<16xf32>
          %swap3A_1027 = arith.index_cast %sub3A_581 : i32 to index
          %swap3A_1028 = arith.index_cast %scan3A_663 : i32 to index
          %swap3A_1029 = arith.constant 160 : index
          %swap3A_1030 = tpu.vector_load %arg6[%swap3A_1027, %swap3A_1028, %swap3A_1029] {strides = array<i32>} : memref<3x40x256xf32, #tpu.memory_space<vmem>>, vector<1x1x16xf32>,
          %swap3A_1031 = vector.shape_cast %swap3A_1030 : vector<1x1x16xf32> to vector<16xf32>
          %swap3A_1032 = vector.shape_cast %add3A_1026 : vector<16xf32> to vector<1x1x16xf32>
          tpu.vector_store %arg6[%swap3A_1027, %swap3A_1028, %swap3A_1029], %swap3A_1032 {strides = array<i32>} : memref<3x40x256xf32, #tpu.memory_space<vmem>>, vector<1x1x16xf32>,
          %add3A_1033 = arith.addf %get3A_972, %get3A_1008 : vector<16xf32>
          %add3A_1034 = arith.addf %get3A_936, %add3A_1033 : vector<16xf32>
          %swap3A_1035 = arith.index_cast %sub3A_581 : i32 to index
          %swap3A_1036 = arith.index_cast %scan3A_663 : i32 to index
          %swap3A_1037 = arith.constant 176 : index
          %swap3A_1038 = tpu.vector_load %arg6[%swap3A_1035, %swap3A_1036, %swap3A_1037] {strides = array<i32>} : memref<3x40x256xf32, #tpu.memory_space<vmem>>, vector<1x1x16xf32>,
          %swap3A_1039 = vector.shape_cast %swap3A_1038 : vector<1x1x16xf32> to vector<16xf32>
          %swap3A_1040 = vector.shape_cast %add3A_1034 : vector<16xf32> to vector<1x1x16xf32>
          tpu.vector_store %arg6[%swap3A_1035, %swap3A_1036, %swap3A_1037], %swap3A_1040 {strides = array<i32>} : memref<3x40x256xf32, #tpu.memory_space<vmem>>, vector<1x1x16xf32>,
          %get3A_1041 = arith.index_cast %sub3A_581 : i32 to index
          %get3A_1042 = arith.index_cast %sub3A_670 : i32 to index
          %get3A_1043 = arith.constant 192 : index
          %get3A_1044 = tpu.vector_load %arg4[%get3A_1041, %get3A_1042, %get3A_1043] {strides = array<i32>} : memref<3x32x256xf32, #tpu.memory_space<vmem>>, vector<1x1x16xf32>,
          %get3A_1045 = vector.shape_cast %get3A_1044 : vector<1x1x16xf32> to vector<16xf32>
          %get3A_1046 = arith.index_cast %sub3A_581 : i32 to index
          %get3A_1047 = arith.index_cast %sub3A_670 : i32 to index
          %get3A_1048 = arith.constant 208 : index
          %get3A_1049 = tpu.vector_load %arg4[%get3A_1046, %get3A_1047, %get3A_1048] {strides = array<i32>} : memref<3x32x256xf32, #tpu.memory_space<vmem>>, vector<1x1x16xf32>,
          %get3A_1050 = vector.shape_cast %get3A_1049 : vector<1x1x16xf32> to vector<16xf32>
          %get3A_1051 = arith.index_cast %sub3A_581 : i32 to index
          %get3A_1052 = arith.index_cast %sub3A_670 : i32 to index
          %get3A_1053 = arith.constant 224 : index
          %get3A_1054 = tpu.vector_load %arg4[%get3A_1051, %get3A_1052, %get3A_1053] {strides = array<i32>} : memref<3x32x256xf32, #tpu.memory_space<vmem>>, vector<1x1x16xf32>,
          %get3A_1055 = vector.shape_cast %get3A_1054 : vector<1x1x16xf32> to vector<16xf32>
          %get3A_1056 = arith.index_cast %sub3A_581 : i32 to index
          %get3A_1057 = arith.index_cast %sub3A_670 : i32 to index
          %get3A_1058 = arith.constant 240 : index
          %get3A_1059 = tpu.vector_load %arg4[%get3A_1056, %get3A_1057, %get3A_1058] {strides = array<i32>} : memref<3x32x256xf32, #tpu.memory_space<vmem>>, vector<1x1x16xf32>,
          %get3A_1060 = vector.shape_cast %get3A_1059 : vector<1x1x16xf32> to vector<16xf32>
          %mul3A_1061 = arith.constant 2 : i32
          %mul3A_1062 = arith.muli %mul3A_1061, %scan3A_663 : i32
          %add3A_1063 = arith.constant 1 : i32
          %add3A_1064 = arith.addi %mul3A_1062, %add3A_1063 : i32
          %get3A_1065 = arith.index_cast %sub3A_581 : i32 to index
          %get3A_1066 = arith.index_cast %add3A_1064 : i32 to index
          %get3A_1067 = arith.constant 192 : index
          %get3A_1068 = tpu.vector_load %arg5[%get3A_1065, %get3A_1066, %get3A_1067] {strides = array<i32>} : memref<3x88x256xf32, #tpu.memory_space<vmem>>, vector<1x1x16xf32>,
          %get3A_1069 = vector.shape_cast %get3A_1068 : vector<1x1x16xf32> to vector<16xf32>
          %mul3A_1070 = arith.constant 2 : i32
          %mul3A_1071 = arith.muli %mul3A_1070, %scan3A_663 : i32
          %add3A_1072 = arith.constant 1 : i32
          %add3A_1073 = arith.addi %mul3A_1071, %add3A_1072 : i32
          %get3A_1074 = arith.index_cast %sub3A_581 : i32 to index
          %get3A_1075 = arith.index_cast %add3A_1073 : i32 to index
          %get3A_1076 = arith.constant 208 : index
          %get3A_1077 = tpu.vector_load %arg5[%get3A_1074, %get3A_1075, %get3A_1076] {strides = array<i32>} : memref<3x88x256xf32, #tpu.memory_space<vmem>>, vector<1x1x16xf32>,
          %get3A_1078 = vector.shape_cast %get3A_1077 : vector<1x1x16xf32> to vector<16xf32>
          %mul3A_1079 = arith.constant 2 : i32
          %mul3A_1080 = arith.muli %mul3A_1079, %scan3A_663 : i32
          %add3A_1081 = arith.constant 1 : i32
          %add3A_1082 = arith.addi %mul3A_1080, %add3A_1081 : i32
          %get3A_1083 = arith.index_cast %sub3A_581 : i32 to index
          %get3A_1084 = arith.index_cast %add3A_1082 : i32 to index
          %get3A_1085 = arith.constant 224 : index
          %get3A_1086 = tpu.vector_load %arg5[%get3A_1083, %get3A_1084, %get3A_1085] {strides = array<i32>} : memref<3x88x256xf32, #tpu.memory_space<vmem>>, vector<1x1x16xf32>,
          %get3A_1087 = vector.shape_cast %get3A_1086 : vector<1x1x16xf32> to vector<16xf32>
          %mul3A_1088 = arith.constant 2 : i32
          %mul3A_1089 = arith.muli %mul3A_1088, %scan3A_663 : i32
          %add3A_1090 = arith.constant 1 : i32
          %add3A_1091 = arith.addi %mul3A_1089, %add3A_1090 : i32
          %get3A_1092 = arith.index_cast %sub3A_581 : i32 to index
          %get3A_1093 = arith.index_cast %add3A_1091 : i32 to index
          %get3A_1094 = arith.constant 240 : index
          %get3A_1095 = tpu.vector_load %arg5[%get3A_1092, %get3A_1093, %get3A_1094] {strides = array<i32>} : memref<3x88x256xf32, #tpu.memory_space<vmem>>, vector<1x1x16xf32>,
          %get3A_1096 = vector.shape_cast %get3A_1095 : vector<1x1x16xf32> to vector<16xf32>
          %mul3A_1097 = arith.constant 2 : i32
          %mul3A_1098 = arith.muli %mul3A_1097, %scan3A_663 : i32
          %add3A_1099 = arith.constant 2 : i32
          %add3A_1100 = arith.addi %mul3A_1098, %add3A_1099 : i32
          %get3A_1101 = arith.index_cast %sub3A_581 : i32 to index
          %get3A_1102 = arith.index_cast %add3A_1100 : i32 to index
          %get3A_1103 = arith.constant 192 : index
          %get3A_1104 = tpu.vector_load %arg5[%get3A_1101, %get3A_1102, %get3A_1103] {strides = array<i32>} : memref<3x88x256xf32, #tpu.memory_space<vmem>>, vector<1x1x16xf32>,
          %get3A_1105 = vector.shape_cast %get3A_1104 : vector<1x1x16xf32> to vector<16xf32>
          %mul3A_1106 = arith.constant 2 : i32
          %mul3A_1107 = arith.muli %mul3A_1106, %scan3A_663 : i32
          %add3A_1108 = arith.constant 2 : i32
          %add3A_1109 = arith.addi %mul3A_1107, %add3A_1108 : i32
          %get3A_1110 = arith.index_cast %sub3A_581 : i32 to index
          %get3A_1111 = arith.index_cast %add3A_1109 : i32 to index
          %get3A_1112 = arith.constant 208 : index
          %get3A_1113 = tpu.vector_load %arg5[%get3A_1110, %get3A_1111, %get3A_1112] {strides = array<i32>} : memref<3x88x256xf32, #tpu.memory_space<vmem>>, vector<1x1x16xf32>,
          %get3A_1114 = vector.shape_cast %get3A_1113 : vector<1x1x16xf32> to vector<16xf32>
          %mul3A_1115 = arith.constant 2 : i32
          %mul3A_1116 = arith.muli %mul3A_1115, %scan3A_663 : i32
          %add3A_1117 = arith.constant 2 : i32
          %add3A_1118 = arith.addi %mul3A_1116, %add3A_1117 : i32
          %get3A_1119 = arith.index_cast %sub3A_581 : i32 to index
          %get3A_1120 = arith.index_cast %add3A_1118 : i32 to index
          %get3A_1121 = arith.constant 224 : index
          %get3A_1122 = tpu.vector_load %arg5[%get3A_1119, %get3A_1120, %get3A_1121] {strides = array<i32>} : memref<3x88x256xf32, #tpu.memory_space<vmem>>, vector<1x1x16xf32>,
          %get3A_1123 = vector.shape_cast %get3A_1122 : vector<1x1x16xf32> to vector<16xf32>
          %mul3A_1124 = arith.constant 2 : i32
          %mul3A_1125 = arith.muli %mul3A_1124, %scan3A_663 : i32
          %add3A_1126 = arith.constant 2 : i32
          %add3A_1127 = arith.addi %mul3A_1125, %add3A_1126 : i32
          %get3A_1128 = arith.index_cast %sub3A_581 : i32 to index
          %get3A_1129 = arith.index_cast %add3A_1127 : i32 to index
          %get3A_1130 = arith.constant 240 : index
          %get3A_1131 = tpu.vector_load %arg5[%get3A_1128, %get3A_1129, %get3A_1130] {strides = array<i32>} : memref<3x88x256xf32, #tpu.memory_space<vmem>>, vector<1x1x16xf32>,
          %get3A_1132 = vector.shape_cast %get3A_1131 : vector<1x1x16xf32> to vector<16xf32>
          %add3A_1133 = arith.addf %get3A_1069, %get3A_1105 : vector<16xf32>
          %add3A_1134 = arith.addf %get3A_1045, %add3A_1133 : vector<16xf32>
          %swap3A_1135 = arith.index_cast %sub3A_581 : i32 to index
          %swap3A_1136 = arith.index_cast %scan3A_663 : i32 to index
          %swap3A_1137 = arith.constant 192 : index
          %swap3A_1138 = tpu.vector_load %arg6[%swap3A_1135, %swap3A_1136, %swap3A_1137] {strides = array<i32>} : memref<3x40x256xf32, #tpu.memory_space<vmem>>, vector<1x1x16xf32>,
          %swap3A_1139 = vector.shape_cast %swap3A_1138 : vector<1x1x16xf32> to vector<16xf32>
          %swap3A_1140 = vector.shape_cast %add3A_1134 : vector<16xf32> to vector<1x1x16xf32>
          tpu.vector_store %arg6[%swap3A_1135, %swap3A_1136, %swap3A_1137], %swap3A_1140 {strides = array<i32>} : memref<3x40x256xf32, #tpu.memory_space<vmem>>, vector<1x1x16xf32>,
          %add3A_1141 = arith.addf %get3A_1078, %get3A_1114 : vector<16xf32>
          %add3A_1142 = arith.addf %get3A_1050, %add3A_1141 : vector<16xf32>
          %swap3A_1143 = arith.index_cast %sub3A_581 : i32 to index
          %swap3A_1144 = arith.index_cast %scan3A_663 : i32 to index
          %swap3A_1145 = arith.constant 208 : index
          %swap3A_1146 = tpu.vector_load %arg6[%swap3A_1143, %swap3A_1144, %swap3A_1145] {strides = array<i32>} : memref<3x40x256xf32, #tpu.memory_space<vmem>>, vector<1x1x16xf32>,
          %swap3A_1147 = vector.shape_cast %swap3A_1146 : vector<1x1x16xf32> to vector<16xf32>
          %swap3A_1148 = vector.shape_cast %add3A_1142 : vector<16xf32> to vector<1x1x16xf32>
          tpu.vector_store %arg6[%swap3A_1143, %swap3A_1144, %swap3A_1145], %swap3A_1148 {strides = array<i32>} : memref<3x40x256xf32, #tpu.memory_space<vmem>>, vector<1x1x16xf32>,
          %add3A_1149 = arith.addf %get3A_1087, %get3A_1123 : vector<16xf32>
          %add3A_1150 = arith.addf %get3A_1055, %add3A_1149 : vector<16xf32>
          %swap3A_1151 = arith.index_cast %sub3A_581 : i32 to index
          %swap3A_1152 = arith.index_cast %scan3A_663 : i32 to index
          %swap3A_1153 = arith.constant 224 : index
          %swap3A_1154 = tpu.vector_load %arg6[%swap3A_1151, %swap3A_1152, %swap3A_1153] {strides = array<i32>} : memref<3x40x256xf32, #tpu.memory_space<vmem>>, vector<1x1x16xf32>,
          %swap3A_1155 = vector.shape_cast %swap3A_1154 : vector<1x1x16xf32> to vector<16xf32>
          %swap3A_1156 = vector.shape_cast %add3A_1150 : vector<16xf32> to vector<1x1x16xf32>
          tpu.vector_store %arg6[%swap3A_1151, %swap3A_1152, %swap3A_1153], %swap3A_1156 {strides = array<i32>} : memref<3x40x256xf32, #tpu.memory_space<vmem>>, vector<1x1x16xf32>,
          %add3A_1157 = arith.addf %get3A_1096, %get3A_1132 : vector<16xf32>
          %add3A_1158 = arith.addf %get3A_1060, %add3A_1157 : vector<16xf32>
          %swap3A_1159 = arith.index_cast %sub3A_581 : i32 to index
          %swap3A_1160 = arith.index_cast %scan3A_663 : i32 to index
          %swap3A_1161 = arith.constant 240 : index
          %swap3A_1162 = tpu.vector_load %arg6[%swap3A_1159, %swap3A_1160, %swap3A_1161] {strides = array<i32>} : memref<3x40x256xf32, #tpu.memory_space<vmem>>, vector<1x1x16xf32>,
          %swap3A_1163 = vector.shape_cast %swap3A_1162 : vector<1x1x16xf32> to vector<16xf32>
          %swap3A_1164 = vector.shape_cast %add3A_1158 : vector<16xf32> to vector<1x1x16xf32>
          tpu.vector_store %arg6[%swap3A_1159, %swap3A_1160, %swap3A_1161], %swap3A_1164 {strides = array<i32>} : memref<3x40x256xf32, #tpu.memory_space<vmem>>, vector<1x1x16xf32>,
          %scan3A_1165 = arith.constant 0 : i32
          scf.yield %scan3A_1165 : i32
        }
        %scan3A_662 = arith.constant 40 : i32
      } else {
      }
      %mul3A_611 = arith.constant 32 : i32
      %mul3A_612 = arith.muli %while3A_470, %mul3A_611 : i32
      %add3A_613 = arith.addi %mul3A_612, %add3A : i32
      %jit3A_614 = arith.constant 3 : i32
      %div3A_615 = arith.divsi %while3A_470, %jit3A_614 : i32
      %sign3A_616 = arith.constant 0 : i32
      %sign3A_617 = arith.cmpi sgt, %while3A_470, %sign3A_616 : i32
      %sign3A_618 = arith.extui %sign3A_617 : i1 to i32
      %sign3A_619 = arith.constant 0 : i32
      %sign3A_620 = arith.cmpi slt, %while3A_470, %sign3A_619 : i32
      %sign3A_621 = arith.extui %sign3A_620 : i1 to i32
      %sign3A_622 = arith.subi %sign3A_618, %sign3A_621 : i32
      %sign3A_623 = arith.constant 0 : i32
      %sign3A_624 = arith.cmpi sgt, %jit3A_614, %sign3A_623 : i32
      %sign3A_625 = arith.extui %sign3A_624 : i1 to i32
      %sign3A_626 = arith.constant 0 : i32
      %sign3A_627 = arith.cmpi slt, %jit3A_614, %sign3A_626 : i32
      %sign3A_628 = arith.extui %sign3A_627 : i1 to i32
      %sign3A_629 = arith.subi %sign3A_625, %sign3A_628 : i32
      %ne3A_630 = arith.cmpi ne, %sign3A_622, %sign3A_629 : i32
      %rem3A_631 = arith.remsi %while3A_470, %jit3A_614 : i32
      %ne3A_632 = arith.constant 0 : i32
      %ne3A_633 = arith.cmpi ne, %rem3A_631, %ne3A_632 : i32
      %and3A_634 = arith.andi %ne3A_630, %ne3A_633 : i1
      %sub3A_635 = arith.constant 1 : i32
      %sub3A_636 = arith.subi %div3A_615, %sub3A_635 : i32
      %select_n3A_637 = arith.select %and3A_634, %sub3A_636, %div3A_615 : i32
      %mul3A_638 = arith.constant 3 : i32
      %mul3A_639 = arith.muli %select_n3A_637, %mul3A_638 : i32
      %sub3A_640 = arith.subi %while3A_470, %mul3A_639 : i32
      %mul3A_641 = arith.constant 40 : i32
      %mul3A_642 = arith.muli %add3A_613, %mul3A_641 : i32
      %multiple_of3A_643 = tpu.assume_multiple %mul3A_642, 8 : i32
      %dma_start3A_644 = arith.constant 0 : i32
      %dma_start3A_645 = arith.constant 0 : i32
      %dma_start3A_646 = tpu.memref_slice %arg6[%sub3A_640, %dma_start3A_644, %dma_start3A_645] : memref<3x40x256xf32, #tpu.memory_space<vmem>> -> memref<1x40x256xf32, #tpu.memory_space<vmem>>
      %dma_start3A_647 = tpu.memref_squeeze %dma_start3A_646 : memref<1x40x256xf32, #tpu.memory_space<vmem>> -> memref<40x256xf32, #tpu.memory_space<vmem>>
      %dma_start3A_648 = arith.constant 0 : i32
      %dma_start3A_649 = tpu.memref_slice %arg3[%multiple_of3A_643, %dma_start3A_648] : memref<100000x256xf32, #tpu.memory_space<hbm>> -> memref<40x256xf32, #tpu.memory_space<hbm>>
      %dma_start3A_650 = arith.constant 0 : i32
      %dma_start3A_651 = tpu.memref_slice %arg3[%multiple_of3A_643, %dma_start3A_650] : memref<100000x256xf32, #tpu.memory_space<hbm>> -> memref<40x256xf32, #tpu.memory_space<hbm>>
      %dma_start3A_652 = arith.constant 0 : i32
      %dma_start3A_653 = arith.constant 0 : i32
      %dma_start3A_654 = tpu.memref_slice %arg6[%sub3A_640, %dma_start3A_652, %dma_start3A_653] : memref<3x40x256xf32, #tpu.memory_space<vmem>> -> memref<1x40x256xf32, #tpu.memory_space<vmem>>
      %dma_start3A_655 = tpu.memref_squeeze %dma_start3A_654 : memref<1x40x256xf32, #tpu.memory_space<vmem>> -> memref<40x256xf32, #tpu.memory_space<vmem>>
      tpu.enqueue_dma source(%dma_start3A_655 : memref<40x256xf32, #tpu.memory_space<vmem>>) target(%dma_start3A_651 : memref<40x256xf32, #tpu.memory_space<hbm>>) target_semaphore(%arg9 : memref<!tpu.dma_semaphore, #tpu.memory_space<semaphore_mem>>)
      %while3A_656 = arith.constant 0 : i32
      scf.yield %while3A_656 : i32
    }
    %sub3A_108 = arith.constant 3 : i32
    %sub3A_109 = arith.subi %add3A_4, %sub3A_108 : i32
    %mul3A_110 = arith.constant 32 : i32
    %mul3A_111 = arith.muli %sub3A_109, %mul3A_110 : i32
    %add3A_112 = arith.addi %mul3A_111, %add3A : i32
    %sub3A_113 = arith.constant 3 : i32
    %sub3A_114 = arith.subi %add3A_4, %sub3A_113 : i32
    %jit3A_115 = arith.constant 3 : i32
    %div3A = arith.divsi %sub3A_114, %jit3A_115 : i32
    %sign3A = arith.constant 0 : i32
    %sign3A_116 = arith.cmpi sgt, %sub3A_114, %sign3A : i32
    %sign3A_117 = arith.extui %sign3A_116 : i1 to i32
    %sign3A_118 = arith.constant 0 : i32
    %sign3A_119 = arith.cmpi slt, %sub3A_114, %sign3A_118 : i32
    %sign3A_120 = arith.extui %sign3A_119 : i1 to i32
    %sign3A_121 = arith.subi %sign3A_117, %sign3A_120 : i32
    %sign3A_122 = arith.constant 0 : i32
    %sign3A_123 = arith.cmpi sgt, %jit3A_115, %sign3A_122 : i32
    %sign3A_124 = arith.extui %sign3A_123 : i1 to i32
    %sign3A_125 = arith.constant 0 : i32
    %sign3A_126 = arith.cmpi slt, %jit3A_115, %sign3A_125 : i32
    %sign3A_127 = arith.extui %sign3A_126 : i1 to i32
    %sign3A_128 = arith.subi %sign3A_124, %sign3A_127 : i32
    %ne3A = arith.cmpi ne, %sign3A_121, %sign3A_128 : i32
    %rem3A = arith.remsi %sub3A_114, %jit3A_115 : i32
    %ne3A_129 = arith.constant 0 : i32
    %ne3A_130 = arith.cmpi ne, %rem3A, %ne3A_129 : i32
    %and3A = arith.andi %ne3A, %ne3A_130 : i1
    %sub3A_131 = arith.constant 1 : i32
    %sub3A_132 = arith.subi %div3A, %sub3A_131 : i32
    %select_n3A_133 = arith.select %and3A, %sub3A_132, %div3A : i32
    %mul3A_134 = arith.constant 3 : i32
    %mul3A_135 = arith.muli %select_n3A_133, %mul3A_134 : i32
    %sub3A_136 = arith.subi %sub3A_114, %mul3A_135 : i32
    %mul3A_137 = arith.constant 40 : i32
    %mul3A_138 = arith.muli %add3A_112, %mul3A_137 : i32
    %multiple_of3A_139 = tpu.assume_multiple %mul3A_138, 8 : i32
    %dma_wait3A = arith.constant 0 : i32
    %dma_wait3A_140 = arith.constant 0 : i32
    %dma_wait3A_141 = tpu.memref_slice %arg6[%sub3A_136, %dma_wait3A, %dma_wait3A_140] : memref<3x40x256xf32, #tpu.memory_space<vmem>> -> memref<1x40x256xf32, #tpu.memory_space<vmem>>
    %dma_wait3A_142 = tpu.memref_squeeze %dma_wait3A_141 : memref<1x40x256xf32, #tpu.memory_space<vmem>> -> memref<40x256xf32, #tpu.memory_space<vmem>>
    %dma_wait3A_143 = arith.constant 0 : i32
    %dma_wait3A_144 = tpu.memref_slice %arg3[%multiple_of3A_139, %dma_wait3A_143] : memref<100000x256xf32, #tpu.memory_space<hbm>> -> memref<40x256xf32, #tpu.memory_space<hbm>>
    %dma_wait3A_145 = arith.constant 0 : i32
    %dma_wait3A_146 = tpu.memref_slice %arg3[%multiple_of3A_139, %dma_wait3A_145] : memref<100000x256xf32, #tpu.memory_space<hbm>> -> memref<40x256xf32, #tpu.memory_space<hbm>>
    %dma_wait3A_147 = arith.constant 0 : i32
    %dma_wait3A_148 = arith.constant 0 : i32
    %dma_wait3A_149 = tpu.memref_slice %arg6[%sub3A_136, %dma_wait3A_147, %dma_wait3A_148] : memref<3x40x256xf32, #tpu.memory_space<vmem>> -> memref<1x40x256xf32, #tpu.memory_space<vmem>>
    %dma_wait3A_150 = tpu.memref_squeeze %dma_wait3A_149 : memref<1x40x256xf32, #tpu.memory_space<vmem>> -> memref<40x256xf32, #tpu.memory_space<vmem>>
    tpu.wait_dma2 semaphore(%arg9 : memref<!tpu.dma_semaphore, #tpu.memory_space<semaphore_mem>>) src(%dma_wait3A_150 : memref<40x256xf32, #tpu.memory_space<vmem>>) dst(%dma_wait3A_146 : memref<40x256xf32, #tpu.memory_space<hbm>>)
    %sub3A_151 = arith.constant 2 : i32
    %sub3A_152 = arith.subi %add3A_4, %sub3A_151 : i32
    %mul3A_153 = arith.constant 32 : i32
    %mul3A_154 = arith.muli %sub3A_152, %mul3A_153 : i32
    %add3A_155 = arith.addi %mul3A_154, %add3A : i32
    %sub3A_156 = arith.constant 2 : i32
    %sub3A_157 = arith.subi %add3A_4, %sub3A_156 : i32
    %jit3A_158 = arith.constant 3 : i32
    %div3A_159 = arith.divsi %sub3A_157, %jit3A_158 : i32
    %sign3A_160 = arith.constant 0 : i32
    %sign3A_161 = arith.cmpi sgt, %sub3A_157, %sign3A_160 : i32
    %sign3A_162 = arith.extui %sign3A_161 : i1 to i32
    %sign3A_163 = arith.constant 0 : i32
    %sign3A_164 = arith.cmpi slt, %sub3A_157, %sign3A_163 : i32
    %sign3A_165 = arith.extui %sign3A_164 : i1 to i32
    %sign3A_166 = arith.subi %sign3A_162, %sign3A_165 : i32
    %sign3A_167 = arith.constant 0 : i32
    %sign3A_168 = arith.cmpi sgt, %jit3A_158, %sign3A_167 : i32
    %sign3A_169 = arith.extui %sign3A_168 : i1 to i32
    %sign3A_170 = arith.constant 0 : i32
    %sign3A_171 = arith.cmpi slt, %jit3A_158, %sign3A_170 : i32
    %sign3A_172 = arith.extui %sign3A_171 : i1 to i32
    %sign3A_173 = arith.subi %sign3A_169, %sign3A_172 : i32
    %ne3A_174 = arith.cmpi ne, %sign3A_166, %sign3A_173 : i32
    %rem3A_175 = arith.remsi %sub3A_157, %jit3A_158 : i32
    %ne3A_176 = arith.constant 0 : i32
    %ne3A_177 = arith.cmpi ne, %rem3A_175, %ne3A_176 : i32
    %and3A_178 = arith.andi %ne3A_174, %ne3A_177 : i1
    %sub3A_179 = arith.constant 1 : i32
    %sub3A_180 = arith.subi %div3A_159, %sub3A_179 : i32
    %select_n3A_181 = arith.select %and3A_178, %sub3A_180, %div3A_159 : i32
    %mul3A_182 = arith.constant 3 : i32
    %mul3A_183 = arith.muli %select_n3A_181, %mul3A_182 : i32
    %sub3A_184 = arith.subi %sub3A_157, %mul3A_183 : i32
    %mul3A_185 = arith.constant 40 : i32
    %mul3A_186 = arith.muli %add3A_155, %mul3A_185 : i32
    %multiple_of3A_187 = tpu.assume_multiple %mul3A_186, 8 : i32
    %dma_wait3A_188 = arith.constant 0 : i32
    %dma_wait3A_189 = arith.constant 0 : i32
    %dma_wait3A_190 = tpu.memref_slice %arg6[%sub3A_184, %dma_wait3A_188, %dma_wait3A_189] : memref<3x40x256xf32, #tpu.memory_space<vmem>> -> memref<1x40x256xf32, #tpu.memory_space<vmem>>
    %dma_wait3A_191 = tpu.memref_squeeze %dma_wait3A_190 : memref<1x40x256xf32, #tpu.memory_space<vmem>> -> memref<40x256xf32, #tpu.memory_space<vmem>>
    %dma_wait3A_192 = arith.constant 0 : i32
    %dma_wait3A_193 = tpu.memref_slice %arg3[%multiple_of3A_187, %dma_wait3A_192] : memref<100000x256xf32, #tpu.memory_space<hbm>> -> memref<40x256xf32, #tpu.memory_space<hbm>>
    %dma_wait3A_194 = arith.constant 0 : i32
    %dma_wait3A_195 = tpu.memref_slice %arg3[%multiple_of3A_187, %dma_wait3A_194] : memref<100000x256xf32, #tpu.memory_space<hbm>> -> memref<40x256xf32, #tpu.memory_space<hbm>>
    %dma_wait3A_196 = arith.constant 0 : i32
    %dma_wait3A_197 = arith.constant 0 : i32
    %dma_wait3A_198 = tpu.memref_slice %arg6[%sub3A_184, %dma_wait3A_196, %dma_wait3A_197] : memref<3x40x256xf32, #tpu.memory_space<vmem>> -> memref<1x40x256xf32, #tpu.memory_space<vmem>>
    %dma_wait3A_199 = tpu.memref_squeeze %dma_wait3A_198 : memref<1x40x256xf32, #tpu.memory_space<vmem>> -> memref<40x256xf32, #tpu.memory_space<vmem>>
    tpu.wait_dma2 semaphore(%arg9 : memref<!tpu.dma_semaphore, #tpu.memory_space<semaphore_mem>>) src(%dma_wait3A_199 : memref<40x256xf32, #tpu.memory_space<vmem>>) dst(%dma_wait3A_195 : memref<40x256xf32, #tpu.memory_space<hbm>>)
    %sub3A_200 = arith.constant 1 : i32
    %sub3A_201 = arith.subi %add3A_4, %sub3A_200 : i32
    %mul3A_202 = arith.constant 32 : i32
    %mul3A_203 = arith.muli %sub3A_201, %mul3A_202 : i32
    %add3A_204 = arith.addi %mul3A_203, %add3A : i32
    %sub3A_205 = arith.constant 1 : i32
    %sub3A_206 = arith.subi %add3A_4, %sub3A_205 : i32
    %jit3A_207 = arith.constant 3 : i32
    %div3A_208 = arith.divsi %sub3A_206, %jit3A_207 : i32
    %sign3A_209 = arith.constant 0 : i32
    %sign3A_210 = arith.cmpi sgt, %sub3A_206, %sign3A_209 : i32
    %sign3A_211 = arith.extui %sign3A_210 : i1 to i32
    %sign3A_212 = arith.constant 0 : i32
    %sign3A_213 = arith.cmpi slt, %sub3A_206, %sign3A_212 : i32
    %sign3A_214 = arith.extui %sign3A_213 : i1 to i32
    %sign3A_215 = arith.subi %sign3A_211, %sign3A_214 : i32
    %sign3A_216 = arith.constant 0 : i32
    %sign3A_217 = arith.cmpi sgt, %jit3A_207, %sign3A_216 : i32
    %sign3A_218 = arith.extui %sign3A_217 : i1 to i32
    %sign3A_219 = arith.constant 0 : i32
    %sign3A_220 = arith.cmpi slt, %jit3A_207, %sign3A_219 : i32
    %sign3A_221 = arith.extui %sign3A_220 : i1 to i32
    %sign3A_222 = arith.subi %sign3A_218, %sign3A_221 : i32
    %ne3A_223 = arith.cmpi ne, %sign3A_215, %sign3A_222 : i32
    %rem3A_224 = arith.remsi %sub3A_206, %jit3A_207 : i32
    %ne3A_225 = arith.constant 0 : i32
    %ne3A_226 = arith.cmpi ne, %rem3A_224, %ne3A_225 : i32
    %and3A_227 = arith.andi %ne3A_223, %ne3A_226 : i1
    %sub3A_228 = arith.constant 1 : i32
    %sub3A_229 = arith.subi %div3A_208, %sub3A_228 : i32
    %select_n3A_230 = arith.select %and3A_227, %sub3A_229, %div3A_208 : i32
    %mul3A_231 = arith.constant 3 : i32
    %mul3A_232 = arith.muli %select_n3A_230, %mul3A_231 : i32
    %sub3A_233 = arith.subi %sub3A_206, %mul3A_232 : i32
    %mul3A_234 = arith.constant 40 : i32
    %mul3A_235 = arith.muli %add3A_204, %mul3A_234 : i32
    %multiple_of3A_236 = tpu.assume_multiple %mul3A_235, 8 : i32
    %dma_wait3A_237 = arith.constant 0 : i32
    %dma_wait3A_238 = arith.constant 0 : i32
    %dma_wait3A_239 = tpu.memref_slice %arg6[%sub3A_233, %dma_wait3A_237, %dma_wait3A_238] : memref<3x40x256xf32, #tpu.memory_space<vmem>> -> memref<1x40x256xf32, #tpu.memory_space<vmem>>
    %dma_wait3A_240 = tpu.memref_squeeze %dma_wait3A_239 : memref<1x40x256xf32, #tpu.memory_space<vmem>> -> memref<40x256xf32, #tpu.memory_space<vmem>>
    %dma_wait3A_241 = arith.constant 0 : i32
    %dma_wait3A_242 = tpu.memref_slice %arg3[%multiple_of3A_236, %dma_wait3A_241] : memref<100000x256xf32, #tpu.memory_space<hbm>> -> memref<40x256xf32, #tpu.memory_space<hbm>>
    %dma_wait3A_243 = arith.constant 0 : i32
    %dma_wait3A_244 = tpu.memref_slice %arg3[%multiple_of3A_236, %dma_wait3A_243] : memref<100000x256xf32, #tpu.memory_space<hbm>> -> memref<40x256xf32, #tpu.memory_space<hbm>>
    %dma_wait3A_245 = arith.constant 0 : i32
    %dma_wait3A_246 = arith.constant 0 : i32
    %dma_wait3A_247 = tpu.memref_slice %arg6[%sub3A_233, %dma_wait3A_245, %dma_wait3A_246] : memref<3x40x256xf32, #tpu.memory_space<vmem>> -> memref<1x40x256xf32, #tpu.memory_space<vmem>>
    %dma_wait3A_248 = tpu.memref_squeeze %dma_wait3A_247 : memref<1x40x256xf32, #tpu.memory_space<vmem>> -> memref<40x256xf32, #tpu.memory_space<vmem>>
    tpu.wait_dma2 semaphore(%arg9 : memref<!tpu.dma_semaphore, #tpu.memory_space<semaphore_mem>>) src(%dma_wait3A_248 : memref<40x256xf32, #tpu.memory_space<vmem>>) dst(%dma_wait3A_244 : memref<40x256xf32, #tpu.memory_space<hbm>>)
    %add3A_249 = arith.constant 1250 : i32
    %add3A_250 = arith.addi %add3A_249, %add3A : i32
    %mul3A_251 = arith.constant 40 : i32
    %mul3A_252 = arith.muli %add3A_250, %mul3A_251 : i32
    %shift_right_arithmetic3A_253 = arith.constant 1 : i32
    %shift_right_arithmetic3A_254 = arith.shrsi %mul3A_252, %shift_right_arithmetic3A_253 : i32
    %sub3A_255 = arith.constant 1 : i32
    %sub3A_256 = arith.subi %shift_right_arithmetic3A_254, %sub3A_255 : i32
    %shift_right_arithmetic3A_257 = arith.constant 3 : i32
    %shift_right_arithmetic3A_258 = arith.shrsi %sub3A_256, %shift_right_arithmetic3A_257 : i32
    %shift_left3A_259 = arith.constant 3 : i32
    %shift_left3A_260 = arith.shli %shift_right_arithmetic3A_258, %shift_left3A_259 : i32
    %max3A_261 = arith.constant 0 : i32
    %max3A_262 = arith.maxsi %shift_left3A_260, %max3A_261 : i32
    %multiple_of3A_263 = tpu.assume_multiple %max3A_262, 8 : i32
    %dma_start3A_264 = arith.constant 0 : i32
    %dma_start3A_265 = arith.constant 0 : i32
    %dma_start3A_266 = arith.constant 0 : i32
    %dma_start3A_267 = tpu.memref_slice %arg4[%dma_start3A_264, %dma_start3A_265, %dma_start3A_266] : memref<3x32x256xf32, #tpu.memory_space<vmem>> -> memref<1x32x256xf32, #tpu.memory_space<vmem>>
    %dma_start3A_268 = tpu.memref_squeeze %dma_start3A_267 : memref<1x32x256xf32, #tpu.memory_space<vmem>> -> memref<32x256xf32, #tpu.memory_space<vmem>>
    %dma_start3A_269 = arith.constant 0 : i32
    %dma_start3A_270 = tpu.memref_slice %arg2[%multiple_of3A_263, %dma_start3A_269] : memref<100000x256xf32, #tpu.memory_space<hbm>> -> memref<32x256xf32, #tpu.memory_space<hbm>>
    %dma_start3A_271 = arith.constant 0 : i32
    %dma_start3A_272 = arith.constant 0 : i32
    %dma_start3A_273 = tpu.memref_slice %arg4[%dma_start3A_264, %dma_start3A_271, %dma_start3A_272] : memref<3x32x256xf32, #tpu.memory_space<vmem>> -> memref<1x32x256xf32, #tpu.memory_space<vmem>>
    %dma_start3A_274 = tpu.memref_squeeze %dma_start3A_273 : memref<1x32x256xf32, #tpu.memory_space<vmem>> -> memref<32x256xf32, #tpu.memory_space<vmem>>
    %dma_start3A_275 = arith.constant 0 : i32
    %dma_start3A_276 = tpu.memref_slice %arg2[%multiple_of3A_263, %dma_start3A_275] : memref<100000x256xf32, #tpu.memory_space<hbm>> -> memref<32x256xf32, #tpu.memory_space<hbm>>
    tpu.enqueue_dma source(%dma_start3A_276 : memref<32x256xf32, #tpu.memory_space<hbm>>) target(%dma_start3A_274 : memref<32x256xf32, #tpu.memory_space<vmem>>) target_semaphore(%arg7 : memref<!tpu.dma_semaphore, #tpu.memory_space<semaphore_mem>>)
    %add3A_277 = arith.constant 1282 : i32
    %add3A_278 = arith.addi %add3A_277, %add3A : i32
    %mul3A_279 = arith.constant 40 : i32
    %mul3A_280 = arith.muli %add3A_278, %mul3A_279 : i32
    %shift_right_arithmetic3A_281 = arith.constant 1 : i32
    %shift_right_arithmetic3A_282 = arith.shrsi %mul3A_280, %shift_right_arithmetic3A_281 : i32
    %sub3A_283 = arith.constant 1 : i32
    %sub3A_284 = arith.subi %shift_right_arithmetic3A_282, %sub3A_283 : i32
    %shift_right_arithmetic3A_285 = arith.constant 3 : i32
    %shift_right_arithmetic3A_286 = arith.shrsi %sub3A_284, %shift_right_arithmetic3A_285 : i32
    %shift_left3A_287 = arith.constant 3 : i32
    %shift_left3A_288 = arith.shli %shift_right_arithmetic3A_286, %shift_left3A_287 : i32
    %max3A_289 = arith.constant 0 : i32
    %max3A_290 = arith.maxsi %shift_left3A_288, %max3A_289 : i32
    %multiple_of3A_291 = tpu.assume_multiple %max3A_290, 8 : i32
    %dma_start3A_292 = arith.constant 1 : i32
    %dma_start3A_293 = arith.constant 0 : i32
    %dma_start3A_294 = arith.constant 0 : i32
    %dma_start3A_295 = tpu.memref_slice %arg4[%dma_start3A_292, %dma_start3A_293, %dma_start3A_294] : memref<3x32x256xf32, #tpu.memory_space<vmem>> -> memref<1x32x256xf32, #tpu.memory_space<vmem>>
    %dma_start3A_296 = tpu.memref_squeeze %dma_start3A_295 : memref<1x32x256xf32, #tpu.memory_space<vmem>> -> memref<32x256xf32, #tpu.memory_space<vmem>>
    %dma_start3A_297 = arith.constant 0 : i32
    %dma_start3A_298 = tpu.memref_slice %arg2[%multiple_of3A_291, %dma_start3A_297] : memref<100000x256xf32, #tpu.memory_space<hbm>> -> memref<32x256xf32, #tpu.memory_space<hbm>>
    %dma_start3A_299 = arith.constant 0 : i32
    %dma_start3A_300 = arith.constant 0 : i32
    %dma_start3A_301 = tpu.memref_slice %arg4[%dma_start3A_292, %dma_start3A_299, %dma_start3A_300] : memref<3x32x256xf32, #tpu.memory_space<vmem>> -> memref<1x32x256xf32, #tpu.memory_space<vmem>>
    %dma_start3A_302 = tpu.memref_squeeze %dma_start3A_301 : memref<1x32x256xf32, #tpu.memory_space<vmem>> -> memref<32x256xf32, #tpu.memory_space<vmem>>
    %dma_start3A_303 = arith.constant 0 : i32
    %dma_start3A_304 = tpu.memref_slice %arg2[%multiple_of3A_291, %dma_start3A_303] : memref<100000x256xf32, #tpu.memory_space<hbm>> -> memref<32x256xf32, #tpu.memory_space<hbm>>
    tpu.enqueue_dma source(%dma_start3A_304 : memref<32x256xf32, #tpu.memory_space<hbm>>) target(%dma_start3A_302 : memref<32x256xf32, #tpu.memory_space<vmem>>) target_semaphore(%arg7 : memref<!tpu.dma_semaphore, #tpu.memory_space<semaphore_mem>>)
    %while3A_305 = arith.constant 0 : i32
    %while3A_306 = arith.constant 0 : i32
    %while3A_307 = arith.subi %add3A_11, %while3A_305 : i32
    %while3A_308 = arith.addi %while3A_305, %while3A_307 : i32
    %while3A_309 = arith.constant 1 : i32
    %while3A_310 = arith.divsi %while3A_307, %while3A_309 : i32
    %while3A_311 = arith.muli %while3A_310, %while3A_309 : i32
    %while3A_312 = arith.addi %while3A_305, %while3A_311 : i32
    %while3A_313 = arith.constant 1 : i32
    %while3A_314 = scf.for %while3A_470 = %while3A_305 to %while3A_312 step %while3A_313 iter_args(%while3A_471 = %while3A_306) -> (i32)  : i32 {
      %mul3A_472 = arith.constant 32 : i32
      %mul3A_473 = arith.muli %while3A_470, %mul3A_472 : i32
      %add3A_474 = arith.constant 1250 : i32
      %add3A_475 = arith.addi %add3A_474, %mul3A_473 : i32
      %add3A_476 = arith.addi %add3A_475, %add3A : i32
      %jit3A_477 = arith.constant 3 : i32
      %div3A_478 = arith.divsi %while3A_470, %jit3A_477 : i32
      %sign3A_479 = arith.constant 0 : i32
      %sign3A_480 = arith.cmpi sgt, %while3A_470, %sign3A_479 : i32
      %sign3A_481 = arith.extui %sign3A_480 : i1 to i32
      %sign3A_482 = arith.constant 0 : i32
      %sign3A_483 = arith.cmpi slt, %while3A_470, %sign3A_482 : i32
      %sign3A_484 = arith.extui %sign3A_483 : i1 to i32
      %sign3A_485 = arith.subi %sign3A_481, %sign3A_484 : i32
      %sign3A_486 = arith.constant 0 : i32
      %sign3A_487 = arith.cmpi sgt, %jit3A_477, %sign3A_486 : i32
      %sign3A_488 = arith.extui %sign3A_487 : i1 to i32
      %sign3A_489 = arith.constant 0 : i32
      %sign3A_490 = arith.cmpi slt, %jit3A_477, %sign3A_489 : i32
      %sign3A_491 = arith.extui %sign3A_490 : i1 to i32
      %sign3A_492 = arith.subi %sign3A_488, %sign3A_491 : i32
      %ne3A_493 = arith.cmpi ne, %sign3A_485, %sign3A_492 : i32
      %rem3A_494 = arith.remsi %while3A_470, %jit3A_477 : i32
      %ne3A_495 = arith.constant 0 : i32
      %ne3A_496 = arith.cmpi ne, %rem3A_494, %ne3A_495 : i32
      %and3A_497 = arith.andi %ne3A_493, %ne3A_496 : i1
      %sub3A_498 = arith.constant 1 : i32
      %sub3A_499 = arith.subi %div3A_478, %sub3A_498 : i32
      %select_n3A_500 = arith.select %and3A_497, %sub3A_499, %div3A_478 : i32
      %mul3A_501 = arith.constant 3 : i32
      %mul3A_502 = arith.muli %select_n3A_500, %mul3A_501 : i32
      %sub3A_503 = arith.subi %while3A_470, %mul3A_502 : i32
      %mul3A_504 = arith.constant 40 : i32
      %mul3A_505 = arith.muli %add3A_476, %mul3A_504 : i32
      %shift_right_arithmetic3A_506 = arith.constant 1 : i32
      %shift_right_arithmetic3A_507 = arith.shrsi %mul3A_505, %shift_right_arithmetic3A_506 : i32
      %sub3A_508 = arith.constant 1 : i32
      %sub3A_509 = arith.subi %shift_right_arithmetic3A_507, %sub3A_508 : i32
      %shift_right_arithmetic3A_510 = arith.constant 3 : i32
      %shift_right_arithmetic3A_511 = arith.shrsi %sub3A_509, %shift_right_arithmetic3A_510 : i32
      %shift_left3A_512 = arith.constant 3 : i32
      %shift_left3A_513 = arith.shli %shift_right_arithmetic3A_511, %shift_left3A_512 : i32
      %max3A_514 = arith.constant 0 : i32
      %max3A_515 = arith.maxsi %shift_left3A_513, %max3A_514 : i32
      %multiple_of3A_516 = tpu.assume_multiple %max3A_515, 8 : i32
      %dma_wait3A_517 = arith.constant 0 : i32
      %dma_wait3A_518 = arith.constant 0 : i32
      %dma_wait3A_519 = tpu.memref_slice %arg4[%sub3A_503, %dma_wait3A_517, %dma_wait3A_518] : memref<3x32x256xf32, #tpu.memory_space<vmem>> -> memref<1x32x256xf32, #tpu.memory_space<vmem>>
      %dma_wait3A_520 = tpu.memref_squeeze %dma_wait3A_519 : memref<1x32x256xf32, #tpu.memory_space<vmem>> -> memref<32x256xf32, #tpu.memory_space<vmem>>
      %dma_wait3A_521 = arith.constant 0 : i32
      %dma_wait3A_522 = tpu.memref_slice %arg2[%multiple_of3A_516, %dma_wait3A_521] : memref<100000x256xf32, #tpu.memory_space<hbm>> -> memref<32x256xf32, #tpu.memory_space<hbm>>
      %dma_wait3A_523 = arith.constant 0 : i32
      %dma_wait3A_524 = arith.constant 0 : i32
      %dma_wait3A_525 = tpu.memref_slice %arg4[%sub3A_503, %dma_wait3A_523, %dma_wait3A_524] : memref<3x32x256xf32, #tpu.memory_space<vmem>> -> memref<1x32x256xf32, #tpu.memory_space<vmem>>
      %dma_wait3A_526 = tpu.memref_squeeze %dma_wait3A_525 : memref<1x32x256xf32, #tpu.memory_space<vmem>> -> memref<32x256xf32, #tpu.memory_space<vmem>>
      %dma_wait3A_527 = arith.constant 0 : i32
      %dma_wait3A_528 = tpu.memref_slice %arg2[%multiple_of3A_516, %dma_wait3A_527] : memref<100000x256xf32, #tpu.memory_space<hbm>> -> memref<32x256xf32, #tpu.memory_space<hbm>>
      tpu.wait_dma2 semaphore(%arg7 : memref<!tpu.dma_semaphore, #tpu.memory_space<semaphore_mem>>) src(%dma_wait3A_528 : memref<32x256xf32, #tpu.memory_space<hbm>>) dst(%dma_wait3A_526 : memref<32x256xf32, #tpu.memory_space<vmem>>)
      %add3A_529 = arith.constant 2 : i32
      %add3A_530 = arith.addi %while3A_470, %add3A_529 : i32
      %lt3A_531 = arith.cmpi slt, %add3A_530, %add3A_11 : i32
      %convert_element_type3A = arith.extui %lt3A_531 : i1 to i32
      %cond3A = arith.constant 0 : i32
      %cond3A_532 = arith.cmpi ne, %convert_element_type3A, %cond3A : i32
      scf.if %cond3A_532 {
        %add3A_635 = arith.constant 2 : i32
        %add3A_636 = arith.addi %while3A_470, %add3A_635 : i32
        %mul3A_637 = arith.constant 32 : i32
        %mul3A_638 = arith.muli %add3A_636, %mul3A_637 : i32
        %add3A_639 = arith.constant 1250 : i32
        %add3A_640 = arith.addi %add3A_639, %mul3A_638 : i32
        %add3A_641 = arith.addi %add3A_640, %add3A : i32
        %jit3A_642 = arith.constant 3 : i32
        %div3A_643 = arith.divsi %add3A_636, %jit3A_642 : i32
        %sign3A_644 = arith.constant 0 : i32
        %sign3A_645 = arith.cmpi sgt, %add3A_636, %sign3A_644 : i32
        %sign3A_646 = arith.extui %sign3A_645 : i1 to i32
        %sign3A_647 = arith.constant 0 : i32
        %sign3A_648 = arith.cmpi slt, %add3A_636, %sign3A_647 : i32
        %sign3A_649 = arith.extui %sign3A_648 : i1 to i32
        %sign3A_650 = arith.subi %sign3A_646, %sign3A_649 : i32
        %sign3A_651 = arith.constant 0 : i32
        %sign3A_652 = arith.cmpi sgt, %jit3A_642, %sign3A_651 : i32
        %sign3A_653 = arith.extui %sign3A_652 : i1 to i32
        %sign3A_654 = arith.constant 0 : i32
        %sign3A_655 = arith.cmpi slt, %jit3A_642, %sign3A_654 : i32
        %sign3A_656 = arith.extui %sign3A_655 : i1 to i32
        %sign3A_657 = arith.subi %sign3A_653, %sign3A_656 : i32
        %ne3A_658 = arith.cmpi ne, %sign3A_650, %sign3A_657 : i32
        %rem3A_659 = arith.remsi %add3A_636, %jit3A_642 : i32
        %ne3A_660 = arith.constant 0 : i32
        %ne3A_661 = arith.cmpi ne, %rem3A_659, %ne3A_660 : i32
        %and3A_662 = arith.andi %ne3A_658, %ne3A_661 : i1
        %sub3A_663 = arith.constant 1 : i32
        %sub3A_664 = arith.subi %div3A_643, %sub3A_663 : i32
        %select_n3A_665 = arith.select %and3A_662, %sub3A_664, %div3A_643 : i32
        %mul3A_666 = arith.constant 3 : i32
        %mul3A_667 = arith.muli %select_n3A_665, %mul3A_666 : i32
        %sub3A_668 = arith.subi %add3A_636, %mul3A_667 : i32
        %mul3A_669 = arith.constant 40 : i32
        %mul3A_670 = arith.muli %add3A_641, %mul3A_669 : i32
        %shift_right_arithmetic3A_671 = arith.constant 1 : i32
        %shift_right_arithmetic3A_672 = arith.shrsi %mul3A_670, %shift_right_arithmetic3A_671 : i32
        %sub3A_673 = arith.constant 1 : i32
        %sub3A_674 = arith.subi %shift_right_arithmetic3A_672, %sub3A_673 : i32
        %shift_right_arithmetic3A_675 = arith.constant 3 : i32
        %shift_right_arithmetic3A_676 = arith.shrsi %sub3A_674, %shift_right_arithmetic3A_675 : i32
        %shift_left3A_677 = arith.constant 3 : i32
        %shift_left3A_678 = arith.shli %shift_right_arithmetic3A_676, %shift_left3A_677 : i32
        %max3A_679 = arith.constant 0 : i32
        %max3A_680 = arith.maxsi %shift_left3A_678, %max3A_679 : i32
        %multiple_of3A_681 = tpu.assume_multiple %max3A_680, 8 : i32
        %dma_start3A_682 = arith.constant 0 : i32
        %dma_start3A_683 = arith.constant 0 : i32
        %dma_start3A_684 = tpu.memref_slice %arg4[%sub3A_668, %dma_start3A_682, %dma_start3A_683] : memref<3x32x256xf32, #tpu.memory_space<vmem>> -> memref<1x32x256xf32, #tpu.memory_space<vmem>>
        %dma_start3A_685 = tpu.memref_squeeze %dma_start3A_684 : memref<1x32x256xf32, #tpu.memory_space<vmem>> -> memref<32x256xf32, #tpu.memory_space<vmem>>
        %dma_start3A_686 = arith.constant 0 : i32
        %dma_start3A_687 = tpu.memref_slice %arg2[%multiple_of3A_681, %dma_start3A_686] : memref<100000x256xf32, #tpu.memory_space<hbm>> -> memref<32x256xf32, #tpu.memory_space<hbm>>
        %dma_start3A_688 = arith.constant 0 : i32
        %dma_start3A_689 = arith.constant 0 : i32
        %dma_start3A_690 = tpu.memref_slice %arg4[%sub3A_668, %dma_start3A_688, %dma_start3A_689] : memref<3x32x256xf32, #tpu.memory_space<vmem>> -> memref<1x32x256xf32, #tpu.memory_space<vmem>>
        %dma_start3A_691 = tpu.memref_squeeze %dma_start3A_690 : memref<1x32x256xf32, #tpu.memory_space<vmem>> -> memref<32x256xf32, #tpu.memory_space<vmem>>
        %dma_start3A_692 = arith.constant 0 : i32
        %dma_start3A_693 = tpu.memref_slice %arg2[%multiple_of3A_681, %dma_start3A_692] : memref<100000x256xf32, #tpu.memory_space<hbm>> -> memref<32x256xf32, #tpu.memory_space<hbm>>
        tpu.enqueue_dma source(%dma_start3A_693 : memref<32x256xf32, #tpu.memory_space<hbm>>) target(%dma_start3A_691 : memref<32x256xf32, #tpu.memory_space<vmem>>) target_semaphore(%arg7 : memref<!tpu.dma_semaphore, #tpu.memory_space<semaphore_mem>>)
      } else {
      }
      %ge3A = arith.constant 3 : i32
      %ge3A_533 = arith.cmpi sge, %while3A_470, %ge3A : i32
      %convert_element_type3A_534 = arith.extui %ge3A_533 : i1 to i32
      %cond3A_535 = arith.constant 0 : i32
      %cond3A_536 = arith.cmpi ne, %convert_element_type3A_534, %cond3A_535 : i32
      scf.if %cond3A_536 {
        %sub3A_635 = arith.constant 3 : i32
        %sub3A_636 = arith.subi %while3A_470, %sub3A_635 : i32
        %mul3A_637 = arith.constant 32 : i32
        %mul3A_638 = arith.muli %sub3A_636, %mul3A_637 : i32
        %add3A_639 = arith.constant 1250 : i32
        %add3A_640 = arith.addi %add3A_639, %mul3A_638 : i32
        %add3A_641 = arith.addi %add3A_640, %add3A : i32
        %jit3A_642 = arith.constant 3 : i32
        %div3A_643 = arith.divsi %while3A_470, %jit3A_642 : i32
        %sign3A_644 = arith.constant 0 : i32
        %sign3A_645 = arith.cmpi sgt, %while3A_470, %sign3A_644 : i32
        %sign3A_646 = arith.extui %sign3A_645 : i1 to i32
        %sign3A_647 = arith.constant 0 : i32
        %sign3A_648 = arith.cmpi slt, %while3A_470, %sign3A_647 : i32
        %sign3A_649 = arith.extui %sign3A_648 : i1 to i32
        %sign3A_650 = arith.subi %sign3A_646, %sign3A_649 : i32
        %sign3A_651 = arith.constant 0 : i32
        %sign3A_652 = arith.cmpi sgt, %jit3A_642, %sign3A_651 : i32
        %sign3A_653 = arith.extui %sign3A_652 : i1 to i32
        %sign3A_654 = arith.constant 0 : i32
        %sign3A_655 = arith.cmpi slt, %jit3A_642, %sign3A_654 : i32
        %sign3A_656 = arith.extui %sign3A_655 : i1 to i32
        %sign3A_657 = arith.subi %sign3A_653, %sign3A_656 : i32
        %ne3A_658 = arith.cmpi ne, %sign3A_650, %sign3A_657 : i32
        %rem3A_659 = arith.remsi %while3A_470, %jit3A_642 : i32
        %ne3A_660 = arith.constant 0 : i32
        %ne3A_661 = arith.cmpi ne, %rem3A_659, %ne3A_660 : i32
        %and3A_662 = arith.andi %ne3A_658, %ne3A_661 : i1
        %sub3A_663 = arith.constant 1 : i32
        %sub3A_664 = arith.subi %div3A_643, %sub3A_663 : i32
        %select_n3A_665 = arith.select %and3A_662, %sub3A_664, %div3A_643 : i32
        %mul3A_666 = arith.constant 3 : i32
        %mul3A_667 = arith.muli %select_n3A_665, %mul3A_666 : i32
        %sub3A_668 = arith.subi %while3A_470, %mul3A_667 : i32
        %mul3A_669 = arith.constant 40 : i32
        %mul3A_670 = arith.muli %add3A_641, %mul3A_669 : i32
        %multiple_of3A_671 = tpu.assume_multiple %mul3A_670, 8 : i32
        %dma_wait3A_672 = arith.constant 0 : i32
        %dma_wait3A_673 = arith.constant 0 : i32
        %dma_wait3A_674 = tpu.memref_slice %arg6[%sub3A_668, %dma_wait3A_672, %dma_wait3A_673] : memref<3x40x256xf32, #tpu.memory_space<vmem>> -> memref<1x40x256xf32, #tpu.memory_space<vmem>>
        %dma_wait3A_675 = tpu.memref_squeeze %dma_wait3A_674 : memref<1x40x256xf32, #tpu.memory_space<vmem>> -> memref<40x256xf32, #tpu.memory_space<vmem>>
        %dma_wait3A_676 = arith.constant 0 : i32
        %dma_wait3A_677 = tpu.memref_slice %arg3[%multiple_of3A_671, %dma_wait3A_676] : memref<100000x256xf32, #tpu.memory_space<hbm>> -> memref<40x256xf32, #tpu.memory_space<hbm>>
        %dma_wait3A_678 = arith.constant 0 : i32
        %dma_wait3A_679 = tpu.memref_slice %arg3[%multiple_of3A_671, %dma_wait3A_678] : memref<100000x256xf32, #tpu.memory_space<hbm>> -> memref<40x256xf32, #tpu.memory_space<hbm>>
        %dma_wait3A_680 = arith.constant 0 : i32
        %dma_wait3A_681 = arith.constant 0 : i32
        %dma_wait3A_682 = tpu.memref_slice %arg6[%sub3A_668, %dma_wait3A_680, %dma_wait3A_681] : memref<3x40x256xf32, #tpu.memory_space<vmem>> -> memref<1x40x256xf32, #tpu.memory_space<vmem>>
        %dma_wait3A_683 = tpu.memref_squeeze %dma_wait3A_682 : memref<1x40x256xf32, #tpu.memory_space<vmem>> -> memref<40x256xf32, #tpu.memory_space<vmem>>
        tpu.wait_dma2 semaphore(%arg9 : memref<!tpu.dma_semaphore, #tpu.memory_space<semaphore_mem>>) src(%dma_wait3A_683 : memref<40x256xf32, #tpu.memory_space<vmem>>) dst(%dma_wait3A_679 : memref<40x256xf32, #tpu.memory_space<hbm>>)
      } else {
      }
      %mul3A_537 = arith.constant 32 : i32
      %mul3A_538 = arith.muli %while3A_470, %mul3A_537 : i32
      %add3A_539 = arith.constant 1250 : i32
      %add3A_540 = arith.addi %add3A_539, %mul3A_538 : i32
      %add3A_541 = arith.addi %add3A_540, %add3A : i32
      %jit3A_542 = arith.constant 3 : i32
      %div3A_543 = arith.divsi %while3A_470, %jit3A_542 : i32
      %sign3A_544 = arith.constant 0 : i32
      %sign3A_545 = arith.cmpi sgt, %while3A_470, %sign3A_544 : i32
      %sign3A_546 = arith.extui %sign3A_545 : i1 to i32
      %sign3A_547 = arith.constant 0 : i32
      %sign3A_548 = arith.cmpi slt, %while3A_470, %sign3A_547 : i32
      %sign3A_549 = arith.extui %sign3A_548 : i1 to i32
      %sign3A_550 = arith.subi %sign3A_546, %sign3A_549 : i32
      %sign3A_551 = arith.constant 0 : i32
      %sign3A_552 = arith.cmpi sgt, %jit3A_542, %sign3A_551 : i32
      %sign3A_553 = arith.extui %sign3A_552 : i1 to i32
      %sign3A_554 = arith.constant 0 : i32
      %sign3A_555 = arith.cmpi slt, %jit3A_542, %sign3A_554 : i32
      %sign3A_556 = arith.extui %sign3A_555 : i1 to i32
      %sign3A_557 = arith.subi %sign3A_553, %sign3A_556 : i32
      %ne3A_558 = arith.cmpi ne, %sign3A_550, %sign3A_557 : i32
      %rem3A_559 = arith.remsi %while3A_470, %jit3A_542 : i32
      %ne3A_560 = arith.constant 0 : i32
      %ne3A_561 = arith.cmpi ne, %rem3A_559, %ne3A_560 : i32
      %and3A_562 = arith.andi %ne3A_558, %ne3A_561 : i1
      %sub3A_563 = arith.constant 1 : i32
      %sub3A_564 = arith.subi %div3A_543, %sub3A_563 : i32
      %select_n3A_565 = arith.select %and3A_562, %sub3A_564, %div3A_543 : i32
      %mul3A_566 = arith.constant 3 : i32
      %mul3A_567 = arith.muli %select_n3A_565, %mul3A_566 : i32
      %sub3A_568 = arith.subi %while3A_470, %mul3A_567 : i32
      %mul3A_569 = arith.constant 40 : i32
      %mul3A_570 = arith.muli %add3A_541, %mul3A_569 : i32
      %shift_right_arithmetic3A_571 = arith.constant 1 : i32
      %shift_right_arithmetic3A_572 = arith.shrsi %mul3A_570, %shift_right_arithmetic3A_571 : i32
      %sub3A_573 = arith.constant 1 : i32
      %sub3A_574 = arith.subi %shift_right_arithmetic3A_572, %sub3A_573 : i32
      %shift_right_arithmetic3A_575 = arith.constant 3 : i32
      %shift_right_arithmetic3A_576 = arith.shrsi %sub3A_574, %shift_right_arithmetic3A_575 : i32
      %shift_left3A_577 = arith.constant 3 : i32
      %shift_left3A_578 = arith.shli %shift_right_arithmetic3A_576, %shift_left3A_577 : i32
      %max3A_579 = arith.constant 0 : i32
      %max3A_580 = arith.maxsi %shift_left3A_578, %max3A_579 : i32
      %scan3A = arith.constant 0 : i32
      %scan3A_581 = arith.constant 0 : i32
      %scan3A_582 = arith.constant 40 : i32
      %scan3A_583 = arith.addi %scan3A_581, %scan3A_582 : i32
      %scan3A_584 = arith.constant 1 : i32
      %scan3A_585 = scf.for %scan3A_635 = %scan3A_581 to %scan3A_583 step %scan3A_584 iter_args(%scan3A_636 = %scan3A) -> (i32)  : i32 {
        %add3A_637 = arith.addi %mul3A_570, %scan3A_635 : i32
        %sub3A_638 = arith.constant 1 : i32
        %sub3A_639 = arith.subi %add3A_637, %sub3A_638 : i32
        %shift_right_arithmetic3A_640 = arith.constant 1 : i32
        %shift_right_arithmetic3A_641 = arith.shrsi %sub3A_639, %shift_right_arithmetic3A_640 : i32
        %sub3A_642 = arith.subi %shift_right_arithmetic3A_641, %max3A_580 : i32
        %get3A = arith.index_cast %sub3A_568 : i32 to index
        %get3A_643 = arith.index_cast %sub3A_642 : i32 to index
        %get3A_644 = arith.constant 0 : index
        %get3A_645 = tpu.vector_load %arg4[%get3A, %get3A_643, %get3A_644] {strides = array<i32>} : memref<3x32x256xf32, #tpu.memory_space<vmem>>, vector<1x1x16xf32>,
        %get3A_646 = vector.shape_cast %get3A_645 : vector<1x1x16xf32> to vector<16xf32>
        %get3A_647 = arith.index_cast %sub3A_568 : i32 to index
        %get3A_648 = arith.index_cast %sub3A_642 : i32 to index
        %get3A_649 = arith.constant 16 : index
        %get3A_650 = tpu.vector_load %arg4[%get3A_647, %get3A_648, %get3A_649] {strides = array<i32>} : memref<3x32x256xf32, #tpu.memory_space<vmem>>, vector<1x1x16xf32>,
        %get3A_651 = vector.shape_cast %get3A_650 : vector<1x1x16xf32> to vector<16xf32>
        %get3A_652 = arith.index_cast %sub3A_568 : i32 to index
        %get3A_653 = arith.index_cast %sub3A_642 : i32 to index
        %get3A_654 = arith.constant 32 : index
        %get3A_655 = tpu.vector_load %arg4[%get3A_652, %get3A_653, %get3A_654] {strides = array<i32>} : memref<3x32x256xf32, #tpu.memory_space<vmem>>, vector<1x1x16xf32>,
        %get3A_656 = vector.shape_cast %get3A_655 : vector<1x1x16xf32> to vector<16xf32>
        %get3A_657 = arith.index_cast %sub3A_568 : i32 to index
        %get3A_658 = arith.index_cast %sub3A_642 : i32 to index
        %get3A_659 = arith.constant 48 : index
        %get3A_660 = tpu.vector_load %arg4[%get3A_657, %get3A_658, %get3A_659] {strides = array<i32>} : memref<3x32x256xf32, #tpu.memory_space<vmem>>, vector<1x1x16xf32>,
        %get3A_661 = vector.shape_cast %get3A_660 : vector<1x1x16xf32> to vector<16xf32>
        %swap3A = arith.index_cast %sub3A_568 : i32 to index
        %swap3A_662 = arith.index_cast %scan3A_635 : i32 to index
        %swap3A_663 = arith.constant 0 : index
        %swap3A_664 = tpu.vector_load %arg6[%swap3A, %swap3A_662, %swap3A_663] {strides = array<i32>} : memref<3x40x256xf32, #tpu.memory_space<vmem>>, vector<1x1x16xf32>,
        %swap3A_665 = vector.shape_cast %swap3A_664 : vector<1x1x16xf32> to vector<16xf32>
        %swap3A_666 = vector.shape_cast %get3A_646 : vector<16xf32> to vector<1x1x16xf32>
        tpu.vector_store %arg6[%swap3A, %swap3A_662, %swap3A_663], %swap3A_666 {strides = array<i32>} : memref<3x40x256xf32, #tpu.memory_space<vmem>>, vector<1x1x16xf32>,
        %swap3A_667 = arith.index_cast %sub3A_568 : i32 to index
        %swap3A_668 = arith.index_cast %scan3A_635 : i32 to index
        %swap3A_669 = arith.constant 16 : index
        %swap3A_670 = tpu.vector_load %arg6[%swap3A_667, %swap3A_668, %swap3A_669] {strides = array<i32>} : memref<3x40x256xf32, #tpu.memory_space<vmem>>, vector<1x1x16xf32>,
        %swap3A_671 = vector.shape_cast %swap3A_670 : vector<1x1x16xf32> to vector<16xf32>
        %swap3A_672 = vector.shape_cast %get3A_651 : vector<16xf32> to vector<1x1x16xf32>
        tpu.vector_store %arg6[%swap3A_667, %swap3A_668, %swap3A_669], %swap3A_672 {strides = array<i32>} : memref<3x40x256xf32, #tpu.memory_space<vmem>>, vector<1x1x16xf32>,
        %swap3A_673 = arith.index_cast %sub3A_568 : i32 to index
        %swap3A_674 = arith.index_cast %scan3A_635 : i32 to index
        %swap3A_675 = arith.constant 32 : index
        %swap3A_676 = tpu.vector_load %arg6[%swap3A_673, %swap3A_674, %swap3A_675] {strides = array<i32>} : memref<3x40x256xf32, #tpu.memory_space<vmem>>, vector<1x1x16xf32>,
        %swap3A_677 = vector.shape_cast %swap3A_676 : vector<1x1x16xf32> to vector<16xf32>
        %swap3A_678 = vector.shape_cast %get3A_656 : vector<16xf32> to vector<1x1x16xf32>
        tpu.vector_store %arg6[%swap3A_673, %swap3A_674, %swap3A_675], %swap3A_678 {strides = array<i32>} : memref<3x40x256xf32, #tpu.memory_space<vmem>>, vector<1x1x16xf32>,
        %swap3A_679 = arith.index_cast %sub3A_568 : i32 to index
        %swap3A_680 = arith.index_cast %scan3A_635 : i32 to index
        %swap3A_681 = arith.constant 48 : index
        %swap3A_682 = tpu.vector_load %arg6[%swap3A_679, %swap3A_680, %swap3A_681] {strides = array<i32>} : memref<3x40x256xf32, #tpu.memory_space<vmem>>, vector<1x1x16xf32>,
        %swap3A_683 = vector.shape_cast %swap3A_682 : vector<1x1x16xf32> to vector<16xf32>
        %swap3A_684 = vector.shape_cast %get3A_661 : vector<16xf32> to vector<1x1x16xf32>
        tpu.vector_store %arg6[%swap3A_679, %swap3A_680, %swap3A_681], %swap3A_684 {strides = array<i32>} : memref<3x40x256xf32, #tpu.memory_space<vmem>>, vector<1x1x16xf32>,
        %get3A_685 = arith.index_cast %sub3A_568 : i32 to index
        %get3A_686 = arith.index_cast %sub3A_642 : i32 to index
        %get3A_687 = arith.constant 64 : index
        %get3A_688 = tpu.vector_load %arg4[%get3A_685, %get3A_686, %get3A_687] {strides = array<i32>} : memref<3x32x256xf32, #tpu.memory_space<vmem>>, vector<1x1x16xf32>,
        %get3A_689 = vector.shape_cast %get3A_688 : vector<1x1x16xf32> to vector<16xf32>
        %get3A_690 = arith.index_cast %sub3A_568 : i32 to index
        %get3A_691 = arith.index_cast %sub3A_642 : i32 to index
        %get3A_692 = arith.constant 80 : index
        %get3A_693 = tpu.vector_load %arg4[%get3A_690, %get3A_691, %get3A_692] {strides = array<i32>} : memref<3x32x256xf32, #tpu.memory_space<vmem>>, vector<1x1x16xf32>,
        %get3A_694 = vector.shape_cast %get3A_693 : vector<1x1x16xf32> to vector<16xf32>
        %get3A_695 = arith.index_cast %sub3A_568 : i32 to index
        %get3A_696 = arith.index_cast %sub3A_642 : i32 to index
        %get3A_697 = arith.constant 96 : index
        %get3A_698 = tpu.vector_load %arg4[%get3A_695, %get3A_696, %get3A_697] {strides = array<i32>} : memref<3x32x256xf32, #tpu.memory_space<vmem>>, vector<1x1x16xf32>,
        %get3A_699 = vector.shape_cast %get3A_698 : vector<1x1x16xf32> to vector<16xf32>
        %get3A_700 = arith.index_cast %sub3A_568 : i32 to index
        %get3A_701 = arith.index_cast %sub3A_642 : i32 to index
        %get3A_702 = arith.constant 112 : index
        %get3A_703 = tpu.vector_load %arg4[%get3A_700, %get3A_701, %get3A_702] {strides = array<i32>} : memref<3x32x256xf32, #tpu.memory_space<vmem>>, vector<1x1x16xf32>,
        %get3A_704 = vector.shape_cast %get3A_703 : vector<1x1x16xf32> to vector<16xf32>
        %swap3A_705 = arith.index_cast %sub3A_568 : i32 to index
        %swap3A_706 = arith.index_cast %scan3A_635 : i32 to index
        %swap3A_707 = arith.constant 64 : index
        %swap3A_708 = tpu.vector_load %arg6[%swap3A_705, %swap3A_706, %swap3A_707] {strides = array<i32>} : memref<3x40x256xf32, #tpu.memory_space<vmem>>, vector<1x1x16xf32>,
        %swap3A_709 = vector.shape_cast %swap3A_708 : vector<1x1x16xf32> to vector<16xf32>
        %swap3A_710 = vector.shape_cast %get3A_689 : vector<16xf32> to vector<1x1x16xf32>
        tpu.vector_store %arg6[%swap3A_705, %swap3A_706, %swap3A_707], %swap3A_710 {strides = array<i32>} : memref<3x40x256xf32, #tpu.memory_space<vmem>>, vector<1x1x16xf32>,
        %swap3A_711 = arith.index_cast %sub3A_568 : i32 to index
        %swap3A_712 = arith.index_cast %scan3A_635 : i32 to index
        %swap3A_713 = arith.constant 80 : index
        %swap3A_714 = tpu.vector_load %arg6[%swap3A_711, %swap3A_712, %swap3A_713] {strides = array<i32>} : memref<3x40x256xf32, #tpu.memory_space<vmem>>, vector<1x1x16xf32>,
        %swap3A_715 = vector.shape_cast %swap3A_714 : vector<1x1x16xf32> to vector<16xf32>
        %swap3A_716 = vector.shape_cast %get3A_694 : vector<16xf32> to vector<1x1x16xf32>
        tpu.vector_store %arg6[%swap3A_711, %swap3A_712, %swap3A_713], %swap3A_716 {strides = array<i32>} : memref<3x40x256xf32, #tpu.memory_space<vmem>>, vector<1x1x16xf32>,
        %swap3A_717 = arith.index_cast %sub3A_568 : i32 to index
        %swap3A_718 = arith.index_cast %scan3A_635 : i32 to index
        %swap3A_719 = arith.constant 96 : index
        %swap3A_720 = tpu.vector_load %arg6[%swap3A_717, %swap3A_718, %swap3A_719] {strides = array<i32>} : memref<3x40x256xf32, #tpu.memory_space<vmem>>, vector<1x1x16xf32>,
        %swap3A_721 = vector.shape_cast %swap3A_720 : vector<1x1x16xf32> to vector<16xf32>
        %swap3A_722 = vector.shape_cast %get3A_699 : vector<16xf32> to vector<1x1x16xf32>
        tpu.vector_store %arg6[%swap3A_717, %swap3A_718, %swap3A_719], %swap3A_722 {strides = array<i32>} : memref<3x40x256xf32, #tpu.memory_space<vmem>>, vector<1x1x16xf32>,
        %swap3A_723 = arith.index_cast %sub3A_568 : i32 to index
        %swap3A_724 = arith.index_cast %scan3A_635 : i32 to index
        %swap3A_725 = arith.constant 112 : index
        %swap3A_726 = tpu.vector_load %arg6[%swap3A_723, %swap3A_724, %swap3A_725] {strides = array<i32>} : memref<3x40x256xf32, #tpu.memory_space<vmem>>, vector<1x1x16xf32>,
        %swap3A_727 = vector.shape_cast %swap3A_726 : vector<1x1x16xf32> to vector<16xf32>
        %swap3A_728 = vector.shape_cast %get3A_704 : vector<16xf32> to vector<1x1x16xf32>
        tpu.vector_store %arg6[%swap3A_723, %swap3A_724, %swap3A_725], %swap3A_728 {strides = array<i32>} : memref<3x40x256xf32, #tpu.memory_space<vmem>>, vector<1x1x16xf32>,
        %get3A_729 = arith.index_cast %sub3A_568 : i32 to index
        %get3A_730 = arith.index_cast %sub3A_642 : i32 to index
        %get3A_731 = arith.constant 128 : index
        %get3A_732 = tpu.vector_load %arg4[%get3A_729, %get3A_730, %get3A_731] {strides = array<i32>} : memref<3x32x256xf32, #tpu.memory_space<vmem>>, vector<1x1x16xf32>,
        %get3A_733 = vector.shape_cast %get3A_732 : vector<1x1x16xf32> to vector<16xf32>
        %get3A_734 = arith.index_cast %sub3A_568 : i32 to index
        %get3A_735 = arith.index_cast %sub3A_642 : i32 to index
        %get3A_736 = arith.constant 144 : index
        %get3A_737 = tpu.vector_load %arg4[%get3A_734, %get3A_735, %get3A_736] {strides = array<i32>} : memref<3x32x256xf32, #tpu.memory_space<vmem>>, vector<1x1x16xf32>,
        %get3A_738 = vector.shape_cast %get3A_737 : vector<1x1x16xf32> to vector<16xf32>
        %get3A_739 = arith.index_cast %sub3A_568 : i32 to index
        %get3A_740 = arith.index_cast %sub3A_642 : i32 to index
        %get3A_741 = arith.constant 160 : index
        %get3A_742 = tpu.vector_load %arg4[%get3A_739, %get3A_740, %get3A_741] {strides = array<i32>} : memref<3x32x256xf32, #tpu.memory_space<vmem>>, vector<1x1x16xf32>,
        %get3A_743 = vector.shape_cast %get3A_742 : vector<1x1x16xf32> to vector<16xf32>
        %get3A_744 = arith.index_cast %sub3A_568 : i32 to index
        %get3A_745 = arith.index_cast %sub3A_642 : i32 to index
        %get3A_746 = arith.constant 176 : index
        %get3A_747 = tpu.vector_load %arg4[%get3A_744, %get3A_745, %get3A_746] {strides = array<i32>} : memref<3x32x256xf32, #tpu.memory_space<vmem>>, vector<1x1x16xf32>,
        %get3A_748 = vector.shape_cast %get3A_747 : vector<1x1x16xf32> to vector<16xf32>
        %swap3A_749 = arith.index_cast %sub3A_568 : i32 to index
        %swap3A_750 = arith.index_cast %scan3A_635 : i32 to index
        %swap3A_751 = arith.constant 128 : index
        %swap3A_752 = tpu.vector_load %arg6[%swap3A_749, %swap3A_750, %swap3A_751] {strides = array<i32>} : memref<3x40x256xf32, #tpu.memory_space<vmem>>, vector<1x1x16xf32>,
        %swap3A_753 = vector.shape_cast %swap3A_752 : vector<1x1x16xf32> to vector<16xf32>
        %swap3A_754 = vector.shape_cast %get3A_733 : vector<16xf32> to vector<1x1x16xf32>
        tpu.vector_store %arg6[%swap3A_749, %swap3A_750, %swap3A_751], %swap3A_754 {strides = array<i32>} : memref<3x40x256xf32, #tpu.memory_space<vmem>>, vector<1x1x16xf32>,
        %swap3A_755 = arith.index_cast %sub3A_568 : i32 to index
        %swap3A_756 = arith.index_cast %scan3A_635 : i32 to index
        %swap3A_757 = arith.constant 144 : index
        %swap3A_758 = tpu.vector_load %arg6[%swap3A_755, %swap3A_756, %swap3A_757] {strides = array<i32>} : memref<3x40x256xf32, #tpu.memory_space<vmem>>, vector<1x1x16xf32>,
        %swap3A_759 = vector.shape_cast %swap3A_758 : vector<1x1x16xf32> to vector<16xf32>
        %swap3A_760 = vector.shape_cast %get3A_738 : vector<16xf32> to vector<1x1x16xf32>
        tpu.vector_store %arg6[%swap3A_755, %swap3A_756, %swap3A_757], %swap3A_760 {strides = array<i32>} : memref<3x40x256xf32, #tpu.memory_space<vmem>>, vector<1x1x16xf32>,
        %swap3A_761 = arith.index_cast %sub3A_568 : i32 to index
        %swap3A_762 = arith.index_cast %scan3A_635 : i32 to index
        %swap3A_763 = arith.constant 160 : index
        %swap3A_764 = tpu.vector_load %arg6[%swap3A_761, %swap3A_762, %swap3A_763] {strides = array<i32>} : memref<3x40x256xf32, #tpu.memory_space<vmem>>, vector<1x1x16xf32>,
        %swap3A_765 = vector.shape_cast %swap3A_764 : vector<1x1x16xf32> to vector<16xf32>
        %swap3A_766 = vector.shape_cast %get3A_743 : vector<16xf32> to vector<1x1x16xf32>
        tpu.vector_store %arg6[%swap3A_761, %swap3A_762, %swap3A_763], %swap3A_766 {strides = array<i32>} : memref<3x40x256xf32, #tpu.memory_space<vmem>>, vector<1x1x16xf32>,
        %swap3A_767 = arith.index_cast %sub3A_568 : i32 to index
        %swap3A_768 = arith.index_cast %scan3A_635 : i32 to index
        %swap3A_769 = arith.constant 176 : index
        %swap3A_770 = tpu.vector_load %arg6[%swap3A_767, %swap3A_768, %swap3A_769] {strides = array<i32>} : memref<3x40x256xf32, #tpu.memory_space<vmem>>, vector<1x1x16xf32>,
        %swap3A_771 = vector.shape_cast %swap3A_770 : vector<1x1x16xf32> to vector<16xf32>
        %swap3A_772 = vector.shape_cast %get3A_748 : vector<16xf32> to vector<1x1x16xf32>
        tpu.vector_store %arg6[%swap3A_767, %swap3A_768, %swap3A_769], %swap3A_772 {strides = array<i32>} : memref<3x40x256xf32, #tpu.memory_space<vmem>>, vector<1x1x16xf32>,
        %get3A_773 = arith.index_cast %sub3A_568 : i32 to index
        %get3A_774 = arith.index_cast %sub3A_642 : i32 to index
        %get3A_775 = arith.constant 192 : index
        %get3A_776 = tpu.vector_load %arg4[%get3A_773, %get3A_774, %get3A_775] {strides = array<i32>} : memref<3x32x256xf32, #tpu.memory_space<vmem>>, vector<1x1x16xf32>,
        %get3A_777 = vector.shape_cast %get3A_776 : vector<1x1x16xf32> to vector<16xf32>
        %get3A_778 = arith.index_cast %sub3A_568 : i32 to index
        %get3A_779 = arith.index_cast %sub3A_642 : i32 to index
        %get3A_780 = arith.constant 208 : index
        %get3A_781 = tpu.vector_load %arg4[%get3A_778, %get3A_779, %get3A_780] {strides = array<i32>} : memref<3x32x256xf32, #tpu.memory_space<vmem>>, vector<1x1x16xf32>,
        %get3A_782 = vector.shape_cast %get3A_781 : vector<1x1x16xf32> to vector<16xf32>
        %get3A_783 = arith.index_cast %sub3A_568 : i32 to index
        %get3A_784 = arith.index_cast %sub3A_642 : i32 to index
        %get3A_785 = arith.constant 224 : index
        %get3A_786 = tpu.vector_load %arg4[%get3A_783, %get3A_784, %get3A_785] {strides = array<i32>} : memref<3x32x256xf32, #tpu.memory_space<vmem>>, vector<1x1x16xf32>,
        %get3A_787 = vector.shape_cast %get3A_786 : vector<1x1x16xf32> to vector<16xf32>
        %get3A_788 = arith.index_cast %sub3A_568 : i32 to index
        %get3A_789 = arith.index_cast %sub3A_642 : i32 to index
        %get3A_790 = arith.constant 240 : index
        %get3A_791 = tpu.vector_load %arg4[%get3A_788, %get3A_789, %get3A_790] {strides = array<i32>} : memref<3x32x256xf32, #tpu.memory_space<vmem>>, vector<1x1x16xf32>,
        %get3A_792 = vector.shape_cast %get3A_791 : vector<1x1x16xf32> to vector<16xf32>
        %swap3A_793 = arith.index_cast %sub3A_568 : i32 to index
        %swap3A_794 = arith.index_cast %scan3A_635 : i32 to index
        %swap3A_795 = arith.constant 192 : index
        %swap3A_796 = tpu.vector_load %arg6[%swap3A_793, %swap3A_794, %swap3A_795] {strides = array<i32>} : memref<3x40x256xf32, #tpu.memory_space<vmem>>, vector<1x1x16xf32>,
        %swap3A_797 = vector.shape_cast %swap3A_796 : vector<1x1x16xf32> to vector<16xf32>
        %swap3A_798 = vector.shape_cast %get3A_777 : vector<16xf32> to vector<1x1x16xf32>
        tpu.vector_store %arg6[%swap3A_793, %swap3A_794, %swap3A_795], %swap3A_798 {strides = array<i32>} : memref<3x40x256xf32, #tpu.memory_space<vmem>>, vector<1x1x16xf32>,
        %swap3A_799 = arith.index_cast %sub3A_568 : i32 to index
        %swap3A_800 = arith.index_cast %scan3A_635 : i32 to index
        %swap3A_801 = arith.constant 208 : index
        %swap3A_802 = tpu.vector_load %arg6[%swap3A_799, %swap3A_800, %swap3A_801] {strides = array<i32>} : memref<3x40x256xf32, #tpu.memory_space<vmem>>, vector<1x1x16xf32>,
        %swap3A_803 = vector.shape_cast %swap3A_802 : vector<1x1x16xf32> to vector<16xf32>
        %swap3A_804 = vector.shape_cast %get3A_782 : vector<16xf32> to vector<1x1x16xf32>
        tpu.vector_store %arg6[%swap3A_799, %swap3A_800, %swap3A_801], %swap3A_804 {strides = array<i32>} : memref<3x40x256xf32, #tpu.memory_space<vmem>>, vector<1x1x16xf32>,
        %swap3A_805 = arith.index_cast %sub3A_568 : i32 to index
        %swap3A_806 = arith.index_cast %scan3A_635 : i32 to index
        %swap3A_807 = arith.constant 224 : index
        %swap3A_808 = tpu.vector_load %arg6[%swap3A_805, %swap3A_806, %swap3A_807] {strides = array<i32>} : memref<3x40x256xf32, #tpu.memory_space<vmem>>, vector<1x1x16xf32>,
        %swap3A_809 = vector.shape_cast %swap3A_808 : vector<1x1x16xf32> to vector<16xf32>
        %swap3A_810 = vector.shape_cast %get3A_787 : vector<16xf32> to vector<1x1x16xf32>
        tpu.vector_store %arg6[%swap3A_805, %swap3A_806, %swap3A_807], %swap3A_810 {strides = array<i32>} : memref<3x40x256xf32, #tpu.memory_space<vmem>>, vector<1x1x16xf32>,
        %swap3A_811 = arith.index_cast %sub3A_568 : i32 to index
        %swap3A_812 = arith.index_cast %scan3A_635 : i32 to index
        %swap3A_813 = arith.constant 240 : index
        %swap3A_814 = tpu.vector_load %arg6[%swap3A_811, %swap3A_812, %swap3A_813] {strides = array<i32>} : memref<3x40x256xf32, #tpu.memory_space<vmem>>, vector<1x1x16xf32>,
        %swap3A_815 = vector.shape_cast %swap3A_814 : vector<1x1x16xf32> to vector<16xf32>
        %swap3A_816 = vector.shape_cast %get3A_792 : vector<16xf32> to vector<1x1x16xf32>
        tpu.vector_store %arg6[%swap3A_811, %swap3A_812, %swap3A_813], %swap3A_816 {strides = array<i32>} : memref<3x40x256xf32, #tpu.memory_space<vmem>>, vector<1x1x16xf32>,
        %scan3A_817 = arith.constant 0 : i32
        scf.yield %scan3A_817 : i32
      }
      %scan3A_586 = arith.constant 40 : i32
      %mul3A_587 = arith.constant 32 : i32
      %mul3A_588 = arith.muli %while3A_470, %mul3A_587 : i32
      %add3A_589 = arith.constant 1250 : i32
      %add3A_590 = arith.addi %add3A_589, %mul3A_588 : i32
      %add3A_591 = arith.addi %add3A_590, %add3A : i32
      %jit3A_592 = arith.constant 3 : i32
      %div3A_593 = arith.divsi %while3A_470, %jit3A_592 : i32
      %sign3A_594 = arith.constant 0 : i32
      %sign3A_595 = arith.cmpi sgt, %while3A_470, %sign3A_594 : i32
      %sign3A_596 = arith.extui %sign3A_595 : i1 to i32
      %sign3A_597 = arith.constant 0 : i32
      %sign3A_598 = arith.cmpi slt, %while3A_470, %sign3A_597 : i32
      %sign3A_599 = arith.extui %sign3A_598 : i1 to i32
      %sign3A_600 = arith.subi %sign3A_596, %sign3A_599 : i32
      %sign3A_601 = arith.constant 0 : i32
      %sign3A_602 = arith.cmpi sgt, %jit3A_592, %sign3A_601 : i32
      %sign3A_603 = arith.extui %sign3A_602 : i1 to i32
      %sign3A_604 = arith.constant 0 : i32
      %sign3A_605 = arith.cmpi slt, %jit3A_592, %sign3A_604 : i32
      %sign3A_606 = arith.extui %sign3A_605 : i1 to i32
      %sign3A_607 = arith.subi %sign3A_603, %sign3A_606 : i32
      %ne3A_608 = arith.cmpi ne, %sign3A_600, %sign3A_607 : i32
      %rem3A_609 = arith.remsi %while3A_470, %jit3A_592 : i32
      %ne3A_610 = arith.constant 0 : i32
      %ne3A_611 = arith.cmpi ne, %rem3A_609, %ne3A_610 : i32
      %and3A_612 = arith.andi %ne3A_608, %ne3A_611 : i1
      %sub3A_613 = arith.constant 1 : i32
      %sub3A_614 = arith.subi %div3A_593, %sub3A_613 : i32
      %select_n3A_615 = arith.select %and3A_612, %sub3A_614, %div3A_593 : i32
      %mul3A_616 = arith.constant 3 : i32
      %mul3A_617 = arith.muli %select_n3A_615, %mul3A_616 : i32
      %sub3A_618 = arith.subi %while3A_470, %mul3A_617 : i32
      %mul3A_619 = arith.constant 40 : i32
      %mul3A_620 = arith.muli %add3A_591, %mul3A_619 : i32
      %multiple_of3A_621 = tpu.assume_multiple %mul3A_620, 8 : i32
      %dma_start3A_622 = arith.constant 0 : i32
      %dma_start3A_623 = arith.constant 0 : i32
      %dma_start3A_624 = tpu.memref_slice %arg6[%sub3A_618, %dma_start3A_622, %dma_start3A_623] : memref<3x40x256xf32, #tpu.memory_space<vmem>> -> memref<1x40x256xf32, #tpu.memory_space<vmem>>
      %dma_start3A_625 = tpu.memref_squeeze %dma_start3A_624 : memref<1x40x256xf32, #tpu.memory_space<vmem>> -> memref<40x256xf32, #tpu.memory_space<vmem>>
      %dma_start3A_626 = arith.constant 0 : i32
      %dma_start3A_627 = tpu.memref_slice %arg3[%multiple_of3A_621, %dma_start3A_626] : memref<100000x256xf32, #tpu.memory_space<hbm>> -> memref<40x256xf32, #tpu.memory_space<hbm>>
      %dma_start3A_628 = arith.constant 0 : i32
      %dma_start3A_629 = tpu.memref_slice %arg3[%multiple_of3A_621, %dma_start3A_628] : memref<100000x256xf32, #tpu.memory_space<hbm>> -> memref<40x256xf32, #tpu.memory_space<hbm>>
      %dma_start3A_630 = arith.constant 0 : i32
      %dma_start3A_631 = arith.constant 0 : i32
      %dma_start3A_632 = tpu.memref_slice %arg6[%sub3A_618, %dma_start3A_630, %dma_start3A_631] : memref<3x40x256xf32, #tpu.memory_space<vmem>> -> memref<1x40x256xf32, #tpu.memory_space<vmem>>
      %dma_start3A_633 = tpu.memref_squeeze %dma_start3A_632 : memref<1x40x256xf32, #tpu.memory_space<vmem>> -> memref<40x256xf32, #tpu.memory_space<vmem>>
      tpu.enqueue_dma source(%dma_start3A_633 : memref<40x256xf32, #tpu.memory_space<vmem>>) target(%dma_start3A_629 : memref<40x256xf32, #tpu.memory_space<hbm>>) target_semaphore(%arg9 : memref<!tpu.dma_semaphore, #tpu.memory_space<semaphore_mem>>)
      %while3A_634 = arith.constant 0 : i32
      scf.yield %while3A_634 : i32
    }
    %while3A_315 = arith.constant 1 : i32
    %while3A_316 = scf.for %while3A_470 = %while3A_312 to %while3A_308 step %while3A_315 iter_args(%while3A_471 = %while3A_314) -> (i32)  : i32 {
      %mul3A_472 = arith.constant 32 : i32
      %mul3A_473 = arith.muli %while3A_470, %mul3A_472 : i32
      %add3A_474 = arith.constant 1250 : i32
      %add3A_475 = arith.addi %add3A_474, %mul3A_473 : i32
      %add3A_476 = arith.addi %add3A_475, %add3A : i32
      %jit3A_477 = arith.constant 3 : i32
      %div3A_478 = arith.divsi %while3A_470, %jit3A_477 : i32
      %sign3A_479 = arith.constant 0 : i32
      %sign3A_480 = arith.cmpi sgt, %while3A_470, %sign3A_479 : i32
      %sign3A_481 = arith.extui %sign3A_480 : i1 to i32
      %sign3A_482 = arith.constant 0 : i32
      %sign3A_483 = arith.cmpi slt, %while3A_470, %sign3A_482 : i32
      %sign3A_484 = arith.extui %sign3A_483 : i1 to i32
      %sign3A_485 = arith.subi %sign3A_481, %sign3A_484 : i32
      %sign3A_486 = arith.constant 0 : i32
      %sign3A_487 = arith.cmpi sgt, %jit3A_477, %sign3A_486 : i32
      %sign3A_488 = arith.extui %sign3A_487 : i1 to i32
      %sign3A_489 = arith.constant 0 : i32
      %sign3A_490 = arith.cmpi slt, %jit3A_477, %sign3A_489 : i32
      %sign3A_491 = arith.extui %sign3A_490 : i1 to i32
      %sign3A_492 = arith.subi %sign3A_488, %sign3A_491 : i32
      %ne3A_493 = arith.cmpi ne, %sign3A_485, %sign3A_492 : i32
      %rem3A_494 = arith.remsi %while3A_470, %jit3A_477 : i32
      %ne3A_495 = arith.constant 0 : i32
      %ne3A_496 = arith.cmpi ne, %rem3A_494, %ne3A_495 : i32
      %and3A_497 = arith.andi %ne3A_493, %ne3A_496 : i1
      %sub3A_498 = arith.constant 1 : i32
      %sub3A_499 = arith.subi %div3A_478, %sub3A_498 : i32
      %select_n3A_500 = arith.select %and3A_497, %sub3A_499, %div3A_478 : i32
      %mul3A_501 = arith.constant 3 : i32
      %mul3A_502 = arith.muli %select_n3A_500, %mul3A_501 : i32
      %sub3A_503 = arith.subi %while3A_470, %mul3A_502 : i32
      %mul3A_504 = arith.constant 40 : i32
      %mul3A_505 = arith.muli %add3A_476, %mul3A_504 : i32
      %shift_right_arithmetic3A_506 = arith.constant 1 : i32
      %shift_right_arithmetic3A_507 = arith.shrsi %mul3A_505, %shift_right_arithmetic3A_506 : i32
      %sub3A_508 = arith.constant 1 : i32
      %sub3A_509 = arith.subi %shift_right_arithmetic3A_507, %sub3A_508 : i32
      %shift_right_arithmetic3A_510 = arith.constant 3 : i32
      %shift_right_arithmetic3A_511 = arith.shrsi %sub3A_509, %shift_right_arithmetic3A_510 : i32
      %shift_left3A_512 = arith.constant 3 : i32
      %shift_left3A_513 = arith.shli %shift_right_arithmetic3A_511, %shift_left3A_512 : i32
      %max3A_514 = arith.constant 0 : i32
      %max3A_515 = arith.maxsi %shift_left3A_513, %max3A_514 : i32
      %multiple_of3A_516 = tpu.assume_multiple %max3A_515, 8 : i32
      %dma_wait3A_517 = arith.constant 0 : i32
      %dma_wait3A_518 = arith.constant 0 : i32
      %dma_wait3A_519 = tpu.memref_slice %arg4[%sub3A_503, %dma_wait3A_517, %dma_wait3A_518] : memref<3x32x256xf32, #tpu.memory_space<vmem>> -> memref<1x32x256xf32, #tpu.memory_space<vmem>>
      %dma_wait3A_520 = tpu.memref_squeeze %dma_wait3A_519 : memref<1x32x256xf32, #tpu.memory_space<vmem>> -> memref<32x256xf32, #tpu.memory_space<vmem>>
      %dma_wait3A_521 = arith.constant 0 : i32
      %dma_wait3A_522 = tpu.memref_slice %arg2[%multiple_of3A_516, %dma_wait3A_521] : memref<100000x256xf32, #tpu.memory_space<hbm>> -> memref<32x256xf32, #tpu.memory_space<hbm>>
      %dma_wait3A_523 = arith.constant 0 : i32
      %dma_wait3A_524 = arith.constant 0 : i32
      %dma_wait3A_525 = tpu.memref_slice %arg4[%sub3A_503, %dma_wait3A_523, %dma_wait3A_524] : memref<3x32x256xf32, #tpu.memory_space<vmem>> -> memref<1x32x256xf32, #tpu.memory_space<vmem>>
      %dma_wait3A_526 = tpu.memref_squeeze %dma_wait3A_525 : memref<1x32x256xf32, #tpu.memory_space<vmem>> -> memref<32x256xf32, #tpu.memory_space<vmem>>
      %dma_wait3A_527 = arith.constant 0 : i32
      %dma_wait3A_528 = tpu.memref_slice %arg2[%multiple_of3A_516, %dma_wait3A_527] : memref<100000x256xf32, #tpu.memory_space<hbm>> -> memref<32x256xf32, #tpu.memory_space<hbm>>
      tpu.wait_dma2 semaphore(%arg7 : memref<!tpu.dma_semaphore, #tpu.memory_space<semaphore_mem>>) src(%dma_wait3A_528 : memref<32x256xf32, #tpu.memory_space<hbm>>) dst(%dma_wait3A_526 : memref<32x256xf32, #tpu.memory_space<vmem>>)
      %add3A_529 = arith.constant 2 : i32
      %add3A_530 = arith.addi %while3A_470, %add3A_529 : i32
      %lt3A_531 = arith.cmpi slt, %add3A_530, %add3A_11 : i32
      %convert_element_type3A = arith.extui %lt3A_531 : i1 to i32
      %cond3A = arith.constant 0 : i32
      %cond3A_532 = arith.cmpi ne, %convert_element_type3A, %cond3A : i32
      scf.if %cond3A_532 {
        %add3A_635 = arith.constant 2 : i32
        %add3A_636 = arith.addi %while3A_470, %add3A_635 : i32
        %mul3A_637 = arith.constant 32 : i32
        %mul3A_638 = arith.muli %add3A_636, %mul3A_637 : i32
        %add3A_639 = arith.constant 1250 : i32
        %add3A_640 = arith.addi %add3A_639, %mul3A_638 : i32
        %add3A_641 = arith.addi %add3A_640, %add3A : i32
        %jit3A_642 = arith.constant 3 : i32
        %div3A_643 = arith.divsi %add3A_636, %jit3A_642 : i32
        %sign3A_644 = arith.constant 0 : i32
        %sign3A_645 = arith.cmpi sgt, %add3A_636, %sign3A_644 : i32
        %sign3A_646 = arith.extui %sign3A_645 : i1 to i32
        %sign3A_647 = arith.constant 0 : i32
        %sign3A_648 = arith.cmpi slt, %add3A_636, %sign3A_647 : i32
        %sign3A_649 = arith.extui %sign3A_648 : i1 to i32
        %sign3A_650 = arith.subi %sign3A_646, %sign3A_649 : i32
        %sign3A_651 = arith.constant 0 : i32
        %sign3A_652 = arith.cmpi sgt, %jit3A_642, %sign3A_651 : i32
        %sign3A_653 = arith.extui %sign3A_652 : i1 to i32
        %sign3A_654 = arith.constant 0 : i32
        %sign3A_655 = arith.cmpi slt, %jit3A_642, %sign3A_654 : i32
        %sign3A_656 = arith.extui %sign3A_655 : i1 to i32
        %sign3A_657 = arith.subi %sign3A_653, %sign3A_656 : i32
        %ne3A_658 = arith.cmpi ne, %sign3A_650, %sign3A_657 : i32
        %rem3A_659 = arith.remsi %add3A_636, %jit3A_642 : i32
        %ne3A_660 = arith.constant 0 : i32
        %ne3A_661 = arith.cmpi ne, %rem3A_659, %ne3A_660 : i32
        %and3A_662 = arith.andi %ne3A_658, %ne3A_661 : i1
        %sub3A_663 = arith.constant 1 : i32
        %sub3A_664 = arith.subi %div3A_643, %sub3A_663 : i32
        %select_n3A_665 = arith.select %and3A_662, %sub3A_664, %div3A_643 : i32
        %mul3A_666 = arith.constant 3 : i32
        %mul3A_667 = arith.muli %select_n3A_665, %mul3A_666 : i32
        %sub3A_668 = arith.subi %add3A_636, %mul3A_667 : i32
        %mul3A_669 = arith.constant 40 : i32
        %mul3A_670 = arith.muli %add3A_641, %mul3A_669 : i32
        %shift_right_arithmetic3A_671 = arith.constant 1 : i32
        %shift_right_arithmetic3A_672 = arith.shrsi %mul3A_670, %shift_right_arithmetic3A_671 : i32
        %sub3A_673 = arith.constant 1 : i32
        %sub3A_674 = arith.subi %shift_right_arithmetic3A_672, %sub3A_673 : i32
        %shift_right_arithmetic3A_675 = arith.constant 3 : i32
        %shift_right_arithmetic3A_676 = arith.shrsi %sub3A_674, %shift_right_arithmetic3A_675 : i32
        %shift_left3A_677 = arith.constant 3 : i32
        %shift_left3A_678 = arith.shli %shift_right_arithmetic3A_676, %shift_left3A_677 : i32
        %max3A_679 = arith.constant 0 : i32
        %max3A_680 = arith.maxsi %shift_left3A_678, %max3A_679 : i32
        %multiple_of3A_681 = tpu.assume_multiple %max3A_680, 8 : i32
        %dma_start3A_682 = arith.constant 0 : i32
        %dma_start3A_683 = arith.constant 0 : i32
        %dma_start3A_684 = tpu.memref_slice %arg4[%sub3A_668, %dma_start3A_682, %dma_start3A_683] : memref<3x32x256xf32, #tpu.memory_space<vmem>> -> memref<1x32x256xf32, #tpu.memory_space<vmem>>
        %dma_start3A_685 = tpu.memref_squeeze %dma_start3A_684 : memref<1x32x256xf32, #tpu.memory_space<vmem>> -> memref<32x256xf32, #tpu.memory_space<vmem>>
        %dma_start3A_686 = arith.constant 0 : i32
        %dma_start3A_687 = tpu.memref_slice %arg2[%multiple_of3A_681, %dma_start3A_686] : memref<100000x256xf32, #tpu.memory_space<hbm>> -> memref<32x256xf32, #tpu.memory_space<hbm>>
        %dma_start3A_688 = arith.constant 0 : i32
        %dma_start3A_689 = arith.constant 0 : i32
        %dma_start3A_690 = tpu.memref_slice %arg4[%sub3A_668, %dma_start3A_688, %dma_start3A_689] : memref<3x32x256xf32, #tpu.memory_space<vmem>> -> memref<1x32x256xf32, #tpu.memory_space<vmem>>
        %dma_start3A_691 = tpu.memref_squeeze %dma_start3A_690 : memref<1x32x256xf32, #tpu.memory_space<vmem>> -> memref<32x256xf32, #tpu.memory_space<vmem>>
        %dma_start3A_692 = arith.constant 0 : i32
        %dma_start3A_693 = tpu.memref_slice %arg2[%multiple_of3A_681, %dma_start3A_692] : memref<100000x256xf32, #tpu.memory_space<hbm>> -> memref<32x256xf32, #tpu.memory_space<hbm>>
        tpu.enqueue_dma source(%dma_start3A_693 : memref<32x256xf32, #tpu.memory_space<hbm>>) target(%dma_start3A_691 : memref<32x256xf32, #tpu.memory_space<vmem>>) target_semaphore(%arg7 : memref<!tpu.dma_semaphore, #tpu.memory_space<semaphore_mem>>)
      } else {
      }
      %ge3A = arith.constant 3 : i32
      %ge3A_533 = arith.cmpi sge, %while3A_470, %ge3A : i32
      %convert_element_type3A_534 = arith.extui %ge3A_533 : i1 to i32
      %cond3A_535 = arith.constant 0 : i32
      %cond3A_536 = arith.cmpi ne, %convert_element_type3A_534, %cond3A_535 : i32
      scf.if %cond3A_536 {
        %sub3A_635 = arith.constant 3 : i32
        %sub3A_636 = arith.subi %while3A_470, %sub3A_635 : i32
        %mul3A_637 = arith.constant 32 : i32
        %mul3A_638 = arith.muli %sub3A_636, %mul3A_637 : i32
        %add3A_639 = arith.constant 1250 : i32
        %add3A_640 = arith.addi %add3A_639, %mul3A_638 : i32
        %add3A_641 = arith.addi %add3A_640, %add3A : i32
        %jit3A_642 = arith.constant 3 : i32
        %div3A_643 = arith.divsi %while3A_470, %jit3A_642 : i32
        %sign3A_644 = arith.constant 0 : i32
        %sign3A_645 = arith.cmpi sgt, %while3A_470, %sign3A_644 : i32
        %sign3A_646 = arith.extui %sign3A_645 : i1 to i32
        %sign3A_647 = arith.constant 0 : i32
        %sign3A_648 = arith.cmpi slt, %while3A_470, %sign3A_647 : i32
        %sign3A_649 = arith.extui %sign3A_648 : i1 to i32
        %sign3A_650 = arith.subi %sign3A_646, %sign3A_649 : i32
        %sign3A_651 = arith.constant 0 : i32
        %sign3A_652 = arith.cmpi sgt, %jit3A_642, %sign3A_651 : i32
        %sign3A_653 = arith.extui %sign3A_652 : i1 to i32
        %sign3A_654 = arith.constant 0 : i32
        %sign3A_655 = arith.cmpi slt, %jit3A_642, %sign3A_654 : i32
        %sign3A_656 = arith.extui %sign3A_655 : i1 to i32
        %sign3A_657 = arith.subi %sign3A_653, %sign3A_656 : i32
        %ne3A_658 = arith.cmpi ne, %sign3A_650, %sign3A_657 : i32
        %rem3A_659 = arith.remsi %while3A_470, %jit3A_642 : i32
        %ne3A_660 = arith.constant 0 : i32
        %ne3A_661 = arith.cmpi ne, %rem3A_659, %ne3A_660 : i32
        %and3A_662 = arith.andi %ne3A_658, %ne3A_661 : i1
        %sub3A_663 = arith.constant 1 : i32
        %sub3A_664 = arith.subi %div3A_643, %sub3A_663 : i32
        %select_n3A_665 = arith.select %and3A_662, %sub3A_664, %div3A_643 : i32
        %mul3A_666 = arith.constant 3 : i32
        %mul3A_667 = arith.muli %select_n3A_665, %mul3A_666 : i32
        %sub3A_668 = arith.subi %while3A_470, %mul3A_667 : i32
        %mul3A_669 = arith.constant 40 : i32
        %mul3A_670 = arith.muli %add3A_641, %mul3A_669 : i32
        %multiple_of3A_671 = tpu.assume_multiple %mul3A_670, 8 : i32
        %dma_wait3A_672 = arith.constant 0 : i32
        %dma_wait3A_673 = arith.constant 0 : i32
        %dma_wait3A_674 = tpu.memref_slice %arg6[%sub3A_668, %dma_wait3A_672, %dma_wait3A_673] : memref<3x40x256xf32, #tpu.memory_space<vmem>> -> memref<1x40x256xf32, #tpu.memory_space<vmem>>
        %dma_wait3A_675 = tpu.memref_squeeze %dma_wait3A_674 : memref<1x40x256xf32, #tpu.memory_space<vmem>> -> memref<40x256xf32, #tpu.memory_space<vmem>>
        %dma_wait3A_676 = arith.constant 0 : i32
        %dma_wait3A_677 = tpu.memref_slice %arg3[%multiple_of3A_671, %dma_wait3A_676] : memref<100000x256xf32, #tpu.memory_space<hbm>> -> memref<40x256xf32, #tpu.memory_space<hbm>>
        %dma_wait3A_678 = arith.constant 0 : i32
        %dma_wait3A_679 = tpu.memref_slice %arg3[%multiple_of3A_671, %dma_wait3A_678] : memref<100000x256xf32, #tpu.memory_space<hbm>> -> memref<40x256xf32, #tpu.memory_space<hbm>>
        %dma_wait3A_680 = arith.constant 0 : i32
        %dma_wait3A_681 = arith.constant 0 : i32
        %dma_wait3A_682 = tpu.memref_slice %arg6[%sub3A_668, %dma_wait3A_680, %dma_wait3A_681] : memref<3x40x256xf32, #tpu.memory_space<vmem>> -> memref<1x40x256xf32, #tpu.memory_space<vmem>>
        %dma_wait3A_683 = tpu.memref_squeeze %dma_wait3A_682 : memref<1x40x256xf32, #tpu.memory_space<vmem>> -> memref<40x256xf32, #tpu.memory_space<vmem>>
        tpu.wait_dma2 semaphore(%arg9 : memref<!tpu.dma_semaphore, #tpu.memory_space<semaphore_mem>>) src(%dma_wait3A_683 : memref<40x256xf32, #tpu.memory_space<vmem>>) dst(%dma_wait3A_679 : memref<40x256xf32, #tpu.memory_space<hbm>>)
      } else {
      }
      %mul3A_537 = arith.constant 32 : i32
      %mul3A_538 = arith.muli %while3A_470, %mul3A_537 : i32
      %add3A_539 = arith.constant 1250 : i32
      %add3A_540 = arith.addi %add3A_539, %mul3A_538 : i32
      %add3A_541 = arith.addi %add3A_540, %add3A : i32
      %jit3A_542 = arith.constant 3 : i32
      %div3A_543 = arith.divsi %while3A_470, %jit3A_542 : i32
      %sign3A_544 = arith.constant 0 : i32
      %sign3A_545 = arith.cmpi sgt, %while3A_470, %sign3A_544 : i32
      %sign3A_546 = arith.extui %sign3A_545 : i1 to i32
      %sign3A_547 = arith.constant 0 : i32
      %sign3A_548 = arith.cmpi slt, %while3A_470, %sign3A_547 : i32
      %sign3A_549 = arith.extui %sign3A_548 : i1 to i32
      %sign3A_550 = arith.subi %sign3A_546, %sign3A_549 : i32
      %sign3A_551 = arith.constant 0 : i32
      %sign3A_552 = arith.cmpi sgt, %jit3A_542, %sign3A_551 : i32
      %sign3A_553 = arith.extui %sign3A_552 : i1 to i32
      %sign3A_554 = arith.constant 0 : i32
      %sign3A_555 = arith.cmpi slt, %jit3A_542, %sign3A_554 : i32
      %sign3A_556 = arith.extui %sign3A_555 : i1 to i32
      %sign3A_557 = arith.subi %sign3A_553, %sign3A_556 : i32
      %ne3A_558 = arith.cmpi ne, %sign3A_550, %sign3A_557 : i32
      %rem3A_559 = arith.remsi %while3A_470, %jit3A_542 : i32
      %ne3A_560 = arith.constant 0 : i32
      %ne3A_561 = arith.cmpi ne, %rem3A_559, %ne3A_560 : i32
      %and3A_562 = arith.andi %ne3A_558, %ne3A_561 : i1
      %sub3A_563 = arith.constant 1 : i32
      %sub3A_564 = arith.subi %div3A_543, %sub3A_563 : i32
      %select_n3A_565 = arith.select %and3A_562, %sub3A_564, %div3A_543 : i32
      %mul3A_566 = arith.constant 3 : i32
      %mul3A_567 = arith.muli %select_n3A_565, %mul3A_566 : i32
      %sub3A_568 = arith.subi %while3A_470, %mul3A_567 : i32
      %mul3A_569 = arith.constant 40 : i32
      %mul3A_570 = arith.muli %add3A_541, %mul3A_569 : i32
      %shift_right_arithmetic3A_571 = arith.constant 1 : i32
      %shift_right_arithmetic3A_572 = arith.shrsi %mul3A_570, %shift_right_arithmetic3A_571 : i32
      %sub3A_573 = arith.constant 1 : i32
      %sub3A_574 = arith.subi %shift_right_arithmetic3A_572, %sub3A_573 : i32
      %shift_right_arithmetic3A_575 = arith.constant 3 : i32
      %shift_right_arithmetic3A_576 = arith.shrsi %sub3A_574, %shift_right_arithmetic3A_575 : i32
      %shift_left3A_577 = arith.constant 3 : i32
      %shift_left3A_578 = arith.shli %shift_right_arithmetic3A_576, %shift_left3A_577 : i32
      %max3A_579 = arith.constant 0 : i32
      %max3A_580 = arith.maxsi %shift_left3A_578, %max3A_579 : i32
      %scan3A = arith.constant 0 : i32
      %scan3A_581 = arith.constant 0 : i32
      %scan3A_582 = arith.constant 40 : i32
      %scan3A_583 = arith.addi %scan3A_581, %scan3A_582 : i32
      %scan3A_584 = arith.constant 1 : i32
      %scan3A_585 = scf.for %scan3A_635 = %scan3A_581 to %scan3A_583 step %scan3A_584 iter_args(%scan3A_636 = %scan3A) -> (i32)  : i32 {
        %add3A_637 = arith.addi %mul3A_570, %scan3A_635 : i32
        %sub3A_638 = arith.constant 1 : i32
        %sub3A_639 = arith.subi %add3A_637, %sub3A_638 : i32
        %shift_right_arithmetic3A_640 = arith.constant 1 : i32
        %shift_right_arithmetic3A_641 = arith.shrsi %sub3A_639, %shift_right_arithmetic3A_640 : i32
        %sub3A_642 = arith.subi %shift_right_arithmetic3A_641, %max3A_580 : i32
        %get3A = arith.index_cast %sub3A_568 : i32 to index
        %get3A_643 = arith.index_cast %sub3A_642 : i32 to index
        %get3A_644 = arith.constant 0 : index
        %get3A_645 = tpu.vector_load %arg4[%get3A, %get3A_643, %get3A_644] {strides = array<i32>} : memref<3x32x256xf32, #tpu.memory_space<vmem>>, vector<1x1x16xf32>,
        %get3A_646 = vector.shape_cast %get3A_645 : vector<1x1x16xf32> to vector<16xf32>
        %get3A_647 = arith.index_cast %sub3A_568 : i32 to index
        %get3A_648 = arith.index_cast %sub3A_642 : i32 to index
        %get3A_649 = arith.constant 16 : index
        %get3A_650 = tpu.vector_load %arg4[%get3A_647, %get3A_648, %get3A_649] {strides = array<i32>} : memref<3x32x256xf32, #tpu.memory_space<vmem>>, vector<1x1x16xf32>,
        %get3A_651 = vector.shape_cast %get3A_650 : vector<1x1x16xf32> to vector<16xf32>
        %get3A_652 = arith.index_cast %sub3A_568 : i32 to index
        %get3A_653 = arith.index_cast %sub3A_642 : i32 to index
        %get3A_654 = arith.constant 32 : index
        %get3A_655 = tpu.vector_load %arg4[%get3A_652, %get3A_653, %get3A_654] {strides = array<i32>} : memref<3x32x256xf32, #tpu.memory_space<vmem>>, vector<1x1x16xf32>,
        %get3A_656 = vector.shape_cast %get3A_655 : vector<1x1x16xf32> to vector<16xf32>
        %get3A_657 = arith.index_cast %sub3A_568 : i32 to index
        %get3A_658 = arith.index_cast %sub3A_642 : i32 to index
        %get3A_659 = arith.constant 48 : index
        %get3A_660 = tpu.vector_load %arg4[%get3A_657, %get3A_658, %get3A_659] {strides = array<i32>} : memref<3x32x256xf32, #tpu.memory_space<vmem>>, vector<1x1x16xf32>,
        %get3A_661 = vector.shape_cast %get3A_660 : vector<1x1x16xf32> to vector<16xf32>
        %swap3A = arith.index_cast %sub3A_568 : i32 to index
        %swap3A_662 = arith.index_cast %scan3A_635 : i32 to index
        %swap3A_663 = arith.constant 0 : index
        %swap3A_664 = tpu.vector_load %arg6[%swap3A, %swap3A_662, %swap3A_663] {strides = array<i32>} : memref<3x40x256xf32, #tpu.memory_space<vmem>>, vector<1x1x16xf32>,
        %swap3A_665 = vector.shape_cast %swap3A_664 : vector<1x1x16xf32> to vector<16xf32>
        %swap3A_666 = vector.shape_cast %get3A_646 : vector<16xf32> to vector<1x1x16xf32>
        tpu.vector_store %arg6[%swap3A, %swap3A_662, %swap3A_663], %swap3A_666 {strides = array<i32>} : memref<3x40x256xf32, #tpu.memory_space<vmem>>, vector<1x1x16xf32>,
        %swap3A_667 = arith.index_cast %sub3A_568 : i32 to index
        %swap3A_668 = arith.index_cast %scan3A_635 : i32 to index
        %swap3A_669 = arith.constant 16 : index
        %swap3A_670 = tpu.vector_load %arg6[%swap3A_667, %swap3A_668, %swap3A_669] {strides = array<i32>} : memref<3x40x256xf32, #tpu.memory_space<vmem>>, vector<1x1x16xf32>,
        %swap3A_671 = vector.shape_cast %swap3A_670 : vector<1x1x16xf32> to vector<16xf32>
        %swap3A_672 = vector.shape_cast %get3A_651 : vector<16xf32> to vector<1x1x16xf32>
        tpu.vector_store %arg6[%swap3A_667, %swap3A_668, %swap3A_669], %swap3A_672 {strides = array<i32>} : memref<3x40x256xf32, #tpu.memory_space<vmem>>, vector<1x1x16xf32>,
        %swap3A_673 = arith.index_cast %sub3A_568 : i32 to index
        %swap3A_674 = arith.index_cast %scan3A_635 : i32 to index
        %swap3A_675 = arith.constant 32 : index
        %swap3A_676 = tpu.vector_load %arg6[%swap3A_673, %swap3A_674, %swap3A_675] {strides = array<i32>} : memref<3x40x256xf32, #tpu.memory_space<vmem>>, vector<1x1x16xf32>,
        %swap3A_677 = vector.shape_cast %swap3A_676 : vector<1x1x16xf32> to vector<16xf32>
        %swap3A_678 = vector.shape_cast %get3A_656 : vector<16xf32> to vector<1x1x16xf32>
        tpu.vector_store %arg6[%swap3A_673, %swap3A_674, %swap3A_675], %swap3A_678 {strides = array<i32>} : memref<3x40x256xf32, #tpu.memory_space<vmem>>, vector<1x1x16xf32>,
        %swap3A_679 = arith.index_cast %sub3A_568 : i32 to index
        %swap3A_680 = arith.index_cast %scan3A_635 : i32 to index
        %swap3A_681 = arith.constant 48 : index
        %swap3A_682 = tpu.vector_load %arg6[%swap3A_679, %swap3A_680, %swap3A_681] {strides = array<i32>} : memref<3x40x256xf32, #tpu.memory_space<vmem>>, vector<1x1x16xf32>,
        %swap3A_683 = vector.shape_cast %swap3A_682 : vector<1x1x16xf32> to vector<16xf32>
        %swap3A_684 = vector.shape_cast %get3A_661 : vector<16xf32> to vector<1x1x16xf32>
        tpu.vector_store %arg6[%swap3A_679, %swap3A_680, %swap3A_681], %swap3A_684 {strides = array<i32>} : memref<3x40x256xf32, #tpu.memory_space<vmem>>, vector<1x1x16xf32>,
        %get3A_685 = arith.index_cast %sub3A_568 : i32 to index
        %get3A_686 = arith.index_cast %sub3A_642 : i32 to index
        %get3A_687 = arith.constant 64 : index
        %get3A_688 = tpu.vector_load %arg4[%get3A_685, %get3A_686, %get3A_687] {strides = array<i32>} : memref<3x32x256xf32, #tpu.memory_space<vmem>>, vector<1x1x16xf32>,
        %get3A_689 = vector.shape_cast %get3A_688 : vector<1x1x16xf32> to vector<16xf32>
        %get3A_690 = arith.index_cast %sub3A_568 : i32 to index
        %get3A_691 = arith.index_cast %sub3A_642 : i32 to index
        %get3A_692 = arith.constant 80 : index
        %get3A_693 = tpu.vector_load %arg4[%get3A_690, %get3A_691, %get3A_692] {strides = array<i32>} : memref<3x32x256xf32, #tpu.memory_space<vmem>>, vector<1x1x16xf32>,
        %get3A_694 = vector.shape_cast %get3A_693 : vector<1x1x16xf32> to vector<16xf32>
        %get3A_695 = arith.index_cast %sub3A_568 : i32 to index
        %get3A_696 = arith.index_cast %sub3A_642 : i32 to index
        %get3A_697 = arith.constant 96 : index
        %get3A_698 = tpu.vector_load %arg4[%get3A_695, %get3A_696, %get3A_697] {strides = array<i32>} : memref<3x32x256xf32, #tpu.memory_space<vmem>>, vector<1x1x16xf32>,
        %get3A_699 = vector.shape_cast %get3A_698 : vector<1x1x16xf32> to vector<16xf32>
        %get3A_700 = arith.index_cast %sub3A_568 : i32 to index
        %get3A_701 = arith.index_cast %sub3A_642 : i32 to index
        %get3A_702 = arith.constant 112 : index
        %get3A_703 = tpu.vector_load %arg4[%get3A_700, %get3A_701, %get3A_702] {strides = array<i32>} : memref<3x32x256xf32, #tpu.memory_space<vmem>>, vector<1x1x16xf32>,
        %get3A_704 = vector.shape_cast %get3A_703 : vector<1x1x16xf32> to vector<16xf32>
        %swap3A_705 = arith.index_cast %sub3A_568 : i32 to index
        %swap3A_706 = arith.index_cast %scan3A_635 : i32 to index
        %swap3A_707 = arith.constant 64 : index
        %swap3A_708 = tpu.vector_load %arg6[%swap3A_705, %swap3A_706, %swap3A_707] {strides = array<i32>} : memref<3x40x256xf32, #tpu.memory_space<vmem>>, vector<1x1x16xf32>,
        %swap3A_709 = vector.shape_cast %swap3A_708 : vector<1x1x16xf32> to vector<16xf32>
        %swap3A_710 = vector.shape_cast %get3A_689 : vector<16xf32> to vector<1x1x16xf32>
        tpu.vector_store %arg6[%swap3A_705, %swap3A_706, %swap3A_707], %swap3A_710 {strides = array<i32>} : memref<3x40x256xf32, #tpu.memory_space<vmem>>, vector<1x1x16xf32>,
        %swap3A_711 = arith.index_cast %sub3A_568 : i32 to index
        %swap3A_712 = arith.index_cast %scan3A_635 : i32 to index
        %swap3A_713 = arith.constant 80 : index
        %swap3A_714 = tpu.vector_load %arg6[%swap3A_711, %swap3A_712, %swap3A_713] {strides = array<i32>} : memref<3x40x256xf32, #tpu.memory_space<vmem>>, vector<1x1x16xf32>,
        %swap3A_715 = vector.shape_cast %swap3A_714 : vector<1x1x16xf32> to vector<16xf32>
        %swap3A_716 = vector.shape_cast %get3A_694 : vector<16xf32> to vector<1x1x16xf32>
        tpu.vector_store %arg6[%swap3A_711, %swap3A_712, %swap3A_713], %swap3A_716 {strides = array<i32>} : memref<3x40x256xf32, #tpu.memory_space<vmem>>, vector<1x1x16xf32>,
        %swap3A_717 = arith.index_cast %sub3A_568 : i32 to index
        %swap3A_718 = arith.index_cast %scan3A_635 : i32 to index
        %swap3A_719 = arith.constant 96 : index
        %swap3A_720 = tpu.vector_load %arg6[%swap3A_717, %swap3A_718, %swap3A_719] {strides = array<i32>} : memref<3x40x256xf32, #tpu.memory_space<vmem>>, vector<1x1x16xf32>,
        %swap3A_721 = vector.shape_cast %swap3A_720 : vector<1x1x16xf32> to vector<16xf32>
        %swap3A_722 = vector.shape_cast %get3A_699 : vector<16xf32> to vector<1x1x16xf32>
        tpu.vector_store %arg6[%swap3A_717, %swap3A_718, %swap3A_719], %swap3A_722 {strides = array<i32>} : memref<3x40x256xf32, #tpu.memory_space<vmem>>, vector<1x1x16xf32>,
        %swap3A_723 = arith.index_cast %sub3A_568 : i32 to index
        %swap3A_724 = arith.index_cast %scan3A_635 : i32 to index
        %swap3A_725 = arith.constant 112 : index
        %swap3A_726 = tpu.vector_load %arg6[%swap3A_723, %swap3A_724, %swap3A_725] {strides = array<i32>} : memref<3x40x256xf32, #tpu.memory_space<vmem>>, vector<1x1x16xf32>,
        %swap3A_727 = vector.shape_cast %swap3A_726 : vector<1x1x16xf32> to vector<16xf32>
        %swap3A_728 = vector.shape_cast %get3A_704 : vector<16xf32> to vector<1x1x16xf32>
        tpu.vector_store %arg6[%swap3A_723, %swap3A_724, %swap3A_725], %swap3A_728 {strides = array<i32>} : memref<3x40x256xf32, #tpu.memory_space<vmem>>, vector<1x1x16xf32>,
        %get3A_729 = arith.index_cast %sub3A_568 : i32 to index
        %get3A_730 = arith.index_cast %sub3A_642 : i32 to index
        %get3A_731 = arith.constant 128 : index
        %get3A_732 = tpu.vector_load %arg4[%get3A_729, %get3A_730, %get3A_731] {strides = array<i32>} : memref<3x32x256xf32, #tpu.memory_space<vmem>>, vector<1x1x16xf32>,
        %get3A_733 = vector.shape_cast %get3A_732 : vector<1x1x16xf32> to vector<16xf32>
        %get3A_734 = arith.index_cast %sub3A_568 : i32 to index
        %get3A_735 = arith.index_cast %sub3A_642 : i32 to index
        %get3A_736 = arith.constant 144 : index
        %get3A_737 = tpu.vector_load %arg4[%get3A_734, %get3A_735, %get3A_736] {strides = array<i32>} : memref<3x32x256xf32, #tpu.memory_space<vmem>>, vector<1x1x16xf32>,
        %get3A_738 = vector.shape_cast %get3A_737 : vector<1x1x16xf32> to vector<16xf32>
        %get3A_739 = arith.index_cast %sub3A_568 : i32 to index
        %get3A_740 = arith.index_cast %sub3A_642 : i32 to index
        %get3A_741 = arith.constant 160 : index
        %get3A_742 = tpu.vector_load %arg4[%get3A_739, %get3A_740, %get3A_741] {strides = array<i32>} : memref<3x32x256xf32, #tpu.memory_space<vmem>>, vector<1x1x16xf32>,
        %get3A_743 = vector.shape_cast %get3A_742 : vector<1x1x16xf32> to vector<16xf32>
        %get3A_744 = arith.index_cast %sub3A_568 : i32 to index
        %get3A_745 = arith.index_cast %sub3A_642 : i32 to index
        %get3A_746 = arith.constant 176 : index
        %get3A_747 = tpu.vector_load %arg4[%get3A_744, %get3A_745, %get3A_746] {strides = array<i32>} : memref<3x32x256xf32, #tpu.memory_space<vmem>>, vector<1x1x16xf32>,
        %get3A_748 = vector.shape_cast %get3A_747 : vector<1x1x16xf32> to vector<16xf32>
        %swap3A_749 = arith.index_cast %sub3A_568 : i32 to index
        %swap3A_750 = arith.index_cast %scan3A_635 : i32 to index
        %swap3A_751 = arith.constant 128 : index
        %swap3A_752 = tpu.vector_load %arg6[%swap3A_749, %swap3A_750, %swap3A_751] {strides = array<i32>} : memref<3x40x256xf32, #tpu.memory_space<vmem>>, vector<1x1x16xf32>,
        %swap3A_753 = vector.shape_cast %swap3A_752 : vector<1x1x16xf32> to vector<16xf32>
        %swap3A_754 = vector.shape_cast %get3A_733 : vector<16xf32> to vector<1x1x16xf32>
        tpu.vector_store %arg6[%swap3A_749, %swap3A_750, %swap3A_751], %swap3A_754 {strides = array<i32>} : memref<3x40x256xf32, #tpu.memory_space<vmem>>, vector<1x1x16xf32>,
        %swap3A_755 = arith.index_cast %sub3A_568 : i32 to index
        %swap3A_756 = arith.index_cast %scan3A_635 : i32 to index
        %swap3A_757 = arith.constant 144 : index
        %swap3A_758 = tpu.vector_load %arg6[%swap3A_755, %swap3A_756, %swap3A_757] {strides = array<i32>} : memref<3x40x256xf32, #tpu.memory_space<vmem>>, vector<1x1x16xf32>,
        %swap3A_759 = vector.shape_cast %swap3A_758 : vector<1x1x16xf32> to vector<16xf32>
        %swap3A_760 = vector.shape_cast %get3A_738 : vector<16xf32> to vector<1x1x16xf32>
        tpu.vector_store %arg6[%swap3A_755, %swap3A_756, %swap3A_757], %swap3A_760 {strides = array<i32>} : memref<3x40x256xf32, #tpu.memory_space<vmem>>, vector<1x1x16xf32>,
        %swap3A_761 = arith.index_cast %sub3A_568 : i32 to index
        %swap3A_762 = arith.index_cast %scan3A_635 : i32 to index
        %swap3A_763 = arith.constant 160 : index
        %swap3A_764 = tpu.vector_load %arg6[%swap3A_761, %swap3A_762, %swap3A_763] {strides = array<i32>} : memref<3x40x256xf32, #tpu.memory_space<vmem>>, vector<1x1x16xf32>,
        %swap3A_765 = vector.shape_cast %swap3A_764 : vector<1x1x16xf32> to vector<16xf32>
        %swap3A_766 = vector.shape_cast %get3A_743 : vector<16xf32> to vector<1x1x16xf32>
        tpu.vector_store %arg6[%swap3A_761, %swap3A_762, %swap3A_763], %swap3A_766 {strides = array<i32>} : memref<3x40x256xf32, #tpu.memory_space<vmem>>, vector<1x1x16xf32>,
        %swap3A_767 = arith.index_cast %sub3A_568 : i32 to index
        %swap3A_768 = arith.index_cast %scan3A_635 : i32 to index
        %swap3A_769 = arith.constant 176 : index
        %swap3A_770 = tpu.vector_load %arg6[%swap3A_767, %swap3A_768, %swap3A_769] {strides = array<i32>} : memref<3x40x256xf32, #tpu.memory_space<vmem>>, vector<1x1x16xf32>,
        %swap3A_771 = vector.shape_cast %swap3A_770 : vector<1x1x16xf32> to vector<16xf32>
        %swap3A_772 = vector.shape_cast %get3A_748 : vector<16xf32> to vector<1x1x16xf32>
        tpu.vector_store %arg6[%swap3A_767, %swap3A_768, %swap3A_769], %swap3A_772 {strides = array<i32>} : memref<3x40x256xf32, #tpu.memory_space<vmem>>, vector<1x1x16xf32>,
        %get3A_773 = arith.index_cast %sub3A_568 : i32 to index
        %get3A_774 = arith.index_cast %sub3A_642 : i32 to index
        %get3A_775 = arith.constant 192 : index
        %get3A_776 = tpu.vector_load %arg4[%get3A_773, %get3A_774, %get3A_775] {strides = array<i32>} : memref<3x32x256xf32, #tpu.memory_space<vmem>>, vector<1x1x16xf32>,
        %get3A_777 = vector.shape_cast %get3A_776 : vector<1x1x16xf32> to vector<16xf32>
        %get3A_778 = arith.index_cast %sub3A_568 : i32 to index
        %get3A_779 = arith.index_cast %sub3A_642 : i32 to index
        %get3A_780 = arith.constant 208 : index
        %get3A_781 = tpu.vector_load %arg4[%get3A_778, %get3A_779, %get3A_780] {strides = array<i32>} : memref<3x32x256xf32, #tpu.memory_space<vmem>>, vector<1x1x16xf32>,
        %get3A_782 = vector.shape_cast %get3A_781 : vector<1x1x16xf32> to vector<16xf32>
        %get3A_783 = arith.index_cast %sub3A_568 : i32 to index
        %get3A_784 = arith.index_cast %sub3A_642 : i32 to index
        %get3A_785 = arith.constant 224 : index
        %get3A_786 = tpu.vector_load %arg4[%get3A_783, %get3A_784, %get3A_785] {strides = array<i32>} : memref<3x32x256xf32, #tpu.memory_space<vmem>>, vector<1x1x16xf32>,
        %get3A_787 = vector.shape_cast %get3A_786 : vector<1x1x16xf32> to vector<16xf32>
        %get3A_788 = arith.index_cast %sub3A_568 : i32 to index
        %get3A_789 = arith.index_cast %sub3A_642 : i32 to index
        %get3A_790 = arith.constant 240 : index
        %get3A_791 = tpu.vector_load %arg4[%get3A_788, %get3A_789, %get3A_790] {strides = array<i32>} : memref<3x32x256xf32, #tpu.memory_space<vmem>>, vector<1x1x16xf32>,
        %get3A_792 = vector.shape_cast %get3A_791 : vector<1x1x16xf32> to vector<16xf32>
        %swap3A_793 = arith.index_cast %sub3A_568 : i32 to index
        %swap3A_794 = arith.index_cast %scan3A_635 : i32 to index
        %swap3A_795 = arith.constant 192 : index
        %swap3A_796 = tpu.vector_load %arg6[%swap3A_793, %swap3A_794, %swap3A_795] {strides = array<i32>} : memref<3x40x256xf32, #tpu.memory_space<vmem>>, vector<1x1x16xf32>,
        %swap3A_797 = vector.shape_cast %swap3A_796 : vector<1x1x16xf32> to vector<16xf32>
        %swap3A_798 = vector.shape_cast %get3A_777 : vector<16xf32> to vector<1x1x16xf32>
        tpu.vector_store %arg6[%swap3A_793, %swap3A_794, %swap3A_795], %swap3A_798 {strides = array<i32>} : memref<3x40x256xf32, #tpu.memory_space<vmem>>, vector<1x1x16xf32>,
        %swap3A_799 = arith.index_cast %sub3A_568 : i32 to index
        %swap3A_800 = arith.index_cast %scan3A_635 : i32 to index
        %swap3A_801 = arith.constant 208 : index
        %swap3A_802 = tpu.vector_load %arg6[%swap3A_799, %swap3A_800, %swap3A_801] {strides = array<i32>} : memref<3x40x256xf32, #tpu.memory_space<vmem>>, vector<1x1x16xf32>,
        %swap3A_803 = vector.shape_cast %swap3A_802 : vector<1x1x16xf32> to vector<16xf32>
        %swap3A_804 = vector.shape_cast %get3A_782 : vector<16xf32> to vector<1x1x16xf32>
        tpu.vector_store %arg6[%swap3A_799, %swap3A_800, %swap3A_801], %swap3A_804 {strides = array<i32>} : memref<3x40x256xf32, #tpu.memory_space<vmem>>, vector<1x1x16xf32>,
        %swap3A_805 = arith.index_cast %sub3A_568 : i32 to index
        %swap3A_806 = arith.index_cast %scan3A_635 : i32 to index
        %swap3A_807 = arith.constant 224 : index
        %swap3A_808 = tpu.vector_load %arg6[%swap3A_805, %swap3A_806, %swap3A_807] {strides = array<i32>} : memref<3x40x256xf32, #tpu.memory_space<vmem>>, vector<1x1x16xf32>,
        %swap3A_809 = vector.shape_cast %swap3A_808 : vector<1x1x16xf32> to vector<16xf32>
        %swap3A_810 = vector.shape_cast %get3A_787 : vector<16xf32> to vector<1x1x16xf32>
        tpu.vector_store %arg6[%swap3A_805, %swap3A_806, %swap3A_807], %swap3A_810 {strides = array<i32>} : memref<3x40x256xf32, #tpu.memory_space<vmem>>, vector<1x1x16xf32>,
        %swap3A_811 = arith.index_cast %sub3A_568 : i32 to index
        %swap3A_812 = arith.index_cast %scan3A_635 : i32 to index
        %swap3A_813 = arith.constant 240 : index
        %swap3A_814 = tpu.vector_load %arg6[%swap3A_811, %swap3A_812, %swap3A_813] {strides = array<i32>} : memref<3x40x256xf32, #tpu.memory_space<vmem>>, vector<1x1x16xf32>,
        %swap3A_815 = vector.shape_cast %swap3A_814 : vector<1x1x16xf32> to vector<16xf32>
        %swap3A_816 = vector.shape_cast %get3A_792 : vector<16xf32> to vector<1x1x16xf32>
        tpu.vector_store %arg6[%swap3A_811, %swap3A_812, %swap3A_813], %swap3A_816 {strides = array<i32>} : memref<3x40x256xf32, #tpu.memory_space<vmem>>, vector<1x1x16xf32>,
        %scan3A_817 = arith.constant 0 : i32
        scf.yield %scan3A_817 : i32
      }
      %scan3A_586 = arith.constant 40 : i32
      %mul3A_587 = arith.constant 32 : i32
      %mul3A_588 = arith.muli %while3A_470, %mul3A_587 : i32
      %add3A_589 = arith.constant 1250 : i32
      %add3A_590 = arith.addi %add3A_589, %mul3A_588 : i32
      %add3A_591 = arith.addi %add3A_590, %add3A : i32
      %jit3A_592 = arith.constant 3 : i32
      %div3A_593 = arith.divsi %while3A_470, %jit3A_592 : i32
      %sign3A_594 = arith.constant 0 : i32
      %sign3A_595 = arith.cmpi sgt, %while3A_470, %sign3A_594 : i32
      %sign3A_596 = arith.extui %sign3A_595 : i1 to i32
      %sign3A_597 = arith.constant 0 : i32
      %sign3A_598 = arith.cmpi slt, %while3A_470, %sign3A_597 : i32
      %sign3A_599 = arith.extui %sign3A_598 : i1 to i32
      %sign3A_600 = arith.subi %sign3A_596, %sign3A_599 : i32
      %sign3A_601 = arith.constant 0 : i32
      %sign3A_602 = arith.cmpi sgt, %jit3A_592, %sign3A_601 : i32
      %sign3A_603 = arith.extui %sign3A_602 : i1 to i32
      %sign3A_604 = arith.constant 0 : i32
      %sign3A_605 = arith.cmpi slt, %jit3A_592, %sign3A_604 : i32
      %sign3A_606 = arith.extui %sign3A_605 : i1 to i32
      %sign3A_607 = arith.subi %sign3A_603, %sign3A_606 : i32
      %ne3A_608 = arith.cmpi ne, %sign3A_600, %sign3A_607 : i32
      %rem3A_609 = arith.remsi %while3A_470, %jit3A_592 : i32
      %ne3A_610 = arith.constant 0 : i32
      %ne3A_611 = arith.cmpi ne, %rem3A_609, %ne3A_610 : i32
      %and3A_612 = arith.andi %ne3A_608, %ne3A_611 : i1
      %sub3A_613 = arith.constant 1 : i32
      %sub3A_614 = arith.subi %div3A_593, %sub3A_613 : i32
      %select_n3A_615 = arith.select %and3A_612, %sub3A_614, %div3A_593 : i32
      %mul3A_616 = arith.constant 3 : i32
      %mul3A_617 = arith.muli %select_n3A_615, %mul3A_616 : i32
      %sub3A_618 = arith.subi %while3A_470, %mul3A_617 : i32
      %mul3A_619 = arith.constant 40 : i32
      %mul3A_620 = arith.muli %add3A_591, %mul3A_619 : i32
      %multiple_of3A_621 = tpu.assume_multiple %mul3A_620, 8 : i32
      %dma_start3A_622 = arith.constant 0 : i32
      %dma_start3A_623 = arith.constant 0 : i32
      %dma_start3A_624 = tpu.memref_slice %arg6[%sub3A_618, %dma_start3A_622, %dma_start3A_623] : memref<3x40x256xf32, #tpu.memory_space<vmem>> -> memref<1x40x256xf32, #tpu.memory_space<vmem>>
      %dma_start3A_625 = tpu.memref_squeeze %dma_start3A_624 : memref<1x40x256xf32, #tpu.memory_space<vmem>> -> memref<40x256xf32, #tpu.memory_space<vmem>>
      %dma_start3A_626 = arith.constant 0 : i32
      %dma_start3A_627 = tpu.memref_slice %arg3[%multiple_of3A_621, %dma_start3A_626] : memref<100000x256xf32, #tpu.memory_space<hbm>> -> memref<40x256xf32, #tpu.memory_space<hbm>>
      %dma_start3A_628 = arith.constant 0 : i32
      %dma_start3A_629 = tpu.memref_slice %arg3[%multiple_of3A_621, %dma_start3A_628] : memref<100000x256xf32, #tpu.memory_space<hbm>> -> memref<40x256xf32, #tpu.memory_space<hbm>>
      %dma_start3A_630 = arith.constant 0 : i32
      %dma_start3A_631 = arith.constant 0 : i32
      %dma_start3A_632 = tpu.memref_slice %arg6[%sub3A_618, %dma_start3A_630, %dma_start3A_631] : memref<3x40x256xf32, #tpu.memory_space<vmem>> -> memref<1x40x256xf32, #tpu.memory_space<vmem>>
      %dma_start3A_633 = tpu.memref_squeeze %dma_start3A_632 : memref<1x40x256xf32, #tpu.memory_space<vmem>> -> memref<40x256xf32, #tpu.memory_space<vmem>>
      tpu.enqueue_dma source(%dma_start3A_633 : memref<40x256xf32, #tpu.memory_space<vmem>>) target(%dma_start3A_629 : memref<40x256xf32, #tpu.memory_space<hbm>>) target_semaphore(%arg9 : memref<!tpu.dma_semaphore, #tpu.memory_space<semaphore_mem>>)
      %while3A_634 = arith.constant 0 : i32
      scf.yield %while3A_634 : i32
    }
    %sub3A_317 = arith.constant 3 : i32
    %sub3A_318 = arith.subi %add3A_11, %sub3A_317 : i32
    %mul3A_319 = arith.constant 32 : i32
    %mul3A_320 = arith.muli %sub3A_318, %mul3A_319 : i32
    %add3A_321 = arith.constant 1250 : i32
    %add3A_322 = arith.addi %add3A_321, %mul3A_320 : i32
    %add3A_323 = arith.addi %add3A_322, %add3A : i32
    %sub3A_324 = arith.constant 3 : i32
    %sub3A_325 = arith.subi %add3A_11, %sub3A_324 : i32
    %jit3A_326 = arith.constant 3 : i32
    %div3A_327 = arith.divsi %sub3A_325, %jit3A_326 : i32
    %sign3A_328 = arith.constant 0 : i32
    %sign3A_329 = arith.cmpi sgt, %sub3A_325, %sign3A_328 : i32
    %sign3A_330 = arith.extui %sign3A_329 : i1 to i32
    %sign3A_331 = arith.constant 0 : i32
    %sign3A_332 = arith.cmpi slt, %sub3A_325, %sign3A_331 : i32
    %sign3A_333 = arith.extui %sign3A_332 : i1 to i32
    %sign3A_334 = arith.subi %sign3A_330, %sign3A_333 : i32
    %sign3A_335 = arith.constant 0 : i32
    %sign3A_336 = arith.cmpi sgt, %jit3A_326, %sign3A_335 : i32
    %sign3A_337 = arith.extui %sign3A_336 : i1 to i32
    %sign3A_338 = arith.constant 0 : i32
    %sign3A_339 = arith.cmpi slt, %jit3A_326, %sign3A_338 : i32
    %sign3A_340 = arith.extui %sign3A_339 : i1 to i32
    %sign3A_341 = arith.subi %sign3A_337, %sign3A_340 : i32
    %ne3A_342 = arith.cmpi ne, %sign3A_334, %sign3A_341 : i32
    %rem3A_343 = arith.remsi %sub3A_325, %jit3A_326 : i32
    %ne3A_344 = arith.constant 0 : i32
    %ne3A_345 = arith.cmpi ne, %rem3A_343, %ne3A_344 : i32
    %and3A_346 = arith.andi %ne3A_342, %ne3A_345 : i1
    %sub3A_347 = arith.constant 1 : i32
    %sub3A_348 = arith.subi %div3A_327, %sub3A_347 : i32
    %select_n3A_349 = arith.select %and3A_346, %sub3A_348, %div3A_327 : i32
    %mul3A_350 = arith.constant 3 : i32
    %mul3A_351 = arith.muli %select_n3A_349, %mul3A_350 : i32
    %sub3A_352 = arith.subi %sub3A_325, %mul3A_351 : i32
    %mul3A_353 = arith.constant 40 : i32
    %mul3A_354 = arith.muli %add3A_323, %mul3A_353 : i32
    %multiple_of3A_355 = tpu.assume_multiple %mul3A_354, 8 : i32
    %dma_wait3A_356 = arith.constant 0 : i32
    %dma_wait3A_357 = arith.constant 0 : i32
    %dma_wait3A_358 = tpu.memref_slice %arg6[%sub3A_352, %dma_wait3A_356, %dma_wait3A_357] : memref<3x40x256xf32, #tpu.memory_space<vmem>> -> memref<1x40x256xf32, #tpu.memory_space<vmem>>
    %dma_wait3A_359 = tpu.memref_squeeze %dma_wait3A_358 : memref<1x40x256xf32, #tpu.memory_space<vmem>> -> memref<40x256xf32, #tpu.memory_space<vmem>>
    %dma_wait3A_360 = arith.constant 0 : i32
    %dma_wait3A_361 = tpu.memref_slice %arg3[%multiple_of3A_355, %dma_wait3A_360] : memref<100000x256xf32, #tpu.memory_space<hbm>> -> memref<40x256xf32, #tpu.memory_space<hbm>>
    %dma_wait3A_362 = arith.constant 0 : i32
    %dma_wait3A_363 = tpu.memref_slice %arg3[%multiple_of3A_355, %dma_wait3A_362] : memref<100000x256xf32, #tpu.memory_space<hbm>> -> memref<40x256xf32, #tpu.memory_space<hbm>>
    %dma_wait3A_364 = arith.constant 0 : i32
    %dma_wait3A_365 = arith.constant 0 : i32
    %dma_wait3A_366 = tpu.memref_slice %arg6[%sub3A_352, %dma_wait3A_364, %dma_wait3A_365] : memref<3x40x256xf32, #tpu.memory_space<vmem>> -> memref<1x40x256xf32, #tpu.memory_space<vmem>>
    %dma_wait3A_367 = tpu.memref_squeeze %dma_wait3A_366 : memref<1x40x256xf32, #tpu.memory_space<vmem>> -> memref<40x256xf32, #tpu.memory_space<vmem>>
    tpu.wait_dma2 semaphore(%arg9 : memref<!tpu.dma_semaphore, #tpu.memory_space<semaphore_mem>>) src(%dma_wait3A_367 : memref<40x256xf32, #tpu.memory_space<vmem>>) dst(%dma_wait3A_363 : memref<40x256xf32, #tpu.memory_space<hbm>>)
    %sub3A_368 = arith.constant 2 : i32
    %sub3A_369 = arith.subi %add3A_11, %sub3A_368 : i32
    %mul3A_370 = arith.constant 32 : i32
    %mul3A_371 = arith.muli %sub3A_369, %mul3A_370 : i32
    %add3A_372 = arith.constant 1250 : i32
    %add3A_373 = arith.addi %add3A_372, %mul3A_371 : i32
    %add3A_374 = arith.addi %add3A_373, %add3A : i32
    %sub3A_375 = arith.constant 2 : i32
    %sub3A_376 = arith.subi %add3A_11, %sub3A_375 : i32
    %jit3A_377 = arith.constant 3 : i32
    %div3A_378 = arith.divsi %sub3A_376, %jit3A_377 : i32
    %sign3A_379 = arith.constant 0 : i32
    %sign3A_380 = arith.cmpi sgt, %sub3A_376, %sign3A_379 : i32
    %sign3A_381 = arith.extui %sign3A_380 : i1 to i32
    %sign3A_382 = arith.constant 0 : i32
    %sign3A_383 = arith.cmpi slt, %sub3A_376, %sign3A_382 : i32
    %sign3A_384 = arith.extui %sign3A_383 : i1 to i32
    %sign3A_385 = arith.subi %sign3A_381, %sign3A_384 : i32
    %sign3A_386 = arith.constant 0 : i32
    %sign3A_387 = arith.cmpi sgt, %jit3A_377, %sign3A_386 : i32
    %sign3A_388 = arith.extui %sign3A_387 : i1 to i32
    %sign3A_389 = arith.constant 0 : i32
    %sign3A_390 = arith.cmpi slt, %jit3A_377, %sign3A_389 : i32
    %sign3A_391 = arith.extui %sign3A_390 : i1 to i32
    %sign3A_392 = arith.subi %sign3A_388, %sign3A_391 : i32
    %ne3A_393 = arith.cmpi ne, %sign3A_385, %sign3A_392 : i32
    %rem3A_394 = arith.remsi %sub3A_376, %jit3A_377 : i32
    %ne3A_395 = arith.constant 0 : i32
    %ne3A_396 = arith.cmpi ne, %rem3A_394, %ne3A_395 : i32
    %and3A_397 = arith.andi %ne3A_393, %ne3A_396 : i1
    %sub3A_398 = arith.constant 1 : i32
    %sub3A_399 = arith.subi %div3A_378, %sub3A_398 : i32
    %select_n3A_400 = arith.select %and3A_397, %sub3A_399, %div3A_378 : i32
    %mul3A_401 = arith.constant 3 : i32
    %mul3A_402 = arith.muli %select_n3A_400, %mul3A_401 : i32
    %sub3A_403 = arith.subi %sub3A_376, %mul3A_402 : i32
    %mul3A_404 = arith.constant 40 : i32
    %mul3A_405 = arith.muli %add3A_374, %mul3A_404 : i32
    %multiple_of3A_406 = tpu.assume_multiple %mul3A_405, 8 : i32
    %dma_wait3A_407 = arith.constant 0 : i32
    %dma_wait3A_408 = arith.constant 0 : i32
    %dma_wait3A_409 = tpu.memref_slice %arg6[%sub3A_403, %dma_wait3A_407, %dma_wait3A_408] : memref<3x40x256xf32, #tpu.memory_space<vmem>> -> memref<1x40x256xf32, #tpu.memory_space<vmem>>
    %dma_wait3A_410 = tpu.memref_squeeze %dma_wait3A_409 : memref<1x40x256xf32, #tpu.memory_space<vmem>> -> memref<40x256xf32, #tpu.memory_space<vmem>>
    %dma_wait3A_411 = arith.constant 0 : i32
    %dma_wait3A_412 = tpu.memref_slice %arg3[%multiple_of3A_406, %dma_wait3A_411] : memref<100000x256xf32, #tpu.memory_space<hbm>> -> memref<40x256xf32, #tpu.memory_space<hbm>>
    %dma_wait3A_413 = arith.constant 0 : i32
    %dma_wait3A_414 = tpu.memref_slice %arg3[%multiple_of3A_406, %dma_wait3A_413] : memref<100000x256xf32, #tpu.memory_space<hbm>> -> memref<40x256xf32, #tpu.memory_space<hbm>>
    %dma_wait3A_415 = arith.constant 0 : i32
    %dma_wait3A_416 = arith.constant 0 : i32
    %dma_wait3A_417 = tpu.memref_slice %arg6[%sub3A_403, %dma_wait3A_415, %dma_wait3A_416] : memref<3x40x256xf32, #tpu.memory_space<vmem>> -> memref<1x40x256xf32, #tpu.memory_space<vmem>>
    %dma_wait3A_418 = tpu.memref_squeeze %dma_wait3A_417 : memref<1x40x256xf32, #tpu.memory_space<vmem>> -> memref<40x256xf32, #tpu.memory_space<vmem>>
    tpu.wait_dma2 semaphore(%arg9 : memref<!tpu.dma_semaphore, #tpu.memory_space<semaphore_mem>>) src(%dma_wait3A_418 : memref<40x256xf32, #tpu.memory_space<vmem>>) dst(%dma_wait3A_414 : memref<40x256xf32, #tpu.memory_space<hbm>>)
    %sub3A_419 = arith.constant 1 : i32
    %sub3A_420 = arith.subi %add3A_11, %sub3A_419 : i32
    %mul3A_421 = arith.constant 32 : i32
    %mul3A_422 = arith.muli %sub3A_420, %mul3A_421 : i32
    %add3A_423 = arith.constant 1250 : i32
    %add3A_424 = arith.addi %add3A_423, %mul3A_422 : i32
    %add3A_425 = arith.addi %add3A_424, %add3A : i32
    %sub3A_426 = arith.constant 1 : i32
    %sub3A_427 = arith.subi %add3A_11, %sub3A_426 : i32
    %jit3A_428 = arith.constant 3 : i32
    %div3A_429 = arith.divsi %sub3A_427, %jit3A_428 : i32
    %sign3A_430 = arith.constant 0 : i32
    %sign3A_431 = arith.cmpi sgt, %sub3A_427, %sign3A_430 : i32
    %sign3A_432 = arith.extui %sign3A_431 : i1 to i32
    %sign3A_433 = arith.constant 0 : i32
    %sign3A_434 = arith.cmpi slt, %sub3A_427, %sign3A_433 : i32
    %sign3A_435 = arith.extui %sign3A_434 : i1 to i32
    %sign3A_436 = arith.subi %sign3A_432, %sign3A_435 : i32
    %sign3A_437 = arith.constant 0 : i32
    %sign3A_438 = arith.cmpi sgt, %jit3A_428, %sign3A_437 : i32
    %sign3A_439 = arith.extui %sign3A_438 : i1 to i32
    %sign3A_440 = arith.constant 0 : i32
    %sign3A_441 = arith.cmpi slt, %jit3A_428, %sign3A_440 : i32
    %sign3A_442 = arith.extui %sign3A_441 : i1 to i32
    %sign3A_443 = arith.subi %sign3A_439, %sign3A_442 : i32
    %ne3A_444 = arith.cmpi ne, %sign3A_436, %sign3A_443 : i32
    %rem3A_445 = arith.remsi %sub3A_427, %jit3A_428 : i32
    %ne3A_446 = arith.constant 0 : i32
    %ne3A_447 = arith.cmpi ne, %rem3A_445, %ne3A_446 : i32
    %and3A_448 = arith.andi %ne3A_444, %ne3A_447 : i1
    %sub3A_449 = arith.constant 1 : i32
    %sub3A_450 = arith.subi %div3A_429, %sub3A_449 : i32
    %select_n3A_451 = arith.select %and3A_448, %sub3A_450, %div3A_429 : i32
    %mul3A_452 = arith.constant 3 : i32
    %mul3A_453 = arith.muli %select_n3A_451, %mul3A_452 : i32
    %sub3A_454 = arith.subi %sub3A_427, %mul3A_453 : i32
    %mul3A_455 = arith.constant 40 : i32
    %mul3A_456 = arith.muli %add3A_425, %mul3A_455 : i32
    %multiple_of3A_457 = tpu.assume_multiple %mul3A_456, 8 : i32
    %dma_wait3A_458 = arith.constant 0 : i32
    %dma_wait3A_459 = arith.constant 0 : i32
    %dma_wait3A_460 = tpu.memref_slice %arg6[%sub3A_454, %dma_wait3A_458, %dma_wait3A_459] : memref<3x40x256xf32, #tpu.memory_space<vmem>> -> memref<1x40x256xf32, #tpu.memory_space<vmem>>
    %dma_wait3A_461 = tpu.memref_squeeze %dma_wait3A_460 : memref<1x40x256xf32, #tpu.memory_space<vmem>> -> memref<40x256xf32, #tpu.memory_space<vmem>>
    %dma_wait3A_462 = arith.constant 0 : i32
    %dma_wait3A_463 = tpu.memref_slice %arg3[%multiple_of3A_457, %dma_wait3A_462] : memref<100000x256xf32, #tpu.memory_space<hbm>> -> memref<40x256xf32, #tpu.memory_space<hbm>>
    %dma_wait3A_464 = arith.constant 0 : i32
    %dma_wait3A_465 = tpu.memref_slice %arg3[%multiple_of3A_457, %dma_wait3A_464] : memref<100000x256xf32, #tpu.memory_space<hbm>> -> memref<40x256xf32, #tpu.memory_space<hbm>>
    %dma_wait3A_466 = arith.constant 0 : i32
    %dma_wait3A_467 = arith.constant 0 : i32
    %dma_wait3A_468 = tpu.memref_slice %arg6[%sub3A_454, %dma_wait3A_466, %dma_wait3A_467] : memref<3x40x256xf32, #tpu.memory_space<vmem>> -> memref<1x40x256xf32, #tpu.memory_space<vmem>>
    %dma_wait3A_469 = tpu.memref_squeeze %dma_wait3A_468 : memref<1x40x256xf32, #tpu.memory_space<vmem>> -> memref<40x256xf32, #tpu.memory_space<vmem>>
    tpu.wait_dma2 semaphore(%arg9 : memref<!tpu.dma_semaphore, #tpu.memory_space<semaphore_mem>>) src(%dma_wait3A_469 : memref<40x256xf32, #tpu.memory_space<vmem>>) dst(%dma_wait3A_465 : memref<40x256xf32, #tpu.memory_space<hbm>>)
    return
  }
}

</mosaic_0001>

<sc_bundles>
// kernel: _sc_agg.3.cloned.1.call-start
scs
__scs_entry_jumppad:
0x0: {  	(pc) =	sbr.rel $0x88, $3  }
0x1: {  	(tag) =	ssettag $0x0;
	lr =	simm.s32 $0x1  }
0x2: {  	[smem:$0x3FA0] =	sst lr;
	_ =	strace $0xD0000000  }
0x3: {  	_ = 	snop  }
0x4: {  	_ = 	snop  }
0x5: {  	_ = 	snop  }
0x6: {  	_ = 	snop  }
0x7: {  	_ = 	snop  }
__scs_overlays_trampoline_lowered:
0x8: {  	[smem:$0x3FAF] =	sst s0  }
0x9: {  	[smem:$0x3FB0] =	sst s1  }
0xa: {  	[smem:$0x3FB1] =	sst s2  }
0xb: {  	[smem:$0x3FB2] =	sst s3  }
0xc: {  	[smem:$0x3FB3] =	sst s4  }
0xd: {  	[smem:$0x3FB4] =	sst s5  }
0xe: {  	[smem:$0x3FB5] =	sst s6  }
0xf: {  	[smem:$0x3FB6] =	sst s7  }
0x10: {  	[smem:$0x3FB7] =	sst s8  }
0x11: {  	[smem:$0x3FB8] =	sst s9;
	s0 =	simm.s32 @!p0 $0x0  }
0x12: {  	s1 =	sld [smem:$0x3F9E];
	s0 =	simm.s32 @p0 $0x1  }
0x13: {  	[smem:$0x3FB9] =	sst s0;
	s0 =	simm.s32 @!p1 $0x0  }
0x14: {  	s2 =	sld [smem:$0x3F9D];
	s0 =	simm.s32 @p1 $0x1  }
0x15: {  	[smem:$0x3FBA] =	sst s0;
	s0 =	simm.s32 @!p2 $0x0  }
0x16: {  	s3 =	sld [smem:$0x3FDB];
	s0 =	simm.s32 @p2 $0x1  }
0x17: {  	s4 =	simm.s32 $0x1BF5;
	[smem:$0x3FBC] =	sst s0  }
0x18: {  	s0 =	sld [smem:$0x3F9F];
	_ =	swait.ge [sflag:s4], $0x0  }
0x19: {  	s7 =	sld [smem:$0x3FA0]  }
0x1a: {  	s8 =	sadd.s32 $0xFFFFE003, lr  }
0x1b: {  	s9 =	sadd.s32 $0xFFFFFEF7, lr;
	s5 =	simm.s32 $0xFFFFFFFF;
	p2 =	slt.u32 s8, $0xFFFFF086  }
0x1c: {  	p1 =	slt.u32 s9, $0xF7A;
	s5 =	simm.s32 @!p2 $0x0  }
0x1d: {  	s5 =	simm.s32 @p1 $0x1;
	p0 =	seq.s32 s7, s2  }
0x1e: {  	s7 =	smul.u32 @!p0 $0xF7A, s2;
	p2 =	seq.s32 @!p0 s5, $0x0  }
0x1f: {  	s9 =	smul.u32 $0xF7A, s1;
	s8 =	simm.s32 @!p0 $0x1BF5;
	p2 =	por !p2, p0  }
0x20: {  	[sflag:s8] =	ssyncset.s32 @!p0 $0xFFFFF086;
	s6 =	sadd.s32 @!p0 s3, s7;
	s7 =	simm.s32 @!p0 $0x108  }
0x21: {  	s3 =	sadd.s32 s3, s9;
	s6 =	sadd.s32 @!p0 $0x88, s6;
	s7 =	simm.s32 @p2 $0x1082  }
0x22: {  	[simem:s7], [sflag:s8] =	dma.local @!p0 [hbm:s6], $0xF7A  }
0x23: {  	s9 =	sor.u32 $0xD0000000, s2;
	s6 =	simm.s32 $0x108;
	_ =	swait.ge @!p0 [sflag:s8], $0x0  }
0x24: {  	s3 =	sadd.s32 $0x88, s3;
	s6 =	simm.s32 @!p1 $0x1082;
	[sflag:s4] =	ssyncset.s32 $0xFFFFF086  }
0x25: {  	[simem:s6], [sflag:s4] =	dma.local [hbm:s3], $0xF7A  }
0x26: {  	[smem:$0x3FA0] =	sst s1;
	(tag) =	ssettag s2;
	_ =	strace s9  }
0x27: {  	s1 =	sld [smem:$0x3FB0]  }
0x28: {  	s2 =	sld [smem:$0x3FB1]  }
0x29: {  	s4 =	sld [smem:$0x3FB3]  }
0x2a: {  	p0 =	seq.s32 s5, $0x0;
	s5 =	sld [smem:$0x3FB4]  }
0x2b: {  	s6 =	sld [smem:$0x3FB5]  }
0x2c: {  	s7 =	sld [smem:$0x3FB6]  }
0x2d: {  	s3 =	simm.s32 $0x108;
	s8 =	sld [smem:$0x3FB7]  }
0x2e: {  	s3 =	simm.s32 @!p0 $0x1082;
	s9 =	sld [smem:$0x3FB8]  }
0x2f: {  	lr =	sadd.s32 s0, s3;
	s0 =	sld [smem:$0x3FAF]  }
0x30: {  	s3 =	sld [smem:$0x3FB2]  }
0x31: {  	[smem:$0x3FBB] =	sst s10  }
0x32: {  	s10 =	sld [smem:$0x3FB9];
	_ =	sdelay $0x3  }
0x33: {  	p0 =	seq.s32 s10, $0x1;
	s10 =	sld [smem:$0x3FBB];
	_ =	sdelay $0x3  }
0x34: {  	[smem:$0x3FBB] =	sst s10  }
0x35: {  	s10 =	sld [smem:$0x3FBA];
	_ =	sdelay $0x3  }
0x36: {  	p1 =	seq.s32 s10, $0x1;
	s10 =	sld [smem:$0x3FBB];
	_ =	sdelay $0x3  }
0x37: {  	[smem:$0x3FBB] =	sst s10  }
0x38: {  	s10 =	sld [smem:$0x3FBC]  }
0x39: {  	_ = 	snop;
	(pc) =	sbr.ind lr, $3  }
0x3a: {  	_ = 	snop  }
0x3b: {  	_ = 	snop  }
0x3c: {  	p2 =	seq.s32 s10, $0x1;
	s10 =	sld [smem:$0x3FBB]  }
0x3d: {  	_ =	shalt  }
0x3e: {  	_ =	shalt  }
0x3f: {  	_ =	shalt  }
0x40: {  	_ =	shalt  }
0x41: {  	_ =	shalt  }
0x42: {  	_ =	shalt  }
0x43: {  	_ =	shalt  }
0x44: {  	_ =	shalt  }
0x45: {  	_ =	shalt  }
0x46: {  	_ =	shalt  }
0x47: {  	_ =	shalt  }
0x48: {  	_ =	shalt  }
0x49: {  	_ =	shalt  }
0x4a: {  	_ =	shalt  }
0x4b: {  	_ =	shalt  }
0x4c: {  	_ =	shalt  }
0x4d: {  	_ =	shalt  }
0x4e: {  	_ =	shalt  }
0x4f: {  	_ =	shalt  }
0x50: {  	_ =	shalt  }
0x51: {  	_ =	shalt  }
0x52: {  	_ =	shalt  }
0x53: {  	_ =	shalt  }
0x54: {  	_ =	shalt  }
0x55: {  	_ =	shalt  }
0x56: {  	_ =	shalt  }
0x57: {  	_ =	shalt  }
0x58: {  	_ =	shalt  }
0x59: {  	_ =	shalt  }
0x5a: {  	_ =	shalt  }
0x5b: {  	_ =	shalt  }
0x5c: {  	_ =	shalt  }
0x5d: {  	_ =	shalt  }
0x5e: {  	_ =	shalt  }
0x5f: {  	_ =	shalt  }
0x60: {  	_ =	shalt  }
0x61: {  	_ =	shalt  }
0x62: {  	_ =	shalt  }
0x63: {  	_ =	shalt  }
0x64: {  	_ =	shalt  }
0x65: {  	_ =	shalt  }
0x66: {  	_ =	shalt  }
0x67: {  	_ =	shalt  }
0x68: {  	_ =	shalt  }
0x69: {  	_ =	shalt  }
0x6a: {  	_ =	shalt  }
0x6b: {  	_ =	shalt  }
0x6c: {  	_ =	shalt  }
0x6d: {  	_ =	shalt  }
0x6e: {  	_ =	shalt  }
0x6f: {  	_ =	shalt  }
0x70: {  	_ =	shalt  }
0x71: {  	_ =	shalt  }
0x72: {  	_ =	shalt  }
0x73: {  	_ =	shalt  }
0x74: {  	_ =	shalt  }
0x75: {  	_ =	shalt  }
0x76: {  	_ =	shalt  }
0x77: {  	_ =	shalt  }
0x78: {  	_ =	shalt  }
0x79: {  	_ =	shalt  }
0x7a: {  	_ =	shalt  }
0x7b: {  	_ =	shalt  }
0x7c: {  	_ =	shalt  }
0x7d: {  	_ =	shalt  }
0x7e: {  	_ =	shalt  }
0x7f: {  	_ =	shalt  }
0x80: {  	_ =	shalt  }
0x81: {  	_ =	shalt  }
0x82: {  	_ =	shalt  }
0x83: {  	_ =	shalt  }
0x84: {  	_ =	shalt  }
0x85: {  	_ =	shalt  }
0x86: {  	_ =	shalt  }
0x87: {  	_ =	shalt  }
.Lfunc_end0:
.L_simem_size_0:
called_computation_lowered:
.L_overlay_start_0:
0x88: {  	s2 =	sld [smem:$0x3FD9]  }
0x89: {  	s3 =	sld [smem:$0x3FFE];
	_ =	sdelay $0x1  }
0x8a: {  	s1 =	srdreg.scid  }
0x8b: {  	s0 =	sand.u32 $0x1, s1  }
0x8c: {  	s18 =	sshll.u32 s0, $0xA;
	s2 =	sadd.s32 s3, s2  }
0x8d: {  	s2 =	sadd.s32 s2, s18  }
0x8e: {  	[smem:$0x3FC7] =	sst s2  }
0x8f: {  	_ = 	snop  }
0x90: {  	s2 =	sld [smem:$0x3FC9]  }
0x91: {  	s19 =	sld [smem:$0x3FD0];
	(tm) =	ssettm $0x1  }
0x92: {  	s4 =	sld [smem:$0x3FFB];
	_ =	sdelay $0x3  }
0x93: {  	_ =	strace s4  }
0x94: {  	s4 =	sld [smem:$0x3FFC];
	_ =	sdelay $0x3  }
0x95: {  	_ =	strace s4  }
0x96: {  	s4 =	sld [smem:$0x3FFD];
	_ =	sdelay $0x3  }
0x97: {  	_ =	strace s4  }
0x98: {  	_ =	strace $0x8FFFFFFF  }
0x99: {  	s20 =	sld [smem:$0x3FDB];
	_ =	sdelay $0x1  }
0x9a: {  	s5 =	simm.s32 $_scs_section_size  }
0x9b: {  	s6 =	simm.s32 $_size__tile_overlayer_lowered;
	s7 =	simm.s32 $_tile_overlayer_lowered  }
0x9c: {  	s23 =	simm.s32 $0x1BFF;
	s22 =	sshll.u32 s7, $0x1;
	s4 =	sadd.s32 s5, s20  }
0x9d: {  	s8 =	simm.s32 $0x0;
	s21 =	sshll.u32 s6, $0x1;
	s6 =	sadd.s32 s22, s4  }
0x9e: {  	[timem:s8], [sflag:s23] =	dma.local [hbm:s6], s21  }
0x9f: {  	_ =	swait.ge [sflag:s23], s21  }
0xa0: {  	s5 =	ssub.s32 $0x0, s21;
	[sflag:s23] =	ssyncset.done $0x0  }
0xa1: {  	[sflag:s23] =	ssyncadd.s32 s5;
	_ =	sdelay $0x1  }
0xa2: {  	s24 =	simm.s32 $0x1B8B  }
0xa3: {  	_ =	swait.ge [sflag:s24], $0x1  }
0xa4: {  	[sflag:s24] =	ssyncset.done $0x0  }
0xa5: {  	s25 =	simm.s32 $0x1B8E;
	[sflag:s24] =	ssyncadd.s32 $0xFFFFFFFF  }
0xa6: {  	s26 =	simm.s32 $execute0_lowered;
	[smem:$0x3FD2] =	sst s25  }
0xa7: {  	s5 =	sshll.u32 s26, $0x1;
	_ =	strace $0x80000046;
	[dreg:$0x1] =	wrdreg $0xFFFFFFFF  }
0xa8: {  	s28 =	simm.s32 $_size_execute0_lowered;
	s4 =	sadd.s32 s4, s5;
	[dreg:$0x0] =	wrdreg $0x0  }
0xa9: {  	s5 =	sshll.u32 s28, $0x1;
	[dreg:$0x2] =	wrdreg s4  }
0xaa: {  	[dreg:$0x3] =	wrdreg s5  }
0xab: {  	[dreg:$0x4] =	wrdreg $0xC0  }
0xac: {  	_ =	task [dreg:s8], $0x5FFFF  }
0xad: {  	[dreg:$0x1] =	wrdreg $0xFFFFFFFF  }
0xae: {  	[dreg:$0x0] =	wrdreg $0x60  }
0xaf: {  	[dreg:$0x2] =	wrdreg s2  }
0xb0: {  	[dreg:$0x3] =	wrdreg s19  }
0xb1: {  	[dreg:$0x4] =	wrdreg $0x9  }
0xb2: {  	_ =	task.clear_ibuf [dreg:s8], $0x5FFFF;
	_ =	strace $0x90000046  }
0xb3: {  	s29 =	simm.s32 $0x9;
	_ =	strace $0x80000048  }
0xb4: {  	_ =	swait.ge [sflag:s29], $0x1  }
0xb5: {  	[sflag:s29] =	ssyncadd.s32 $0xFFFFFFFF  }
0xb6: {  	_ =	strace $0x90000048  }
0xb7: {  	_ =	sfence  }
0xb8: {  	s30 =	sld [smem:$0x0];
	_ =	sdelay $0x2  }
0xb9: {  	s31 =	sshll.u32 s1, $0xD;
	s1 =	sshrl.u32 s1, $0x2  }
0xba: {  	s3 =	sand.u32 $0x4000, s31;
	s1 =	sadd.s32 s1, s30  }
0xbb: {  	s0 =	sor.u32 s3, s0;
	s1 =	sshll.u32 s1, $0x11  }
0xbc: {  	s0 =	sor.u32 s1, s0  }
0xbd: {  	s0 =	sadd.s32 $0x8F2B, s0  }
0xbe: {  	[sflag:s0] =	ssyncadd.remote.s32 $0x1  }
0xbf: {  	_ =	sfence.sel $0xFFFF  }
0xc0: {  	[dreg:$0x0] =	wrdreg $0xFFFFFFFF;
	(pc) =	sbr.abs _section_cstart, $3  }
0xc1: {  	[dreg:$0x1] =	wrdreg $0xFFFFFFFF  }
0xc2: {  	_ =	task.clear_ibuf [dreg:s8], $0x2FFFF;
	_ =	strace $0x9FFFFFFF  }
0xc3: {  	(tm) =	ssettm $0x7FFFFFFF  }
tec
execute0_lowered:
.L_overlay_start_1:
0x0: {  	(tag) =	ssettag $0x1  }
0x1: {  	s0 =	srdreg.scid;
	s4 =	stileid.u32  }
0x2: {  	s3 =	rddreg [dreg:$0x0];
	s17 =	smul.u32 $0xA0, s4  }
0x3: {  	s25 =	rddreg [dreg:$0x1];
	s0 =	sand.u32 $0x1, s0;
	s20 =	smul.u32 $0x50, s4  }
0x4: {  	s24 =	simm.s32 $0x0;
	s1 =	sshll.u32 s4, $0x1;
	s21 =	smul.u32 $0x28, s0  }
0x5: {  	s28 =	simm.s32 $0x2;
	s2 =	sor.u32 s0, s1;
	s23 =	smul.u32 $0x50, s0  }
0x6: {  	s31 =	simm.f32 $0.0e+00;
	[smem:$0x7FF] =	sst s24;
	s1 =	smul.u32 $0x14, s2  }
0x7: {  	s6 =	ssub.s32 $0x2, s0;
	_ =	strace $0x80000047;
	s10 =	smul.u32 $0xA00, s2  }
0x8: {  	[dreg:$0x5] =	wrdreg s31;
	s8 =	sor.u32 $0x20, s2;
	s15 =	smul.u32 $0x280, s2  }
0x9: {  	s7 =	sshrl.u32 s6, $0x1;
	[dreg:$0xc] =	wrdreg s17;
	s9 =	smul.u32 $0x280, s8  }
0xa: {  	s7 =	ssub.s32 s6, s7;
	s6 =	simm.s32 $0x28;
	s8 =	smul.u32 $0xA00, s8  }
0xb: {  	s29 =	sadd.s32 s21, s20;
	[dreg:$0xf] =	wrdreg s23;
	s1 =	sadd.s32 $0xFFFFFFFC, s1  }
0xc: {  	s5 =	sadd.s32 s3, s10;
	s18 =	sadd.s32 $0xC3480, s15;
	s19 =	sadd.s32 $0xC8480, s15  }
0xd: {  	s15 =	sadd.s32 $0x4E2, s2;
	s26 =	smax.u32 s7, $0x1;
	s1 =	sand.u32 $0xFFFFFFF8, s1  }
0xe: {  	s30 =	sadd.s32 $0xFFFFFFFF, s29;
	[dreg:$0x9] =	wrdreg s5;
	p0 =	sgt.s32 s1, $0x0  }
0xf: {  	s0 =	sadd.s32 $0xC34F, s29;
	[dreg:$0x10] =	wrdreg s26;
	s1 =	simm.s32 @!p0 $0x0  }
0x10: {  	s14 =	sadd.s32 $0xFFFFFF80, s9;
	[dreg:$0x12] =	wrdreg s30;
	s1 =	sshll.u32 s1, $0x5  }
0x11: {  	s16 =	sadd.s32 s3, s8;
	[dreg:$0x13] =	wrdreg s0;
	s1 =	sadd.s32 s3, s1  }
0x12: {  	s8 =	sand.u32 $0xDFF00, s19;
	[dreg:$0x8] =	wrdreg s1;
	s1 =	sand.u32 $0xFFFFFF00, s14  }
0x13: {  	s19 =	simm.s32 $0x2000;
	[dreg:$0xb] =	wrdreg s16;
	s1 =	sadd.s32 s3, s1  }
0x14: {  	s22 =	sadd.s32 s3, s8;
	[dreg:$0xa] =	wrdreg s1;
	s1 =	sand.u32 $0xCFF00, s18  }
0x15: {  	p0 =	seq.s32 s4, $0x0;
	[dreg:$0xe] =	wrdreg s22;
	s1 =	sadd.s32 s3, s1  }
0x16: {  	s6 =	simm.s32 @!p0 $0x27;
	[dreg:$0xd] =	wrdreg s1;
	s1 =	sadd.s32 s23, s17  }
0x17: {  	s23 =	simm.s32 $0x1;
	[dreg:$0x11] =	wrdreg s1;
	s1 =	simm.s32 $0x0  }
.LBB2_1:
0x18: {  	[dreg:$0x14] =	wrdreg s1  }
0x19: {  	s0 =	rddreg [dreg:$0x8]  }
0x1a: {  	s18 =	rddreg [dreg:$0x9]  }
0x1b: {  	s21 =	rddreg [dreg:$0xa]  }
0x1c: {  	[tilespmem:s24], [sflag:$0x1] =	stream.linear.gather [hbm4b:s0+s24], $0x2000, $0x38;
	[tilespmem:$0x1E000] =	vst v63  }
0x1d: {  	s20 =	simm.s32 $0x6000;
	s22 =	rddreg [dreg:$0xb]  }
0x1e: {  	[tilespmem:s20], [sflag:$0x2] =	stream.linear.gather [hbm4b:s18+s24], $0x5800, $0x38;
	[tilespmem:$0x1E000] =	vst v63  }
.Ltmp0:
0x1f: {  	s29 =	rddreg [dreg:$0xf];
	(pc) =	sbr.rel .LBB2_2-.Ltmp0, $4  }
0x20: {  	[tilespmem:s19], [sflag:$0x1] =	stream.linear.gather [hbm4b:s21+s24], $0x2000, $0x38;
	[tilespmem:$0x1E000] =	vst v63  }
0x21: {  	s26 =	simm.s32 $0xB800;
	s30 =	rddreg [dreg:$0x11]  }
0x22: {  	[tilespmem:s26], [sflag:$0x2] =	stream.linear.gather [hbm4b:s22+s24], $0x5800, $0x38;
	[tilespmem:$0x1E000] =	vst v63  }
0x23: {  	s31 =	simm.s32 $0x0;
	s26 =	rddreg [dreg:$0x12]  }
.LBB2_18:
0x24: {  	s20 =	smov.u32 @p0 s20;
	s25 =	smov.u32 s3  }
0x25: {  	s3 =	smov.u32 s24;
	s24 =	simm.s32 $0x0;
	s28 =	simm.s32 $0x2  }
.LBB2_11:
0x26: {  	s31 =	sadd.s32 $0x1, s31  }
0x27: {  	s0 =	smul.u32 $0x2800, s1;
	p0 =	sne.s32 s31, s6  }
.Ltmp1:
0x28: {  	_ = 	snop;
	(pc) =	sbr.rel @!p0 .LBB2_12-.Ltmp1, $4  }
0x29: {  	s22 =	sshra.s32 s20, $0x2  }
0x2a: {  	s30 =	sadd.s32 $0xA00, s30;
	s29 =	sadd.s32 $0xA00, s29;
	s0 =	sshrl.u32 s0, $0x3  }
0x2b: {  	s26 =	sadd.s32 $0x500, s26;
	s1 =	sadd.s32 $0x16800, s22;
	s0 =	sadd.s32 s25, s0  }
0x2c: {  	[hbm4b:s0+s24] =	stream.linear.scatter [tilespmem:s1], [sflag:$0x3], $0x2800, $0x38;
	[tilespmem:$0x1E000] =	vst v63  }
.LBB2_2:
0x2d: {  	s0 =	sadd.s32 $0x2, s31  }
0x2e: {  	p0 =	sge.u32 s0, s6  }
0x2f: {  	s1 =	sshll.u32 @!p0 s0, $0x5  }
0x30: {  	s9 =	smulhi.u32 @!p0 $0xAAAAAAAB, s0;
	s7 =	sor.u32 @!p0 s2, s1  }
0x31: {  	_ =	swait.ge [sflag:s23], $0x2000;
	s8 =	smul.u32 @!p0 $0x14, s7  }
0x32: {  	s18 =	sshll.u32 s31, $0x5;
	[sflag:s23] =	ssyncset.done $0x0  }
0x33: {  	[sflag:s23] =	ssyncadd.s32 $0xFFFFE000;
	s9 =	sshrl.u32 @!p0 s9, $0x1;
	s8 =	sadd.s32 @!p0 $0xFFFFFFFC, s8  }
0x34: {  	_ =	swait.ge [sflag:s28], $0x5800;
	s9 =	smul.u32 @!p0 $0x3, s9;
	s8 =	sand.u32 @!p0 $0xFFFFFFF8, s8  }
0x35: {  	s12 =	simm.s32 @!p0 $0x0;
	[sflag:s28] =	ssyncset.done $0x0;
	p1 =	sgt.s32 @!p0 s8, $0x0  }
0x36: {  	s7 =	smul.u32 @!p0 $0x50, s7;
	s0 =	ssub.s32 @!p0 s0, s9;
	p1 =	por !p1, p0  }
0x37: {  	s9 =	sshll.u32 @!p0 s0, $0xD;
	s0 =	smul.u32 @!p0 $0x16000, s0;
	s8 =	simm.s32 @p1 $0x0  }
0x38: {  	[sflag:s28] =	ssyncadd.s32 $0xFFFFA800;
	s7 =	smin.u32 @!p0 s7, $0x18648;
	s8 =	sshll.u32 @!p0 s8, $0x5  }
0x39: {  	s7 =	sshll.u32 @!p0 s7, $0x5;
	s0 =	sshrl.u32 @!p0 s0, $0x2;
	s8 =	sadd.s32 @!p0 s3, s8  }
0x3a: {  	[tilespmem:s9], [sflag:$0x1] =	stream.linear.gather @!p0 [hbm4b:s8+s12], $0x2000, $0x38;
	[tilespmem:$0x1E000] =	vst v63  }
0x3b: {  	s1 =	sor.u32 s2, s18;
	s7 =	sadd.s32 @!p0 s3, s7;
	s0 =	sadd.s32 @!p0 $0x6000, s0  }
0x3c: {  	[tilespmem:s0], [sflag:$0x2] =	stream.linear.gather @!p0 [hbm4b:s7+s12], $0x5800, $0x38;
	[tilespmem:$0x1E000] =	vst v63  }
0x3d: {  	p0 =	seq.s32 s1, $0x0  }
0x3e: {  	s20 =	smul.u32 $0x28, s1;
	p1 =	seq.s32 @!p0 s1, $0x4E1  }
0x3f: {  	s10 =	smulhi.u32 $0xAAAAAAAB, s31;
	p1 =	por p0, p1  }
.Ltmp2:
0x40: {  	p2 =	slt.u32 s31, $0x3;
	s22 =	sshra.s32 s20, $0x1;
	(pc) =	sbr.rel @!p1 .LBB2_3-.Ltmp2, $4  }
0x41: {  	s19 =	sshrl.u32 s10, $0x1;
	s8 =	simm.s32 @!p2 $0x3;
	s0 =	sadd.s32 $0xFFFFFFFC, s22  }
0x42: {  	s21 =	smul.u32 $0x3, s19;
	s0 =	sand.u32 $0xFFFFFFF8, s0;
	_ =	swait.ge @!p2 [sflag:s8], $0x2800  }
0x43: {  	p3 =	sgt.s32 s0, $0x0;
	[sflag:s8] =	ssyncset.done @!p2 $0x0  }
0x44: {  	s9 =	ssub.s32 s31, s21;
	s0 =	simm.s32 @!p3 $0x0;
	[sflag:s8] =	ssyncadd.s32 @!p2 $0xFFFFD800  }
0x45: {  	p2 =	slt.s32 s30, $0x18648;
	s22 =	sshll.u32 s9, $0xF  }
0x46: {  	s7 =	smov.u32 s30;
	s4 =	rddreg [dreg:$0xc];
	s8 =	sshrl.u32 s22, $0x2  }
0x47: {  	s7 =	simm.s32 @!p2 $0x18648;
	s12 =	sadd.s32 s29, s4;
	[dreg:$0x6] =	wrdreg s8  }
0x48: {  	s7 =	ssub.s32 s30, s7;
	[dreg:$0x3] =	wrdreg s12  }
0x49: {  	s4 =	sshra.s32 s26, $0x1;
	[dreg:$0x4] =	wrdreg s7  }
0x4a: {  	s12 =	ssub.s32 s4, s0;
	s7 =	smul.u32 $0x5800, s9;
	s13 =	rddreg [dreg:$0x6]  }
0x4b: {  	p2 =	sgt.s32 s12, $0x0;
	s10 =	rddreg [dreg:$0x4]  }
0x4c: {  	s12 =	simm.s32 @!p2 $0x0;
	s8 =	sadd.s32 $0x6000, s7;
	s10 =	sadd.s32 $0x0, s10  }
0x4d: {  	s16 =	sshll.u32 s12, $0x7;
	s12 =	sshll.u32 s12, $0x8;
	s14 =	sadd.s32 $0x1, s10  }
0x4e: {  	s10 =	sadd.s32 $0x2, s10;
	s16 =	sand.u32 $0x380, s16;
	p2 =	slt.s32 s14, $0x57  }
0x4f: {  	s12 =	sand.u32 $0xFFFFF800, s12;
	p3 =	slt.s32 s10, $0x57;
	s14 =	simm.s32 @!p2 $0x57  }
0x50: {  	s12 =	sadd.s32 s12, s13;
	s10 =	simm.s32 @!p3 $0x57;
	s17 =	sshll.u32 s14, $0x8  }
0x51: {  	s12 =	sadd.s32 s16, s12;
	s14 =	sshll.u32 s14, $0x7;
	s17 =	sand.u32 $0xFFFFF800, s17  }
0x52: {  	s5 =	sshll.u32 s10, $0x8;
	s14 =	sand.u32 $0x380, s14;
	s17 =	sadd.s32 s17, s8  }
0x53: {  	s10 =	sshll.u32 s10, $0x7;
	v0 =	vld [tilespmem:s12+$0x0];
	s13 =	sand.u32 $0xFFFFF800, s5;
	s21 =	sadd.s32 s14, s17  }
0x54: {  	s16 =	sand.u32 $0x380, s10;
	s17 =	sadd.s32 s13, s8;
	v1 =	vld [tilespmem:s21+$0x0]  }
0x55: {  	s19 =	sadd.s32 $0x0, s30;
	s11 =	rddreg [dreg:$0x3];
	s13 =	sadd.s32 s16, s17  }
0x56: {  	s20 =	smul.u32 $0xA000, s9;
	p3 =	slt.u32 s19, $0x1869F;
	s14 =	sadd.s32 $0x0, s11;
	v2 =	vld [tilespmem:s13+$0x0]  }
0x57: {  	s10 =	rddreg [dreg:$0x5];
	p2 =	seq.s32 s14, $0x0;
	s16 =	simm.f32 $1.000000000e+00  }
0x58: {  	s10 =	simm.s32 @!p2 $0x3F800000;
	s16 =	simm.s32 @!p3 $0x0  }
0x59: {  	s18 =	sshra.s32 s20, $0x2;
	s17 =	simm.f32 $1.000000000e+00;
	p2 =	slt.u32 s19, $0x1869E;
	v0 =	vmul.f32 s10, v0;
	v1 =	vmul.f32 s16, v1  }
0x5a: {  	s9 =	sadd.s32 $0x16800, s18;
	s17 =	simm.s32 @!p2 $0x0  }
0x5b: {  	s24 =	smov.u32 s3;
	[dreg:$0x7] =	wrdreg s9;
	s9 =	simm.s32 $0x0;
	v0 =	vadd.f32 v1, v0;
	v1 =	vmul.f32 s17, v2  }
0x5c: {  	s3 =	smov.u32 s25;
	s25 =	rddreg [dreg:$0x7];
	s18 =	sand.u32 $0x3800, s9  }
0x5d: {  	s14 =	sadd.s32 s18, s25;
	s19 =	sand.u32 $0x380, s9;
	v0 =	vadd.f32 v1, v0  }
0x5e: {  	s18 =	sadd.s32 s19, s14  }
0x5f: {  	[tilespmem:s18+$0x0] =	vst v0  }
0x60: {  	v0 =	vld [tilespmem:s21+$0x10]  }
0x61: {  	v1 =	vld [tilespmem:s12+$0x10];
	_ =	sdelay $0x1  }
0x62: {  	v2 =	vld [tilespmem:s13+$0x10];
	_ =	sdelay $0x2  }
0x63: {  	v0 =	vmul.f32 s16, v0;
	v1 =	vmul.f32 s10, v1;
	_ =	sdelay $0x1  }
0x64: {  	v0 =	vadd.f32 v0, v1;
	v1 =	vmul.f32 s17, v2;
	_ =	sdelay $0x1  }
0x65: {  	v0 =	vadd.f32 v1, v0;
	_ =	sdelay $0x1  }
0x66: {  	[tilespmem:s18+$0x10] =	vst v0  }
0x67: {  	v0 =	vld [tilespmem:s12+$0x20]  }
0x68: {  	v1 =	vld [tilespmem:s21+$0x20];
	_ =	sdelay $0x1  }
0x69: {  	v2 =	vld [tilespmem:s13+$0x20];
	_ =	sdelay $0x2  }
0x6a: {  	v0 =	vmul.f32 s10, v0;
	v1 =	vmul.f32 s16, v1;
	_ =	sdelay $0x1  }
0x6b: {  	v0 =	vadd.f32 v1, v0;
	v1 =	vmul.f32 s17, v2;
	_ =	sdelay $0x1  }
0x6c: {  	v0 =	vadd.f32 v1, v0;
	_ =	sdelay $0x1  }
0x6d: {  	[tilespmem:s18+$0x20] =	vst v0  }
0x6e: {  	v0 =	vld [tilespmem:s12+$0x30]  }
0x6f: {  	v1 =	vld [tilespmem:s21+$0x30];
	_ =	sdelay $0x1  }
0x70: {  	v2 =	vld [tilespmem:s13+$0x30];
	_ =	sdelay $0x2  }
0x71: {  	v0 =	vmul.f32 s10, v0;
	v1 =	vmul.f32 s16, v1;
	_ =	sdelay $0x1  }
0x72: {  	v0 =	vadd.f32 v1, v0;
	v1 =	vmul.f32 s17, v2;
	_ =	sdelay $0x1  }
0x73: {  	v0 =	vadd.f32 v1, v0;
	_ =	sdelay $0x1  }
0x74: {  	[tilespmem:s18+$0x30] =	vst v0  }
0x75: {  	v0 =	vld [tilespmem:s12+$0x40]  }
0x76: {  	v1 =	vld [tilespmem:s21+$0x40];
	_ =	sdelay $0x1  }
0x77: {  	v2 =	vld [tilespmem:s13+$0x40];
	_ =	sdelay $0x2  }
0x78: {  	v0 =	vmul.f32 s10, v0;
	v1 =	vmul.f32 s16, v1;
	_ =	sdelay $0x1  }
0x79: {  	v0 =	vadd.f32 v1, v0;
	v1 =	vmul.f32 s17, v2;
	_ =	sdelay $0x1  }
0x7a: {  	v0 =	vadd.f32 v1, v0;
	_ =	sdelay $0x1  }
0x7b: {  	[tilespmem:s18+$0x40] =	vst v0  }
0x7c: {  	v0 =	vld [tilespmem:s12+$0x50]  }
0x7d: {  	v1 =	vld [tilespmem:s21+$0x50];
	_ =	sdelay $0x1  }
0x7e: {  	v2 =	vld [tilespmem:s13+$0x50];
	_ =	sdelay $0x2  }
0x7f: {  	v0 =	vmul.f32 s10, v0;
	v1 =	vmul.f32 s16, v1;
	_ =	sdelay $0x1  }
0x80: {  	v0 =	vadd.f32 v1, v0;
	v1 =	vmul.f32 s17, v2;
	_ =	sdelay $0x1  }
0x81: {  	v0 =	vadd.f32 v1, v0;
	_ =	sdelay $0x1  }
0x82: {  	[tilespmem:s18+$0x50] =	vst v0  }
0x83: {  	v0 =	vld [tilespmem:s21+$0x60]  }
0x84: {  	v1 =	vld [tilespmem:s12+$0x60];
	_ =	sdelay $0x1  }
0x85: {  	v2 =	vld [tilespmem:s13+$0x60];
	_ =	sdelay $0x2  }
0x86: {  	v0 =	vmul.f32 s16, v0;
	v1 =	vmul.f32 s10, v1;
	_ =	sdelay $0x1  }
0x87: {  	v0 =	vadd.f32 v0, v1;
	v1 =	vmul.f32 s17, v2;
	_ =	sdelay $0x1  }
0x88: {  	v0 =	vadd.f32 v1, v0;
	_ =	sdelay $0x1  }
0x89: {  	[tilespmem:s18+$0x60] =	vst v0  }
0x8a: {  	v0 =	vld [tilespmem:s12+$0x70]  }
0x8b: {  	v1 =	vld [tilespmem:s21+$0x70];
	_ =	sdelay $0x1  }
0x8c: {  	v2 =	vld [tilespmem:s13+$0x70];
	_ =	sdelay $0x2  }
0x8d: {  	v0 =	vmul.f32 s10, v0;
	v1 =	vmul.f32 s16, v1;
	_ =	sdelay $0x1  }
0x8e: {  	v0 =	vadd.f32 v1, v0;
	v1 =	vmul.f32 s17, v2;
	_ =	sdelay $0x1  }
0x8f: {  	v0 =	vadd.f32 v1, v0;
	_ =	sdelay $0x1  }
0x90: {  	[tilespmem:s18+$0x70] =	vst v0  }
0x91: {  	v0 =	vld [tilespmem:s12+$0x400]  }
0x92: {  	v1 =	vld [tilespmem:s21+$0x400];
	_ =	sdelay $0x1  }
0x93: {  	v2 =	vld [tilespmem:s13+$0x400];
	_ =	sdelay $0x2  }
0x94: {  	v0 =	vmul.f32 s10, v0;
	v1 =	vmul.f32 s16, v1;
	_ =	sdelay $0x1  }
0x95: {  	v0 =	vadd.f32 v1, v0;
	v1 =	vmul.f32 s17, v2;
	_ =	sdelay $0x1  }
0x96: {  	v0 =	vadd.f32 v1, v0;
	_ =	sdelay $0x1  }
0x97: {  	[tilespmem:s18+$0x400] =	vst v0  }
0x98: {  	v0 =	vld [tilespmem:s12+$0x410]  }
0x99: {  	v1 =	vld [tilespmem:s21+$0x410];
	_ =	sdelay $0x1  }
0x9a: {  	v2 =	vld [tilespmem:s13+$0x410];
	_ =	sdelay $0x2  }
0x9b: {  	v0 =	vmul.f32 s10, v0;
	v1 =	vmul.f32 s16, v1;
	_ =	sdelay $0x1  }
0x9c: {  	v0 =	vadd.f32 v1, v0;
	v1 =	vmul.f32 s17, v2;
	_ =	sdelay $0x1  }
0x9d: {  	v0 =	vadd.f32 v1, v0;
	_ =	sdelay $0x1  }
0x9e: {  	[tilespmem:s18+$0x410] =	vst v0  }
0x9f: {  	v0 =	vld [tilespmem:s12+$0x420]  }
0xa0: {  	v1 =	vld [tilespmem:s21+$0x420];
	_ =	sdelay $0x1  }
0xa1: {  	v2 =	vld [tilespmem:s13+$0x420];
	_ =	sdelay $0x2  }
0xa2: {  	v0 =	vmul.f32 s10, v0;
	v1 =	vmul.f32 s16, v1;
	_ =	sdelay $0x1  }
0xa3: {  	v0 =	vadd.f32 v1, v0;
	v1 =	vmul.f32 s17, v2;
	_ =	sdelay $0x1  }
0xa4: {  	v0 =	vadd.f32 v1, v0;
	_ =	sdelay $0x1  }
0xa5: {  	[tilespmem:s18+$0x420] =	vst v0  }
0xa6: {  	v0 =	vld [tilespmem:s12+$0x430]  }
0xa7: {  	v1 =	vld [tilespmem:s21+$0x430];
	_ =	sdelay $0x1  }
0xa8: {  	v2 =	vld [tilespmem:s13+$0x430];
	_ =	sdelay $0x2  }
0xa9: {  	v0 =	vmul.f32 s10, v0;
	v1 =	vmul.f32 s16, v1;
	_ =	sdelay $0x1  }
0xaa: {  	v0 =	vadd.f32 v1, v0;
	v1 =	vmul.f32 s17, v2;
	_ =	sdelay $0x1  }
0xab: {  	v0 =	vadd.f32 v1, v0;
	_ =	sdelay $0x1  }
0xac: {  	[tilespmem:s18+$0x430] =	vst v0  }
0xad: {  	v0 =	vld [tilespmem:s21+$0x440]  }
0xae: {  	v1 =	vld [tilespmem:s12+$0x440];
	_ =	sdelay $0x1  }
0xaf: {  	v2 =	vld [tilespmem:s13+$0x440];
	_ =	sdelay $0x2  }
0xb0: {  	v0 =	vmul.f32 s16, v0;
	v1 =	vmul.f32 s10, v1;
	_ =	sdelay $0x1  }
0xb1: {  	v0 =	vadd.f32 v0, v1;
	v1 =	vmul.f32 s17, v2;
	_ =	sdelay $0x1  }
0xb2: {  	v0 =	vadd.f32 v1, v0;
	_ =	sdelay $0x1  }
0xb3: {  	[tilespmem:s18+$0x440] =	vst v0  }
0xb4: {  	v0 =	vld [tilespmem:s12+$0x450]  }
0xb5: {  	v1 =	vld [tilespmem:s21+$0x450];
	_ =	sdelay $0x1  }
0xb6: {  	v2 =	vld [tilespmem:s13+$0x450];
	_ =	sdelay $0x2  }
0xb7: {  	v0 =	vmul.f32 s10, v0;
	v1 =	vmul.f32 s16, v1;
	_ =	sdelay $0x1  }
0xb8: {  	v0 =	vadd.f32 v1, v0;
	v1 =	vmul.f32 s17, v2;
	_ =	sdelay $0x1  }
0xb9: {  	v0 =	vadd.f32 v1, v0;
	_ =	sdelay $0x1  }
0xba: {  	[tilespmem:s18+$0x450] =	vst v0  }
0xbb: {  	v1 =	vld [tilespmem:s12+$0x460]  }
0xbc: {  	v2 =	vld [tilespmem:s21+$0x460]  }
0xbd: {  	s28 =	smov.u32 s26;
	s19 =	simm.s32 $0x2;
	s14 =	simm.s32 $0x0;
	v0 =	vld [tilespmem:s13+$0x460]  }
.LBB2_5:
0xbe: {  	_ =	sdelay $0x2  }
0xbf: {  	v1 =	vmul.f32 s10, v1;
	v2 =	vmul.f32 s16, v2;
	_ =	sdelay $0x1  }
0xc0: {  	v0 =	vmul.f32 s17, v0;
	v1 =	vadd.f32 v2, v1;
	_ =	sdelay $0x1  }
0xc1: {  	v0 =	vadd.f32 v0, v1;
	_ =	sdelay $0x1  }
0xc2: {  	[tilespmem:s18+$0x460] =	vst v0  }
0xc3: {  	v0 =	vld [tilespmem:s12+$0x470]  }
0xc4: {  	s28 =	sadd.s32 $0x1, s28;
	v1 =	vld [tilespmem:s21+$0x470]  }
0xc5: {  	s4 =	sshra.s32 s28, $0x1  }
0xc6: {  	s4 =	ssub.s32 s4, s0;
	v2 =	vld [tilespmem:s13+$0x470]  }
0xc7: {  	p3 =	sgt.s32 s4, $0x0  }
0xc8: {  	s25 =	smov.u32 s19;
	s11 =	rddreg [dreg:$0x4];
	s4 =	simm.s32 @!p3 $0x0  }
0xc9: {  	s11 =	sadd.s32 s25, s11;
	s5 =	sshll.u32 s4, $0x7;
	s4 =	sshll.u32 s4, $0x8;
	v0 =	vmul.f32 s10, v0;
	v1 =	vmul.f32 s16, v1  }
0xca: {  	s4 =	sand.u32 $0xFFFFF800, s4;
	s21 =	sadd.s32 $0x1, s11  }
0xcb: {  	s12 =	rddreg [dreg:$0x6];
	s11 =	sadd.s32 $0x2, s11;
	p3 =	slt.s32 s21, $0x57;
	v0 =	vadd.f32 v1, v0;
	v1 =	vmul.f32 s17, v2  }
0xcc: {  	s13 =	sand.u32 $0x380, s5;
	p4 =	slt.s32 s11, $0x57;
	s21 =	simm.s32 @!p3 $0x57  }
0xcd: {  	s4 =	sadd.s32 s4, s12;
	s11 =	simm.s32 @!p4 $0x57;
	s5 =	sshll.u32 s21, $0x8;
	v0 =	vadd.f32 v1, v0  }
0xce: {  	s12 =	sadd.s32 s13, s4;
	s21 =	sshll.u32 s21, $0x7;
	s5 =	sand.u32 $0xFFFFF800, s5  }
0xcf: {  	s21 =	sand.u32 $0x380, s21;
	s10 =	sshll.u32 s11, $0x8;
	s5 =	sadd.s32 s5, s8;
	[tilespmem:s18+$0x470] =	vst v0  }
0xd0: {  	s16 =	sshll.u32 s11, $0x7;
	s21 =	sadd.s32 s21, s5;
	s17 =	sand.u32 $0xFFFFF800, s10;
	v0 =	vld [tilespmem:s12+$0x0]  }
0xd1: {  	s5 =	sand.u32 $0x380, s16;
	s4 =	sadd.s32 s17, s8;
	v1 =	vld [tilespmem:s21+$0x0]  }
0xd2: {  	s13 =	sadd.s32 s5, s4;
	s18 =	rddreg [dreg:$0x3]  }
0xd3: {  	s16 =	simm.f32 $1.000000000e+00;
	s4 =	sadd.s32 s25, s18;
	s25 =	sadd.s32 s25, s30;
	v2 =	vld [tilespmem:s13+$0x0]  }
0xd4: {  	s10 =	rddreg [dreg:$0x5];
	p3 =	seq.s32 s4, $0x0;
	p4 =	slt.u32 s25, $0x1869F  }
0xd5: {  	s10 =	simm.s32 @!p3 $0x3F800000;
	s16 =	simm.s32 @!p4 $0x0  }
0xd6: {  	s17 =	simm.f32 $1.000000000e+00;
	p5 =	slt.u32 s25, $0x1869E;
	v0 =	vmul.f32 s10, v0;
	v1 =	vmul.f32 s16, v1  }
0xd7: {  	s17 =	simm.s32 @!p5 $0x0  }
0xd8: {  	s14 =	sadd.s32 $0x100, s14;
	v0 =	vadd.f32 v1, v0;
	v1 =	vmul.f32 s17, v2  }
0xd9: {  	s9 =	sadd.s32 $0x80, s9;
	s11 =	rddreg [dreg:$0x7];
	s18 =	sand.u32 $0x3800, s14  }
0xda: {  	s25 =	sand.u32 $0x380, s9;
	s4 =	sadd.s32 s18, s11;
	v0 =	vadd.f32 v1, v0  }
0xdb: {  	s18 =	sadd.s32 s25, s4  }
0xdc: {  	[tilespmem:s18+$0x0] =	vst v0  }
0xdd: {  	v0 =	vld [tilespmem:s21+$0x10]  }
0xde: {  	v1 =	vld [tilespmem:s12+$0x10];
	_ =	sdelay $0x1  }
0xdf: {  	v2 =	vld [tilespmem:s13+$0x10];
	_ =	sdelay $0x2  }
0xe0: {  	v0 =	vmul.f32 s16, v0;
	v1 =	vmul.f32 s10, v1;
	_ =	sdelay $0x1  }
0xe1: {  	v0 =	vadd.f32 v0, v1;
	v1 =	vmul.f32 s17, v2;
	_ =	sdelay $0x1  }
0xe2: {  	v0 =	vadd.f32 v1, v0;
	_ =	sdelay $0x1  }
0xe3: {  	[tilespmem:s18+$0x10] =	vst v0  }
0xe4: {  	v0 =	vld [tilespmem:s12+$0x20]  }
0xe5: {  	v1 =	vld [tilespmem:s21+$0x20];
	_ =	sdelay $0x1  }
0xe6: {  	v2 =	vld [tilespmem:s13+$0x20];
	_ =	sdelay $0x2  }
0xe7: {  	v0 =	vmul.f32 s10, v0;
	v1 =	vmul.f32 s16, v1;
	_ =	sdelay $0x1  }
0xe8: {  	v0 =	vadd.f32 v1, v0;
	v1 =	vmul.f32 s17, v2;
	_ =	sdelay $0x1  }
0xe9: {  	v0 =	vadd.f32 v1, v0;
	_ =	sdelay $0x1  }
0xea: {  	[tilespmem:s18+$0x20] =	vst v0  }
0xeb: {  	v0 =	vld [tilespmem:s12+$0x30]  }
0xec: {  	v1 =	vld [tilespmem:s21+$0x30];
	_ =	sdelay $0x1  }
0xed: {  	v2 =	vld [tilespmem:s13+$0x30];
	_ =	sdelay $0x2  }
0xee: {  	v0 =	vmul.f32 s10, v0;
	v1 =	vmul.f32 s16, v1;
	_ =	sdelay $0x1  }
0xef: {  	v0 =	vadd.f32 v1, v0;
	v1 =	vmul.f32 s17, v2;
	_ =	sdelay $0x1  }
0xf0: {  	v0 =	vadd.f32 v1, v0;
	_ =	sdelay $0x1  }
0xf1: {  	[tilespmem:s18+$0x30] =	vst v0  }
0xf2: {  	v0 =	vld [tilespmem:s12+$0x40]  }
0xf3: {  	v1 =	vld [tilespmem:s21+$0x40];
	_ =	sdelay $0x1  }
0xf4: {  	v2 =	vld [tilespmem:s13+$0x40];
	_ =	sdelay $0x2  }
0xf5: {  	v0 =	vmul.f32 s10, v0;
	v1 =	vmul.f32 s16, v1;
	_ =	sdelay $0x1  }
0xf6: {  	v0 =	vadd.f32 v1, v0;
	v1 =	vmul.f32 s17, v2;
	_ =	sdelay $0x1  }
0xf7: {  	v0 =	vadd.f32 v1, v0;
	_ =	sdelay $0x1  }
0xf8: {  	[tilespmem:s18+$0x40] =	vst v0  }
0xf9: {  	v0 =	vld [tilespmem:s12+$0x50]  }
0xfa: {  	v1 =	vld [tilespmem:s21+$0x50];
	_ =	sdelay $0x1  }
0xfb: {  	v2 =	vld [tilespmem:s13+$0x50];
	_ =	sdelay $0x2  }
0xfc: {  	v0 =	vmul.f32 s10, v0;
	v1 =	vmul.f32 s16, v1;
	_ =	sdelay $0x1  }
0xfd: {  	v0 =	vadd.f32 v1, v0;
	v1 =	vmul.f32 s17, v2;
	_ =	sdelay $0x1  }
0xfe: {  	v0 =	vadd.f32 v1, v0;
	_ =	sdelay $0x1  }
0xff: {  	[tilespmem:s18+$0x50] =	vst v0  }
0x100: {  	v0 =	vld [tilespmem:s21+$0x60]  }
0x101: {  	v1 =	vld [tilespmem:s12+$0x60];
	_ =	sdelay $0x1  }
0x102: {  	v2 =	vld [tilespmem:s13+$0x60];
	_ =	sdelay $0x2  }
0x103: {  	v0 =	vmul.f32 s16, v0;
	v1 =	vmul.f32 s10, v1;
	_ =	sdelay $0x1  }
0x104: {  	v0 =	vadd.f32 v0, v1;
	v1 =	vmul.f32 s17, v2;
	_ =	sdelay $0x1  }
0x105: {  	v0 =	vadd.f32 v1, v0;
	_ =	sdelay $0x1  }
0x106: {  	[tilespmem:s18+$0x60] =	vst v0  }
0x107: {  	v0 =	vld [tilespmem:s12+$0x70]  }
0x108: {  	v1 =	vld [tilespmem:s21+$0x70];
	_ =	sdelay $0x1  }
0x109: {  	v2 =	vld [tilespmem:s13+$0x70];
	_ =	sdelay $0x2  }
0x10a: {  	v0 =	vmul.f32 s10, v0;
	v1 =	vmul.f32 s16, v1;
	_ =	sdelay $0x1  }
0x10b: {  	v0 =	vadd.f32 v1, v0;
	v1 =	vmul.f32 s17, v2;
	_ =	sdelay $0x1  }
0x10c: {  	v0 =	vadd.f32 v1, v0;
	_ =	sdelay $0x1  }
0x10d: {  	[tilespmem:s18+$0x70] =	vst v0  }
0x10e: {  	v0 =	vld [tilespmem:s12+$0x400]  }
0x10f: {  	v1 =	vld [tilespmem:s21+$0x400];
	_ =	sdelay $0x1  }
0x110: {  	v2 =	vld [tilespmem:s13+$0x400];
	_ =	sdelay $0x2  }
0x111: {  	v0 =	vmul.f32 s10, v0;
	v1 =	vmul.f32 s16, v1;
	_ =	sdelay $0x1  }
0x112: {  	v0 =	vadd.f32 v1, v0;
	v1 =	vmul.f32 s17, v2;
	_ =	sdelay $0x1  }
0x113: {  	v0 =	vadd.f32 v1, v0;
	_ =	sdelay $0x1  }
0x114: {  	[tilespmem:s18+$0x400] =	vst v0  }
0x115: {  	v0 =	vld [tilespmem:s12+$0x410]  }
0x116: {  	v1 =	vld [tilespmem:s21+$0x410];
	_ =	sdelay $0x1  }
0x117: {  	v2 =	vld [tilespmem:s13+$0x410];
	_ =	sdelay $0x2  }
0x118: {  	v0 =	vmul.f32 s10, v0;
	v1 =	vmul.f32 s16, v1;
	_ =	sdelay $0x1  }
0x119: {  	v0 =	vadd.f32 v1, v0;
	v1 =	vmul.f32 s17, v2;
	_ =	sdelay $0x1  }
0x11a: {  	v0 =	vadd.f32 v1, v0;
	_ =	sdelay $0x1  }
0x11b: {  	[tilespmem:s18+$0x410] =	vst v0  }
0x11c: {  	v0 =	vld [tilespmem:s12+$0x420]  }
0x11d: {  	v1 =	vld [tilespmem:s21+$0x420];
	_ =	sdelay $0x1  }
0x11e: {  	v2 =	vld [tilespmem:s13+$0x420];
	_ =	sdelay $0x2  }
0x11f: {  	v0 =	vmul.f32 s10, v0;
	v1 =	vmul.f32 s16, v1;
	_ =	sdelay $0x1  }
0x120: {  	v0 =	vadd.f32 v1, v0;
	v1 =	vmul.f32 s17, v2;
	_ =	sdelay $0x1  }
0x121: {  	v0 =	vadd.f32 v1, v0;
	_ =	sdelay $0x1  }
0x122: {  	[tilespmem:s18+$0x420] =	vst v0  }
0x123: {  	v0 =	vld [tilespmem:s12+$0x430]  }
0x124: {  	v1 =	vld [tilespmem:s21+$0x430];
	_ =	sdelay $0x1  }
0x125: {  	v2 =	vld [tilespmem:s13+$0x430];
	_ =	sdelay $0x2  }
0x126: {  	v0 =	vmul.f32 s10, v0;
	v1 =	vmul.f32 s16, v1;
	_ =	sdelay $0x1  }
0x127: {  	v0 =	vadd.f32 v1, v0;
	v1 =	vmul.f32 s17, v2;
	_ =	sdelay $0x1  }
0x128: {  	v0 =	vadd.f32 v1, v0;
	_ =	sdelay $0x1  }
0x129: {  	[tilespmem:s18+$0x430] =	vst v0  }
0x12a: {  	v0 =	vld [tilespmem:s21+$0x440]  }
0x12b: {  	v1 =	vld [tilespmem:s12+$0x440];
	_ =	sdelay $0x1  }
0x12c: {  	v2 =	vld [tilespmem:s13+$0x440];
	_ =	sdelay $0x2  }
0x12d: {  	v0 =	vmul.f32 s16, v0;
	v1 =	vmul.f32 s10, v1;
	_ =	sdelay $0x1  }
0x12e: {  	v0 =	vadd.f32 v0, v1;
	v1 =	vmul.f32 s17, v2;
	_ =	sdelay $0x1  }
0x12f: {  	v0 =	vadd.f32 v1, v0;
	_ =	sdelay $0x1  }
0x130: {  	[tilespmem:s18+$0x440] =	vst v0  }
0x131: {  	v0 =	vld [tilespmem:s12+$0x450]  }
0x132: {  	v1 =	vld [tilespmem:s21+$0x450];
	_ =	sdelay $0x1  }
0x133: {  	v2 =	vld [tilespmem:s13+$0x450];
	_ =	sdelay $0x2  }
0x134: {  	v0 =	vmul.f32 s10, v0;
	v1 =	vmul.f32 s16, v1;
	_ =	sdelay $0x1  }
0x135: {  	v0 =	vadd.f32 v1, v0;
	v1 =	vmul.f32 s17, v2;
	_ =	sdelay $0x1  }
0x136: {  	p2 =	sne.s32 s19, $0x4E;
	v0 =	vadd.f32 v1, v0  }
.Ltmp3:
0x137: {  	_ = 	snop;
	(pc) =	sbr.rel @p2 .LBB2_5-.Ltmp3, $4  }
0x138: {  	[tilespmem:s18+$0x450] =	vst v0  }
0x139: {  	v1 =	vld [tilespmem:s12+$0x460]  }
0x13a: {  	v2 =	vld [tilespmem:s21+$0x460]  }
0x13b: {  	s19 =	sadd.s32 $0x2, s19;
	v0 =	vld [tilespmem:s13+$0x460]  }
0x13c: {  	_ =	sdelay $0x2  }
0x13d: {  	v1 =	vmul.f32 s10, v1;
	v2 =	vmul.f32 s16, v2;
	_ =	sdelay $0x1  }
0x13e: {  	v0 =	vmul.f32 s17, v0;
	v1 =	vadd.f32 v2, v1;
	_ =	sdelay $0x1  }
0x13f: {  	v0 =	vadd.f32 v0, v1;
	_ =	sdelay $0x1  }
0x140: {  	[tilespmem:s18+$0x460] =	vst v0  }
0x141: {  	v0 =	vld [tilespmem:s12+$0x470]  }
0x142: {  	v61 =	vld [tilespmem:s21+$0x470];
	_ =	sdelay $0x1  }
0x143: {  	v62 =	vld [tilespmem:s13+$0x470];
	_ =	sdelay $0x2  }
0x144: {  	v0 =	vmul.f32 s10, v0;
	v1 =	vmul.f32 s16, v61;
	_ =	sdelay $0x1  }
.Ltmp4:
0x145: {  	v63 =	vmul.f32 s17, v62;
	v0 =	vadd.f32 v1, v0;
	(pc) =	sbr.rel @p1 .LBB2_18-.Ltmp4, $3  }
0x146: {  	_ = 	snop  }
0x147: {  	v0 =	vadd.f32 v63, v0;
	_ =	sdelay $0x1  }
0x148: {  	[tilespmem:s18+$0x470] =	vst v0  }
.Ltmp5:
0x149: {  	(pc) =	sbr.rel .LBB2_8-.Ltmp5, $3  }
0x14a: {  	_ =	sdelay $0x1  }
0x14b: {  	s25 =	smov.u32 s3  }
0x14c: {  	s3 =	smov.u32 s24;
	s24 =	simm.s32 $0x0;
	s28 =	simm.s32 $0x2  }
.LBB2_3:
0x14d: {  	s7 =	smul.u32 $0x5800, s9  }
0x14e: {  	s22 =	sshll.u32 s9, $0xF;
	s20 =	smul.u32 $0xA000, s9  }
.LBB2_8:
0x14f: {  	s8 =	simm.s32 $0x0  }
0x150: {  	s7 =	sadd.s32 $0x6000, s7;
	s5 =	simm.s32 $0x0;
	s4 =	sand.u32 $0x7800, s8  }
0x151: {  	s9 =	sand.u32 $0x300, s5;
	s4 =	sadd.s32 s4, s7  }
0x152: {  	s9 =	sadd.s32 s9, s4  }
0x153: {  	s10 =	simm.s32 $0x200;
	v0 =	vld [tilespmem:s9+$0x80]  }
0x154: {  	s16 =	simm.s32 $0x100;
	s12 =	sand.u32 $0xF800, s10;
	v1 =	vld [tilespmem:s9+$0x90]  }
0x155: {  	s11 =	sshra.s32 s26, $0x1;
	s12 =	sadd.s32 s12, s7;
	s4 =	sand.u32 $0x300, s16;
	v2 =	vld [tilespmem:s9+$0xA0]  }
0x156: {  	s13 =	ssub.s32 s11, s0;
	v3 =	vld [tilespmem:s9+$0xB0];
	s14 =	sadd.s32 s4, s12  }
0x157: {  	s13 =	sshll.u32 s13, $0x8;
	v4 =	vld [tilespmem:s14+$0x30]  }
0x158: {  	s17 =	sshll.u32 s11, $0x7;
	s18 =	sand.u32 $0xFFFFF800, s13;
	s12 =	sshrl.u32 s22, $0x2;
	v5 =	vld [tilespmem:s14+$0x20]  }
0x159: {  	s4 =	sand.u32 $0x380, s17;
	s11 =	sadd.s32 s18, s12;
	v6 =	vld [tilespmem:s14+$0x10]  }
0x15a: {  	v9 =	vld [tilespmem:s14+$0x0];
	s16 =	sadd.s32 s4, s11  }
0x15b: {  	v7 =	vld [tilespmem:s16+$0x10]  }
0x15c: {  	v8 =	vld [tilespmem:s16+$0x30]  }
0x15d: {  	v10 =	vld [tilespmem:s16+$0x20]  }
0x15e: {  	s19 =	sshra.s32 s20, $0x2;
	v1 =	vadd.f32 v6, v1;
	v6 =	vld [tilespmem:s16+$0x0]  }
0x15f: {  	s21 =	sand.u32 $0x3800, s5;
	s13 =	sadd.s32 $0x16800, s19;
	v3 =	vadd.f32 v4, v3  }
0x160: {  	s22 =	sand.u32 $0x380, s8;
	s4 =	sadd.s32 s21, s13;
	v2 =	vadd.f32 v5, v2;
	v1 =	vadd.f32 v1, v7  }
0x161: {  	s17 =	sadd.s32 s22, s4;
	v0 =	vadd.f32 v9, v0;
	v3 =	vadd.f32 v3, v8  }
0x162: {  	[tilespmem:s17+$0x10] =	vst v1;
	v1 =	vadd.f32 v2, v10  }
0x163: {  	[tilespmem:s17+$0x30] =	vst v3;
	v0 =	vadd.f32 v0, v6  }
0x164: {  	[tilespmem:s17+$0x20] =	vst v1  }
0x165: {  	[tilespmem:s17+$0x0] =	vst v0  }
0x166: {  	v0 =	vld [tilespmem:s16+$0x40]  }
0x167: {  	v1 =	vld [tilespmem:s14+$0x50]  }
0x168: {  	v2 =	vld [tilespmem:s16+$0x70]  }
0x169: {  	v3 =	vld [tilespmem:s14+$0x70]  }
0x16a: {  	v4 =	vld [tilespmem:s14+$0x60]  }
0x16b: {  	v5 =	vld [tilespmem:s9+$0xF0]  }
0x16c: {  	v6 =	vld [tilespmem:s14+$0x40]  }
0x16d: {  	v7 =	vld [tilespmem:s9+$0xC0]  }
0x16e: {  	v61 =	vld [tilespmem:s9+$0xE0]  }
0x16f: {  	v62 =	vld [tilespmem:s9+$0xD0]  }
0x170: {  	v63 =	vld [tilespmem:s16+$0x60]  }
0x171: {  	v3 =	vadd.f32 v3, v5;
	v5 =	vld [tilespmem:s16+$0x50]  }
0x172: {  	v6 =	vadd.f32 v6, v7  }
0x173: {  	v2 =	vadd.f32 v3, v2;
	v3 =	vadd.f32 v4, v61  }
0x174: {  	v1 =	vadd.f32 v1, v62;
	v0 =	vadd.f32 v6, v0  }
0x175: {  	[tilespmem:s17+$0x70] =	vst v2;
	v2 =	vadd.f32 v3, v63  }
0x176: {  	[tilespmem:s17+$0x40] =	vst v0;
	v0 =	vadd.f32 v1, v5  }
0x177: {  	[tilespmem:s17+$0x60] =	vst v2  }
0x178: {  	[tilespmem:s17+$0x50] =	vst v0  }
0x179: {  	v0 =	vld [tilespmem:s16+$0x430]  }
0x17a: {  	v1 =	vld [tilespmem:s16+$0x400]  }
0x17b: {  	v4 =	vld [tilespmem:s14+$0x400]  }
0x17c: {  	v2 =	vld [tilespmem:s14+$0x410]  }
0x17d: {  	s19 =	smov.u32 s26;
	s18 =	simm.s32 $0x200;
	v3 =	vld [tilespmem:s14+$0x420]  }
.LBB2_9:
0x17e: {  	p0 =	sne.s32 s18, $0x2800;
	v5 =	vld [tilespmem:s14+$0x430];
	s8 =	sadd.s32 $0x80, s8;
	s19 =	sadd.s32 $0x1, s19  }
0x17f: {  	s21 =	smov.u32 s18;
	s18 =	sadd.s32 $0x100, s18;
	v6 =	vld [tilespmem:s9+$0x480]  }
0x180: {  	v7 =	vld [tilespmem:s9+$0x4B0]  }
0x181: {  	v8 =	vld [tilespmem:s9+$0x490]  }
0x182: {  	v9 =	vld [tilespmem:s9+$0x4A0]  }
0x183: {  	v10 =	vld [tilespmem:s16+$0x410]  }
0x184: {  	v11 =	vld [tilespmem:s16+$0x420];
	v4 =	vadd.f32 v4, v6  }
0x185: {  	v5 =	vadd.f32 v5, v7  }
0x186: {  	v1 =	vadd.f32 v4, v1;
	v2 =	vadd.f32 v2, v8  }
0x187: {  	v3 =	vadd.f32 v3, v9;
	v0 =	vadd.f32 v5, v0  }
0x188: {  	[tilespmem:s17+$0x400] =	vst v1;
	v1 =	vadd.f32 v2, v10  }
0x189: {  	v2 =	vadd.f32 v3, v11;
	[tilespmem:s17+$0x430] =	vst v0  }
0x18a: {  	[tilespmem:s17+$0x410] =	vst v1  }
0x18b: {  	[tilespmem:s17+$0x420] =	vst v2  }
0x18c: {  	v0 =	vld [tilespmem:s16+$0x450]  }
0x18d: {  	v1 =	vld [tilespmem:s9+$0x4D0]  }
0x18e: {  	v2 =	vld [tilespmem:s16+$0x470]  }
0x18f: {  	v3 =	vld [tilespmem:s9+$0x4F0]  }
0x190: {  	v4 =	vld [tilespmem:s14+$0x440]  }
0x191: {  	v5 =	vld [tilespmem:s14+$0x460]  }
0x192: {  	v6 =	vld [tilespmem:s14+$0x450]  }
0x193: {  	v7 =	vld [tilespmem:s9+$0x4E0]  }
0x194: {  	v8 =	vld [tilespmem:s14+$0x470]  }
0x195: {  	v9 =	vld [tilespmem:s9+$0x4C0]  }
0x196: {  	v10 =	vld [tilespmem:s16+$0x460]  }
0x197: {  	v11 =	vld [tilespmem:s16+$0x440];
	v1 =	vadd.f32 v6, v1  }
0x198: {  	v5 =	vadd.f32 v5, v7  }
0x199: {  	v0 =	vadd.f32 v1, v0;
	v1 =	vadd.f32 v8, v3  }
0x19a: {  	v3 =	vadd.f32 v4, v9  }
0x19b: {  	[tilespmem:s17+$0x450] =	vst v0;
	v0 =	vadd.f32 v5, v10;
	v1 =	vadd.f32 v1, v2  }
0x19c: {  	v2 =	vadd.f32 v3, v11  }
0x19d: {  	s4 =	sand.u32 $0x7800, s10;
	s5 =	sadd.s32 $0xFFFFFF00, s21;
	[tilespmem:s17+$0x460] =	vst v0  }
0x19e: {  	s4 =	sadd.s32 s4, s7;
	s9 =	sand.u32 $0x300, s5;
	s5 =	sand.u32 $0x3800, s5;
	[tilespmem:s17+$0x440] =	vst v2  }
0x19f: {  	s9 =	sadd.s32 s9, s4;
	s4 =	sadd.s32 s5, s13;
	[tilespmem:s17+$0x470] =	vst v1  }
0x1a0: {  	s10 =	sadd.s32 $0x200, s10;
	s5 =	sshra.s32 s19, $0x1;
	v0 =	vld [tilespmem:s9+$0x80]  }
0x1a1: {  	s14 =	sand.u32 $0xF800, s10;
	s11 =	ssub.s32 s5, s0;
	s5 =	sshll.u32 s5, $0x7;
	v1 =	vld [tilespmem:s9+$0x90]  }
0x1a2: {  	s14 =	sadd.s32 s14, s7;
	s16 =	sand.u32 $0x300, s21;
	s11 =	sshll.u32 s11, $0x8;
	v2 =	vld [tilespmem:s9+$0xA0]  }
0x1a3: {  	s14 =	sadd.s32 s16, s14;
	s11 =	sand.u32 $0xFFFFF800, s11;
	v3 =	vld [tilespmem:s9+$0xB0]  }
0x1a4: {  	s5 =	sand.u32 $0x380, s5;
	s11 =	sadd.s32 s11, s12;
	v4 =	vld [tilespmem:s14+$0x30]  }
0x1a5: {  	s16 =	sadd.s32 s5, s11;
	v5 =	vld [tilespmem:s14+$0x20]  }
0x1a6: {  	v6 =	vld [tilespmem:s14+$0x10]  }
0x1a7: {  	v7 =	vld [tilespmem:s16+$0x10]  }
0x1a8: {  	v8 =	vld [tilespmem:s16+$0x30]  }
0x1a9: {  	v9 =	vld [tilespmem:s14+$0x0];
	v3 =	vadd.f32 v4, v3  }
0x1aa: {  	v4 =	vld [tilespmem:s16+$0x20];
	v2 =	vadd.f32 v5, v2  }
0x1ab: {  	v5 =	vld [tilespmem:s16+$0x0];
	v1 =	vadd.f32 v6, v1;
	_ =	sdelay $0x1  }
0x1ac: {  	s5 =	sand.u32 $0x380, s8;
	v1 =	vadd.f32 v1, v7  }
0x1ad: {  	s17 =	sadd.s32 s5, s4;
	v3 =	vadd.f32 v3, v8;
	v0 =	vadd.f32 v9, v0  }
0x1ae: {  	[tilespmem:s17+$0x10] =	vst v1;
	v1 =	vadd.f32 v2, v4  }
0x1af: {  	v0 =	vadd.f32 v0, v5;
	[tilespmem:s17+$0x30] =	vst v3  }
0x1b0: {  	[tilespmem:s17+$0x20] =	vst v1  }
0x1b1: {  	[tilespmem:s17+$0x0] =	vst v0  }
0x1b2: {  	v0 =	vld [tilespmem:s16+$0x40]  }
0x1b3: {  	v1 =	vld [tilespmem:s14+$0x50]  }
0x1b4: {  	v2 =	vld [tilespmem:s16+$0x70]  }
0x1b5: {  	v3 =	vld [tilespmem:s14+$0x70]  }
0x1b6: {  	v4 =	vld [tilespmem:s14+$0x60]  }
0x1b7: {  	v5 =	vld [tilespmem:s9+$0xF0]  }
0x1b8: {  	v6 =	vld [tilespmem:s14+$0x40]  }
0x1b9: {  	v7 =	vld [tilespmem:s9+$0xC0]  }
0x1ba: {  	v8 =	vld [tilespmem:s9+$0xE0]  }
0x1bb: {  	v9 =	vld [tilespmem:s9+$0xD0]  }
0x1bc: {  	v10 =	vld [tilespmem:s16+$0x60];
	v3 =	vadd.f32 v3, v5  }
0x1bd: {  	v5 =	vld [tilespmem:s16+$0x50]  }
0x1be: {  	v6 =	vadd.f32 v6, v7;
	v2 =	vadd.f32 v3, v2  }
0x1bf: {  	v3 =	vadd.f32 v4, v8  }
0x1c0: {  	v0 =	vadd.f32 v6, v0;
	v1 =	vadd.f32 v1, v9;
	[tilespmem:s17+$0x70] =	vst v2  }
0x1c1: {  	v2 =	vadd.f32 v3, v10  }
0x1c2: {  	[tilespmem:s17+$0x40] =	vst v0;
	v0 =	vadd.f32 v1, v5  }
0x1c3: {  	[tilespmem:s17+$0x60] =	vst v2  }
0x1c4: {  	[tilespmem:s17+$0x50] =	vst v0  }
.Ltmp6:
0x1c5: {  	v0 =	vld [tilespmem:s16+$0x430];
	(pc) =	sbr.rel @p0 .LBB2_9-.Ltmp6, $4  }
0x1c6: {  	v1 =	vld [tilespmem:s16+$0x400]  }
0x1c7: {  	v4 =	vld [tilespmem:s14+$0x400]  }
0x1c8: {  	v2 =	vld [tilespmem:s14+$0x410]  }
0x1c9: {  	v3 =	vld [tilespmem:s14+$0x420]  }
0x1ca: {  	v5 =	vld [tilespmem:s14+$0x430]  }
0x1cb: {  	v6 =	vld [tilespmem:s9+$0x480]  }
0x1cc: {  	v7 =	vld [tilespmem:s9+$0x4B0]  }
0x1cd: {  	v8 =	vld [tilespmem:s9+$0x490]  }
0x1ce: {  	v9 =	vld [tilespmem:s9+$0x4A0]  }
0x1cf: {  	v10 =	vld [tilespmem:s16+$0x410]  }
0x1d0: {  	v11 =	vld [tilespmem:s16+$0x420];
	v4 =	vadd.f32 v4, v6  }
0x1d1: {  	v5 =	vadd.f32 v5, v7  }
0x1d2: {  	v2 =	vadd.f32 v2, v8;
	v1 =	vadd.f32 v4, v1  }
0x1d3: {  	v3 =	vadd.f32 v3, v9;
	v0 =	vadd.f32 v5, v0  }
0x1d4: {  	v49 =	vadd.f32 v2, v10;
	[tilespmem:s17+$0x400] =	vst v1  }
0x1d5: {  	v50 =	vadd.f32 v3, v11;
	[tilespmem:s17+$0x430] =	vst v0  }
0x1d6: {  	[tilespmem:s17+$0x410] =	vst v49  }
0x1d7: {  	[tilespmem:s17+$0x420] =	vst v50  }
0x1d8: {  	v0 =	vld [tilespmem:s16+$0x450]  }
0x1d9: {  	v1 =	vld [tilespmem:s9+$0x4D0]  }
0x1da: {  	v2 =	vld [tilespmem:s9+$0x4F0]  }
0x1db: {  	v51 =	vld [tilespmem:s14+$0x440]  }
0x1dc: {  	v52 =	vld [tilespmem:s14+$0x460]  }
0x1dd: {  	v53 =	vld [tilespmem:s14+$0x450]  }
0x1de: {  	v54 =	vld [tilespmem:s9+$0x4E0]  }
0x1df: {  	v55 =	vld [tilespmem:s14+$0x470]  }
0x1e0: {  	v56 =	vld [tilespmem:s9+$0x4C0]  }
0x1e1: {  	v57 =	vld [tilespmem:s16+$0x460]  }
0x1e2: {  	v58 =	vld [tilespmem:s16+$0x440]  }
0x1e3: {  	v59 =	vld [tilespmem:s16+$0x470];
	v1 =	vadd.f32 v53, v1  }
0x1e4: {  	v4 =	vadd.f32 v52, v54  }
0x1e5: {  	v60 =	vadd.f32 v51, v56;
	v0 =	vadd.f32 v1, v0  }
.Ltmp7:
0x1e6: {  	v2 =	vadd.f32 v55, v2;
	v61 =	vadd.f32 v4, v57;
	(pc) =	sbr.rel .LBB2_11-.Ltmp7, $4  }
0x1e7: {  	v62 =	vadd.f32 v60, v58;
	[tilespmem:s17+$0x450] =	vst v0  }
0x1e8: {  	v63 =	vadd.f32 v2, v59;
	[tilespmem:s17+$0x460] =	vst v61  }
0x1e9: {  	[tilespmem:s17+$0x440] =	vst v62  }
0x1ea: {  	[tilespmem:s17+$0x470] =	vst v63  }
.LBB2_12:
0x1eb: {  	s20 =	simm.s32 $0x3  }
0x1ec: {  	_ =	swait.ge [sflag:s20], $0x2800  }
0x1ed: {  	[sflag:s20] =	ssyncset.done $0x0  }
0x1ee: {  	[sflag:s20] =	ssyncadd.s32 $0xFFFFD800  }
0x1ef: {  	_ =	swait.ge [sflag:s20], $0x2800  }
0x1f0: {  	[sflag:s20] =	ssyncset.done $0x0  }
0x1f1: {  	[sflag:s20] =	ssyncadd.s32 $0xFFFFD800  }
0x1f2: {  	_ =	swait.ge [sflag:s20], $0x2800  }
0x1f3: {  	[sflag:s20] =	ssyncset.done $0x0;
	s1 =	rddreg [dreg:$0xd]  }
0x1f4: {  	s0 =	simm.s32 $0x0;
	s31 =	rddreg [dreg:$0xe];
	[sflag:s20] =	ssyncadd.s32 $0xFFFFD800  }
0x1f5: {  	[tilespmem:s0], [sflag:$0x1] =	stream.linear.gather [hbm4b:s1+s0], $0x2000, $0x38;
	[tilespmem:$0x1E000] =	vst v63  }
0x1f6: {  	s19 =	simm.s32 $0x2000;
	s7 =	simm.s32 $0x0;
	s1 =	rddreg [dreg:$0x13]  }
0x1f7: {  	[tilespmem:s19], [sflag:$0x1] =	stream.linear.gather [hbm4b:s31+s0], $0x2000, $0x38;
	[tilespmem:$0x1E000] =	vst v63  }
.LBB2_13:
0x1f8: {  	s4 =	sadd.s32 $0x2, s7  }
0x1f9: {  	s5 =	sshll.u32 s7, $0x5;
	s10 =	smulhi.u32 $0xAAAAAAAB, s7;
	p0 =	sge.u32 s4, s6  }
0x1fa: {  	s8 =	sadd.s32 s5, s15;
	s5 =	smulhi.u32 @!p0 $0xAAAAAAAB, s4;
	s11 =	sshll.u32 @!p0 s4, $0x5  }
0x1fb: {  	s9 =	smul.u32 $0x28, s8;
	s11 =	sadd.s32 @!p0 s11, s15  }
0x1fc: {  	_ =	swait.ge [sflag:s23], $0x2000;
	s5 =	sshrl.u32 @!p0 s5, $0x1;
	s11 =	smul.u32 @!p0 $0x280, s11  }
0x1fd: {  	[sflag:s23] =	ssyncset.done $0x0;
	s10 =	sshrl.u32 s10, $0x1;
	s5 =	smul.u32 @!p0 $0x1FFFD, s5  }
0x1fe: {  	[sflag:s23] =	ssyncadd.s32 $0xFFFFE000;
	s22 =	smul.u32 $0x3, s10;
	s9 =	sshrl.u32 s9, $0x1  }
0x1ff: {  	s9 =	sadd.s32 $0xFFFFFFFC, s9;
	s4 =	sadd.s32 @!p0 s4, s5;
	s5 =	sadd.s32 @!p0 $0xFFFFFF80, s11  }
0x200: {  	s9 =	sand.u32 $0xFFFFFFF8, s9;
	s4 =	sshll.u32 @!p0 s4, $0xF;
	s5 =	sand.u32 @!p0 $0xFFFFFF00, s5  }
0x201: {  	s11 =	simm.s32 @!p0 $0x0;
	s4 =	sshra.s32 @!p0 s4, $0x2;
	s5 =	sadd.s32 @!p0 s3, s5  }
0x202: {  	[tilespmem:s4], [sflag:$0x1] =	stream.linear.gather @!p0 [hbm4b:s5+s11], $0x2000, $0x38;
	[tilespmem:$0x1E000] =	vst v63  }
0x203: {  	p0 =	sgt.s32 s9, $0x0  }
0x204: {  	s26 =	sshra.s32 s1, $0x1;
	s4 =	ssub.s32 s7, s22;
	s9 =	simm.s32 @!p0 $0x0  }
0x205: {  	s5 =	sshll.u32 s26, $0x7;
	p0 =	slt.u32 s7, $0x3;
	s29 =	ssub.s32 s26, s9  }
0x206: {  	s12 =	sshll.u32 s4, $0xD;
	s10 =	simm.s32 @!p0 $0x3;
	s11 =	sshll.u32 s29, $0x8  }
0x207: {  	s12 =	sand.u32 $0x3FFFE000, s12;
	_ =	swait.ge @!p0 [sflag:s10], $0x2800;
	s11 =	sand.u32 $0xFFFFF800, s11  }
0x208: {  	s5 =	sand.u32 $0x380, s5;
	[sflag:s10] =	ssyncset.done @!p0 $0x0;
	s11 =	sadd.s32 s11, s12  }
0x209: {  	s4 =	smul.u32 $0xA000, s4;
	[sflag:s10] =	ssyncadd.s32 @!p0 $0xFFFFD800;
	s13 =	sadd.s32 s5, s11  }
0x20a: {  	v0 =	vld [tilespmem:s13+$0x30]  }
0x20b: {  	s4 =	sshra.s32 s4, $0x2;
	v1 =	vld [tilespmem:s13+$0x0]  }
0x20c: {  	s30 =	sand.u32 $0x3800, s0;
	s10 =	sadd.s32 $0x16800, s4;
	v2 =	vld [tilespmem:s13+$0x20]  }
0x20d: {  	s31 =	sand.u32 $0x380, s0;
	s4 =	sadd.s32 s30, s10;
	v3 =	vld [tilespmem:s13+$0x10]  }
0x20e: {  	s14 =	sadd.s32 s31, s4  }
0x20f: {  	[tilespmem:s14+$0x30] =	vst v0  }
0x210: {  	[tilespmem:s14+$0x0] =	vst v1  }
0x211: {  	[tilespmem:s14+$0x20] =	vst v2  }
0x212: {  	[tilespmem:s14+$0x10] =	vst v3  }
0x213: {  	v0 =	vld [tilespmem:s13+$0x60]  }
0x214: {  	v1 =	vld [tilespmem:s13+$0x50]  }
0x215: {  	v2 =	vld [tilespmem:s13+$0x40]  }
0x216: {  	v3 =	vld [tilespmem:s13+$0x70];
	_ =	sdelay $0x1  }
0x217: {  	[tilespmem:s14+$0x60] =	vst v0  }
0x218: {  	[tilespmem:s14+$0x50] =	vst v1  }
0x219: {  	[tilespmem:s14+$0x40] =	vst v2  }
0x21a: {  	[tilespmem:s14+$0x70] =	vst v3  }
0x21b: {  	v3 =	vld [tilespmem:s13+$0x420]  }
0x21c: {  	v2 =	vld [tilespmem:s13+$0x400]  }
0x21d: {  	v0 =	vld [tilespmem:s13+$0x410]  }
0x21e: {  	s16 =	simm.s32 $0x100;
	s17 =	simm.s32 $0x0;
	s18 =	smov.u32 s1;
	v1 =	vld [tilespmem:s13+$0x430]  }
.LBB2_14:
0x21f: {  	_ = 	snop  }
0x220: {  	p0 =	sne.s32 s16, $0x2700;
	s17 =	sadd.s32 $0x80, s17;
	s18 =	sadd.s32 $0x1, s18;
	[tilespmem:s14+$0x420] =	vst v3  }
0x221: {  	s4 =	smov.u32 s16;
	s16 =	sadd.s32 $0x100, s16;
	[tilespmem:s14+$0x400] =	vst v2  }
0x222: {  	[tilespmem:s14+$0x410] =	vst v0  }
0x223: {  	[tilespmem:s14+$0x430] =	vst v1  }
0x224: {  	v0 =	vld [tilespmem:s13+$0x440]  }
0x225: {  	v1 =	vld [tilespmem:s13+$0x470]  }
0x226: {  	v2 =	vld [tilespmem:s13+$0x450]  }
0x227: {  	s5 =	sshra.s32 s18, $0x1;
	v3 =	vld [tilespmem:s13+$0x460]  }
0x228: {  	s11 =	ssub.s32 s5, s9;
	s5 =	sshll.u32 s5, $0x7  }
0x229: {  	s11 =	sshll.u32 s11, $0x8;
	[tilespmem:s14+$0x440] =	vst v0  }
0x22a: {  	s11 =	sand.u32 $0xFFFFF800, s11;
	[tilespmem:s14+$0x470] =	vst v1  }
0x22b: {  	s5 =	sand.u32 $0x380, s5;
	s11 =	sadd.s32 s11, s12;
	[tilespmem:s14+$0x450] =	vst v2  }
0x22c: {  	s13 =	sadd.s32 s5, s11;
	[tilespmem:s14+$0x460] =	vst v3  }
0x22d: {  	v0 =	vld [tilespmem:s13+$0x30]  }
0x22e: {  	v1 =	vld [tilespmem:s13+$0x0]  }
0x22f: {  	s4 =	sand.u32 $0x3800, s4;
	v2 =	vld [tilespmem:s13+$0x20]  }
0x230: {  	s4 =	sadd.s32 s4, s10;
	s5 =	sand.u32 $0x380, s17;
	v3 =	vld [tilespmem:s13+$0x10]  }
0x231: {  	s14 =	sadd.s32 s5, s4  }
0x232: {  	[tilespmem:s14+$0x30] =	vst v0  }
0x233: {  	[tilespmem:s14+$0x0] =	vst v1  }
0x234: {  	[tilespmem:s14+$0x20] =	vst v2  }
0x235: {  	[tilespmem:s14+$0x10] =	vst v3  }
0x236: {  	v0 =	vld [tilespmem:s13+$0x60]  }
0x237: {  	v1 =	vld [tilespmem:s13+$0x50]  }
0x238: {  	v2 =	vld [tilespmem:s13+$0x40]  }
0x239: {  	v3 =	vld [tilespmem:s13+$0x70];
	_ =	sdelay $0x1  }
0x23a: {  	[tilespmem:s14+$0x60] =	vst v0  }
0x23b: {  	[tilespmem:s14+$0x50] =	vst v1  }
0x23c: {  	[tilespmem:s14+$0x40] =	vst v2  }
.Ltmp8:
0x23d: {  	[tilespmem:s14+$0x70] =	vst v3;
	(pc) =	sbr.rel @p0 .LBB2_14-.Ltmp8, $4  }
0x23e: {  	v3 =	vld [tilespmem:s13+$0x420]  }
0x23f: {  	v2 =	vld [tilespmem:s13+$0x400]  }
0x240: {  	v0 =	vld [tilespmem:s13+$0x410]  }
0x241: {  	v1 =	vld [tilespmem:s13+$0x430]  }
0x242: {  	_ = 	snop  }
0x243: {  	[tilespmem:s14+$0x420] =	vst v3  }
0x244: {  	[tilespmem:s14+$0x400] =	vst v2  }
0x245: {  	[tilespmem:s14+$0x410] =	vst v0  }
0x246: {  	[tilespmem:s14+$0x430] =	vst v1  }
0x247: {  	v0 =	vld [tilespmem:s13+$0x440]  }
0x248: {  	v1 =	vld [tilespmem:s13+$0x470]  }
0x249: {  	v2 =	vld [tilespmem:s13+$0x450]  }
0x24a: {  	s7 =	sadd.s32 $0x1, s7;
	v3 =	vld [tilespmem:s13+$0x460]  }
0x24b: {  	p0 =	sne.s32 s7, s6  }
.Ltmp9:
0x24c: {  	[tilespmem:s14+$0x440] =	vst v0;
	(pc) =	sbr.rel @p0 .LBB2_13-.Ltmp9, $4  }
0x24d: {  	s4 =	smul.u32 $0x500, s8;
	[tilespmem:s14+$0x470] =	vst v1  }
0x24e: {  	[tilespmem:s14+$0x450] =	vst v2  }
0x24f: {  	s1 =	sadd.s32 $0x500, s1;
	s4 =	sadd.s32 s25, s4;
	[tilespmem:s14+$0x460] =	vst v3  }
0x250: {  	[hbm4b:s4+s24] =	stream.linear.scatter [tilespmem:s10], [sflag:$0x3], $0x2800, $0x38;
	[tilespmem:$0x1E000] =	vst v63  }
0x251: {  	_ =	swait.ge [sflag:s20], $0x2800  }
0x252: {  	[sflag:s20] =	ssyncset.done $0x0  }
0x253: {  	[sflag:s20] =	ssyncadd.s32 $0xFFFFD800  }
0x254: {  	_ =	swait.ge [sflag:s20], $0x2800  }
0x255: {  	[sflag:s20] =	ssyncset.done $0x0  }
0x256: {  	[sflag:s20] =	ssyncadd.s32 $0xFFFFD800  }
0x257: {  	_ =	swait.ge [sflag:s20], $0x2800  }
0x258: {  	s1 =	rddreg [dreg:$0x14]  }
0x259: {  	s0 =	rddreg [dreg:$0x10];
	s1 =	sadd.s32 $0x1, s1  }
0x25a: {  	p0 =	sne.s32 s1, s0  }
.Ltmp10:
0x25b: {  	_ = 	snop;
	(pc) =	sbr.rel @p0 .LBB2_1-.Ltmp10, $3  }
0x25c: {  	_ =	sdelay $0x1  }
0x25d: {  	[sflag:s20] =	ssyncset.done $0x0  }
0x25e: {  	[sflag:s20] =	ssyncadd.s32 $0xFFFFD800  }
0x25f: {  	_ =	sfence.sel $0x180000  }
0x260: {  	[bflag:$0x0] =	sbarrier.arrive $0xFFFF  }
0x261: {  	_ =	strace $0x90000047  }
0x262: {  	s0 =	stileid.u32;
	[bflag:$0x2] =	sbarrier.arrive $0xFFFF  }
0x263: {  	p0 =	sne.s32 s0, $0x0;
	s0 =	rddreg [dreg:$0x2]  }
0x264: {  	s0 =	sadd.s32 @!p0 $0x100000, s0  }
0x265: {  	[sflag:s0] =	ssyncadd.tile.s32 @!p0 $0x1;
	_ =	shalt  }
.Lfunc_end2:
_tile_overlayer_lowered:
.L_overlay_start_2:
0x266: {  	(tag) =	ssettag $0x2  }
0x267: {  	s0 =	rddreg [dreg:$0x0];
	s2 =	stileid.u32  }
0x268: {  	s1 =	rddreg [dreg:$0x1];
	p0 =	sne.s32 s2, $0x0  }
0x269: {  	s3 =	rddreg [dreg:$0x2];
	[bflag:$0x3] =	sbarrier.arrive $0xFFFF;
	s2 =	simm.s32 @!p0 $0x1C04  }
0x26a: {  	[timem:s3], [sflag:s2] =	dma.local @!p0 [hbm:s0], s1  }
0x26b: {  	s0 =	simm.s32 @!p0 $0x4  }
0x26c: {  	_ =	swait.ge @!p0 [sflag:s0], s1  }
0x26d: {  	s1 =	ssub.s32 @!p0 $0x0, s1;
	[sflag:s0] =	ssyncset.done @!p0 $0x0  }
0x26e: {  	[sflag:s0] =	ssyncadd.s32 @!p0 s1  }
0x26f: {  	[bflag:$0x3] =	sbarrier.arrive $0xFFFF  }
0x270: {  	_ =	shalt  }

</sc_bundles>
